<compile_context>
chip_gen: v7x
topology: tpu7x:2x2x1
jax: 0.10.2.dev20260603
libtpu: 0.0.44.dev20260713+nightly
codegen_flags: <defaults>
</compile_context>

<pallas_src>
import functools

import jax
import jax.numpy as jnp
import numpy as np
from jax import lax
from jax.experimental import pallas as pl
from jax.experimental.pallas import tpu as pltpu
from jax.experimental.pallas import tpu_sc as plsc

_B = 4
_L = 16
_T = 16384
_N = 65536
_RES = [int(np.floor(16.0 * np.exp(l * (np.log(256.0) - np.log(16.0)) / 15.0)))
        for l in range(_L)]
_HASH_K = int(np.uint32(2654435761).view(np.int32))
_CHUNK = 4096


def _sc_feats_body(x_hbm, out_hbm, tb0, tb1, obuf):
    wid = lax.axis_index("s") * 2 + lax.axis_index("c")
    lvl = wid >> 1
    pair = wid & 1
    b0 = 2 * pair
    b1 = b0 + 1

    r = jnp.float32(0.0)
    for ll in range(_L):
        r = jnp.where(lvl == ll, jnp.float32(_RES[ll]), r)

    pltpu.sync_copy(x_hbm.at[b0, lvl], tb0)
    pltpu.sync_copy(x_hbm.at[b1, lvl], tb1)

    ri = r.astype(jnp.int32)
    lane2 = lax.iota(jnp.int32, 16) * 2 + 1
    inv512 = jnp.float32(1.0 / 512.0)
    one = jnp.float32(1.0)
    K = jnp.int32(_HASH_K)

    def chunk_body(ch, carry):
        def row_body(yy, carry2):
            y = ch * 16 + yy
            ty = (2 * y + 1) * ri
            iy0 = ty >> 9
            wy = ty.astype(jnp.float32) * inv512 - iy0.astype(jnp.float32)
            vy = one - wy
            a0 = iy0 * K
            a1 = (iy0 + 1) * K
            for gx in range(16):
                tx = (lane2 + gx * 32) * ri
                ix0 = tx >> 9
                wx = tx.astype(jnp.float32) * inv512 - ix0.astype(jnp.float32)
                ux = one - wx
                ix1 = ix0 + 1
                h00 = ((ix0 ^ a0) & (_T - 1)) << 1
                h10 = ((ix1 ^ a0) & (_T - 1)) << 1
                h01 = ((ix0 ^ a1) & (_T - 1)) << 1
                h11 = ((ix1 ^ a1) & (_T - 1)) << 1
                g00 = h00 + 1
                g10 = h10 + 1
                g01 = h01 + 1
                g11 = h11 + 1
                w00 = ux * vy
                w10 = wx * vy
                w01 = ux * wy
                w11 = wx * wy
                off = yy * 256 + gx * 16
                for tb, row0 in ((tb0, 0), (tb1, 2)):
                    fx = (plsc.load_gather(tb, [h00]) * w00
                          + plsc.load_gather(tb, [h10]) * w10
                          + plsc.load_gather(tb, [h01]) * w01
                          + plsc.load_gather(tb, [h11]) * w11)
                    fy = (plsc.load_gather(tb, [g00]) * w00
                          + plsc.load_gather(tb, [g10]) * w10
                          + plsc.load_gather(tb, [g01]) * w01
                          + plsc.load_gather(tb, [g11]) * w11)
                    obuf[row0, pl.ds(off, 16)] = fx
                    obuf[row0 + 1, pl.ds(off, 16)] = fy
            return carry2

        lax.fori_loop(0, 16, row_body, 0)
        n0 = ch * _CHUNK
        pltpu.sync_copy(obuf.at[0], out_hbm.at[b0, 2 * lvl, pl.ds(n0, _CHUNK)])
        pltpu.sync_copy(obuf.at[1], out_hbm.at[b0, 2 * lvl + 1, pl.ds(n0, _CHUNK)])
        pltpu.sync_copy(obuf.at[2], out_hbm.at[b1, 2 * lvl, pl.ds(n0, _CHUNK)])
        pltpu.sync_copy(obuf.at[3], out_hbm.at[b1, 2 * lvl + 1, pl.ds(n0, _CHUNK)])
        return carry

    lax.fori_loop(0, _N // _CHUNK, chunk_body, 0)


_sc_cache = {}


def _get_sc_feats():
    if "k" not in _sc_cache:
        mesh = plsc.VectorSubcoreMesh(core_axis_name="c", subcore_axis_name="s")
        _sc_cache["k"] = pl.kernel(
            _sc_feats_body,
            out_type=jax.ShapeDtypeStruct((_B, 2 * _L, _N), jnp.float32),
            mesh=mesh,
            scratch_types=[
                pltpu.VMEM((2 * _T,), jnp.float32),
                pltpu.VMEM((2 * _T,), jnp.float32),
                pltpu.VMEM((4, _CHUNK), jnp.float32),
            ],
            compiler_params=pltpu.CompilerParams(needs_layout_passes=False),
        )
    return _sc_cache["k"]


_NT = 4096


def _style(s, Aw, Ab):
    return lax.dot_general(s, Aw, (((1,), (1,)), ((), ())),
                           preferred_element_type=jnp.float32) + Ab


def _modw(W, style):
    w = W[None, :, :] * style[:, None, :]
    d = lax.rsqrt(jnp.sum(w * w, axis=2, keepdims=True) + 1e-8)
    return w * d


def _mlp_body(s_ref, W0_ref, b0_ref, A0w_ref, A0b_ref,
              W1_ref, b1_ref, A1w_ref, A1b_ref,
              W2_ref, b2_ref, A2w_ref, A2b_ref, f_ref, o_ref,
              W0s, W1s, W2s):
    @pl.when(pl.program_id(0) == 0)
    def _init():
        W0s[...] = jnp.zeros((128, 128), jnp.float32)
        W1s[...] = jnp.zeros((128, 128), jnp.float32)
        W2s[...] = jnp.zeros((32, 128), jnp.float32)
        s = s_ref[...]
        w0 = _modw(W0_ref[...], _style(s, A0w_ref[...], A0b_ref[...]))
        w1 = _modw(W1_ref[...], _style(s, A1w_ref[...], A1b_ref[...]))
        w2 = _modw(W2_ref[...], _style(s, A2w_ref[...], A2b_ref[...]))
        for b in range(_B):
            W0s[pl.ds(32 * b, 32), pl.ds(32 * b, 32)] = w0[b]
            W1s[pl.ds(32 * b, 32), pl.ds(32 * b, 32)] = w1[b]
            W2s[pl.ds(8 * b, 3), pl.ds(32 * b, 32)] = w2[b]

    f = f_ref[...].reshape(128, _NT)
    h = jnp.maximum(jnp.dot(W0s[...], f, preferred_element_type=jnp.float32)
                    + b0_ref[...], 0.0)
    h = jnp.maximum(jnp.dot(W1s[...], h, preferred_element_type=jnp.float32)
                    + b1_ref[...], 0.0)
    o = jnp.tanh(jnp.dot(W2s[...], h, preferred_element_type=jnp.float32)
                 + b2_ref[...])
    o_ref[...] = o


def _full(shape):
    return pl.BlockSpec(shape, lambda n: tuple(0 for _ in shape))


def kernel(x, s, W0, b0, A0w, A0b, W1, b1, A1w, A1b, W2, b2, A2w, A2b):
    feats = _get_sc_feats()(x.reshape(_B, _L, 2 * _T))

    b0c = jnp.tile(b0, _B).reshape(128, 1)
    b1c = jnp.tile(b1, _B).reshape(128, 1)
    b2c = jnp.tile(jnp.concatenate([b2, jnp.zeros(5, jnp.float32)]),
                   _B).reshape(32, 1)

    out = pl.pallas_call(
        _mlp_body,
        grid=(_N // _NT,),
        in_specs=[
            _full((_B, 512)),
            _full((32, 32)), _full((128, 1)), _full((32, 512)), _full((1, 32)),
            _full((32, 32)), _full((128, 1)), _full((32, 512)), _full((1, 32)),
            _full((3, 32)), _full((32, 1)), _full((32, 512)), _full((1, 32)),
            pl.BlockSpec((_B, 32, _NT), lambda n: (0, 0, n)),
        ],
        out_specs=pl.BlockSpec((32, _NT), lambda n: (0, n)),
        out_shape=jax.ShapeDtypeStruct((32, _N), jnp.float32),
        scratch_shapes=[
            pltpu.VMEM((128, 128), jnp.float32),
            pltpu.VMEM((128, 128), jnp.float32),
            pltpu.VMEM((32, 128), jnp.float32),
        ],
        compiler_params=pltpu.CompilerParams(
            dimension_semantics=("arbitrary",)),
    )(s, W0, b0c, A0w, A0b.reshape(1, 32),
      W1, b1c, A1w, A1b.reshape(1, 32),
      W2, b2c, A2w, A2b.reshape(1, 32),
      feats)
    return out.reshape(_B, 8, 256, 256)[:, :3]

# --- scband reference (transcript-rebuilt; emitter-appended) ---
"""Pipeline reference for scband-hash-side-out-54357106098900 (READ-ONLY COPY).

The authoritative reference and input builder live on the scoring server;
editing this copy changes nothing except your own understanding.
"""

import jax, jax.numpy as jnp
import numpy as np

RES_MIN = 16
RES_MAX = 256
TABLE_NUM = 16
STYLE_DIM = 512
BATCH = 4
TABLE_SIZE = 16384


def _sample_coords(res):
    g = (jnp.arange(res, dtype=jnp.float32) + 0.5) / res
    yy, xx = jnp.meshgrid(g, g, indexing='ij')
    return jnp.stack([xx.reshape(-1), yy.reshape(-1)], axis=-1)  # [res*res, 2]


def _hash_retrieve(tables, coords, res_min, res_max):
    # tables: [B, L, T, 2]; coords: [N, 2] in (0,1)
    B, L, T, F = tables.shape
    bfac = np.exp((np.log(res_max) - np.log(res_min)) / (L - 1))
    outs = []
    for l in range(L):
        r = float(np.floor(res_min * (bfac ** l)))
        pos = coords * r
        p0 = jnp.floor(pos)
        w = pos - p0
        i0 = p0.astype(jnp.uint32)
        ix0 = i0[:, 0]
        iy0 = i0[:, 1]
        ix1 = ix0 + jnp.uint32(1)
        iy1 = iy0 + jnp.uint32(1)

        def h(ix, iy):
            return ((ix ^ (iy * jnp.uint32(2654435761))) % jnp.uint32(T)).astype(jnp.int32)

        tl = tables[:, l]  # [B, T, 2]
        f00 = jnp.take(tl, h(ix0, iy0), axis=1)
        f10 = jnp.take(tl, h(ix1, iy0), axis=1)
        f01 = jnp.take(tl, h(ix0, iy1), axis=1)
        f11 = jnp.take(tl, h(ix1, iy1), axis=1)
        wx = w[:, 0][None, :, None]
        wy = w[:, 1][None, :, None]
        f = (f00 * (1 - wx) * (1 - wy) + f10 * wx * (1 - wy)
             + f01 * (1 - wx) * wy + f11 * wx * wy)
        outs.append(f)
    return jnp.concatenate(outs, axis=-1)  # [B, N, 2*L]


def _modulated_linear(x, s, W, b, Aw, Ab):
    # StyleGAN2-style modulated linear with demodulation
    style = s @ Aw.T + Ab                      # [B, in]
    w = W[None, :, :] * style[:, None, :]      # [B, out, in]
    d = jax.lax.rsqrt(jnp.sum(w * w, axis=-1) + 1e-8)
    w = w * d[:, :, None]
    return jnp.einsum('bni,boi->bno', x, w) + b[None, None, :]


def setup_inputs(seed: int = 0) -> dict:
    key = jax.random.key(seed)
    ks = jax.random.split(key, 16)
    x = jax.random.normal(ks[0], (BATCH, TABLE_NUM, TABLE_SIZE * 2), dtype=jnp.float32)
    s = jax.random.normal(ks[1], (BATCH, STYLE_DIM), dtype=jnp.float32)
    in_ch = TABLE_NUM * 2

    def lin(kw, ka, out_c, in_c):
        W = jax.random.normal(kw, (out_c, in_c), dtype=jnp.float32) / np.sqrt(in_c)
        b = jnp.zeros((out_c,), dtype=jnp.float32)
        Aw = jax.random.normal(ka, (in_c, STYLE_DIM), dtype=jnp.float32) / np.sqrt(STYLE_DIM)
        Ab = jnp.ones((in_c,), dtype=jnp.float32)
        return W, b, Aw, Ab

    W0, b0, A0w, A0b = lin(ks[2], ks[3], 32, in_ch)
    W1, b1, A1w, A1b = lin(ks[4], ks[5], 32, 32)
    W2, b2, A2w, A2b = lin(ks[6], ks[7], 3, 32)
    return {"x": x, "s": s,
            "W0": W0, "b0": b0, "A0w": A0w, "A0b": A0b,
            "W1": W1, "b1": b1, "A1w": A1w, "A1b": A1b,
            "W2": W2, "b2": b2, "A2w": A2w, "A2b": A2b}


def reference(x, s, W0, b0, A0w, A0b, W1, b1, A1w, A1b, W2, b2, A2w, A2b):
    b = x.shape[0]
    tables = x.reshape(b, x.shape[1], x.shape[2] // 2, 2)
    coords = _sample_coords(RES_MAX)
    feats = _hash_retrieve(tables, coords, RES_MIN, RES_MAX)
    h = jax.nn.relu(_modulated_linear(feats, s, W0, b0, A0w, A0b))
    h = jax.nn.relu(_modulated_linear(h, s, W1, b1, A1w, A1b))
    h = jnp.tanh(_modulated_linear(h, s, W2, b2, A2w, A2b))
    return h.reshape(b, RES_MAX, RES_MAX, 3).transpose(0, 3, 1, 2)

if __name__ == "__main__":
    import jax
    _d = setup_inputs()
    print(jax.jit(kernel)(*tuple(_d.values())))

</pallas_src>

<mosaic_0001>
#map = affine_map<(d0, d1) -> (0, 0, 0)>
module attributes {stable_mosaic.version = 14 : i64} {
  func.func @_sc_feats_body(%arg0: i32, %arg1: i32, %arg2: memref<4x16x32768xf32, #tpu.memory_space<hbm>>, %arg3: memref<4x32x65536xf32, #tpu.memory_space<hbm>>, %arg4: memref<32768xf32, #tpu.memory_space<vmem>>, %arg5: memref<32768xf32, #tpu.memory_space<vmem>>, %arg6: memref<4x4096xf32, #tpu.memory_space<vmem>>) attributes {dimension_semantics = [#tpu.dimension_semantics<core_parallel>, #tpu.dimension_semantics<subcore_parallel>], iteration_bounds = array<i64: 2, 16>, scalar_prefetch = 0 : i64, scratch_operands = 3 : i64, tpu.core_type = #tpu.core_type<sc_vector_subcore>, window_params = [{transform_indices = #map}, {transform_indices = #map}]} {
    %mul3A = arith.constant 2 : i32
    %mul3A_0 = arith.muli %arg1, %mul3A : i32
    %add3A = arith.addi %mul3A_0, %arg0 : i32
    %shift_right_arithmetic3A = arith.constant 1 : i32
    %shift_right_arithmetic3A_1 = arith.shrsi %add3A, %shift_right_arithmetic3A : i32
    %and3A = arith.constant 1 : i32
    %and3A_2 = arith.andi %add3A, %and3A : i32
    %mul3A_3 = arith.constant 2 : i32
    %mul3A_4 = arith.muli %mul3A_3, %and3A_2 : i32
    %add3A_5 = arith.constant 1 : i32
    %add3A_6 = arith.addi %mul3A_4, %add3A_5 : i32
    %eq3A = arith.constant 0 : i32
    %eq3A_7 = arith.cmpi eq, %shift_right_arithmetic3A_1, %eq3A : i32
    %jit3A = arith.constant 1.600000e+01 : f32
    %jit3A_8 = arith.constant 0.000000e+00 : f32
    %select_n3A = arith.select %eq3A_7, %jit3A, %jit3A_8 : f32
    %eq3A_9 = arith.constant 1 : i32
    %eq3A_10 = arith.cmpi eq, %shift_right_arithmetic3A_1, %eq3A_9 : i32
    %jit3A_11 = arith.constant 1.900000e+01 : f32
    %select_n3A_12 = arith.select %eq3A_10, %jit3A_11, %select_n3A : f32
    %eq3A_13 = arith.constant 2 : i32
    %eq3A_14 = arith.cmpi eq, %shift_right_arithmetic3A_1, %eq3A_13 : i32
    %jit3A_15 = arith.constant 2.300000e+01 : f32
    %select_n3A_16 = arith.select %eq3A_14, %jit3A_15, %select_n3A_12 : f32
    %eq3A_17 = arith.constant 3 : i32
    %eq3A_18 = arith.cmpi eq, %shift_right_arithmetic3A_1, %eq3A_17 : i32
    %jit3A_19 = arith.constant 2.700000e+01 : f32
    %select_n3A_20 = arith.select %eq3A_18, %jit3A_19, %select_n3A_16 : f32
    %eq3A_21 = arith.constant 4 : i32
    %eq3A_22 = arith.cmpi eq, %shift_right_arithmetic3A_1, %eq3A_21 : i32
    %jit3A_23 = arith.constant 3.300000e+01 : f32
    %select_n3A_24 = arith.select %eq3A_22, %jit3A_23, %select_n3A_20 : f32
    %eq3A_25 = arith.constant 5 : i32
    %eq3A_26 = arith.cmpi eq, %shift_right_arithmetic3A_1, %eq3A_25 : i32
    %jit3A_27 = arith.constant 4.000000e+01 : f32
    %select_n3A_28 = arith.select %eq3A_26, %jit3A_27, %select_n3A_24 : f32
    %eq3A_29 = arith.constant 6 : i32
    %eq3A_30 = arith.cmpi eq, %shift_right_arithmetic3A_1, %eq3A_29 : i32
    %jit3A_31 = arith.constant 4.800000e+01 : f32
    %select_n3A_32 = arith.select %eq3A_30, %jit3A_31, %select_n3A_28 : f32
    %eq3A_33 = arith.constant 7 : i32
    %eq3A_34 = arith.cmpi eq, %shift_right_arithmetic3A_1, %eq3A_33 : i32
    %jit3A_35 = arith.constant 5.800000e+01 : f32
    %select_n3A_36 = arith.select %eq3A_34, %jit3A_35, %select_n3A_32 : f32
    %eq3A_37 = arith.constant 8 : i32
    %eq3A_38 = arith.cmpi eq, %shift_right_arithmetic3A_1, %eq3A_37 : i32
    %jit3A_39 = arith.constant 7.000000e+01 : f32
    %select_n3A_40 = arith.select %eq3A_38, %jit3A_39, %select_n3A_36 : f32
    %eq3A_41 = arith.constant 9 : i32
    %eq3A_42 = arith.cmpi eq, %shift_right_arithmetic3A_1, %eq3A_41 : i32
    %jit3A_43 = arith.constant 8.400000e+01 : f32
    %select_n3A_44 = arith.select %eq3A_42, %jit3A_43, %select_n3A_40 : f32
    %eq3A_45 = arith.constant 10 : i32
    %eq3A_46 = arith.cmpi eq, %shift_right_arithmetic3A_1, %eq3A_45 : i32
    %jit3A_47 = arith.constant 1.010000e+02 : f32
    %select_n3A_48 = arith.select %eq3A_46, %jit3A_47, %select_n3A_44 : f32
    %eq3A_49 = arith.constant 11 : i32
    %eq3A_50 = arith.cmpi eq, %shift_right_arithmetic3A_1, %eq3A_49 : i32
    %jit3A_51 = arith.constant 1.220000e+02 : f32
    %select_n3A_52 = arith.select %eq3A_50, %jit3A_51, %select_n3A_48 : f32
    %eq3A_53 = arith.constant 12 : i32
    %eq3A_54 = arith.cmpi eq, %shift_right_arithmetic3A_1, %eq3A_53 : i32
    %jit3A_55 = arith.constant 1.470000e+02 : f32
    %select_n3A_56 = arith.select %eq3A_54, %jit3A_55, %select_n3A_52 : f32
    %eq3A_57 = arith.constant 13 : i32
    %eq3A_58 = arith.cmpi eq, %shift_right_arithmetic3A_1, %eq3A_57 : i32
    %jit3A_59 = arith.constant 1.760000e+02 : f32
    %select_n3A_60 = arith.select %eq3A_58, %jit3A_59, %select_n3A_56 : f32
    %eq3A_61 = arith.constant 14 : i32
    %eq3A_62 = arith.cmpi eq, %shift_right_arithmetic3A_1, %eq3A_61 : i32
    %jit3A_63 = arith.constant 2.120000e+02 : f32
    %select_n3A_64 = arith.select %eq3A_62, %jit3A_63, %select_n3A_60 : f32
    %eq3A_65 = arith.constant 15 : i32
    %eq3A_66 = arith.cmpi eq, %shift_right_arithmetic3A_1, %eq3A_65 : i32
    %jit3A_67 = arith.constant 2.550000e+02 : f32
    %select_n3A_68 = arith.select %eq3A_66, %jit3A_67, %select_n3A_64 : f32
    "tpu.region"() ({
      %run_scoped3A = tpu.sem_alloc : memref<!tpu.dma_semaphore, #tpu.memory_space<semaphore_mem>>
      %dma_start3A = arith.constant 0 : i32
      %dma_start3A_83 = tpu.memref_slice %arg2[%mul3A_4, %shift_right_arithmetic3A_1, %dma_start3A] : memref<4x16x32768xf32, #tpu.memory_space<hbm>> -> memref<1x1x32768xf32, #tpu.memory_space<hbm>>
      %dma_start3A_84 = tpu.memref_squeeze %dma_start3A_83 : memref<1x1x32768xf32, #tpu.memory_space<hbm>> -> memref<32768xf32, #tpu.memory_space<hbm>>
      %dma_start3A_85 = arith.constant 0 : i32
      %dma_start3A_86 = tpu.memref_slice %arg2[%mul3A_4, %shift_right_arithmetic3A_1, %dma_start3A_85] : memref<4x16x32768xf32, #tpu.memory_space<hbm>> -> memref<1x1x32768xf32, #tpu.memory_space<hbm>>
      %dma_start3A_87 = tpu.memref_squeeze %dma_start3A_86 : memref<1x1x32768xf32, #tpu.memory_space<hbm>> -> memref<32768xf32, #tpu.memory_space<hbm>>
      tpu.enqueue_dma source(%dma_start3A_87 : memref<32768xf32, #tpu.memory_space<hbm>>) target(%arg4 : memref<32768xf32, #tpu.memory_space<vmem>>) target_semaphore(%run_scoped3A : memref<!tpu.dma_semaphore, #tpu.memory_space<semaphore_mem>>)
      %dma_wait3A = arith.constant 0 : i32
      %dma_wait3A_88 = tpu.memref_slice %arg2[%mul3A_4, %shift_right_arithmetic3A_1, %dma_wait3A] : memref<4x16x32768xf32, #tpu.memory_space<hbm>> -> memref<1x1x32768xf32, #tpu.memory_space<hbm>>
      %dma_wait3A_89 = tpu.memref_squeeze %dma_wait3A_88 : memref<1x1x32768xf32, #tpu.memory_space<hbm>> -> memref<32768xf32, #tpu.memory_space<hbm>>
      %dma_wait3A_90 = arith.constant 0 : i32
      %dma_wait3A_91 = tpu.memref_slice %arg2[%mul3A_4, %shift_right_arithmetic3A_1, %dma_wait3A_90] : memref<4x16x32768xf32, #tpu.memory_space<hbm>> -> memref<1x1x32768xf32, #tpu.memory_space<hbm>>
      %dma_wait3A_92 = tpu.memref_squeeze %dma_wait3A_91 : memref<1x1x32768xf32, #tpu.memory_space<hbm>> -> memref<32768xf32, #tpu.memory_space<hbm>>
      tpu.wait_dma2 semaphore(%run_scoped3A : memref<!tpu.dma_semaphore, #tpu.memory_space<semaphore_mem>>) src(%dma_wait3A_92 : memref<32768xf32, #tpu.memory_space<hbm>>) dst(%arg4 : memref<32768xf32, #tpu.memory_space<vmem>>)
      tpu.yield
    }) : () -> ()
    "tpu.region"() ({
      %run_scoped3A = tpu.sem_alloc : memref<!tpu.dma_semaphore, #tpu.memory_space<semaphore_mem>>
      %dma_start3A = arith.constant 0 : i32
      %dma_start3A_83 = tpu.memref_slice %arg2[%add3A_6, %shift_right_arithmetic3A_1, %dma_start3A] : memref<4x16x32768xf32, #tpu.memory_space<hbm>> -> memref<1x1x32768xf32, #tpu.memory_space<hbm>>
      %dma_start3A_84 = tpu.memref_squeeze %dma_start3A_83 : memref<1x1x32768xf32, #tpu.memory_space<hbm>> -> memref<32768xf32, #tpu.memory_space<hbm>>
      %dma_start3A_85 = arith.constant 0 : i32
      %dma_start3A_86 = tpu.memref_slice %arg2[%add3A_6, %shift_right_arithmetic3A_1, %dma_start3A_85] : memref<4x16x32768xf32, #tpu.memory_space<hbm>> -> memref<1x1x32768xf32, #tpu.memory_space<hbm>>
      %dma_start3A_87 = tpu.memref_squeeze %dma_start3A_86 : memref<1x1x32768xf32, #tpu.memory_space<hbm>> -> memref<32768xf32, #tpu.memory_space<hbm>>
      tpu.enqueue_dma source(%dma_start3A_87 : memref<32768xf32, #tpu.memory_space<hbm>>) target(%arg5 : memref<32768xf32, #tpu.memory_space<vmem>>) target_semaphore(%run_scoped3A : memref<!tpu.dma_semaphore, #tpu.memory_space<semaphore_mem>>)
      %dma_wait3A = arith.constant 0 : i32
      %dma_wait3A_88 = tpu.memref_slice %arg2[%add3A_6, %shift_right_arithmetic3A_1, %dma_wait3A] : memref<4x16x32768xf32, #tpu.memory_space<hbm>> -> memref<1x1x32768xf32, #tpu.memory_space<hbm>>
      %dma_wait3A_89 = tpu.memref_squeeze %dma_wait3A_88 : memref<1x1x32768xf32, #tpu.memory_space<hbm>> -> memref<32768xf32, #tpu.memory_space<hbm>>
      %dma_wait3A_90 = arith.constant 0 : i32
      %dma_wait3A_91 = tpu.memref_slice %arg2[%add3A_6, %shift_right_arithmetic3A_1, %dma_wait3A_90] : memref<4x16x32768xf32, #tpu.memory_space<hbm>> -> memref<1x1x32768xf32, #tpu.memory_space<hbm>>
      %dma_wait3A_92 = tpu.memref_squeeze %dma_wait3A_91 : memref<1x1x32768xf32, #tpu.memory_space<hbm>> -> memref<32768xf32, #tpu.memory_space<hbm>>
      tpu.wait_dma2 semaphore(%run_scoped3A : memref<!tpu.dma_semaphore, #tpu.memory_space<semaphore_mem>>) src(%dma_wait3A_92 : memref<32768xf32, #tpu.memory_space<hbm>>) dst(%arg5 : memref<32768xf32, #tpu.memory_space<vmem>>)
      tpu.yield
    }) : () -> ()
    %convert_element_type3A = arith.fptosi %select_n3A_68 : f32 to i32
    %iota3A = tpu.iota {dimensions = array<i32: 0>} : vector<16xi32>
    %mul3A_69 = arith.constant 2 : i32
    %mul3A_70 = vector.broadcast %mul3A_69 : i32 to vector<16xi32>
    %mul3A_71 = arith.muli %iota3A, %mul3A_70 : vector<16xi32>
    %add3A_72 = arith.constant 1 : i32
    %add3A_73 = vector.broadcast %add3A_72 : i32 to vector<16xi32>
    %add3A_74 = arith.addi %mul3A_71, %add3A_73 : vector<16xi32>
    %scan3A = arith.constant 0 : i32
    %scan3A_75 = arith.constant 0.001953125 : f32
    %scan3A_76 = arith.constant 1.000000e+00 : f32
    %scan3A_77 = arith.constant -1640531535 : i32
    %scan3A_78 = arith.constant 0 : i32
    %scan3A_79 = arith.constant 16 : i32
    %scan3A_80 = arith.addi %scan3A_78, %scan3A_79 : i32
    %scan3A_81 = arith.constant 1 : i32
    scf.for %scan3A_83 = %scan3A_78 to %scan3A_80 step %scan3A_81  : i32 {
      %scan3A_84 = arith.constant 0 : i32
      %scan3A_85 = arith.constant 0 : i32
      %scan3A_86 = arith.constant 16 : i32
      %scan3A_87 = arith.addi %scan3A_85, %scan3A_86 : i32
      %scan3A_88 = arith.constant 1 : i32
      scf.for %scan3A_107 = %scan3A_85 to %scan3A_87 step %scan3A_88  : i32 {
        %mul3A_108 = arith.constant 16 : i32
        %mul3A_109 = arith.muli %scan3A_83, %mul3A_108 : i32
        %add3A_110 = arith.addi %mul3A_109, %scan3A_107 : i32
        %mul3A_111 = arith.constant 2 : i32
        %mul3A_112 = arith.muli %mul3A_111, %add3A_110 : i32
        %add3A_113 = arith.constant 1 : i32
        %add3A_114 = arith.addi %mul3A_112, %add3A_113 : i32
        %mul3A_115 = arith.muli %add3A_114, %convert_element_type3A : i32
        %shift_right_arithmetic3A_116 = arith.constant 9 : i32
        %shift_right_arithmetic3A_117 = arith.shrsi %mul3A_115, %shift_right_arithmetic3A_116 : i32
        %convert_element_type3A_118 = arith.sitofp %mul3A_115 : i32 to f32
        %mul3A_119 = arith.mulf %convert_element_type3A_118, %scan3A_75 : f32
        %convert_element_type3A_120 = arith.sitofp %shift_right_arithmetic3A_117 : i32 to f32
        %sub3A = arith.subf %mul3A_119, %convert_element_type3A_120 : f32
        %sub3A_121 = arith.subf %scan3A_76, %sub3A : f32
        %mul3A_122 = arith.muli %shift_right_arithmetic3A_117, %scan3A_77 : i32
        %add3A_123 = arith.constant 1 : i32
        %add3A_124 = arith.addi %shift_right_arithmetic3A_117, %add3A_123 : i32
        %mul3A_125 = arith.muli %add3A_124, %scan3A_77 : i32
        %add3A_126 = arith.constant 0 : i32
        %add3A_127 = vector.broadcast %add3A_126 : i32 to vector<16xi32>
        %add3A_128 = arith.addi %add3A_74, %add3A_127 : vector<16xi32>
        %mul3A_129 = vector.broadcast %convert_element_type3A : i32 to vector<16xi32>
        %mul3A_130 = arith.muli %add3A_128, %mul3A_129 : vector<16xi32>
        %shift_right_arithmetic3A_131 = arith.constant 9 : i32
        %shift_right_arithmetic3A_132 = vector.broadcast %shift_right_arithmetic3A_131 : i32 to vector<16xi32>
        %shift_right_arithmetic3A_133 = arith.shrsi %mul3A_130, %shift_right_arithmetic3A_132 : vector<16xi32>
        %convert_element_type3A_134 = arith.sitofp %mul3A_130 : vector<16xi32> to vector<16xf32>
        %mul3A_135 = vector.broadcast %scan3A_75 : f32 to vector<16xf32>
        %mul3A_136 = arith.mulf %convert_element_type3A_134, %mul3A_135 : vector<16xf32>
        %convert_element_type3A_137 = arith.sitofp %shift_right_arithmetic3A_133 : vector<16xi32> to vector<16xf32>
        %sub3A_138 = arith.subf %mul3A_136, %convert_element_type3A_137 : vector<16xf32>
        %sub3A_139 = vector.broadcast %scan3A_76 : f32 to vector<16xf32>
        %sub3A_140 = arith.subf %sub3A_139, %sub3A_138 : vector<16xf32>
        %add3A_141 = arith.constant 1 : i32
        %add3A_142 = vector.broadcast %add3A_141 : i32 to vector<16xi32>
        %add3A_143 = arith.addi %shift_right_arithmetic3A_133, %add3A_142 : vector<16xi32>
        %xor3A = vector.broadcast %mul3A_122 : i32 to vector<16xi32>
        %xor3A_144 = arith.xori %shift_right_arithmetic3A_133, %xor3A : vector<16xi32>
        %and3A_145 = arith.constant 16383 : i32
        %and3A_146 = vector.broadcast %and3A_145 : i32 to vector<16xi32>
        %and3A_147 = arith.andi %xor3A_144, %and3A_146 : vector<16xi32>
        %shift_left3A = arith.constant 1 : i32
        %shift_left3A_148 = vector.broadcast %shift_left3A : i32 to vector<16xi32>
        %shift_left3A_149 = arith.shli %and3A_147, %shift_left3A_148 : vector<16xi32>
        %xor3A_150 = vector.broadcast %mul3A_122 : i32 to vector<16xi32>
        %xor3A_151 = arith.xori %add3A_143, %xor3A_150 : vector<16xi32>
        %and3A_152 = arith.constant 16383 : i32
        %and3A_153 = vector.broadcast %and3A_152 : i32 to vector<16xi32>
        %and3A_154 = arith.andi %xor3A_151, %and3A_153 : vector<16xi32>
        %shift_left3A_155 = arith.constant 1 : i32
        %shift_left3A_156 = vector.broadcast %shift_left3A_155 : i32 to vector<16xi32>
        %shift_left3A_157 = arith.shli %and3A_154, %shift_left3A_156 : vector<16xi32>
        %xor3A_158 = vector.broadcast %mul3A_125 : i32 to vector<16xi32>
        %xor3A_159 = arith.xori %shift_right_arithmetic3A_133, %xor3A_158 : vector<16xi32>
        %and3A_160 = arith.constant 16383 : i32
        %and3A_161 = vector.broadcast %and3A_160 : i32 to vector<16xi32>
        %and3A_162 = arith.andi %xor3A_159, %and3A_161 : vector<16xi32>
        %shift_left3A_163 = arith.constant 1 : i32
        %shift_left3A_164 = vector.broadcast %shift_left3A_163 : i32 to vector<16xi32>
        %shift_left3A_165 = arith.shli %and3A_162, %shift_left3A_164 : vector<16xi32>
        %xor3A_166 = vector.broadcast %mul3A_125 : i32 to vector<16xi32>
        %xor3A_167 = arith.xori %add3A_143, %xor3A_166 : vector<16xi32>
        %and3A_168 = arith.constant 16383 : i32
        %and3A_169 = vector.broadcast %and3A_168 : i32 to vector<16xi32>
        %and3A_170 = arith.andi %xor3A_167, %and3A_169 : vector<16xi32>
        %shift_left3A_171 = arith.constant 1 : i32
        %shift_left3A_172 = vector.broadcast %shift_left3A_171 : i32 to vector<16xi32>
        %shift_left3A_173 = arith.shli %and3A_170, %shift_left3A_172 : vector<16xi32>
        %add3A_174 = arith.constant 1 : i32
        %add3A_175 = vector.broadcast %add3A_174 : i32 to vector<16xi32>
        %add3A_176 = arith.addi %shift_left3A_149, %add3A_175 : vector<16xi32>
        %add3A_177 = arith.constant 1 : i32
        %add3A_178 = vector.broadcast %add3A_177 : i32 to vector<16xi32>
        %add3A_179 = arith.addi %shift_left3A_157, %add3A_178 : vector<16xi32>
        %add3A_180 = arith.constant 1 : i32
        %add3A_181 = vector.broadcast %add3A_180 : i32 to vector<16xi32>
        %add3A_182 = arith.addi %shift_left3A_165, %add3A_181 : vector<16xi32>
        %add3A_183 = arith.constant 1 : i32
        %add3A_184 = vector.broadcast %add3A_183 : i32 to vector<16xi32>
        %add3A_185 = arith.addi %shift_left3A_173, %add3A_184 : vector<16xi32>
        %mul3A_186 = vector.broadcast %sub3A_121 : f32 to vector<16xf32>
        %mul3A_187 = arith.mulf %sub3A_140, %mul3A_186 : vector<16xf32>
        %mul3A_188 = vector.broadcast %sub3A_121 : f32 to vector<16xf32>
        %mul3A_189 = arith.mulf %sub3A_138, %mul3A_188 : vector<16xf32>
        %mul3A_190 = vector.broadcast %sub3A : f32 to vector<16xf32>
        %mul3A_191 = arith.mulf %sub3A_140, %mul3A_190 : vector<16xf32>
        %mul3A_192 = vector.broadcast %sub3A : f32 to vector<16xf32>
        %mul3A_193 = arith.mulf %sub3A_138, %mul3A_192 : vector<16xf32>
        %mul3A_194 = arith.constant 256 : i32
        %mul3A_195 = arith.muli %scan3A_107, %mul3A_194 : i32
        %add3A_196 = arith.constant 0 : i32
        %add3A_197 = arith.addi %mul3A_195, %add3A_196 : i32
        %gather3A = tpu.vector_load_idx %arg4[%shift_left3A_149] : memref<32768xf32, #tpu.memory_space<vmem>>[vector<16xi32>], vector<16xf32>,
        %mul3A_198 = arith.mulf %gather3A, %mul3A_187 : vector<16xf32>
        %gather3A_199 = tpu.vector_load_idx %arg4[%shift_left3A_157] : memref<32768xf32, #tpu.memory_space<vmem>>[vector<16xi32>], vector<16xf32>,
        %mul3A_200 = arith.mulf %gather3A_199, %mul3A_189 : vector<16xf32>
        %add3A_201 = arith.addf %mul3A_198, %mul3A_200 : vector<16xf32>
        %gather3A_202 = tpu.vector_load_idx %arg4[%shift_left3A_165] : memref<32768xf32, #tpu.memory_space<vmem>>[vector<16xi32>], vector<16xf32>,
        %mul3A_203 = arith.mulf %gather3A_202, %mul3A_191 : vector<16xf32>
        %add3A_204 = arith.addf %add3A_201, %mul3A_203 : vector<16xf32>
        %gather3A_205 = tpu.vector_load_idx %arg4[%shift_left3A_173] : memref<32768xf32, #tpu.memory_space<vmem>>[vector<16xi32>], vector<16xf32>,
        %mul3A_206 = arith.mulf %gather3A_205, %mul3A_193 : vector<16xf32>
        %add3A_207 = arith.addf %add3A_204, %mul3A_206 : vector<16xf32>
        %gather3A_208 = tpu.vector_load_idx %arg4[%add3A_176] : memref<32768xf32, #tpu.memory_space<vmem>>[vector<16xi32>], vector<16xf32>,
        %mul3A_209 = arith.mulf %gather3A_208, %mul3A_187 : vector<16xf32>
        %gather3A_210 = tpu.vector_load_idx %arg4[%add3A_179] : memref<32768xf32, #tpu.memory_space<vmem>>[vector<16xi32>], vector<16xf32>,
        %mul3A_211 = arith.mulf %gather3A_210, %mul3A_189 : vector<16xf32>
        %add3A_212 = arith.addf %mul3A_209, %mul3A_211 : vector<16xf32>
        %gather3A_213 = tpu.vector_load_idx %arg4[%add3A_182] : memref<32768xf32, #tpu.memory_space<vmem>>[vector<16xi32>], vector<16xf32>,
        %mul3A_214 = arith.mulf %gather3A_213, %mul3A_191 : vector<16xf32>
        %add3A_215 = arith.addf %add3A_212, %mul3A_214 : vector<16xf32>
        %gather3A_216 = tpu.vector_load_idx %arg4[%add3A_185] : memref<32768xf32, #tpu.memory_space<vmem>>[vector<16xi32>], vector<16xf32>,
        %mul3A_217 = arith.mulf %gather3A_216, %mul3A_193 : vector<16xf32>
        %add3A_218 = arith.addf %add3A_215, %mul3A_217 : vector<16xf32>
        %swap3A = arith.constant 0 : i32
        %swap3A_219 = arith.index_cast %swap3A : i32 to index
        %swap3A_220 = arith.index_cast %add3A_197 : i32 to index
        %swap3A_221 = tpu.vector_load %arg6[%swap3A_219, %swap3A_220] {strides = array<i32>} : memref<4x4096xf32, #tpu.memory_space<vmem>>, vector<16xf32>,
        tpu.vector_store %arg6[%swap3A_219, %swap3A_220], %add3A_207 {strides = array<i32>} : memref<4x4096xf32, #tpu.memory_space<vmem>>, vector<16xf32>,
        %swap3A_222 = arith.constant 1 : i32
        %swap3A_223 = arith.index_cast %swap3A_222 : i32 to index
        %swap3A_224 = arith.index_cast %add3A_197 : i32 to index
        %swap3A_225 = tpu.vector_load %arg6[%swap3A_223, %swap3A_224] {strides = array<i32>} : memref<4x4096xf32, #tpu.memory_space<vmem>>, vector<16xf32>,
        tpu.vector_store %arg6[%swap3A_223, %swap3A_224], %add3A_218 {strides = array<i32>} : memref<4x4096xf32, #tpu.memory_space<vmem>>, vector<16xf32>,
        %gather3A_226 = tpu.vector_load_idx %arg5[%shift_left3A_149] : memref<32768xf32, #tpu.memory_space<vmem>>[vector<16xi32>], vector<16xf32>,
        %mul3A_227 = arith.mulf %gather3A_226, %mul3A_187 : vector<16xf32>
        %gather3A_228 = tpu.vector_load_idx %arg5[%shift_left3A_157] : memref<32768xf32, #tpu.memory_space<vmem>>[vector<16xi32>], vector<16xf32>,
        %mul3A_229 = arith.mulf %gather3A_228, %mul3A_189 : vector<16xf32>
        %add3A_230 = arith.addf %mul3A_227, %mul3A_229 : vector<16xf32>
        %gather3A_231 = tpu.vector_load_idx %arg5[%shift_left3A_165] : memref<32768xf32, #tpu.memory_space<vmem>>[vector<16xi32>], vector<16xf32>,
        %mul3A_232 = arith.mulf %gather3A_231, %mul3A_191 : vector<16xf32>
        %add3A_233 = arith.addf %add3A_230, %mul3A_232 : vector<16xf32>
        %gather3A_234 = tpu.vector_load_idx %arg5[%shift_left3A_173] : memref<32768xf32, #tpu.memory_space<vmem>>[vector<16xi32>], vector<16xf32>,
        %mul3A_235 = arith.mulf %gather3A_234, %mul3A_193 : vector<16xf32>
        %add3A_236 = arith.addf %add3A_233, %mul3A_235 : vector<16xf32>
        %gather3A_237 = tpu.vector_load_idx %arg5[%add3A_176] : memref<32768xf32, #tpu.memory_space<vmem>>[vector<16xi32>], vector<16xf32>,
        %mul3A_238 = arith.mulf %gather3A_237, %mul3A_187 : vector<16xf32>
        %gather3A_239 = tpu.vector_load_idx %arg5[%add3A_179] : memref<32768xf32, #tpu.memory_space<vmem>>[vector<16xi32>], vector<16xf32>,
        %mul3A_240 = arith.mulf %gather3A_239, %mul3A_189 : vector<16xf32>
        %add3A_241 = arith.addf %mul3A_238, %mul3A_240 : vector<16xf32>
        %gather3A_242 = tpu.vector_load_idx %arg5[%add3A_182] : memref<32768xf32, #tpu.memory_space<vmem>>[vector<16xi32>], vector<16xf32>,
        %mul3A_243 = arith.mulf %gather3A_242, %mul3A_191 : vector<16xf32>
        %add3A_244 = arith.addf %add3A_241, %mul3A_243 : vector<16xf32>
        %gather3A_245 = tpu.vector_load_idx %arg5[%add3A_185] : memref<32768xf32, #tpu.memory_space<vmem>>[vector<16xi32>], vector<16xf32>,
        %mul3A_246 = arith.mulf %gather3A_245, %mul3A_193 : vector<16xf32>
        %add3A_247 = arith.addf %add3A_244, %mul3A_246 : vector<16xf32>
        %swap3A_248 = arith.constant 2 : i32
        %swap3A_249 = arith.index_cast %swap3A_248 : i32 to index
        %swap3A_250 = arith.index_cast %add3A_197 : i32 to index
        %swap3A_251 = tpu.vector_load %arg6[%swap3A_249, %swap3A_250] {strides = array<i32>} : memref<4x4096xf32, #tpu.memory_space<vmem>>, vector<16xf32>,
        tpu.vector_store %arg6[%swap3A_249, %swap3A_250], %add3A_236 {strides = array<i32>} : memref<4x4096xf32, #tpu.memory_space<vmem>>, vector<16xf32>,
        %swap3A_252 = arith.constant 3 : i32
        %swap3A_253 = arith.index_cast %swap3A_252 : i32 to index
        %swap3A_254 = arith.index_cast %add3A_197 : i32 to index
        %swap3A_255 = tpu.vector_load %arg6[%swap3A_253, %swap3A_254] {strides = array<i32>} : memref<4x4096xf32, #tpu.memory_space<vmem>>, vector<16xf32>,
        tpu.vector_store %arg6[%swap3A_253, %swap3A_254], %add3A_247 {strides = array<i32>} : memref<4x4096xf32, #tpu.memory_space<vmem>>, vector<16xf32>,
        %add3A_256 = arith.constant 32 : i32
        %add3A_257 = vector.broadcast %add3A_256 : i32 to vector<16xi32>
        %add3A_258 = arith.addi %add3A_74, %add3A_257 : vector<16xi32>
        %mul3A_259 = vector.broadcast %convert_element_type3A : i32 to vector<16xi32>
        %mul3A_260 = arith.muli %add3A_258, %mul3A_259 : vector<16xi32>
        %shift_right_arithmetic3A_261 = arith.constant 9 : i32
        %shift_right_arithmetic3A_262 = vector.broadcast %shift_right_arithmetic3A_261 : i32 to vector<16xi32>
        %shift_right_arithmetic3A_263 = arith.shrsi %mul3A_260, %shift_right_arithmetic3A_262 : vector<16xi32>
        %convert_element_type3A_264 = arith.sitofp %mul3A_260 : vector<16xi32> to vector<16xf32>
        %mul3A_265 = vector.broadcast %scan3A_75 : f32 to vector<16xf32>
        %mul3A_266 = arith.mulf %convert_element_type3A_264, %mul3A_265 : vector<16xf32>
        %convert_element_type3A_267 = arith.sitofp %shift_right_arithmetic3A_263 : vector<16xi32> to vector<16xf32>
        %sub3A_268 = arith.subf %mul3A_266, %convert_element_type3A_267 : vector<16xf32>
        %sub3A_269 = vector.broadcast %scan3A_76 : f32 to vector<16xf32>
        %sub3A_270 = arith.subf %sub3A_269, %sub3A_268 : vector<16xf32>
        %add3A_271 = arith.constant 1 : i32
        %add3A_272 = vector.broadcast %add3A_271 : i32 to vector<16xi32>
        %add3A_273 = arith.addi %shift_right_arithmetic3A_263, %add3A_272 : vector<16xi32>
        %xor3A_274 = vector.broadcast %mul3A_122 : i32 to vector<16xi32>
        %xor3A_275 = arith.xori %shift_right_arithmetic3A_263, %xor3A_274 : vector<16xi32>
        %and3A_276 = arith.constant 16383 : i32
        %and3A_277 = vector.broadcast %and3A_276 : i32 to vector<16xi32>
        %and3A_278 = arith.andi %xor3A_275, %and3A_277 : vector<16xi32>
        %shift_left3A_279 = arith.constant 1 : i32
        %shift_left3A_280 = vector.broadcast %shift_left3A_279 : i32 to vector<16xi32>
        %shift_left3A_281 = arith.shli %and3A_278, %shift_left3A_280 : vector<16xi32>
        %xor3A_282 = vector.broadcast %mul3A_122 : i32 to vector<16xi32>
        %xor3A_283 = arith.xori %add3A_273, %xor3A_282 : vector<16xi32>
        %and3A_284 = arith.constant 16383 : i32
        %and3A_285 = vector.broadcast %and3A_284 : i32 to vector<16xi32>
        %and3A_286 = arith.andi %xor3A_283, %and3A_285 : vector<16xi32>
        %shift_left3A_287 = arith.constant 1 : i32
        %shift_left3A_288 = vector.broadcast %shift_left3A_287 : i32 to vector<16xi32>
        %shift_left3A_289 = arith.shli %and3A_286, %shift_left3A_288 : vector<16xi32>
        %xor3A_290 = vector.broadcast %mul3A_125 : i32 to vector<16xi32>
        %xor3A_291 = arith.xori %shift_right_arithmetic3A_263, %xor3A_290 : vector<16xi32>
        %and3A_292 = arith.constant 16383 : i32
        %and3A_293 = vector.broadcast %and3A_292 : i32 to vector<16xi32>
        %and3A_294 = arith.andi %xor3A_291, %and3A_293 : vector<16xi32>
        %shift_left3A_295 = arith.constant 1 : i32
        %shift_left3A_296 = vector.broadcast %shift_left3A_295 : i32 to vector<16xi32>
        %shift_left3A_297 = arith.shli %and3A_294, %shift_left3A_296 : vector<16xi32>
        %xor3A_298 = vector.broadcast %mul3A_125 : i32 to vector<16xi32>
        %xor3A_299 = arith.xori %add3A_273, %xor3A_298 : vector<16xi32>
        %and3A_300 = arith.constant 16383 : i32
        %and3A_301 = vector.broadcast %and3A_300 : i32 to vector<16xi32>
        %and3A_302 = arith.andi %xor3A_299, %and3A_301 : vector<16xi32>
        %shift_left3A_303 = arith.constant 1 : i32
        %shift_left3A_304 = vector.broadcast %shift_left3A_303 : i32 to vector<16xi32>
        %shift_left3A_305 = arith.shli %and3A_302, %shift_left3A_304 : vector<16xi32>
        %add3A_306 = arith.constant 1 : i32
        %add3A_307 = vector.broadcast %add3A_306 : i32 to vector<16xi32>
        %add3A_308 = arith.addi %shift_left3A_281, %add3A_307 : vector<16xi32>
        %add3A_309 = arith.constant 1 : i32
        %add3A_310 = vector.broadcast %add3A_309 : i32 to vector<16xi32>
        %add3A_311 = arith.addi %shift_left3A_289, %add3A_310 : vector<16xi32>
        %add3A_312 = arith.constant 1 : i32
        %add3A_313 = vector.broadcast %add3A_312 : i32 to vector<16xi32>
        %add3A_314 = arith.addi %shift_left3A_297, %add3A_313 : vector<16xi32>
        %add3A_315 = arith.constant 1 : i32
        %add3A_316 = vector.broadcast %add3A_315 : i32 to vector<16xi32>
        %add3A_317 = arith.addi %shift_left3A_305, %add3A_316 : vector<16xi32>
        %mul3A_318 = vector.broadcast %sub3A_121 : f32 to vector<16xf32>
        %mul3A_319 = arith.mulf %sub3A_270, %mul3A_318 : vector<16xf32>
        %mul3A_320 = vector.broadcast %sub3A_121 : f32 to vector<16xf32>
        %mul3A_321 = arith.mulf %sub3A_268, %mul3A_320 : vector<16xf32>
        %mul3A_322 = vector.broadcast %sub3A : f32 to vector<16xf32>
        %mul3A_323 = arith.mulf %sub3A_270, %mul3A_322 : vector<16xf32>
        %mul3A_324 = vector.broadcast %sub3A : f32 to vector<16xf32>
        %mul3A_325 = arith.mulf %sub3A_268, %mul3A_324 : vector<16xf32>
        %mul3A_326 = arith.constant 256 : i32
        %mul3A_327 = arith.muli %scan3A_107, %mul3A_326 : i32
        %add3A_328 = arith.constant 16 : i32
        %add3A_329 = arith.addi %mul3A_327, %add3A_328 : i32
        %gather3A_330 = tpu.vector_load_idx %arg4[%shift_left3A_281] : memref<32768xf32, #tpu.memory_space<vmem>>[vector<16xi32>], vector<16xf32>,
        %mul3A_331 = arith.mulf %gather3A_330, %mul3A_319 : vector<16xf32>
        %gather3A_332 = tpu.vector_load_idx %arg4[%shift_left3A_289] : memref<32768xf32, #tpu.memory_space<vmem>>[vector<16xi32>], vector<16xf32>,
        %mul3A_333 = arith.mulf %gather3A_332, %mul3A_321 : vector<16xf32>
        %add3A_334 = arith.addf %mul3A_331, %mul3A_333 : vector<16xf32>
        %gather3A_335 = tpu.vector_load_idx %arg4[%shift_left3A_297] : memref<32768xf32, #tpu.memory_space<vmem>>[vector<16xi32>], vector<16xf32>,
        %mul3A_336 = arith.mulf %gather3A_335, %mul3A_323 : vector<16xf32>
        %add3A_337 = arith.addf %add3A_334, %mul3A_336 : vector<16xf32>
        %gather3A_338 = tpu.vector_load_idx %arg4[%shift_left3A_305] : memref<32768xf32, #tpu.memory_space<vmem>>[vector<16xi32>], vector<16xf32>,
        %mul3A_339 = arith.mulf %gather3A_338, %mul3A_325 : vector<16xf32>
        %add3A_340 = arith.addf %add3A_337, %mul3A_339 : vector<16xf32>
        %gather3A_341 = tpu.vector_load_idx %arg4[%add3A_308] : memref<32768xf32, #tpu.memory_space<vmem>>[vector<16xi32>], vector<16xf32>,
        %mul3A_342 = arith.mulf %gather3A_341, %mul3A_319 : vector<16xf32>
        %gather3A_343 = tpu.vector_load_idx %arg4[%add3A_311] : memref<32768xf32, #tpu.memory_space<vmem>>[vector<16xi32>], vector<16xf32>,
        %mul3A_344 = arith.mulf %gather3A_343, %mul3A_321 : vector<16xf32>
        %add3A_345 = arith.addf %mul3A_342, %mul3A_344 : vector<16xf32>
        %gather3A_346 = tpu.vector_load_idx %arg4[%add3A_314] : memref<32768xf32, #tpu.memory_space<vmem>>[vector<16xi32>], vector<16xf32>,
        %mul3A_347 = arith.mulf %gather3A_346, %mul3A_323 : vector<16xf32>
        %add3A_348 = arith.addf %add3A_345, %mul3A_347 : vector<16xf32>
        %gather3A_349 = tpu.vector_load_idx %arg4[%add3A_317] : memref<32768xf32, #tpu.memory_space<vmem>>[vector<16xi32>], vector<16xf32>,
        %mul3A_350 = arith.mulf %gather3A_349, %mul3A_325 : vector<16xf32>
        %add3A_351 = arith.addf %add3A_348, %mul3A_350 : vector<16xf32>
        %swap3A_352 = arith.constant 0 : i32
        %swap3A_353 = arith.index_cast %swap3A_352 : i32 to index
        %swap3A_354 = arith.index_cast %add3A_329 : i32 to index
        %swap3A_355 = tpu.vector_load %arg6[%swap3A_353, %swap3A_354] {strides = array<i32>} : memref<4x4096xf32, #tpu.memory_space<vmem>>, vector<16xf32>,
        tpu.vector_store %arg6[%swap3A_353, %swap3A_354], %add3A_340 {strides = array<i32>} : memref<4x4096xf32, #tpu.memory_space<vmem>>, vector<16xf32>,
        %swap3A_356 = arith.constant 1 : i32
        %swap3A_357 = arith.index_cast %swap3A_356 : i32 to index
        %swap3A_358 = arith.index_cast %add3A_329 : i32 to index
        %swap3A_359 = tpu.vector_load %arg6[%swap3A_357, %swap3A_358] {strides = array<i32>} : memref<4x4096xf32, #tpu.memory_space<vmem>>, vector<16xf32>,
        tpu.vector_store %arg6[%swap3A_357, %swap3A_358], %add3A_351 {strides = array<i32>} : memref<4x4096xf32, #tpu.memory_space<vmem>>, vector<16xf32>,
        %gather3A_360 = tpu.vector_load_idx %arg5[%shift_left3A_281] : memref<32768xf32, #tpu.memory_space<vmem>>[vector<16xi32>], vector<16xf32>,
        %mul3A_361 = arith.mulf %gather3A_360, %mul3A_319 : vector<16xf32>
        %gather3A_362 = tpu.vector_load_idx %arg5[%shift_left3A_289] : memref<32768xf32, #tpu.memory_space<vmem>>[vector<16xi32>], vector<16xf32>,
        %mul3A_363 = arith.mulf %gather3A_362, %mul3A_321 : vector<16xf32>
        %add3A_364 = arith.addf %mul3A_361, %mul3A_363 : vector<16xf32>
        %gather3A_365 = tpu.vector_load_idx %arg5[%shift_left3A_297] : memref<32768xf32, #tpu.memory_space<vmem>>[vector<16xi32>], vector<16xf32>,
        %mul3A_366 = arith.mulf %gather3A_365, %mul3A_323 : vector<16xf32>
        %add3A_367 = arith.addf %add3A_364, %mul3A_366 : vector<16xf32>
        %gather3A_368 = tpu.vector_load_idx %arg5[%shift_left3A_305] : memref<32768xf32, #tpu.memory_space<vmem>>[vector<16xi32>], vector<16xf32>,
        %mul3A_369 = arith.mulf %gather3A_368, %mul3A_325 : vector<16xf32>
        %add3A_370 = arith.addf %add3A_367, %mul3A_369 : vector<16xf32>
        %gather3A_371 = tpu.vector_load_idx %arg5[%add3A_308] : memref<32768xf32, #tpu.memory_space<vmem>>[vector<16xi32>], vector<16xf32>,
        %mul3A_372 = arith.mulf %gather3A_371, %mul3A_319 : vector<16xf32>
        %gather3A_373 = tpu.vector_load_idx %arg5[%add3A_311] : memref<32768xf32, #tpu.memory_space<vmem>>[vector<16xi32>], vector<16xf32>,
        %mul3A_374 = arith.mulf %gather3A_373, %mul3A_321 : vector<16xf32>
        %add3A_375 = arith.addf %mul3A_372, %mul3A_374 : vector<16xf32>
        %gather3A_376 = tpu.vector_load_idx %arg5[%add3A_314] : memref<32768xf32, #tpu.memory_space<vmem>>[vector<16xi32>], vector<16xf32>,
        %mul3A_377 = arith.mulf %gather3A_376, %mul3A_323 : vector<16xf32>
        %add3A_378 = arith.addf %add3A_375, %mul3A_377 : vector<16xf32>
        %gather3A_379 = tpu.vector_load_idx %arg5[%add3A_317] : memref<32768xf32, #tpu.memory_space<vmem>>[vector<16xi32>], vector<16xf32>,
        %mul3A_380 = arith.mulf %gather3A_379, %mul3A_325 : vector<16xf32>
        %add3A_381 = arith.addf %add3A_378, %mul3A_380 : vector<16xf32>
        %swap3A_382 = arith.constant 2 : i32
        %swap3A_383 = arith.index_cast %swap3A_382 : i32 to index
        %swap3A_384 = arith.index_cast %add3A_329 : i32 to index
        %swap3A_385 = tpu.vector_load %arg6[%swap3A_383, %swap3A_384] {strides = array<i32>} : memref<4x4096xf32, #tpu.memory_space<vmem>>, vector<16xf32>,
        tpu.vector_store %arg6[%swap3A_383, %swap3A_384], %add3A_370 {strides = array<i32>} : memref<4x4096xf32, #tpu.memory_space<vmem>>, vector<16xf32>,
        %swap3A_386 = arith.constant 3 : i32
        %swap3A_387 = arith.index_cast %swap3A_386 : i32 to index
        %swap3A_388 = arith.index_cast %add3A_329 : i32 to index
        %swap3A_389 = tpu.vector_load %arg6[%swap3A_387, %swap3A_388] {strides = array<i32>} : memref<4x4096xf32, #tpu.memory_space<vmem>>, vector<16xf32>,
        tpu.vector_store %arg6[%swap3A_387, %swap3A_388], %add3A_381 {strides = array<i32>} : memref<4x4096xf32, #tpu.memory_space<vmem>>, vector<16xf32>,
        %add3A_390 = arith.constant 64 : i32
        %add3A_391 = vector.broadcast %add3A_390 : i32 to vector<16xi32>
        %add3A_392 = arith.addi %add3A_74, %add3A_391 : vector<16xi32>
        %mul3A_393 = vector.broadcast %convert_element_type3A : i32 to vector<16xi32>
        %mul3A_394 = arith.muli %add3A_392, %mul3A_393 : vector<16xi32>
        %shift_right_arithmetic3A_395 = arith.constant 9 : i32
        %shift_right_arithmetic3A_396 = vector.broadcast %shift_right_arithmetic3A_395 : i32 to vector<16xi32>
        %shift_right_arithmetic3A_397 = arith.shrsi %mul3A_394, %shift_right_arithmetic3A_396 : vector<16xi32>
        %convert_element_type3A_398 = arith.sitofp %mul3A_394 : vector<16xi32> to vector<16xf32>
        %mul3A_399 = vector.broadcast %scan3A_75 : f32 to vector<16xf32>
        %mul3A_400 = arith.mulf %convert_element_type3A_398, %mul3A_399 : vector<16xf32>
        %convert_element_type3A_401 = arith.sitofp %shift_right_arithmetic3A_397 : vector<16xi32> to vector<16xf32>
        %sub3A_402 = arith.subf %mul3A_400, %convert_element_type3A_401 : vector<16xf32>
        %sub3A_403 = vector.broadcast %scan3A_76 : f32 to vector<16xf32>
        %sub3A_404 = arith.subf %sub3A_403, %sub3A_402 : vector<16xf32>
        %add3A_405 = arith.constant 1 : i32
        %add3A_406 = vector.broadcast %add3A_405 : i32 to vector<16xi32>
        %add3A_407 = arith.addi %shift_right_arithmetic3A_397, %add3A_406 : vector<16xi32>
        %xor3A_408 = vector.broadcast %mul3A_122 : i32 to vector<16xi32>
        %xor3A_409 = arith.xori %shift_right_arithmetic3A_397, %xor3A_408 : vector<16xi32>
        %and3A_410 = arith.constant 16383 : i32
        %and3A_411 = vector.broadcast %and3A_410 : i32 to vector<16xi32>
        %and3A_412 = arith.andi %xor3A_409, %and3A_411 : vector<16xi32>
        %shift_left3A_413 = arith.constant 1 : i32
        %shift_left3A_414 = vector.broadcast %shift_left3A_413 : i32 to vector<16xi32>
        %shift_left3A_415 = arith.shli %and3A_412, %shift_left3A_414 : vector<16xi32>
        %xor3A_416 = vector.broadcast %mul3A_122 : i32 to vector<16xi32>
        %xor3A_417 = arith.xori %add3A_407, %xor3A_416 : vector<16xi32>
        %and3A_418 = arith.constant 16383 : i32
        %and3A_419 = vector.broadcast %and3A_418 : i32 to vector<16xi32>
        %and3A_420 = arith.andi %xor3A_417, %and3A_419 : vector<16xi32>
        %shift_left3A_421 = arith.constant 1 : i32
        %shift_left3A_422 = vector.broadcast %shift_left3A_421 : i32 to vector<16xi32>
        %shift_left3A_423 = arith.shli %and3A_420, %shift_left3A_422 : vector<16xi32>
        %xor3A_424 = vector.broadcast %mul3A_125 : i32 to vector<16xi32>
        %xor3A_425 = arith.xori %shift_right_arithmetic3A_397, %xor3A_424 : vector<16xi32>
        %and3A_426 = arith.constant 16383 : i32
        %and3A_427 = vector.broadcast %and3A_426 : i32 to vector<16xi32>
        %and3A_428 = arith.andi %xor3A_425, %and3A_427 : vector<16xi32>
        %shift_left3A_429 = arith.constant 1 : i32
        %shift_left3A_430 = vector.broadcast %shift_left3A_429 : i32 to vector<16xi32>
        %shift_left3A_431 = arith.shli %and3A_428, %shift_left3A_430 : vector<16xi32>
        %xor3A_432 = vector.broadcast %mul3A_125 : i32 to vector<16xi32>
        %xor3A_433 = arith.xori %add3A_407, %xor3A_432 : vector<16xi32>
        %and3A_434 = arith.constant 16383 : i32
        %and3A_435 = vector.broadcast %and3A_434 : i32 to vector<16xi32>
        %and3A_436 = arith.andi %xor3A_433, %and3A_435 : vector<16xi32>
        %shift_left3A_437 = arith.constant 1 : i32
        %shift_left3A_438 = vector.broadcast %shift_left3A_437 : i32 to vector<16xi32>
        %shift_left3A_439 = arith.shli %and3A_436, %shift_left3A_438 : vector<16xi32>
        %add3A_440 = arith.constant 1 : i32
        %add3A_441 = vector.broadcast %add3A_440 : i32 to vector<16xi32>
        %add3A_442 = arith.addi %shift_left3A_415, %add3A_441 : vector<16xi32>
        %add3A_443 = arith.constant 1 : i32
        %add3A_444 = vector.broadcast %add3A_443 : i32 to vector<16xi32>
        %add3A_445 = arith.addi %shift_left3A_423, %add3A_444 : vector<16xi32>
        %add3A_446 = arith.constant 1 : i32
        %add3A_447 = vector.broadcast %add3A_446 : i32 to vector<16xi32>
        %add3A_448 = arith.addi %shift_left3A_431, %add3A_447 : vector<16xi32>
        %add3A_449 = arith.constant 1 : i32
        %add3A_450 = vector.broadcast %add3A_449 : i32 to vector<16xi32>
        %add3A_451 = arith.addi %shift_left3A_439, %add3A_450 : vector<16xi32>
        %mul3A_452 = vector.broadcast %sub3A_121 : f32 to vector<16xf32>
        %mul3A_453 = arith.mulf %sub3A_404, %mul3A_452 : vector<16xf32>
        %mul3A_454 = vector.broadcast %sub3A_121 : f32 to vector<16xf32>
        %mul3A_455 = arith.mulf %sub3A_402, %mul3A_454 : vector<16xf32>
        %mul3A_456 = vector.broadcast %sub3A : f32 to vector<16xf32>
        %mul3A_457 = arith.mulf %sub3A_404, %mul3A_456 : vector<16xf32>
        %mul3A_458 = vector.broadcast %sub3A : f32 to vector<16xf32>
        %mul3A_459 = arith.mulf %sub3A_402, %mul3A_458 : vector<16xf32>
        %mul3A_460 = arith.constant 256 : i32
        %mul3A_461 = arith.muli %scan3A_107, %mul3A_460 : i32
        %add3A_462 = arith.constant 32 : i32
        %add3A_463 = arith.addi %mul3A_461, %add3A_462 : i32
        %gather3A_464 = tpu.vector_load_idx %arg4[%shift_left3A_415] : memref<32768xf32, #tpu.memory_space<vmem>>[vector<16xi32>], vector<16xf32>,
        %mul3A_465 = arith.mulf %gather3A_464, %mul3A_453 : vector<16xf32>
        %gather3A_466 = tpu.vector_load_idx %arg4[%shift_left3A_423] : memref<32768xf32, #tpu.memory_space<vmem>>[vector<16xi32>], vector<16xf32>,
        %mul3A_467 = arith.mulf %gather3A_466, %mul3A_455 : vector<16xf32>
        %add3A_468 = arith.addf %mul3A_465, %mul3A_467 : vector<16xf32>
        %gather3A_469 = tpu.vector_load_idx %arg4[%shift_left3A_431] : memref<32768xf32, #tpu.memory_space<vmem>>[vector<16xi32>], vector<16xf32>,
        %mul3A_470 = arith.mulf %gather3A_469, %mul3A_457 : vector<16xf32>
        %add3A_471 = arith.addf %add3A_468, %mul3A_470 : vector<16xf32>
        %gather3A_472 = tpu.vector_load_idx %arg4[%shift_left3A_439] : memref<32768xf32, #tpu.memory_space<vmem>>[vector<16xi32>], vector<16xf32>,
        %mul3A_473 = arith.mulf %gather3A_472, %mul3A_459 : vector<16xf32>
        %add3A_474 = arith.addf %add3A_471, %mul3A_473 : vector<16xf32>
        %gather3A_475 = tpu.vector_load_idx %arg4[%add3A_442] : memref<32768xf32, #tpu.memory_space<vmem>>[vector<16xi32>], vector<16xf32>,
        %mul3A_476 = arith.mulf %gather3A_475, %mul3A_453 : vector<16xf32>
        %gather3A_477 = tpu.vector_load_idx %arg4[%add3A_445] : memref<32768xf32, #tpu.memory_space<vmem>>[vector<16xi32>], vector<16xf32>,
        %mul3A_478 = arith.mulf %gather3A_477, %mul3A_455 : vector<16xf32>
        %add3A_479 = arith.addf %mul3A_476, %mul3A_478 : vector<16xf32>
        %gather3A_480 = tpu.vector_load_idx %arg4[%add3A_448] : memref<32768xf32, #tpu.memory_space<vmem>>[vector<16xi32>], vector<16xf32>,
        %mul3A_481 = arith.mulf %gather3A_480, %mul3A_457 : vector<16xf32>
        %add3A_482 = arith.addf %add3A_479, %mul3A_481 : vector<16xf32>
        %gather3A_483 = tpu.vector_load_idx %arg4[%add3A_451] : memref<32768xf32, #tpu.memory_space<vmem>>[vector<16xi32>], vector<16xf32>,
        %mul3A_484 = arith.mulf %gather3A_483, %mul3A_459 : vector<16xf32>
        %add3A_485 = arith.addf %add3A_482, %mul3A_484 : vector<16xf32>
        %swap3A_486 = arith.constant 0 : i32
        %swap3A_487 = arith.index_cast %swap3A_486 : i32 to index
        %swap3A_488 = arith.index_cast %add3A_463 : i32 to index
        %swap3A_489 = tpu.vector_load %arg6[%swap3A_487, %swap3A_488] {strides = array<i32>} : memref<4x4096xf32, #tpu.memory_space<vmem>>, vector<16xf32>,
        tpu.vector_store %arg6[%swap3A_487, %swap3A_488], %add3A_474 {strides = array<i32>} : memref<4x4096xf32, #tpu.memory_space<vmem>>, vector<16xf32>,
        %swap3A_490 = arith.constant 1 : i32
        %swap3A_491 = arith.index_cast %swap3A_490 : i32 to index
        %swap3A_492 = arith.index_cast %add3A_463 : i32 to index
        %swap3A_493 = tpu.vector_load %arg6[%swap3A_491, %swap3A_492] {strides = array<i32>} : memref<4x4096xf32, #tpu.memory_space<vmem>>, vector<16xf32>,
        tpu.vector_store %arg6[%swap3A_491, %swap3A_492], %add3A_485 {strides = array<i32>} : memref<4x4096xf32, #tpu.memory_space<vmem>>, vector<16xf32>,
        %gather3A_494 = tpu.vector_load_idx %arg5[%shift_left3A_415] : memref<32768xf32, #tpu.memory_space<vmem>>[vector<16xi32>], vector<16xf32>,
        %mul3A_495 = arith.mulf %gather3A_494, %mul3A_453 : vector<16xf32>
        %gather3A_496 = tpu.vector_load_idx %arg5[%shift_left3A_423] : memref<32768xf32, #tpu.memory_space<vmem>>[vector<16xi32>], vector<16xf32>,
        %mul3A_497 = arith.mulf %gather3A_496, %mul3A_455 : vector<16xf32>
        %add3A_498 = arith.addf %mul3A_495, %mul3A_497 : vector<16xf32>
        %gather3A_499 = tpu.vector_load_idx %arg5[%shift_left3A_431] : memref<32768xf32, #tpu.memory_space<vmem>>[vector<16xi32>], vector<16xf32>,
        %mul3A_500 = arith.mulf %gather3A_499, %mul3A_457 : vector<16xf32>
        %add3A_501 = arith.addf %add3A_498, %mul3A_500 : vector<16xf32>
        %gather3A_502 = tpu.vector_load_idx %arg5[%shift_left3A_439] : memref<32768xf32, #tpu.memory_space<vmem>>[vector<16xi32>], vector<16xf32>,
        %mul3A_503 = arith.mulf %gather3A_502, %mul3A_459 : vector<16xf32>
        %add3A_504 = arith.addf %add3A_501, %mul3A_503 : vector<16xf32>
        %gather3A_505 = tpu.vector_load_idx %arg5[%add3A_442] : memref<32768xf32, #tpu.memory_space<vmem>>[vector<16xi32>], vector<16xf32>,
        %mul3A_506 = arith.mulf %gather3A_505, %mul3A_453 : vector<16xf32>
        %gather3A_507 = tpu.vector_load_idx %arg5[%add3A_445] : memref<32768xf32, #tpu.memory_space<vmem>>[vector<16xi32>], vector<16xf32>,
        %mul3A_508 = arith.mulf %gather3A_507, %mul3A_455 : vector<16xf32>
        %add3A_509 = arith.addf %mul3A_506, %mul3A_508 : vector<16xf32>
        %gather3A_510 = tpu.vector_load_idx %arg5[%add3A_448] : memref<32768xf32, #tpu.memory_space<vmem>>[vector<16xi32>], vector<16xf32>,
        %mul3A_511 = arith.mulf %gather3A_510, %mul3A_457 : vector<16xf32>
        %add3A_512 = arith.addf %add3A_509, %mul3A_511 : vector<16xf32>
        %gather3A_513 = tpu.vector_load_idx %arg5[%add3A_451] : memref<32768xf32, #tpu.memory_space<vmem>>[vector<16xi32>], vector<16xf32>,
        %mul3A_514 = arith.mulf %gather3A_513, %mul3A_459 : vector<16xf32>
        %add3A_515 = arith.addf %add3A_512, %mul3A_514 : vector<16xf32>
        %swap3A_516 = arith.constant 2 : i32
        %swap3A_517 = arith.index_cast %swap3A_516 : i32 to index
        %swap3A_518 = arith.index_cast %add3A_463 : i32 to index
        %swap3A_519 = tpu.vector_load %arg6[%swap3A_517, %swap3A_518] {strides = array<i32>} : memref<4x4096xf32, #tpu.memory_space<vmem>>, vector<16xf32>,
        tpu.vector_store %arg6[%swap3A_517, %swap3A_518], %add3A_504 {strides = array<i32>} : memref<4x4096xf32, #tpu.memory_space<vmem>>, vector<16xf32>,
        %swap3A_520 = arith.constant 3 : i32
        %swap3A_521 = arith.index_cast %swap3A_520 : i32 to index
        %swap3A_522 = arith.index_cast %add3A_463 : i32 to index
        %swap3A_523 = tpu.vector_load %arg6[%swap3A_521, %swap3A_522] {strides = array<i32>} : memref<4x4096xf32, #tpu.memory_space<vmem>>, vector<16xf32>,
        tpu.vector_store %arg6[%swap3A_521, %swap3A_522], %add3A_515 {strides = array<i32>} : memref<4x4096xf32, #tpu.memory_space<vmem>>, vector<16xf32>,
        %add3A_524 = arith.constant 96 : i32
        %add3A_525 = vector.broadcast %add3A_524 : i32 to vector<16xi32>
        %add3A_526 = arith.addi %add3A_74, %add3A_525 : vector<16xi32>
        %mul3A_527 = vector.broadcast %convert_element_type3A : i32 to vector<16xi32>
        %mul3A_528 = arith.muli %add3A_526, %mul3A_527 : vector<16xi32>
        %shift_right_arithmetic3A_529 = arith.constant 9 : i32
        %shift_right_arithmetic3A_530 = vector.broadcast %shift_right_arithmetic3A_529 : i32 to vector<16xi32>
        %shift_right_arithmetic3A_531 = arith.shrsi %mul3A_528, %shift_right_arithmetic3A_530 : vector<16xi32>
        %convert_element_type3A_532 = arith.sitofp %mul3A_528 : vector<16xi32> to vector<16xf32>
        %mul3A_533 = vector.broadcast %scan3A_75 : f32 to vector<16xf32>
        %mul3A_534 = arith.mulf %convert_element_type3A_532, %mul3A_533 : vector<16xf32>
        %convert_element_type3A_535 = arith.sitofp %shift_right_arithmetic3A_531 : vector<16xi32> to vector<16xf32>
        %sub3A_536 = arith.subf %mul3A_534, %convert_element_type3A_535 : vector<16xf32>
        %sub3A_537 = vector.broadcast %scan3A_76 : f32 to vector<16xf32>
        %sub3A_538 = arith.subf %sub3A_537, %sub3A_536 : vector<16xf32>
        %add3A_539 = arith.constant 1 : i32
        %add3A_540 = vector.broadcast %add3A_539 : i32 to vector<16xi32>
        %add3A_541 = arith.addi %shift_right_arithmetic3A_531, %add3A_540 : vector<16xi32>
        %xor3A_542 = vector.broadcast %mul3A_122 : i32 to vector<16xi32>
        %xor3A_543 = arith.xori %shift_right_arithmetic3A_531, %xor3A_542 : vector<16xi32>
        %and3A_544 = arith.constant 16383 : i32
        %and3A_545 = vector.broadcast %and3A_544 : i32 to vector<16xi32>
        %and3A_546 = arith.andi %xor3A_543, %and3A_545 : vector<16xi32>
        %shift_left3A_547 = arith.constant 1 : i32
        %shift_left3A_548 = vector.broadcast %shift_left3A_547 : i32 to vector<16xi32>
        %shift_left3A_549 = arith.shli %and3A_546, %shift_left3A_548 : vector<16xi32>
        %xor3A_550 = vector.broadcast %mul3A_122 : i32 to vector<16xi32>
        %xor3A_551 = arith.xori %add3A_541, %xor3A_550 : vector<16xi32>
        %and3A_552 = arith.constant 16383 : i32
        %and3A_553 = vector.broadcast %and3A_552 : i32 to vector<16xi32>
        %and3A_554 = arith.andi %xor3A_551, %and3A_553 : vector<16xi32>
        %shift_left3A_555 = arith.constant 1 : i32
        %shift_left3A_556 = vector.broadcast %shift_left3A_555 : i32 to vector<16xi32>
        %shift_left3A_557 = arith.shli %and3A_554, %shift_left3A_556 : vector<16xi32>
        %xor3A_558 = vector.broadcast %mul3A_125 : i32 to vector<16xi32>
        %xor3A_559 = arith.xori %shift_right_arithmetic3A_531, %xor3A_558 : vector<16xi32>
        %and3A_560 = arith.constant 16383 : i32
        %and3A_561 = vector.broadcast %and3A_560 : i32 to vector<16xi32>
        %and3A_562 = arith.andi %xor3A_559, %and3A_561 : vector<16xi32>
        %shift_left3A_563 = arith.constant 1 : i32
        %shift_left3A_564 = vector.broadcast %shift_left3A_563 : i32 to vector<16xi32>
        %shift_left3A_565 = arith.shli %and3A_562, %shift_left3A_564 : vector<16xi32>
        %xor3A_566 = vector.broadcast %mul3A_125 : i32 to vector<16xi32>
        %xor3A_567 = arith.xori %add3A_541, %xor3A_566 : vector<16xi32>
        %and3A_568 = arith.constant 16383 : i32
        %and3A_569 = vector.broadcast %and3A_568 : i32 to vector<16xi32>
        %and3A_570 = arith.andi %xor3A_567, %and3A_569 : vector<16xi32>
        %shift_left3A_571 = arith.constant 1 : i32
        %shift_left3A_572 = vector.broadcast %shift_left3A_571 : i32 to vector<16xi32>
        %shift_left3A_573 = arith.shli %and3A_570, %shift_left3A_572 : vector<16xi32>
        %add3A_574 = arith.constant 1 : i32
        %add3A_575 = vector.broadcast %add3A_574 : i32 to vector<16xi32>
        %add3A_576 = arith.addi %shift_left3A_549, %add3A_575 : vector<16xi32>
        %add3A_577 = arith.constant 1 : i32
        %add3A_578 = vector.broadcast %add3A_577 : i32 to vector<16xi32>
        %add3A_579 = arith.addi %shift_left3A_557, %add3A_578 : vector<16xi32>
        %add3A_580 = arith.constant 1 : i32
        %add3A_581 = vector.broadcast %add3A_580 : i32 to vector<16xi32>
        %add3A_582 = arith.addi %shift_left3A_565, %add3A_581 : vector<16xi32>
        %add3A_583 = arith.constant 1 : i32
        %add3A_584 = vector.broadcast %add3A_583 : i32 to vector<16xi32>
        %add3A_585 = arith.addi %shift_left3A_573, %add3A_584 : vector<16xi32>
        %mul3A_586 = vector.broadcast %sub3A_121 : f32 to vector<16xf32>
        %mul3A_587 = arith.mulf %sub3A_538, %mul3A_586 : vector<16xf32>
        %mul3A_588 = vector.broadcast %sub3A_121 : f32 to vector<16xf32>
        %mul3A_589 = arith.mulf %sub3A_536, %mul3A_588 : vector<16xf32>
        %mul3A_590 = vector.broadcast %sub3A : f32 to vector<16xf32>
        %mul3A_591 = arith.mulf %sub3A_538, %mul3A_590 : vector<16xf32>
        %mul3A_592 = vector.broadcast %sub3A : f32 to vector<16xf32>
        %mul3A_593 = arith.mulf %sub3A_536, %mul3A_592 : vector<16xf32>
        %mul3A_594 = arith.constant 256 : i32
        %mul3A_595 = arith.muli %scan3A_107, %mul3A_594 : i32
        %add3A_596 = arith.constant 48 : i32
        %add3A_597 = arith.addi %mul3A_595, %add3A_596 : i32
        %gather3A_598 = tpu.vector_load_idx %arg4[%shift_left3A_549] : memref<32768xf32, #tpu.memory_space<vmem>>[vector<16xi32>], vector<16xf32>,
        %mul3A_599 = arith.mulf %gather3A_598, %mul3A_587 : vector<16xf32>
        %gather3A_600 = tpu.vector_load_idx %arg4[%shift_left3A_557] : memref<32768xf32, #tpu.memory_space<vmem>>[vector<16xi32>], vector<16xf32>,
        %mul3A_601 = arith.mulf %gather3A_600, %mul3A_589 : vector<16xf32>
        %add3A_602 = arith.addf %mul3A_599, %mul3A_601 : vector<16xf32>
        %gather3A_603 = tpu.vector_load_idx %arg4[%shift_left3A_565] : memref<32768xf32, #tpu.memory_space<vmem>>[vector<16xi32>], vector<16xf32>,
        %mul3A_604 = arith.mulf %gather3A_603, %mul3A_591 : vector<16xf32>
        %add3A_605 = arith.addf %add3A_602, %mul3A_604 : vector<16xf32>
        %gather3A_606 = tpu.vector_load_idx %arg4[%shift_left3A_573] : memref<32768xf32, #tpu.memory_space<vmem>>[vector<16xi32>], vector<16xf32>,
        %mul3A_607 = arith.mulf %gather3A_606, %mul3A_593 : vector<16xf32>
        %add3A_608 = arith.addf %add3A_605, %mul3A_607 : vector<16xf32>
        %gather3A_609 = tpu.vector_load_idx %arg4[%add3A_576] : memref<32768xf32, #tpu.memory_space<vmem>>[vector<16xi32>], vector<16xf32>,
        %mul3A_610 = arith.mulf %gather3A_609, %mul3A_587 : vector<16xf32>
        %gather3A_611 = tpu.vector_load_idx %arg4[%add3A_579] : memref<32768xf32, #tpu.memory_space<vmem>>[vector<16xi32>], vector<16xf32>,
        %mul3A_612 = arith.mulf %gather3A_611, %mul3A_589 : vector<16xf32>
        %add3A_613 = arith.addf %mul3A_610, %mul3A_612 : vector<16xf32>
        %gather3A_614 = tpu.vector_load_idx %arg4[%add3A_582] : memref<32768xf32, #tpu.memory_space<vmem>>[vector<16xi32>], vector<16xf32>,
        %mul3A_615 = arith.mulf %gather3A_614, %mul3A_591 : vector<16xf32>
        %add3A_616 = arith.addf %add3A_613, %mul3A_615 : vector<16xf32>
        %gather3A_617 = tpu.vector_load_idx %arg4[%add3A_585] : memref<32768xf32, #tpu.memory_space<vmem>>[vector<16xi32>], vector<16xf32>,
        %mul3A_618 = arith.mulf %gather3A_617, %mul3A_593 : vector<16xf32>
        %add3A_619 = arith.addf %add3A_616, %mul3A_618 : vector<16xf32>
        %swap3A_620 = arith.constant 0 : i32
        %swap3A_621 = arith.index_cast %swap3A_620 : i32 to index
        %swap3A_622 = arith.index_cast %add3A_597 : i32 to index
        %swap3A_623 = tpu.vector_load %arg6[%swap3A_621, %swap3A_622] {strides = array<i32>} : memref<4x4096xf32, #tpu.memory_space<vmem>>, vector<16xf32>,
        tpu.vector_store %arg6[%swap3A_621, %swap3A_622], %add3A_608 {strides = array<i32>} : memref<4x4096xf32, #tpu.memory_space<vmem>>, vector<16xf32>,
        %swap3A_624 = arith.constant 1 : i32
        %swap3A_625 = arith.index_cast %swap3A_624 : i32 to index
        %swap3A_626 = arith.index_cast %add3A_597 : i32 to index
        %swap3A_627 = tpu.vector_load %arg6[%swap3A_625, %swap3A_626] {strides = array<i32>} : memref<4x4096xf32, #tpu.memory_space<vmem>>, vector<16xf32>,
        tpu.vector_store %arg6[%swap3A_625, %swap3A_626], %add3A_619 {strides = array<i32>} : memref<4x4096xf32, #tpu.memory_space<vmem>>, vector<16xf32>,
        %gather3A_628 = tpu.vector_load_idx %arg5[%shift_left3A_549] : memref<32768xf32, #tpu.memory_space<vmem>>[vector<16xi32>], vector<16xf32>,
        %mul3A_629 = arith.mulf %gather3A_628, %mul3A_587 : vector<16xf32>
        %gather3A_630 = tpu.vector_load_idx %arg5[%shift_left3A_557] : memref<32768xf32, #tpu.memory_space<vmem>>[vector<16xi32>], vector<16xf32>,
        %mul3A_631 = arith.mulf %gather3A_630, %mul3A_589 : vector<16xf32>
        %add3A_632 = arith.addf %mul3A_629, %mul3A_631 : vector<16xf32>
        %gather3A_633 = tpu.vector_load_idx %arg5[%shift_left3A_565] : memref<32768xf32, #tpu.memory_space<vmem>>[vector<16xi32>], vector<16xf32>,
        %mul3A_634 = arith.mulf %gather3A_633, %mul3A_591 : vector<16xf32>
        %add3A_635 = arith.addf %add3A_632, %mul3A_634 : vector<16xf32>
        %gather3A_636 = tpu.vector_load_idx %arg5[%shift_left3A_573] : memref<32768xf32, #tpu.memory_space<vmem>>[vector<16xi32>], vector<16xf32>,
        %mul3A_637 = arith.mulf %gather3A_636, %mul3A_593 : vector<16xf32>
        %add3A_638 = arith.addf %add3A_635, %mul3A_637 : vector<16xf32>
        %gather3A_639 = tpu.vector_load_idx %arg5[%add3A_576] : memref<32768xf32, #tpu.memory_space<vmem>>[vector<16xi32>], vector<16xf32>,
        %mul3A_640 = arith.mulf %gather3A_639, %mul3A_587 : vector<16xf32>
        %gather3A_641 = tpu.vector_load_idx %arg5[%add3A_579] : memref<32768xf32, #tpu.memory_space<vmem>>[vector<16xi32>], vector<16xf32>,
        %mul3A_642 = arith.mulf %gather3A_641, %mul3A_589 : vector<16xf32>
        %add3A_643 = arith.addf %mul3A_640, %mul3A_642 : vector<16xf32>
        %gather3A_644 = tpu.vector_load_idx %arg5[%add3A_582] : memref<32768xf32, #tpu.memory_space<vmem>>[vector<16xi32>], vector<16xf32>,
        %mul3A_645 = arith.mulf %gather3A_644, %mul3A_591 : vector<16xf32>
        %add3A_646 = arith.addf %add3A_643, %mul3A_645 : vector<16xf32>
        %gather3A_647 = tpu.vector_load_idx %arg5[%add3A_585] : memref<32768xf32, #tpu.memory_space<vmem>>[vector<16xi32>], vector<16xf32>,
        %mul3A_648 = arith.mulf %gather3A_647, %mul3A_593 : vector<16xf32>
        %add3A_649 = arith.addf %add3A_646, %mul3A_648 : vector<16xf32>
        %swap3A_650 = arith.constant 2 : i32
        %swap3A_651 = arith.index_cast %swap3A_650 : i32 to index
        %swap3A_652 = arith.index_cast %add3A_597 : i32 to index
        %swap3A_653 = tpu.vector_load %arg6[%swap3A_651, %swap3A_652] {strides = array<i32>} : memref<4x4096xf32, #tpu.memory_space<vmem>>, vector<16xf32>,
        tpu.vector_store %arg6[%swap3A_651, %swap3A_652], %add3A_638 {strides = array<i32>} : memref<4x4096xf32, #tpu.memory_space<vmem>>, vector<16xf32>,
        %swap3A_654 = arith.constant 3 : i32
        %swap3A_655 = arith.index_cast %swap3A_654 : i32 to index
        %swap3A_656 = arith.index_cast %add3A_597 : i32 to index
        %swap3A_657 = tpu.vector_load %arg6[%swap3A_655, %swap3A_656] {strides = array<i32>} : memref<4x4096xf32, #tpu.memory_space<vmem>>, vector<16xf32>,
        tpu.vector_store %arg6[%swap3A_655, %swap3A_656], %add3A_649 {strides = array<i32>} : memref<4x4096xf32, #tpu.memory_space<vmem>>, vector<16xf32>,
        %add3A_658 = arith.constant 128 : i32
        %add3A_659 = vector.broadcast %add3A_658 : i32 to vector<16xi32>
        %add3A_660 = arith.addi %add3A_74, %add3A_659 : vector<16xi32>
        %mul3A_661 = vector.broadcast %convert_element_type3A : i32 to vector<16xi32>
        %mul3A_662 = arith.muli %add3A_660, %mul3A_661 : vector<16xi32>
        %shift_right_arithmetic3A_663 = arith.constant 9 : i32
        %shift_right_arithmetic3A_664 = vector.broadcast %shift_right_arithmetic3A_663 : i32 to vector<16xi32>
        %shift_right_arithmetic3A_665 = arith.shrsi %mul3A_662, %shift_right_arithmetic3A_664 : vector<16xi32>
        %convert_element_type3A_666 = arith.sitofp %mul3A_662 : vector<16xi32> to vector<16xf32>
        %mul3A_667 = vector.broadcast %scan3A_75 : f32 to vector<16xf32>
        %mul3A_668 = arith.mulf %convert_element_type3A_666, %mul3A_667 : vector<16xf32>
        %convert_element_type3A_669 = arith.sitofp %shift_right_arithmetic3A_665 : vector<16xi32> to vector<16xf32>
        %sub3A_670 = arith.subf %mul3A_668, %convert_element_type3A_669 : vector<16xf32>
        %sub3A_671 = vector.broadcast %scan3A_76 : f32 to vector<16xf32>
        %sub3A_672 = arith.subf %sub3A_671, %sub3A_670 : vector<16xf32>
        %add3A_673 = arith.constant 1 : i32
        %add3A_674 = vector.broadcast %add3A_673 : i32 to vector<16xi32>
        %add3A_675 = arith.addi %shift_right_arithmetic3A_665, %add3A_674 : vector<16xi32>
        %xor3A_676 = vector.broadcast %mul3A_122 : i32 to vector<16xi32>
        %xor3A_677 = arith.xori %shift_right_arithmetic3A_665, %xor3A_676 : vector<16xi32>
        %and3A_678 = arith.constant 16383 : i32
        %and3A_679 = vector.broadcast %and3A_678 : i32 to vector<16xi32>
        %and3A_680 = arith.andi %xor3A_677, %and3A_679 : vector<16xi32>
        %shift_left3A_681 = arith.constant 1 : i32
        %shift_left3A_682 = vector.broadcast %shift_left3A_681 : i32 to vector<16xi32>
        %shift_left3A_683 = arith.shli %and3A_680, %shift_left3A_682 : vector<16xi32>
        %xor3A_684 = vector.broadcast %mul3A_122 : i32 to vector<16xi32>
        %xor3A_685 = arith.xori %add3A_675, %xor3A_684 : vector<16xi32>
        %and3A_686 = arith.constant 16383 : i32
        %and3A_687 = vector.broadcast %and3A_686 : i32 to vector<16xi32>
        %and3A_688 = arith.andi %xor3A_685, %and3A_687 : vector<16xi32>
        %shift_left3A_689 = arith.constant 1 : i32
        %shift_left3A_690 = vector.broadcast %shift_left3A_689 : i32 to vector<16xi32>
        %shift_left3A_691 = arith.shli %and3A_688, %shift_left3A_690 : vector<16xi32>
        %xor3A_692 = vector.broadcast %mul3A_125 : i32 to vector<16xi32>
        %xor3A_693 = arith.xori %shift_right_arithmetic3A_665, %xor3A_692 : vector<16xi32>
        %and3A_694 = arith.constant 16383 : i32
        %and3A_695 = vector.broadcast %and3A_694 : i32 to vector<16xi32>
        %and3A_696 = arith.andi %xor3A_693, %and3A_695 : vector<16xi32>
        %shift_left3A_697 = arith.constant 1 : i32
        %shift_left3A_698 = vector.broadcast %shift_left3A_697 : i32 to vector<16xi32>
        %shift_left3A_699 = arith.shli %and3A_696, %shift_left3A_698 : vector<16xi32>
        %xor3A_700 = vector.broadcast %mul3A_125 : i32 to vector<16xi32>
        %xor3A_701 = arith.xori %add3A_675, %xor3A_700 : vector<16xi32>
        %and3A_702 = arith.constant 16383 : i32
        %and3A_703 = vector.broadcast %and3A_702 : i32 to vector<16xi32>
        %and3A_704 = arith.andi %xor3A_701, %and3A_703 : vector<16xi32>
        %shift_left3A_705 = arith.constant 1 : i32
        %shift_left3A_706 = vector.broadcast %shift_left3A_705 : i32 to vector<16xi32>
        %shift_left3A_707 = arith.shli %and3A_704, %shift_left3A_706 : vector<16xi32>
        %add3A_708 = arith.constant 1 : i32
        %add3A_709 = vector.broadcast %add3A_708 : i32 to vector<16xi32>
        %add3A_710 = arith.addi %shift_left3A_683, %add3A_709 : vector<16xi32>
        %add3A_711 = arith.constant 1 : i32
        %add3A_712 = vector.broadcast %add3A_711 : i32 to vector<16xi32>
        %add3A_713 = arith.addi %shift_left3A_691, %add3A_712 : vector<16xi32>
        %add3A_714 = arith.constant 1 : i32
        %add3A_715 = vector.broadcast %add3A_714 : i32 to vector<16xi32>
        %add3A_716 = arith.addi %shift_left3A_699, %add3A_715 : vector<16xi32>
        %add3A_717 = arith.constant 1 : i32
        %add3A_718 = vector.broadcast %add3A_717 : i32 to vector<16xi32>
        %add3A_719 = arith.addi %shift_left3A_707, %add3A_718 : vector<16xi32>
        %mul3A_720 = vector.broadcast %sub3A_121 : f32 to vector<16xf32>
        %mul3A_721 = arith.mulf %sub3A_672, %mul3A_720 : vector<16xf32>
        %mul3A_722 = vector.broadcast %sub3A_121 : f32 to vector<16xf32>
        %mul3A_723 = arith.mulf %sub3A_670, %mul3A_722 : vector<16xf32>
        %mul3A_724 = vector.broadcast %sub3A : f32 to vector<16xf32>
        %mul3A_725 = arith.mulf %sub3A_672, %mul3A_724 : vector<16xf32>
        %mul3A_726 = vector.broadcast %sub3A : f32 to vector<16xf32>
        %mul3A_727 = arith.mulf %sub3A_670, %mul3A_726 : vector<16xf32>
        %mul3A_728 = arith.constant 256 : i32
        %mul3A_729 = arith.muli %scan3A_107, %mul3A_728 : i32
        %add3A_730 = arith.constant 64 : i32
        %add3A_731 = arith.addi %mul3A_729, %add3A_730 : i32
        %gather3A_732 = tpu.vector_load_idx %arg4[%shift_left3A_683] : memref<32768xf32, #tpu.memory_space<vmem>>[vector<16xi32>], vector<16xf32>,
        %mul3A_733 = arith.mulf %gather3A_732, %mul3A_721 : vector<16xf32>
        %gather3A_734 = tpu.vector_load_idx %arg4[%shift_left3A_691] : memref<32768xf32, #tpu.memory_space<vmem>>[vector<16xi32>], vector<16xf32>,
        %mul3A_735 = arith.mulf %gather3A_734, %mul3A_723 : vector<16xf32>
        %add3A_736 = arith.addf %mul3A_733, %mul3A_735 : vector<16xf32>
        %gather3A_737 = tpu.vector_load_idx %arg4[%shift_left3A_699] : memref<32768xf32, #tpu.memory_space<vmem>>[vector<16xi32>], vector<16xf32>,
        %mul3A_738 = arith.mulf %gather3A_737, %mul3A_725 : vector<16xf32>
        %add3A_739 = arith.addf %add3A_736, %mul3A_738 : vector<16xf32>
        %gather3A_740 = tpu.vector_load_idx %arg4[%shift_left3A_707] : memref<32768xf32, #tpu.memory_space<vmem>>[vector<16xi32>], vector<16xf32>,
        %mul3A_741 = arith.mulf %gather3A_740, %mul3A_727 : vector<16xf32>
        %add3A_742 = arith.addf %add3A_739, %mul3A_741 : vector<16xf32>
        %gather3A_743 = tpu.vector_load_idx %arg4[%add3A_710] : memref<32768xf32, #tpu.memory_space<vmem>>[vector<16xi32>], vector<16xf32>,
        %mul3A_744 = arith.mulf %gather3A_743, %mul3A_721 : vector<16xf32>
        %gather3A_745 = tpu.vector_load_idx %arg4[%add3A_713] : memref<32768xf32, #tpu.memory_space<vmem>>[vector<16xi32>], vector<16xf32>,
        %mul3A_746 = arith.mulf %gather3A_745, %mul3A_723 : vector<16xf32>
        %add3A_747 = arith.addf %mul3A_744, %mul3A_746 : vector<16xf32>
        %gather3A_748 = tpu.vector_load_idx %arg4[%add3A_716] : memref<32768xf32, #tpu.memory_space<vmem>>[vector<16xi32>], vector<16xf32>,
        %mul3A_749 = arith.mulf %gather3A_748, %mul3A_725 : vector<16xf32>
        %add3A_750 = arith.addf %add3A_747, %mul3A_749 : vector<16xf32>
        %gather3A_751 = tpu.vector_load_idx %arg4[%add3A_719] : memref<32768xf32, #tpu.memory_space<vmem>>[vector<16xi32>], vector<16xf32>,
        %mul3A_752 = arith.mulf %gather3A_751, %mul3A_727 : vector<16xf32>
        %add3A_753 = arith.addf %add3A_750, %mul3A_752 : vector<16xf32>
        %swap3A_754 = arith.constant 0 : i32
        %swap3A_755 = arith.index_cast %swap3A_754 : i32 to index
        %swap3A_756 = arith.index_cast %add3A_731 : i32 to index
        %swap3A_757 = tpu.vector_load %arg6[%swap3A_755, %swap3A_756] {strides = array<i32>} : memref<4x4096xf32, #tpu.memory_space<vmem>>, vector<16xf32>,
        tpu.vector_store %arg6[%swap3A_755, %swap3A_756], %add3A_742 {strides = array<i32>} : memref<4x4096xf32, #tpu.memory_space<vmem>>, vector<16xf32>,
        %swap3A_758 = arith.constant 1 : i32
        %swap3A_759 = arith.index_cast %swap3A_758 : i32 to index
        %swap3A_760 = arith.index_cast %add3A_731 : i32 to index
        %swap3A_761 = tpu.vector_load %arg6[%swap3A_759, %swap3A_760] {strides = array<i32>} : memref<4x4096xf32, #tpu.memory_space<vmem>>, vector<16xf32>,
        tpu.vector_store %arg6[%swap3A_759, %swap3A_760], %add3A_753 {strides = array<i32>} : memref<4x4096xf32, #tpu.memory_space<vmem>>, vector<16xf32>,
        %gather3A_762 = tpu.vector_load_idx %arg5[%shift_left3A_683] : memref<32768xf32, #tpu.memory_space<vmem>>[vector<16xi32>], vector<16xf32>,
        %mul3A_763 = arith.mulf %gather3A_762, %mul3A_721 : vector<16xf32>
        %gather3A_764 = tpu.vector_load_idx %arg5[%shift_left3A_691] : memref<32768xf32, #tpu.memory_space<vmem>>[vector<16xi32>], vector<16xf32>,
        %mul3A_765 = arith.mulf %gather3A_764, %mul3A_723 : vector<16xf32>
        %add3A_766 = arith.addf %mul3A_763, %mul3A_765 : vector<16xf32>
        %gather3A_767 = tpu.vector_load_idx %arg5[%shift_left3A_699] : memref<32768xf32, #tpu.memory_space<vmem>>[vector<16xi32>], vector<16xf32>,
        %mul3A_768 = arith.mulf %gather3A_767, %mul3A_725 : vector<16xf32>
        %add3A_769 = arith.addf %add3A_766, %mul3A_768 : vector<16xf32>
        %gather3A_770 = tpu.vector_load_idx %arg5[%shift_left3A_707] : memref<32768xf32, #tpu.memory_space<vmem>>[vector<16xi32>], vector<16xf32>,
        %mul3A_771 = arith.mulf %gather3A_770, %mul3A_727 : vector<16xf32>
        %add3A_772 = arith.addf %add3A_769, %mul3A_771 : vector<16xf32>
        %gather3A_773 = tpu.vector_load_idx %arg5[%add3A_710] : memref<32768xf32, #tpu.memory_space<vmem>>[vector<16xi32>], vector<16xf32>,
        %mul3A_774 = arith.mulf %gather3A_773, %mul3A_721 : vector<16xf32>
        %gather3A_775 = tpu.vector_load_idx %arg5[%add3A_713] : memref<32768xf32, #tpu.memory_space<vmem>>[vector<16xi32>], vector<16xf32>,
        %mul3A_776 = arith.mulf %gather3A_775, %mul3A_723 : vector<16xf32>
        %add3A_777 = arith.addf %mul3A_774, %mul3A_776 : vector<16xf32>
        %gather3A_778 = tpu.vector_load_idx %arg5[%add3A_716] : memref<32768xf32, #tpu.memory_space<vmem>>[vector<16xi32>], vector<16xf32>,
        %mul3A_779 = arith.mulf %gather3A_778, %mul3A_725 : vector<16xf32>
        %add3A_780 = arith.addf %add3A_777, %mul3A_779 : vector<16xf32>
        %gather3A_781 = tpu.vector_load_idx %arg5[%add3A_719] : memref<32768xf32, #tpu.memory_space<vmem>>[vector<16xi32>], vector<16xf32>,
        %mul3A_782 = arith.mulf %gather3A_781, %mul3A_727 : vector<16xf32>
        %add3A_783 = arith.addf %add3A_780, %mul3A_782 : vector<16xf32>
        %swap3A_784 = arith.constant 2 : i32
        %swap3A_785 = arith.index_cast %swap3A_784 : i32 to index
        %swap3A_786 = arith.index_cast %add3A_731 : i32 to index
        %swap3A_787 = tpu.vector_load %arg6[%swap3A_785, %swap3A_786] {strides = array<i32>} : memref<4x4096xf32, #tpu.memory_space<vmem>>, vector<16xf32>,
        tpu.vector_store %arg6[%swap3A_785, %swap3A_786], %add3A_772 {strides = array<i32>} : memref<4x4096xf32, #tpu.memory_space<vmem>>, vector<16xf32>,
        %swap3A_788 = arith.constant 3 : i32
        %swap3A_789 = arith.index_cast %swap3A_788 : i32 to index
        %swap3A_790 = arith.index_cast %add3A_731 : i32 to index
        %swap3A_791 = tpu.vector_load %arg6[%swap3A_789, %swap3A_790] {strides = array<i32>} : memref<4x4096xf32, #tpu.memory_space<vmem>>, vector<16xf32>,
        tpu.vector_store %arg6[%swap3A_789, %swap3A_790], %add3A_783 {strides = array<i32>} : memref<4x4096xf32, #tpu.memory_space<vmem>>, vector<16xf32>,
        %add3A_792 = arith.constant 160 : i32
        %add3A_793 = vector.broadcast %add3A_792 : i32 to vector<16xi32>
        %add3A_794 = arith.addi %add3A_74, %add3A_793 : vector<16xi32>
        %mul3A_795 = vector.broadcast %convert_element_type3A : i32 to vector<16xi32>
        %mul3A_796 = arith.muli %add3A_794, %mul3A_795 : vector<16xi32>
        %shift_right_arithmetic3A_797 = arith.constant 9 : i32
        %shift_right_arithmetic3A_798 = vector.broadcast %shift_right_arithmetic3A_797 : i32 to vector<16xi32>
        %shift_right_arithmetic3A_799 = arith.shrsi %mul3A_796, %shift_right_arithmetic3A_798 : vector<16xi32>
        %convert_element_type3A_800 = arith.sitofp %mul3A_796 : vector<16xi32> to vector<16xf32>
        %mul3A_801 = vector.broadcast %scan3A_75 : f32 to vector<16xf32>
        %mul3A_802 = arith.mulf %convert_element_type3A_800, %mul3A_801 : vector<16xf32>
        %convert_element_type3A_803 = arith.sitofp %shift_right_arithmetic3A_799 : vector<16xi32> to vector<16xf32>
        %sub3A_804 = arith.subf %mul3A_802, %convert_element_type3A_803 : vector<16xf32>
        %sub3A_805 = vector.broadcast %scan3A_76 : f32 to vector<16xf32>
        %sub3A_806 = arith.subf %sub3A_805, %sub3A_804 : vector<16xf32>
        %add3A_807 = arith.constant 1 : i32
        %add3A_808 = vector.broadcast %add3A_807 : i32 to vector<16xi32>
        %add3A_809 = arith.addi %shift_right_arithmetic3A_799, %add3A_808 : vector<16xi32>
        %xor3A_810 = vector.broadcast %mul3A_122 : i32 to vector<16xi32>
        %xor3A_811 = arith.xori %shift_right_arithmetic3A_799, %xor3A_810 : vector<16xi32>
        %and3A_812 = arith.constant 16383 : i32
        %and3A_813 = vector.broadcast %and3A_812 : i32 to vector<16xi32>
        %and3A_814 = arith.andi %xor3A_811, %and3A_813 : vector<16xi32>
        %shift_left3A_815 = arith.constant 1 : i32
        %shift_left3A_816 = vector.broadcast %shift_left3A_815 : i32 to vector<16xi32>
        %shift_left3A_817 = arith.shli %and3A_814, %shift_left3A_816 : vector<16xi32>
        %xor3A_818 = vector.broadcast %mul3A_122 : i32 to vector<16xi32>
        %xor3A_819 = arith.xori %add3A_809, %xor3A_818 : vector<16xi32>
        %and3A_820 = arith.constant 16383 : i32
        %and3A_821 = vector.broadcast %and3A_820 : i32 to vector<16xi32>
        %and3A_822 = arith.andi %xor3A_819, %and3A_821 : vector<16xi32>
        %shift_left3A_823 = arith.constant 1 : i32
        %shift_left3A_824 = vector.broadcast %shift_left3A_823 : i32 to vector<16xi32>
        %shift_left3A_825 = arith.shli %and3A_822, %shift_left3A_824 : vector<16xi32>
        %xor3A_826 = vector.broadcast %mul3A_125 : i32 to vector<16xi32>
        %xor3A_827 = arith.xori %shift_right_arithmetic3A_799, %xor3A_826 : vector<16xi32>
        %and3A_828 = arith.constant 16383 : i32
        %and3A_829 = vector.broadcast %and3A_828 : i32 to vector<16xi32>
        %and3A_830 = arith.andi %xor3A_827, %and3A_829 : vector<16xi32>
        %shift_left3A_831 = arith.constant 1 : i32
        %shift_left3A_832 = vector.broadcast %shift_left3A_831 : i32 to vector<16xi32>
        %shift_left3A_833 = arith.shli %and3A_830, %shift_left3A_832 : vector<16xi32>
        %xor3A_834 = vector.broadcast %mul3A_125 : i32 to vector<16xi32>
        %xor3A_835 = arith.xori %add3A_809, %xor3A_834 : vector<16xi32>
        %and3A_836 = arith.constant 16383 : i32
        %and3A_837 = vector.broadcast %and3A_836 : i32 to vector<16xi32>
        %and3A_838 = arith.andi %xor3A_835, %and3A_837 : vector<16xi32>
        %shift_left3A_839 = arith.constant 1 : i32
        %shift_left3A_840 = vector.broadcast %shift_left3A_839 : i32 to vector<16xi32>
        %shift_left3A_841 = arith.shli %and3A_838, %shift_left3A_840 : vector<16xi32>
        %add3A_842 = arith.constant 1 : i32
        %add3A_843 = vector.broadcast %add3A_842 : i32 to vector<16xi32>
        %add3A_844 = arith.addi %shift_left3A_817, %add3A_843 : vector<16xi32>
        %add3A_845 = arith.constant 1 : i32
        %add3A_846 = vector.broadcast %add3A_845 : i32 to vector<16xi32>
        %add3A_847 = arith.addi %shift_left3A_825, %add3A_846 : vector<16xi32>
        %add3A_848 = arith.constant 1 : i32
        %add3A_849 = vector.broadcast %add3A_848 : i32 to vector<16xi32>
        %add3A_850 = arith.addi %shift_left3A_833, %add3A_849 : vector<16xi32>
        %add3A_851 = arith.constant 1 : i32
        %add3A_852 = vector.broadcast %add3A_851 : i32 to vector<16xi32>
        %add3A_853 = arith.addi %shift_left3A_841, %add3A_852 : vector<16xi32>
        %mul3A_854 = vector.broadcast %sub3A_121 : f32 to vector<16xf32>
        %mul3A_855 = arith.mulf %sub3A_806, %mul3A_854 : vector<16xf32>
        %mul3A_856 = vector.broadcast %sub3A_121 : f32 to vector<16xf32>
        %mul3A_857 = arith.mulf %sub3A_804, %mul3A_856 : vector<16xf32>
        %mul3A_858 = vector.broadcast %sub3A : f32 to vector<16xf32>
        %mul3A_859 = arith.mulf %sub3A_806, %mul3A_858 : vector<16xf32>
        %mul3A_860 = vector.broadcast %sub3A : f32 to vector<16xf32>
        %mul3A_861 = arith.mulf %sub3A_804, %mul3A_860 : vector<16xf32>
        %mul3A_862 = arith.constant 256 : i32
        %mul3A_863 = arith.muli %scan3A_107, %mul3A_862 : i32
        %add3A_864 = arith.constant 80 : i32
        %add3A_865 = arith.addi %mul3A_863, %add3A_864 : i32
        %gather3A_866 = tpu.vector_load_idx %arg4[%shift_left3A_817] : memref<32768xf32, #tpu.memory_space<vmem>>[vector<16xi32>], vector<16xf32>,
        %mul3A_867 = arith.mulf %gather3A_866, %mul3A_855 : vector<16xf32>
        %gather3A_868 = tpu.vector_load_idx %arg4[%shift_left3A_825] : memref<32768xf32, #tpu.memory_space<vmem>>[vector<16xi32>], vector<16xf32>,
        %mul3A_869 = arith.mulf %gather3A_868, %mul3A_857 : vector<16xf32>
        %add3A_870 = arith.addf %mul3A_867, %mul3A_869 : vector<16xf32>
        %gather3A_871 = tpu.vector_load_idx %arg4[%shift_left3A_833] : memref<32768xf32, #tpu.memory_space<vmem>>[vector<16xi32>], vector<16xf32>,
        %mul3A_872 = arith.mulf %gather3A_871, %mul3A_859 : vector<16xf32>
        %add3A_873 = arith.addf %add3A_870, %mul3A_872 : vector<16xf32>
        %gather3A_874 = tpu.vector_load_idx %arg4[%shift_left3A_841] : memref<32768xf32, #tpu.memory_space<vmem>>[vector<16xi32>], vector<16xf32>,
        %mul3A_875 = arith.mulf %gather3A_874, %mul3A_861 : vector<16xf32>
        %add3A_876 = arith.addf %add3A_873, %mul3A_875 : vector<16xf32>
        %gather3A_877 = tpu.vector_load_idx %arg4[%add3A_844] : memref<32768xf32, #tpu.memory_space<vmem>>[vector<16xi32>], vector<16xf32>,
        %mul3A_878 = arith.mulf %gather3A_877, %mul3A_855 : vector<16xf32>
        %gather3A_879 = tpu.vector_load_idx %arg4[%add3A_847] : memref<32768xf32, #tpu.memory_space<vmem>>[vector<16xi32>], vector<16xf32>,
        %mul3A_880 = arith.mulf %gather3A_879, %mul3A_857 : vector<16xf32>
        %add3A_881 = arith.addf %mul3A_878, %mul3A_880 : vector<16xf32>
        %gather3A_882 = tpu.vector_load_idx %arg4[%add3A_850] : memref<32768xf32, #tpu.memory_space<vmem>>[vector<16xi32>], vector<16xf32>,
        %mul3A_883 = arith.mulf %gather3A_882, %mul3A_859 : vector<16xf32>
        %add3A_884 = arith.addf %add3A_881, %mul3A_883 : vector<16xf32>
        %gather3A_885 = tpu.vector_load_idx %arg4[%add3A_853] : memref<32768xf32, #tpu.memory_space<vmem>>[vector<16xi32>], vector<16xf32>,
        %mul3A_886 = arith.mulf %gather3A_885, %mul3A_861 : vector<16xf32>
        %add3A_887 = arith.addf %add3A_884, %mul3A_886 : vector<16xf32>
        %swap3A_888 = arith.constant 0 : i32
        %swap3A_889 = arith.index_cast %swap3A_888 : i32 to index
        %swap3A_890 = arith.index_cast %add3A_865 : i32 to index
        %swap3A_891 = tpu.vector_load %arg6[%swap3A_889, %swap3A_890] {strides = array<i32>} : memref<4x4096xf32, #tpu.memory_space<vmem>>, vector<16xf32>,
        tpu.vector_store %arg6[%swap3A_889, %swap3A_890], %add3A_876 {strides = array<i32>} : memref<4x4096xf32, #tpu.memory_space<vmem>>, vector<16xf32>,
        %swap3A_892 = arith.constant 1 : i32
        %swap3A_893 = arith.index_cast %swap3A_892 : i32 to index
        %swap3A_894 = arith.index_cast %add3A_865 : i32 to index
        %swap3A_895 = tpu.vector_load %arg6[%swap3A_893, %swap3A_894] {strides = array<i32>} : memref<4x4096xf32, #tpu.memory_space<vmem>>, vector<16xf32>,
        tpu.vector_store %arg6[%swap3A_893, %swap3A_894], %add3A_887 {strides = array<i32>} : memref<4x4096xf32, #tpu.memory_space<vmem>>, vector<16xf32>,
        %gather3A_896 = tpu.vector_load_idx %arg5[%shift_left3A_817] : memref<32768xf32, #tpu.memory_space<vmem>>[vector<16xi32>], vector<16xf32>,
        %mul3A_897 = arith.mulf %gather3A_896, %mul3A_855 : vector<16xf32>
        %gather3A_898 = tpu.vector_load_idx %arg5[%shift_left3A_825] : memref<32768xf32, #tpu.memory_space<vmem>>[vector<16xi32>], vector<16xf32>,
        %mul3A_899 = arith.mulf %gather3A_898, %mul3A_857 : vector<16xf32>
        %add3A_900 = arith.addf %mul3A_897, %mul3A_899 : vector<16xf32>
        %gather3A_901 = tpu.vector_load_idx %arg5[%shift_left3A_833] : memref<32768xf32, #tpu.memory_space<vmem>>[vector<16xi32>], vector<16xf32>,
        %mul3A_902 = arith.mulf %gather3A_901, %mul3A_859 : vector<16xf32>
        %add3A_903 = arith.addf %add3A_900, %mul3A_902 : vector<16xf32>
        %gather3A_904 = tpu.vector_load_idx %arg5[%shift_left3A_841] : memref<32768xf32, #tpu.memory_space<vmem>>[vector<16xi32>], vector<16xf32>,
        %mul3A_905 = arith.mulf %gather3A_904, %mul3A_861 : vector<16xf32>
        %add3A_906 = arith.addf %add3A_903, %mul3A_905 : vector<16xf32>
        %gather3A_907 = tpu.vector_load_idx %arg5[%add3A_844] : memref<32768xf32, #tpu.memory_space<vmem>>[vector<16xi32>], vector<16xf32>,
        %mul3A_908 = arith.mulf %gather3A_907, %mul3A_855 : vector<16xf32>
        %gather3A_909 = tpu.vector_load_idx %arg5[%add3A_847] : memref<32768xf32, #tpu.memory_space<vmem>>[vector<16xi32>], vector<16xf32>,
        %mul3A_910 = arith.mulf %gather3A_909, %mul3A_857 : vector<16xf32>
        %add3A_911 = arith.addf %mul3A_908, %mul3A_910 : vector<16xf32>
        %gather3A_912 = tpu.vector_load_idx %arg5[%add3A_850] : memref<32768xf32, #tpu.memory_space<vmem>>[vector<16xi32>], vector<16xf32>,
        %mul3A_913 = arith.mulf %gather3A_912, %mul3A_859 : vector<16xf32>
        %add3A_914 = arith.addf %add3A_911, %mul3A_913 : vector<16xf32>
        %gather3A_915 = tpu.vector_load_idx %arg5[%add3A_853] : memref<32768xf32, #tpu.memory_space<vmem>>[vector<16xi32>], vector<16xf32>,
        %mul3A_916 = arith.mulf %gather3A_915, %mul3A_861 : vector<16xf32>
        %add3A_917 = arith.addf %add3A_914, %mul3A_916 : vector<16xf32>
        %swap3A_918 = arith.constant 2 : i32
        %swap3A_919 = arith.index_cast %swap3A_918 : i32 to index
        %swap3A_920 = arith.index_cast %add3A_865 : i32 to index
        %swap3A_921 = tpu.vector_load %arg6[%swap3A_919, %swap3A_920] {strides = array<i32>} : memref<4x4096xf32, #tpu.memory_space<vmem>>, vector<16xf32>,
        tpu.vector_store %arg6[%swap3A_919, %swap3A_920], %add3A_906 {strides = array<i32>} : memref<4x4096xf32, #tpu.memory_space<vmem>>, vector<16xf32>,
        %swap3A_922 = arith.constant 3 : i32
        %swap3A_923 = arith.index_cast %swap3A_922 : i32 to index
        %swap3A_924 = arith.index_cast %add3A_865 : i32 to index
        %swap3A_925 = tpu.vector_load %arg6[%swap3A_923, %swap3A_924] {strides = array<i32>} : memref<4x4096xf32, #tpu.memory_space<vmem>>, vector<16xf32>,
        tpu.vector_store %arg6[%swap3A_923, %swap3A_924], %add3A_917 {strides = array<i32>} : memref<4x4096xf32, #tpu.memory_space<vmem>>, vector<16xf32>,
        %add3A_926 = arith.constant 192 : i32
        %add3A_927 = vector.broadcast %add3A_926 : i32 to vector<16xi32>
        %add3A_928 = arith.addi %add3A_74, %add3A_927 : vector<16xi32>
        %mul3A_929 = vector.broadcast %convert_element_type3A : i32 to vector<16xi32>
        %mul3A_930 = arith.muli %add3A_928, %mul3A_929 : vector<16xi32>
        %shift_right_arithmetic3A_931 = arith.constant 9 : i32
        %shift_right_arithmetic3A_932 = vector.broadcast %shift_right_arithmetic3A_931 : i32 to vector<16xi32>
        %shift_right_arithmetic3A_933 = arith.shrsi %mul3A_930, %shift_right_arithmetic3A_932 : vector<16xi32>
        %convert_element_type3A_934 = arith.sitofp %mul3A_930 : vector<16xi32> to vector<16xf32>
        %mul3A_935 = vector.broadcast %scan3A_75 : f32 to vector<16xf32>
        %mul3A_936 = arith.mulf %convert_element_type3A_934, %mul3A_935 : vector<16xf32>
        %convert_element_type3A_937 = arith.sitofp %shift_right_arithmetic3A_933 : vector<16xi32> to vector<16xf32>
        %sub3A_938 = arith.subf %mul3A_936, %convert_element_type3A_937 : vector<16xf32>
        %sub3A_939 = vector.broadcast %scan3A_76 : f32 to vector<16xf32>
        %sub3A_940 = arith.subf %sub3A_939, %sub3A_938 : vector<16xf32>
        %add3A_941 = arith.constant 1 : i32
        %add3A_942 = vector.broadcast %add3A_941 : i32 to vector<16xi32>
        %add3A_943 = arith.addi %shift_right_arithmetic3A_933, %add3A_942 : vector<16xi32>
        %xor3A_944 = vector.broadcast %mul3A_122 : i32 to vector<16xi32>
        %xor3A_945 = arith.xori %shift_right_arithmetic3A_933, %xor3A_944 : vector<16xi32>
        %and3A_946 = arith.constant 16383 : i32
        %and3A_947 = vector.broadcast %and3A_946 : i32 to vector<16xi32>
        %and3A_948 = arith.andi %xor3A_945, %and3A_947 : vector<16xi32>
        %shift_left3A_949 = arith.constant 1 : i32
        %shift_left3A_950 = vector.broadcast %shift_left3A_949 : i32 to vector<16xi32>
        %shift_left3A_951 = arith.shli %and3A_948, %shift_left3A_950 : vector<16xi32>
        %xor3A_952 = vector.broadcast %mul3A_122 : i32 to vector<16xi32>
        %xor3A_953 = arith.xori %add3A_943, %xor3A_952 : vector<16xi32>
        %and3A_954 = arith.constant 16383 : i32
        %and3A_955 = vector.broadcast %and3A_954 : i32 to vector<16xi32>
        %and3A_956 = arith.andi %xor3A_953, %and3A_955 : vector<16xi32>
        %shift_left3A_957 = arith.constant 1 : i32
        %shift_left3A_958 = vector.broadcast %shift_left3A_957 : i32 to vector<16xi32>
        %shift_left3A_959 = arith.shli %and3A_956, %shift_left3A_958 : vector<16xi32>
        %xor3A_960 = vector.broadcast %mul3A_125 : i32 to vector<16xi32>
        %xor3A_961 = arith.xori %shift_right_arithmetic3A_933, %xor3A_960 : vector<16xi32>
        %and3A_962 = arith.constant 16383 : i32
        %and3A_963 = vector.broadcast %and3A_962 : i32 to vector<16xi32>
        %and3A_964 = arith.andi %xor3A_961, %and3A_963 : vector<16xi32>
        %shift_left3A_965 = arith.constant 1 : i32
        %shift_left3A_966 = vector.broadcast %shift_left3A_965 : i32 to vector<16xi32>
        %shift_left3A_967 = arith.shli %and3A_964, %shift_left3A_966 : vector<16xi32>
        %xor3A_968 = vector.broadcast %mul3A_125 : i32 to vector<16xi32>
        %xor3A_969 = arith.xori %add3A_943, %xor3A_968 : vector<16xi32>
        %and3A_970 = arith.constant 16383 : i32
        %and3A_971 = vector.broadcast %and3A_970 : i32 to vector<16xi32>
        %and3A_972 = arith.andi %xor3A_969, %and3A_971 : vector<16xi32>
        %shift_left3A_973 = arith.constant 1 : i32
        %shift_left3A_974 = vector.broadcast %shift_left3A_973 : i32 to vector<16xi32>
        %shift_left3A_975 = arith.shli %and3A_972, %shift_left3A_974 : vector<16xi32>
        %add3A_976 = arith.constant 1 : i32
        %add3A_977 = vector.broadcast %add3A_976 : i32 to vector<16xi32>
        %add3A_978 = arith.addi %shift_left3A_951, %add3A_977 : vector<16xi32>
        %add3A_979 = arith.constant 1 : i32
        %add3A_980 = vector.broadcast %add3A_979 : i32 to vector<16xi32>
        %add3A_981 = arith.addi %shift_left3A_959, %add3A_980 : vector<16xi32>
        %add3A_982 = arith.constant 1 : i32
        %add3A_983 = vector.broadcast %add3A_982 : i32 to vector<16xi32>
        %add3A_984 = arith.addi %shift_left3A_967, %add3A_983 : vector<16xi32>
        %add3A_985 = arith.constant 1 : i32
        %add3A_986 = vector.broadcast %add3A_985 : i32 to vector<16xi32>
        %add3A_987 = arith.addi %shift_left3A_975, %add3A_986 : vector<16xi32>
        %mul3A_988 = vector.broadcast %sub3A_121 : f32 to vector<16xf32>
        %mul3A_989 = arith.mulf %sub3A_940, %mul3A_988 : vector<16xf32>
        %mul3A_990 = vector.broadcast %sub3A_121 : f32 to vector<16xf32>
        %mul3A_991 = arith.mulf %sub3A_938, %mul3A_990 : vector<16xf32>
        %mul3A_992 = vector.broadcast %sub3A : f32 to vector<16xf32>
        %mul3A_993 = arith.mulf %sub3A_940, %mul3A_992 : vector<16xf32>
        %mul3A_994 = vector.broadcast %sub3A : f32 to vector<16xf32>
        %mul3A_995 = arith.mulf %sub3A_938, %mul3A_994 : vector<16xf32>
        %mul3A_996 = arith.constant 256 : i32
        %mul3A_997 = arith.muli %scan3A_107, %mul3A_996 : i32
        %add3A_998 = arith.constant 96 : i32
        %add3A_999 = arith.addi %mul3A_997, %add3A_998 : i32
        %gather3A_1000 = tpu.vector_load_idx %arg4[%shift_left3A_951] : memref<32768xf32, #tpu.memory_space<vmem>>[vector<16xi32>], vector<16xf32>,
        %mul3A_1001 = arith.mulf %gather3A_1000, %mul3A_989 : vector<16xf32>
        %gather3A_1002 = tpu.vector_load_idx %arg4[%shift_left3A_959] : memref<32768xf32, #tpu.memory_space<vmem>>[vector<16xi32>], vector<16xf32>,
        %mul3A_1003 = arith.mulf %gather3A_1002, %mul3A_991 : vector<16xf32>
        %add3A_1004 = arith.addf %mul3A_1001, %mul3A_1003 : vector<16xf32>
        %gather3A_1005 = tpu.vector_load_idx %arg4[%shift_left3A_967] : memref<32768xf32, #tpu.memory_space<vmem>>[vector<16xi32>], vector<16xf32>,
        %mul3A_1006 = arith.mulf %gather3A_1005, %mul3A_993 : vector<16xf32>
        %add3A_1007 = arith.addf %add3A_1004, %mul3A_1006 : vector<16xf32>
        %gather3A_1008 = tpu.vector_load_idx %arg4[%shift_left3A_975] : memref<32768xf32, #tpu.memory_space<vmem>>[vector<16xi32>], vector<16xf32>,
        %mul3A_1009 = arith.mulf %gather3A_1008, %mul3A_995 : vector<16xf32>
        %add3A_1010 = arith.addf %add3A_1007, %mul3A_1009 : vector<16xf32>
        %gather3A_1011 = tpu.vector_load_idx %arg4[%add3A_978] : memref<32768xf32, #tpu.memory_space<vmem>>[vector<16xi32>], vector<16xf32>,
        %mul3A_1012 = arith.mulf %gather3A_1011, %mul3A_989 : vector<16xf32>
        %gather3A_1013 = tpu.vector_load_idx %arg4[%add3A_981] : memref<32768xf32, #tpu.memory_space<vmem>>[vector<16xi32>], vector<16xf32>,
        %mul3A_1014 = arith.mulf %gather3A_1013, %mul3A_991 : vector<16xf32>
        %add3A_1015 = arith.addf %mul3A_1012, %mul3A_1014 : vector<16xf32>
        %gather3A_1016 = tpu.vector_load_idx %arg4[%add3A_984] : memref<32768xf32, #tpu.memory_space<vmem>>[vector<16xi32>], vector<16xf32>,
        %mul3A_1017 = arith.mulf %gather3A_1016, %mul3A_993 : vector<16xf32>
        %add3A_1018 = arith.addf %add3A_1015, %mul3A_1017 : vector<16xf32>
        %gather3A_1019 = tpu.vector_load_idx %arg4[%add3A_987] : memref<32768xf32, #tpu.memory_space<vmem>>[vector<16xi32>], vector<16xf32>,
        %mul3A_1020 = arith.mulf %gather3A_1019, %mul3A_995 : vector<16xf32>
        %add3A_1021 = arith.addf %add3A_1018, %mul3A_1020 : vector<16xf32>
        %swap3A_1022 = arith.constant 0 : i32
        %swap3A_1023 = arith.index_cast %swap3A_1022 : i32 to index
        %swap3A_1024 = arith.index_cast %add3A_999 : i32 to index
        %swap3A_1025 = tpu.vector_load %arg6[%swap3A_1023, %swap3A_1024] {strides = array<i32>} : memref<4x4096xf32, #tpu.memory_space<vmem>>, vector<16xf32>,
        tpu.vector_store %arg6[%swap3A_1023, %swap3A_1024], %add3A_1010 {strides = array<i32>} : memref<4x4096xf32, #tpu.memory_space<vmem>>, vector<16xf32>,
        %swap3A_1026 = arith.constant 1 : i32
        %swap3A_1027 = arith.index_cast %swap3A_1026 : i32 to index
        %swap3A_1028 = arith.index_cast %add3A_999 : i32 to index
        %swap3A_1029 = tpu.vector_load %arg6[%swap3A_1027, %swap3A_1028] {strides = array<i32>} : memref<4x4096xf32, #tpu.memory_space<vmem>>, vector<16xf32>,
        tpu.vector_store %arg6[%swap3A_1027, %swap3A_1028], %add3A_1021 {strides = array<i32>} : memref<4x4096xf32, #tpu.memory_space<vmem>>, vector<16xf32>,
        %gather3A_1030 = tpu.vector_load_idx %arg5[%shift_left3A_951] : memref<32768xf32, #tpu.memory_space<vmem>>[vector<16xi32>], vector<16xf32>,
        %mul3A_1031 = arith.mulf %gather3A_1030, %mul3A_989 : vector<16xf32>
        %gather3A_1032 = tpu.vector_load_idx %arg5[%shift_left3A_959] : memref<32768xf32, #tpu.memory_space<vmem>>[vector<16xi32>], vector<16xf32>,
        %mul3A_1033 = arith.mulf %gather3A_1032, %mul3A_991 : vector<16xf32>
        %add3A_1034 = arith.addf %mul3A_1031, %mul3A_1033 : vector<16xf32>
        %gather3A_1035 = tpu.vector_load_idx %arg5[%shift_left3A_967] : memref<32768xf32, #tpu.memory_space<vmem>>[vector<16xi32>], vector<16xf32>,
        %mul3A_1036 = arith.mulf %gather3A_1035, %mul3A_993 : vector<16xf32>
        %add3A_1037 = arith.addf %add3A_1034, %mul3A_1036 : vector<16xf32>
        %gather3A_1038 = tpu.vector_load_idx %arg5[%shift_left3A_975] : memref<32768xf32, #tpu.memory_space<vmem>>[vector<16xi32>], vector<16xf32>,
        %mul3A_1039 = arith.mulf %gather3A_1038, %mul3A_995 : vector<16xf32>
        %add3A_1040 = arith.addf %add3A_1037, %mul3A_1039 : vector<16xf32>
        %gather3A_1041 = tpu.vector_load_idx %arg5[%add3A_978] : memref<32768xf32, #tpu.memory_space<vmem>>[vector<16xi32>], vector<16xf32>,
        %mul3A_1042 = arith.mulf %gather3A_1041, %mul3A_989 : vector<16xf32>
        %gather3A_1043 = tpu.vector_load_idx %arg5[%add3A_981] : memref<32768xf32, #tpu.memory_space<vmem>>[vector<16xi32>], vector<16xf32>,
        %mul3A_1044 = arith.mulf %gather3A_1043, %mul3A_991 : vector<16xf32>
        %add3A_1045 = arith.addf %mul3A_1042, %mul3A_1044 : vector<16xf32>
        %gather3A_1046 = tpu.vector_load_idx %arg5[%add3A_984] : memref<32768xf32, #tpu.memory_space<vmem>>[vector<16xi32>], vector<16xf32>,
        %mul3A_1047 = arith.mulf %gather3A_1046, %mul3A_993 : vector<16xf32>
        %add3A_1048 = arith.addf %add3A_1045, %mul3A_1047 : vector<16xf32>
        %gather3A_1049 = tpu.vector_load_idx %arg5[%add3A_987] : memref<32768xf32, #tpu.memory_space<vmem>>[vector<16xi32>], vector<16xf32>,
        %mul3A_1050 = arith.mulf %gather3A_1049, %mul3A_995 : vector<16xf32>
        %add3A_1051 = arith.addf %add3A_1048, %mul3A_1050 : vector<16xf32>
        %swap3A_1052 = arith.constant 2 : i32
        %swap3A_1053 = arith.index_cast %swap3A_1052 : i32 to index
        %swap3A_1054 = arith.index_cast %add3A_999 : i32 to index
        %swap3A_1055 = tpu.vector_load %arg6[%swap3A_1053, %swap3A_1054] {strides = array<i32>} : memref<4x4096xf32, #tpu.memory_space<vmem>>, vector<16xf32>,
        tpu.vector_store %arg6[%swap3A_1053, %swap3A_1054], %add3A_1040 {strides = array<i32>} : memref<4x4096xf32, #tpu.memory_space<vmem>>, vector<16xf32>,
        %swap3A_1056 = arith.constant 3 : i32
        %swap3A_1057 = arith.index_cast %swap3A_1056 : i32 to index
        %swap3A_1058 = arith.index_cast %add3A_999 : i32 to index
        %swap3A_1059 = tpu.vector_load %arg6[%swap3A_1057, %swap3A_1058] {strides = array<i32>} : memref<4x4096xf32, #tpu.memory_space<vmem>>, vector<16xf32>,
        tpu.vector_store %arg6[%swap3A_1057, %swap3A_1058], %add3A_1051 {strides = array<i32>} : memref<4x4096xf32, #tpu.memory_space<vmem>>, vector<16xf32>,
        %add3A_1060 = arith.constant 224 : i32
        %add3A_1061 = vector.broadcast %add3A_1060 : i32 to vector<16xi32>
        %add3A_1062 = arith.addi %add3A_74, %add3A_1061 : vector<16xi32>
        %mul3A_1063 = vector.broadcast %convert_element_type3A : i32 to vector<16xi32>
        %mul3A_1064 = arith.muli %add3A_1062, %mul3A_1063 : vector<16xi32>
        %shift_right_arithmetic3A_1065 = arith.constant 9 : i32
        %shift_right_arithmetic3A_1066 = vector.broadcast %shift_right_arithmetic3A_1065 : i32 to vector<16xi32>
        %shift_right_arithmetic3A_1067 = arith.shrsi %mul3A_1064, %shift_right_arithmetic3A_1066 : vector<16xi32>
        %convert_element_type3A_1068 = arith.sitofp %mul3A_1064 : vector<16xi32> to vector<16xf32>
        %mul3A_1069 = vector.broadcast %scan3A_75 : f32 to vector<16xf32>
        %mul3A_1070 = arith.mulf %convert_element_type3A_1068, %mul3A_1069 : vector<16xf32>
        %convert_element_type3A_1071 = arith.sitofp %shift_right_arithmetic3A_1067 : vector<16xi32> to vector<16xf32>
        %sub3A_1072 = arith.subf %mul3A_1070, %convert_element_type3A_1071 : vector<16xf32>
        %sub3A_1073 = vector.broadcast %scan3A_76 : f32 to vector<16xf32>
        %sub3A_1074 = arith.subf %sub3A_1073, %sub3A_1072 : vector<16xf32>
        %add3A_1075 = arith.constant 1 : i32
        %add3A_1076 = vector.broadcast %add3A_1075 : i32 to vector<16xi32>
        %add3A_1077 = arith.addi %shift_right_arithmetic3A_1067, %add3A_1076 : vector<16xi32>
        %xor3A_1078 = vector.broadcast %mul3A_122 : i32 to vector<16xi32>
        %xor3A_1079 = arith.xori %shift_right_arithmetic3A_1067, %xor3A_1078 : vector<16xi32>
        %and3A_1080 = arith.constant 16383 : i32
        %and3A_1081 = vector.broadcast %and3A_1080 : i32 to vector<16xi32>
        %and3A_1082 = arith.andi %xor3A_1079, %and3A_1081 : vector<16xi32>
        %shift_left3A_1083 = arith.constant 1 : i32
        %shift_left3A_1084 = vector.broadcast %shift_left3A_1083 : i32 to vector<16xi32>
        %shift_left3A_1085 = arith.shli %and3A_1082, %shift_left3A_1084 : vector<16xi32>
        %xor3A_1086 = vector.broadcast %mul3A_122 : i32 to vector<16xi32>
        %xor3A_1087 = arith.xori %add3A_1077, %xor3A_1086 : vector<16xi32>
        %and3A_1088 = arith.constant 16383 : i32
        %and3A_1089 = vector.broadcast %and3A_1088 : i32 to vector<16xi32>
        %and3A_1090 = arith.andi %xor3A_1087, %and3A_1089 : vector<16xi32>
        %shift_left3A_1091 = arith.constant 1 : i32
        %shift_left3A_1092 = vector.broadcast %shift_left3A_1091 : i32 to vector<16xi32>
        %shift_left3A_1093 = arith.shli %and3A_1090, %shift_left3A_1092 : vector<16xi32>
        %xor3A_1094 = vector.broadcast %mul3A_125 : i32 to vector<16xi32>
        %xor3A_1095 = arith.xori %shift_right_arithmetic3A_1067, %xor3A_1094 : vector<16xi32>
        %and3A_1096 = arith.constant 16383 : i32
        %and3A_1097 = vector.broadcast %and3A_1096 : i32 to vector<16xi32>
        %and3A_1098 = arith.andi %xor3A_1095, %and3A_1097 : vector<16xi32>
        %shift_left3A_1099 = arith.constant 1 : i32
        %shift_left3A_1100 = vector.broadcast %shift_left3A_1099 : i32 to vector<16xi32>
        %shift_left3A_1101 = arith.shli %and3A_1098, %shift_left3A_1100 : vector<16xi32>
        %xor3A_1102 = vector.broadcast %mul3A_125 : i32 to vector<16xi32>
        %xor3A_1103 = arith.xori %add3A_1077, %xor3A_1102 : vector<16xi32>
        %and3A_1104 = arith.constant 16383 : i32
        %and3A_1105 = vector.broadcast %and3A_1104 : i32 to vector<16xi32>
        %and3A_1106 = arith.andi %xor3A_1103, %and3A_1105 : vector<16xi32>
        %shift_left3A_1107 = arith.constant 1 : i32
        %shift_left3A_1108 = vector.broadcast %shift_left3A_1107 : i32 to vector<16xi32>
        %shift_left3A_1109 = arith.shli %and3A_1106, %shift_left3A_1108 : vector<16xi32>
        %add3A_1110 = arith.constant 1 : i32
        %add3A_1111 = vector.broadcast %add3A_1110 : i32 to vector<16xi32>
        %add3A_1112 = arith.addi %shift_left3A_1085, %add3A_1111 : vector<16xi32>
        %add3A_1113 = arith.constant 1 : i32
        %add3A_1114 = vector.broadcast %add3A_1113 : i32 to vector<16xi32>
        %add3A_1115 = arith.addi %shift_left3A_1093, %add3A_1114 : vector<16xi32>
        %add3A_1116 = arith.constant 1 : i32
        %add3A_1117 = vector.broadcast %add3A_1116 : i32 to vector<16xi32>
        %add3A_1118 = arith.addi %shift_left3A_1101, %add3A_1117 : vector<16xi32>
        %add3A_1119 = arith.constant 1 : i32
        %add3A_1120 = vector.broadcast %add3A_1119 : i32 to vector<16xi32>
        %add3A_1121 = arith.addi %shift_left3A_1109, %add3A_1120 : vector<16xi32>
        %mul3A_1122 = vector.broadcast %sub3A_121 : f32 to vector<16xf32>
        %mul3A_1123 = arith.mulf %sub3A_1074, %mul3A_1122 : vector<16xf32>
        %mul3A_1124 = vector.broadcast %sub3A_121 : f32 to vector<16xf32>
        %mul3A_1125 = arith.mulf %sub3A_1072, %mul3A_1124 : vector<16xf32>
        %mul3A_1126 = vector.broadcast %sub3A : f32 to vector<16xf32>
        %mul3A_1127 = arith.mulf %sub3A_1074, %mul3A_1126 : vector<16xf32>
        %mul3A_1128 = vector.broadcast %sub3A : f32 to vector<16xf32>
        %mul3A_1129 = arith.mulf %sub3A_1072, %mul3A_1128 : vector<16xf32>
        %mul3A_1130 = arith.constant 256 : i32
        %mul3A_1131 = arith.muli %scan3A_107, %mul3A_1130 : i32
        %add3A_1132 = arith.constant 112 : i32
        %add3A_1133 = arith.addi %mul3A_1131, %add3A_1132 : i32
        %gather3A_1134 = tpu.vector_load_idx %arg4[%shift_left3A_1085] : memref<32768xf32, #tpu.memory_space<vmem>>[vector<16xi32>], vector<16xf32>,
        %mul3A_1135 = arith.mulf %gather3A_1134, %mul3A_1123 : vector<16xf32>
        %gather3A_1136 = tpu.vector_load_idx %arg4[%shift_left3A_1093] : memref<32768xf32, #tpu.memory_space<vmem>>[vector<16xi32>], vector<16xf32>,
        %mul3A_1137 = arith.mulf %gather3A_1136, %mul3A_1125 : vector<16xf32>
        %add3A_1138 = arith.addf %mul3A_1135, %mul3A_1137 : vector<16xf32>
        %gather3A_1139 = tpu.vector_load_idx %arg4[%shift_left3A_1101] : memref<32768xf32, #tpu.memory_space<vmem>>[vector<16xi32>], vector<16xf32>,
        %mul3A_1140 = arith.mulf %gather3A_1139, %mul3A_1127 : vector<16xf32>
        %add3A_1141 = arith.addf %add3A_1138, %mul3A_1140 : vector<16xf32>
        %gather3A_1142 = tpu.vector_load_idx %arg4[%shift_left3A_1109] : memref<32768xf32, #tpu.memory_space<vmem>>[vector<16xi32>], vector<16xf32>,
        %mul3A_1143 = arith.mulf %gather3A_1142, %mul3A_1129 : vector<16xf32>
        %add3A_1144 = arith.addf %add3A_1141, %mul3A_1143 : vector<16xf32>
        %gather3A_1145 = tpu.vector_load_idx %arg4[%add3A_1112] : memref<32768xf32, #tpu.memory_space<vmem>>[vector<16xi32>], vector<16xf32>,
        %mul3A_1146 = arith.mulf %gather3A_1145, %mul3A_1123 : vector<16xf32>
        %gather3A_1147 = tpu.vector_load_idx %arg4[%add3A_1115] : memref<32768xf32, #tpu.memory_space<vmem>>[vector<16xi32>], vector<16xf32>,
        %mul3A_1148 = arith.mulf %gather3A_1147, %mul3A_1125 : vector<16xf32>
        %add3A_1149 = arith.addf %mul3A_1146, %mul3A_1148 : vector<16xf32>
        %gather3A_1150 = tpu.vector_load_idx %arg4[%add3A_1118] : memref<32768xf32, #tpu.memory_space<vmem>>[vector<16xi32>], vector<16xf32>,
        %mul3A_1151 = arith.mulf %gather3A_1150, %mul3A_1127 : vector<16xf32>
        %add3A_1152 = arith.addf %add3A_1149, %mul3A_1151 : vector<16xf32>
        %gather3A_1153 = tpu.vector_load_idx %arg4[%add3A_1121] : memref<32768xf32, #tpu.memory_space<vmem>>[vector<16xi32>], vector<16xf32>,
        %mul3A_1154 = arith.mulf %gather3A_1153, %mul3A_1129 : vector<16xf32>
        %add3A_1155 = arith.addf %add3A_1152, %mul3A_1154 : vector<16xf32>
        %swap3A_1156 = arith.constant 0 : i32
        %swap3A_1157 = arith.index_cast %swap3A_1156 : i32 to index
        %swap3A_1158 = arith.index_cast %add3A_1133 : i32 to index
        %swap3A_1159 = tpu.vector_load %arg6[%swap3A_1157, %swap3A_1158] {strides = array<i32>} : memref<4x4096xf32, #tpu.memory_space<vmem>>, vector<16xf32>,
        tpu.vector_store %arg6[%swap3A_1157, %swap3A_1158], %add3A_1144 {strides = array<i32>} : memref<4x4096xf32, #tpu.memory_space<vmem>>, vector<16xf32>,
        %swap3A_1160 = arith.constant 1 : i32
        %swap3A_1161 = arith.index_cast %swap3A_1160 : i32 to index
        %swap3A_1162 = arith.index_cast %add3A_1133 : i32 to index
        %swap3A_1163 = tpu.vector_load %arg6[%swap3A_1161, %swap3A_1162] {strides = array<i32>} : memref<4x4096xf32, #tpu.memory_space<vmem>>, vector<16xf32>,
        tpu.vector_store %arg6[%swap3A_1161, %swap3A_1162], %add3A_1155 {strides = array<i32>} : memref<4x4096xf32, #tpu.memory_space<vmem>>, vector<16xf32>,
        %gather3A_1164 = tpu.vector_load_idx %arg5[%shift_left3A_1085] : memref<32768xf32, #tpu.memory_space<vmem>>[vector<16xi32>], vector<16xf32>,
        %mul3A_1165 = arith.mulf %gather3A_1164, %mul3A_1123 : vector<16xf32>
        %gather3A_1166 = tpu.vector_load_idx %arg5[%shift_left3A_1093] : memref<32768xf32, #tpu.memory_space<vmem>>[vector<16xi32>], vector<16xf32>,
        %mul3A_1167 = arith.mulf %gather3A_1166, %mul3A_1125 : vector<16xf32>
        %add3A_1168 = arith.addf %mul3A_1165, %mul3A_1167 : vector<16xf32>
        %gather3A_1169 = tpu.vector_load_idx %arg5[%shift_left3A_1101] : memref<32768xf32, #tpu.memory_space<vmem>>[vector<16xi32>], vector<16xf32>,
        %mul3A_1170 = arith.mulf %gather3A_1169, %mul3A_1127 : vector<16xf32>
        %add3A_1171 = arith.addf %add3A_1168, %mul3A_1170 : vector<16xf32>
        %gather3A_1172 = tpu.vector_load_idx %arg5[%shift_left3A_1109] : memref<32768xf32, #tpu.memory_space<vmem>>[vector<16xi32>], vector<16xf32>,
        %mul3A_1173 = arith.mulf %gather3A_1172, %mul3A_1129 : vector<16xf32>
        %add3A_1174 = arith.addf %add3A_1171, %mul3A_1173 : vector<16xf32>
        %gather3A_1175 = tpu.vector_load_idx %arg5[%add3A_1112] : memref<32768xf32, #tpu.memory_space<vmem>>[vector<16xi32>], vector<16xf32>,
        %mul3A_1176 = arith.mulf %gather3A_1175, %mul3A_1123 : vector<16xf32>
        %gather3A_1177 = tpu.vector_load_idx %arg5[%add3A_1115] : memref<32768xf32, #tpu.memory_space<vmem>>[vector<16xi32>], vector<16xf32>,
        %mul3A_1178 = arith.mulf %gather3A_1177, %mul3A_1125 : vector<16xf32>
        %add3A_1179 = arith.addf %mul3A_1176, %mul3A_1178 : vector<16xf32>
        %gather3A_1180 = tpu.vector_load_idx %arg5[%add3A_1118] : memref<32768xf32, #tpu.memory_space<vmem>>[vector<16xi32>], vector<16xf32>,
        %mul3A_1181 = arith.mulf %gather3A_1180, %mul3A_1127 : vector<16xf32>
        %add3A_1182 = arith.addf %add3A_1179, %mul3A_1181 : vector<16xf32>
        %gather3A_1183 = tpu.vector_load_idx %arg5[%add3A_1121] : memref<32768xf32, #tpu.memory_space<vmem>>[vector<16xi32>], vector<16xf32>,
        %mul3A_1184 = arith.mulf %gather3A_1183, %mul3A_1129 : vector<16xf32>
        %add3A_1185 = arith.addf %add3A_1182, %mul3A_1184 : vector<16xf32>
        %swap3A_1186 = arith.constant 2 : i32
        %swap3A_1187 = arith.index_cast %swap3A_1186 : i32 to index
        %swap3A_1188 = arith.index_cast %add3A_1133 : i32 to index
        %swap3A_1189 = tpu.vector_load %arg6[%swap3A_1187, %swap3A_1188] {strides = array<i32>} : memref<4x4096xf32, #tpu.memory_space<vmem>>, vector<16xf32>,
        tpu.vector_store %arg6[%swap3A_1187, %swap3A_1188], %add3A_1174 {strides = array<i32>} : memref<4x4096xf32, #tpu.memory_space<vmem>>, vector<16xf32>,
        %swap3A_1190 = arith.constant 3 : i32
        %swap3A_1191 = arith.index_cast %swap3A_1190 : i32 to index
        %swap3A_1192 = arith.index_cast %add3A_1133 : i32 to index
        %swap3A_1193 = tpu.vector_load %arg6[%swap3A_1191, %swap3A_1192] {strides = array<i32>} : memref<4x4096xf32, #tpu.memory_space<vmem>>, vector<16xf32>,
        tpu.vector_store %arg6[%swap3A_1191, %swap3A_1192], %add3A_1185 {strides = array<i32>} : memref<4x4096xf32, #tpu.memory_space<vmem>>, vector<16xf32>,
        %add3A_1194 = arith.constant 256 : i32
        %add3A_1195 = vector.broadcast %add3A_1194 : i32 to vector<16xi32>
        %add3A_1196 = arith.addi %add3A_74, %add3A_1195 : vector<16xi32>
        %mul3A_1197 = vector.broadcast %convert_element_type3A : i32 to vector<16xi32>
        %mul3A_1198 = arith.muli %add3A_1196, %mul3A_1197 : vector<16xi32>
        %shift_right_arithmetic3A_1199 = arith.constant 9 : i32
        %shift_right_arithmetic3A_1200 = vector.broadcast %shift_right_arithmetic3A_1199 : i32 to vector<16xi32>
        %shift_right_arithmetic3A_1201 = arith.shrsi %mul3A_1198, %shift_right_arithmetic3A_1200 : vector<16xi32>
        %convert_element_type3A_1202 = arith.sitofp %mul3A_1198 : vector<16xi32> to vector<16xf32>
        %mul3A_1203 = vector.broadcast %scan3A_75 : f32 to vector<16xf32>
        %mul3A_1204 = arith.mulf %convert_element_type3A_1202, %mul3A_1203 : vector<16xf32>
        %convert_element_type3A_1205 = arith.sitofp %shift_right_arithmetic3A_1201 : vector<16xi32> to vector<16xf32>
        %sub3A_1206 = arith.subf %mul3A_1204, %convert_element_type3A_1205 : vector<16xf32>
        %sub3A_1207 = vector.broadcast %scan3A_76 : f32 to vector<16xf32>
        %sub3A_1208 = arith.subf %sub3A_1207, %sub3A_1206 : vector<16xf32>
        %add3A_1209 = arith.constant 1 : i32
        %add3A_1210 = vector.broadcast %add3A_1209 : i32 to vector<16xi32>
        %add3A_1211 = arith.addi %shift_right_arithmetic3A_1201, %add3A_1210 : vector<16xi32>
        %xor3A_1212 = vector.broadcast %mul3A_122 : i32 to vector<16xi32>
        %xor3A_1213 = arith.xori %shift_right_arithmetic3A_1201, %xor3A_1212 : vector<16xi32>
        %and3A_1214 = arith.constant 16383 : i32
        %and3A_1215 = vector.broadcast %and3A_1214 : i32 to vector<16xi32>
        %and3A_1216 = arith.andi %xor3A_1213, %and3A_1215 : vector<16xi32>
        %shift_left3A_1217 = arith.constant 1 : i32
        %shift_left3A_1218 = vector.broadcast %shift_left3A_1217 : i32 to vector<16xi32>
        %shift_left3A_1219 = arith.shli %and3A_1216, %shift_left3A_1218 : vector<16xi32>
        %xor3A_1220 = vector.broadcast %mul3A_122 : i32 to vector<16xi32>
        %xor3A_1221 = arith.xori %add3A_1211, %xor3A_1220 : vector<16xi32>
        %and3A_1222 = arith.constant 16383 : i32
        %and3A_1223 = vector.broadcast %and3A_1222 : i32 to vector<16xi32>
        %and3A_1224 = arith.andi %xor3A_1221, %and3A_1223 : vector<16xi32>
        %shift_left3A_1225 = arith.constant 1 : i32
        %shift_left3A_1226 = vector.broadcast %shift_left3A_1225 : i32 to vector<16xi32>
        %shift_left3A_1227 = arith.shli %and3A_1224, %shift_left3A_1226 : vector<16xi32>
        %xor3A_1228 = vector.broadcast %mul3A_125 : i32 to vector<16xi32>
        %xor3A_1229 = arith.xori %shift_right_arithmetic3A_1201, %xor3A_1228 : vector<16xi32>
        %and3A_1230 = arith.constant 16383 : i32
        %and3A_1231 = vector.broadcast %and3A_1230 : i32 to vector<16xi32>
        %and3A_1232 = arith.andi %xor3A_1229, %and3A_1231 : vector<16xi32>
        %shift_left3A_1233 = arith.constant 1 : i32
        %shift_left3A_1234 = vector.broadcast %shift_left3A_1233 : i32 to vector<16xi32>
        %shift_left3A_1235 = arith.shli %and3A_1232, %shift_left3A_1234 : vector<16xi32>
        %xor3A_1236 = vector.broadcast %mul3A_125 : i32 to vector<16xi32>
        %xor3A_1237 = arith.xori %add3A_1211, %xor3A_1236 : vector<16xi32>
        %and3A_1238 = arith.constant 16383 : i32
        %and3A_1239 = vector.broadcast %and3A_1238 : i32 to vector<16xi32>
        %and3A_1240 = arith.andi %xor3A_1237, %and3A_1239 : vector<16xi32>
        %shift_left3A_1241 = arith.constant 1 : i32
        %shift_left3A_1242 = vector.broadcast %shift_left3A_1241 : i32 to vector<16xi32>
        %shift_left3A_1243 = arith.shli %and3A_1240, %shift_left3A_1242 : vector<16xi32>
        %add3A_1244 = arith.constant 1 : i32
        %add3A_1245 = vector.broadcast %add3A_1244 : i32 to vector<16xi32>
        %add3A_1246 = arith.addi %shift_left3A_1219, %add3A_1245 : vector<16xi32>
        %add3A_1247 = arith.constant 1 : i32
        %add3A_1248 = vector.broadcast %add3A_1247 : i32 to vector<16xi32>
        %add3A_1249 = arith.addi %shift_left3A_1227, %add3A_1248 : vector<16xi32>
        %add3A_1250 = arith.constant 1 : i32
        %add3A_1251 = vector.broadcast %add3A_1250 : i32 to vector<16xi32>
        %add3A_1252 = arith.addi %shift_left3A_1235, %add3A_1251 : vector<16xi32>
        %add3A_1253 = arith.constant 1 : i32
        %add3A_1254 = vector.broadcast %add3A_1253 : i32 to vector<16xi32>
        %add3A_1255 = arith.addi %shift_left3A_1243, %add3A_1254 : vector<16xi32>
        %mul3A_1256 = vector.broadcast %sub3A_121 : f32 to vector<16xf32>
        %mul3A_1257 = arith.mulf %sub3A_1208, %mul3A_1256 : vector<16xf32>
        %mul3A_1258 = vector.broadcast %sub3A_121 : f32 to vector<16xf32>
        %mul3A_1259 = arith.mulf %sub3A_1206, %mul3A_1258 : vector<16xf32>
        %mul3A_1260 = vector.broadcast %sub3A : f32 to vector<16xf32>
        %mul3A_1261 = arith.mulf %sub3A_1208, %mul3A_1260 : vector<16xf32>
        %mul3A_1262 = vector.broadcast %sub3A : f32 to vector<16xf32>
        %mul3A_1263 = arith.mulf %sub3A_1206, %mul3A_1262 : vector<16xf32>
        %mul3A_1264 = arith.constant 256 : i32
        %mul3A_1265 = arith.muli %scan3A_107, %mul3A_1264 : i32
        %add3A_1266 = arith.constant 128 : i32
        %add3A_1267 = arith.addi %mul3A_1265, %add3A_1266 : i32
        %gather3A_1268 = tpu.vector_load_idx %arg4[%shift_left3A_1219] : memref<32768xf32, #tpu.memory_space<vmem>>[vector<16xi32>], vector<16xf32>,
        %mul3A_1269 = arith.mulf %gather3A_1268, %mul3A_1257 : vector<16xf32>
        %gather3A_1270 = tpu.vector_load_idx %arg4[%shift_left3A_1227] : memref<32768xf32, #tpu.memory_space<vmem>>[vector<16xi32>], vector<16xf32>,
        %mul3A_1271 = arith.mulf %gather3A_1270, %mul3A_1259 : vector<16xf32>
        %add3A_1272 = arith.addf %mul3A_1269, %mul3A_1271 : vector<16xf32>
        %gather3A_1273 = tpu.vector_load_idx %arg4[%shift_left3A_1235] : memref<32768xf32, #tpu.memory_space<vmem>>[vector<16xi32>], vector<16xf32>,
        %mul3A_1274 = arith.mulf %gather3A_1273, %mul3A_1261 : vector<16xf32>
        %add3A_1275 = arith.addf %add3A_1272, %mul3A_1274 : vector<16xf32>
        %gather3A_1276 = tpu.vector_load_idx %arg4[%shift_left3A_1243] : memref<32768xf32, #tpu.memory_space<vmem>>[vector<16xi32>], vector<16xf32>,
        %mul3A_1277 = arith.mulf %gather3A_1276, %mul3A_1263 : vector<16xf32>
        %add3A_1278 = arith.addf %add3A_1275, %mul3A_1277 : vector<16xf32>
        %gather3A_1279 = tpu.vector_load_idx %arg4[%add3A_1246] : memref<32768xf32, #tpu.memory_space<vmem>>[vector<16xi32>], vector<16xf32>,
        %mul3A_1280 = arith.mulf %gather3A_1279, %mul3A_1257 : vector<16xf32>
        %gather3A_1281 = tpu.vector_load_idx %arg4[%add3A_1249] : memref<32768xf32, #tpu.memory_space<vmem>>[vector<16xi32>], vector<16xf32>,
        %mul3A_1282 = arith.mulf %gather3A_1281, %mul3A_1259 : vector<16xf32>
        %add3A_1283 = arith.addf %mul3A_1280, %mul3A_1282 : vector<16xf32>
        %gather3A_1284 = tpu.vector_load_idx %arg4[%add3A_1252] : memref<32768xf32, #tpu.memory_space<vmem>>[vector<16xi32>], vector<16xf32>,
        %mul3A_1285 = arith.mulf %gather3A_1284, %mul3A_1261 : vector<16xf32>
        %add3A_1286 = arith.addf %add3A_1283, %mul3A_1285 : vector<16xf32>
        %gather3A_1287 = tpu.vector_load_idx %arg4[%add3A_1255] : memref<32768xf32, #tpu.memory_space<vmem>>[vector<16xi32>], vector<16xf32>,
        %mul3A_1288 = arith.mulf %gather3A_1287, %mul3A_1263 : vector<16xf32>
        %add3A_1289 = arith.addf %add3A_1286, %mul3A_1288 : vector<16xf32>
        %swap3A_1290 = arith.constant 0 : i32
        %swap3A_1291 = arith.index_cast %swap3A_1290 : i32 to index
        %swap3A_1292 = arith.index_cast %add3A_1267 : i32 to index
        %swap3A_1293 = tpu.vector_load %arg6[%swap3A_1291, %swap3A_1292] {strides = array<i32>} : memref<4x4096xf32, #tpu.memory_space<vmem>>, vector<16xf32>,
        tpu.vector_store %arg6[%swap3A_1291, %swap3A_1292], %add3A_1278 {strides = array<i32>} : memref<4x4096xf32, #tpu.memory_space<vmem>>, vector<16xf32>,
        %swap3A_1294 = arith.constant 1 : i32
        %swap3A_1295 = arith.index_cast %swap3A_1294 : i32 to index
        %swap3A_1296 = arith.index_cast %add3A_1267 : i32 to index
        %swap3A_1297 = tpu.vector_load %arg6[%swap3A_1295, %swap3A_1296] {strides = array<i32>} : memref<4x4096xf32, #tpu.memory_space<vmem>>, vector<16xf32>,
        tpu.vector_store %arg6[%swap3A_1295, %swap3A_1296], %add3A_1289 {strides = array<i32>} : memref<4x4096xf32, #tpu.memory_space<vmem>>, vector<16xf32>,
        %gather3A_1298 = tpu.vector_load_idx %arg5[%shift_left3A_1219] : memref<32768xf32, #tpu.memory_space<vmem>>[vector<16xi32>], vector<16xf32>,
        %mul3A_1299 = arith.mulf %gather3A_1298, %mul3A_1257 : vector<16xf32>
        %gather3A_1300 = tpu.vector_load_idx %arg5[%shift_left3A_1227] : memref<32768xf32, #tpu.memory_space<vmem>>[vector<16xi32>], vector<16xf32>,
        %mul3A_1301 = arith.mulf %gather3A_1300, %mul3A_1259 : vector<16xf32>
        %add3A_1302 = arith.addf %mul3A_1299, %mul3A_1301 : vector<16xf32>
        %gather3A_1303 = tpu.vector_load_idx %arg5[%shift_left3A_1235] : memref<32768xf32, #tpu.memory_space<vmem>>[vector<16xi32>], vector<16xf32>,
        %mul3A_1304 = arith.mulf %gather3A_1303, %mul3A_1261 : vector<16xf32>
        %add3A_1305 = arith.addf %add3A_1302, %mul3A_1304 : vector<16xf32>
        %gather3A_1306 = tpu.vector_load_idx %arg5[%shift_left3A_1243] : memref<32768xf32, #tpu.memory_space<vmem>>[vector<16xi32>], vector<16xf32>,
        %mul3A_1307 = arith.mulf %gather3A_1306, %mul3A_1263 : vector<16xf32>
        %add3A_1308 = arith.addf %add3A_1305, %mul3A_1307 : vector<16xf32>
        %gather3A_1309 = tpu.vector_load_idx %arg5[%add3A_1246] : memref<32768xf32, #tpu.memory_space<vmem>>[vector<16xi32>], vector<16xf32>,
        %mul3A_1310 = arith.mulf %gather3A_1309, %mul3A_1257 : vector<16xf32>
        %gather3A_1311 = tpu.vector_load_idx %arg5[%add3A_1249] : memref<32768xf32, #tpu.memory_space<vmem>>[vector<16xi32>], vector<16xf32>,
        %mul3A_1312 = arith.mulf %gather3A_1311, %mul3A_1259 : vector<16xf32>
        %add3A_1313 = arith.addf %mul3A_1310, %mul3A_1312 : vector<16xf32>
        %gather3A_1314 = tpu.vector_load_idx %arg5[%add3A_1252] : memref<32768xf32, #tpu.memory_space<vmem>>[vector<16xi32>], vector<16xf32>,
        %mul3A_1315 = arith.mulf %gather3A_1314, %mul3A_1261 : vector<16xf32>
        %add3A_1316 = arith.addf %add3A_1313, %mul3A_1315 : vector<16xf32>
        %gather3A_1317 = tpu.vector_load_idx %arg5[%add3A_1255] : memref<32768xf32, #tpu.memory_space<vmem>>[vector<16xi32>], vector<16xf32>,
        %mul3A_1318 = arith.mulf %gather3A_1317, %mul3A_1263 : vector<16xf32>
        %add3A_1319 = arith.addf %add3A_1316, %mul3A_1318 : vector<16xf32>
        %swap3A_1320 = arith.constant 2 : i32
        %swap3A_1321 = arith.index_cast %swap3A_1320 : i32 to index
        %swap3A_1322 = arith.index_cast %add3A_1267 : i32 to index
        %swap3A_1323 = tpu.vector_load %arg6[%swap3A_1321, %swap3A_1322] {strides = array<i32>} : memref<4x4096xf32, #tpu.memory_space<vmem>>, vector<16xf32>,
        tpu.vector_store %arg6[%swap3A_1321, %swap3A_1322], %add3A_1308 {strides = array<i32>} : memref<4x4096xf32, #tpu.memory_space<vmem>>, vector<16xf32>,
        %swap3A_1324 = arith.constant 3 : i32
        %swap3A_1325 = arith.index_cast %swap3A_1324 : i32 to index
        %swap3A_1326 = arith.index_cast %add3A_1267 : i32 to index
        %swap3A_1327 = tpu.vector_load %arg6[%swap3A_1325, %swap3A_1326] {strides = array<i32>} : memref<4x4096xf32, #tpu.memory_space<vmem>>, vector<16xf32>,
        tpu.vector_store %arg6[%swap3A_1325, %swap3A_1326], %add3A_1319 {strides = array<i32>} : memref<4x4096xf32, #tpu.memory_space<vmem>>, vector<16xf32>,
        %add3A_1328 = arith.constant 288 : i32
        %add3A_1329 = vector.broadcast %add3A_1328 : i32 to vector<16xi32>
        %add3A_1330 = arith.addi %add3A_74, %add3A_1329 : vector<16xi32>
        %mul3A_1331 = vector.broadcast %convert_element_type3A : i32 to vector<16xi32>
        %mul3A_1332 = arith.muli %add3A_1330, %mul3A_1331 : vector<16xi32>
        %shift_right_arithmetic3A_1333 = arith.constant 9 : i32
        %shift_right_arithmetic3A_1334 = vector.broadcast %shift_right_arithmetic3A_1333 : i32 to vector<16xi32>
        %shift_right_arithmetic3A_1335 = arith.shrsi %mul3A_1332, %shift_right_arithmetic3A_1334 : vector<16xi32>
        %convert_element_type3A_1336 = arith.sitofp %mul3A_1332 : vector<16xi32> to vector<16xf32>
        %mul3A_1337 = vector.broadcast %scan3A_75 : f32 to vector<16xf32>
        %mul3A_1338 = arith.mulf %convert_element_type3A_1336, %mul3A_1337 : vector<16xf32>
        %convert_element_type3A_1339 = arith.sitofp %shift_right_arithmetic3A_1335 : vector<16xi32> to vector<16xf32>
        %sub3A_1340 = arith.subf %mul3A_1338, %convert_element_type3A_1339 : vector<16xf32>
        %sub3A_1341 = vector.broadcast %scan3A_76 : f32 to vector<16xf32>
        %sub3A_1342 = arith.subf %sub3A_1341, %sub3A_1340 : vector<16xf32>
        %add3A_1343 = arith.constant 1 : i32
        %add3A_1344 = vector.broadcast %add3A_1343 : i32 to vector<16xi32>
        %add3A_1345 = arith.addi %shift_right_arithmetic3A_1335, %add3A_1344 : vector<16xi32>
        %xor3A_1346 = vector.broadcast %mul3A_122 : i32 to vector<16xi32>
        %xor3A_1347 = arith.xori %shift_right_arithmetic3A_1335, %xor3A_1346 : vector<16xi32>
        %and3A_1348 = arith.constant 16383 : i32
        %and3A_1349 = vector.broadcast %and3A_1348 : i32 to vector<16xi32>
        %and3A_1350 = arith.andi %xor3A_1347, %and3A_1349 : vector<16xi32>
        %shift_left3A_1351 = arith.constant 1 : i32
        %shift_left3A_1352 = vector.broadcast %shift_left3A_1351 : i32 to vector<16xi32>
        %shift_left3A_1353 = arith.shli %and3A_1350, %shift_left3A_1352 : vector<16xi32>
        %xor3A_1354 = vector.broadcast %mul3A_122 : i32 to vector<16xi32>
        %xor3A_1355 = arith.xori %add3A_1345, %xor3A_1354 : vector<16xi32>
        %and3A_1356 = arith.constant 16383 : i32
        %and3A_1357 = vector.broadcast %and3A_1356 : i32 to vector<16xi32>
        %and3A_1358 = arith.andi %xor3A_1355, %and3A_1357 : vector<16xi32>
        %shift_left3A_1359 = arith.constant 1 : i32
        %shift_left3A_1360 = vector.broadcast %shift_left3A_1359 : i32 to vector<16xi32>
        %shift_left3A_1361 = arith.shli %and3A_1358, %shift_left3A_1360 : vector<16xi32>
        %xor3A_1362 = vector.broadcast %mul3A_125 : i32 to vector<16xi32>
        %xor3A_1363 = arith.xori %shift_right_arithmetic3A_1335, %xor3A_1362 : vector<16xi32>
        %and3A_1364 = arith.constant 16383 : i32
        %and3A_1365 = vector.broadcast %and3A_1364 : i32 to vector<16xi32>
        %and3A_1366 = arith.andi %xor3A_1363, %and3A_1365 : vector<16xi32>
        %shift_left3A_1367 = arith.constant 1 : i32
        %shift_left3A_1368 = vector.broadcast %shift_left3A_1367 : i32 to vector<16xi32>
        %shift_left3A_1369 = arith.shli %and3A_1366, %shift_left3A_1368 : vector<16xi32>
        %xor3A_1370 = vector.broadcast %mul3A_125 : i32 to vector<16xi32>
        %xor3A_1371 = arith.xori %add3A_1345, %xor3A_1370 : vector<16xi32>
        %and3A_1372 = arith.constant 16383 : i32
        %and3A_1373 = vector.broadcast %and3A_1372 : i32 to vector<16xi32>
        %and3A_1374 = arith.andi %xor3A_1371, %and3A_1373 : vector<16xi32>
        %shift_left3A_1375 = arith.constant 1 : i32
        %shift_left3A_1376 = vector.broadcast %shift_left3A_1375 : i32 to vector<16xi32>
        %shift_left3A_1377 = arith.shli %and3A_1374, %shift_left3A_1376 : vector<16xi32>
        %add3A_1378 = arith.constant 1 : i32
        %add3A_1379 = vector.broadcast %add3A_1378 : i32 to vector<16xi32>
        %add3A_1380 = arith.addi %shift_left3A_1353, %add3A_1379 : vector<16xi32>
        %add3A_1381 = arith.constant 1 : i32
        %add3A_1382 = vector.broadcast %add3A_1381 : i32 to vector<16xi32>
        %add3A_1383 = arith.addi %shift_left3A_1361, %add3A_1382 : vector<16xi32>
        %add3A_1384 = arith.constant 1 : i32
        %add3A_1385 = vector.broadcast %add3A_1384 : i32 to vector<16xi32>
        %add3A_1386 = arith.addi %shift_left3A_1369, %add3A_1385 : vector<16xi32>
        %add3A_1387 = arith.constant 1 : i32
        %add3A_1388 = vector.broadcast %add3A_1387 : i32 to vector<16xi32>
        %add3A_1389 = arith.addi %shift_left3A_1377, %add3A_1388 : vector<16xi32>
        %mul3A_1390 = vector.broadcast %sub3A_121 : f32 to vector<16xf32>
        %mul3A_1391 = arith.mulf %sub3A_1342, %mul3A_1390 : vector<16xf32>
        %mul3A_1392 = vector.broadcast %sub3A_121 : f32 to vector<16xf32>
        %mul3A_1393 = arith.mulf %sub3A_1340, %mul3A_1392 : vector<16xf32>
        %mul3A_1394 = vector.broadcast %sub3A : f32 to vector<16xf32>
        %mul3A_1395 = arith.mulf %sub3A_1342, %mul3A_1394 : vector<16xf32>
        %mul3A_1396 = vector.broadcast %sub3A : f32 to vector<16xf32>
        %mul3A_1397 = arith.mulf %sub3A_1340, %mul3A_1396 : vector<16xf32>
        %mul3A_1398 = arith.constant 256 : i32
        %mul3A_1399 = arith.muli %scan3A_107, %mul3A_1398 : i32
        %add3A_1400 = arith.constant 144 : i32
        %add3A_1401 = arith.addi %mul3A_1399, %add3A_1400 : i32
        %gather3A_1402 = tpu.vector_load_idx %arg4[%shift_left3A_1353] : memref<32768xf32, #tpu.memory_space<vmem>>[vector<16xi32>], vector<16xf32>,
        %mul3A_1403 = arith.mulf %gather3A_1402, %mul3A_1391 : vector<16xf32>
        %gather3A_1404 = tpu.vector_load_idx %arg4[%shift_left3A_1361] : memref<32768xf32, #tpu.memory_space<vmem>>[vector<16xi32>], vector<16xf32>,
        %mul3A_1405 = arith.mulf %gather3A_1404, %mul3A_1393 : vector<16xf32>
        %add3A_1406 = arith.addf %mul3A_1403, %mul3A_1405 : vector<16xf32>
        %gather3A_1407 = tpu.vector_load_idx %arg4[%shift_left3A_1369] : memref<32768xf32, #tpu.memory_space<vmem>>[vector<16xi32>], vector<16xf32>,
        %mul3A_1408 = arith.mulf %gather3A_1407, %mul3A_1395 : vector<16xf32>
        %add3A_1409 = arith.addf %add3A_1406, %mul3A_1408 : vector<16xf32>
        %gather3A_1410 = tpu.vector_load_idx %arg4[%shift_left3A_1377] : memref<32768xf32, #tpu.memory_space<vmem>>[vector<16xi32>], vector<16xf32>,
        %mul3A_1411 = arith.mulf %gather3A_1410, %mul3A_1397 : vector<16xf32>
        %add3A_1412 = arith.addf %add3A_1409, %mul3A_1411 : vector<16xf32>
        %gather3A_1413 = tpu.vector_load_idx %arg4[%add3A_1380] : memref<32768xf32, #tpu.memory_space<vmem>>[vector<16xi32>], vector<16xf32>,
        %mul3A_1414 = arith.mulf %gather3A_1413, %mul3A_1391 : vector<16xf32>
        %gather3A_1415 = tpu.vector_load_idx %arg4[%add3A_1383] : memref<32768xf32, #tpu.memory_space<vmem>>[vector<16xi32>], vector<16xf32>,
        %mul3A_1416 = arith.mulf %gather3A_1415, %mul3A_1393 : vector<16xf32>
        %add3A_1417 = arith.addf %mul3A_1414, %mul3A_1416 : vector<16xf32>
        %gather3A_1418 = tpu.vector_load_idx %arg4[%add3A_1386] : memref<32768xf32, #tpu.memory_space<vmem>>[vector<16xi32>], vector<16xf32>,
        %mul3A_1419 = arith.mulf %gather3A_1418, %mul3A_1395 : vector<16xf32>
        %add3A_1420 = arith.addf %add3A_1417, %mul3A_1419 : vector<16xf32>
        %gather3A_1421 = tpu.vector_load_idx %arg4[%add3A_1389] : memref<32768xf32, #tpu.memory_space<vmem>>[vector<16xi32>], vector<16xf32>,
        %mul3A_1422 = arith.mulf %gather3A_1421, %mul3A_1397 : vector<16xf32>
        %add3A_1423 = arith.addf %add3A_1420, %mul3A_1422 : vector<16xf32>
        %swap3A_1424 = arith.constant 0 : i32
        %swap3A_1425 = arith.index_cast %swap3A_1424 : i32 to index
        %swap3A_1426 = arith.index_cast %add3A_1401 : i32 to index
        %swap3A_1427 = tpu.vector_load %arg6[%swap3A_1425, %swap3A_1426] {strides = array<i32>} : memref<4x4096xf32, #tpu.memory_space<vmem>>, vector<16xf32>,
        tpu.vector_store %arg6[%swap3A_1425, %swap3A_1426], %add3A_1412 {strides = array<i32>} : memref<4x4096xf32, #tpu.memory_space<vmem>>, vector<16xf32>,
        %swap3A_1428 = arith.constant 1 : i32
        %swap3A_1429 = arith.index_cast %swap3A_1428 : i32 to index
        %swap3A_1430 = arith.index_cast %add3A_1401 : i32 to index
        %swap3A_1431 = tpu.vector_load %arg6[%swap3A_1429, %swap3A_1430] {strides = array<i32>} : memref<4x4096xf32, #tpu.memory_space<vmem>>, vector<16xf32>,
        tpu.vector_store %arg6[%swap3A_1429, %swap3A_1430], %add3A_1423 {strides = array<i32>} : memref<4x4096xf32, #tpu.memory_space<vmem>>, vector<16xf32>,
        %gather3A_1432 = tpu.vector_load_idx %arg5[%shift_left3A_1353] : memref<32768xf32, #tpu.memory_space<vmem>>[vector<16xi32>], vector<16xf32>,
        %mul3A_1433 = arith.mulf %gather3A_1432, %mul3A_1391 : vector<16xf32>
        %gather3A_1434 = tpu.vector_load_idx %arg5[%shift_left3A_1361] : memref<32768xf32, #tpu.memory_space<vmem>>[vector<16xi32>], vector<16xf32>,
        %mul3A_1435 = arith.mulf %gather3A_1434, %mul3A_1393 : vector<16xf32>
        %add3A_1436 = arith.addf %mul3A_1433, %mul3A_1435 : vector<16xf32>
        %gather3A_1437 = tpu.vector_load_idx %arg5[%shift_left3A_1369] : memref<32768xf32, #tpu.memory_space<vmem>>[vector<16xi32>], vector<16xf32>,
        %mul3A_1438 = arith.mulf %gather3A_1437, %mul3A_1395 : vector<16xf32>
        %add3A_1439 = arith.addf %add3A_1436, %mul3A_1438 : vector<16xf32>
        %gather3A_1440 = tpu.vector_load_idx %arg5[%shift_left3A_1377] : memref<32768xf32, #tpu.memory_space<vmem>>[vector<16xi32>], vector<16xf32>,
        %mul3A_1441 = arith.mulf %gather3A_1440, %mul3A_1397 : vector<16xf32>
        %add3A_1442 = arith.addf %add3A_1439, %mul3A_1441 : vector<16xf32>
        %gather3A_1443 = tpu.vector_load_idx %arg5[%add3A_1380] : memref<32768xf32, #tpu.memory_space<vmem>>[vector<16xi32>], vector<16xf32>,
        %mul3A_1444 = arith.mulf %gather3A_1443, %mul3A_1391 : vector<16xf32>
        %gather3A_1445 = tpu.vector_load_idx %arg5[%add3A_1383] : memref<32768xf32, #tpu.memory_space<vmem>>[vector<16xi32>], vector<16xf32>,
        %mul3A_1446 = arith.mulf %gather3A_1445, %mul3A_1393 : vector<16xf32>
        %add3A_1447 = arith.addf %mul3A_1444, %mul3A_1446 : vector<16xf32>
        %gather3A_1448 = tpu.vector_load_idx %arg5[%add3A_1386] : memref<32768xf32, #tpu.memory_space<vmem>>[vector<16xi32>], vector<16xf32>,
        %mul3A_1449 = arith.mulf %gather3A_1448, %mul3A_1395 : vector<16xf32>
        %add3A_1450 = arith.addf %add3A_1447, %mul3A_1449 : vector<16xf32>
        %gather3A_1451 = tpu.vector_load_idx %arg5[%add3A_1389] : memref<32768xf32, #tpu.memory_space<vmem>>[vector<16xi32>], vector<16xf32>,
        %mul3A_1452 = arith.mulf %gather3A_1451, %mul3A_1397 : vector<16xf32>
        %add3A_1453 = arith.addf %add3A_1450, %mul3A_1452 : vector<16xf32>
        %swap3A_1454 = arith.constant 2 : i32
        %swap3A_1455 = arith.index_cast %swap3A_1454 : i32 to index
        %swap3A_1456 = arith.index_cast %add3A_1401 : i32 to index
        %swap3A_1457 = tpu.vector_load %arg6[%swap3A_1455, %swap3A_1456] {strides = array<i32>} : memref<4x4096xf32, #tpu.memory_space<vmem>>, vector<16xf32>,
        tpu.vector_store %arg6[%swap3A_1455, %swap3A_1456], %add3A_1442 {strides = array<i32>} : memref<4x4096xf32, #tpu.memory_space<vmem>>, vector<16xf32>,
        %swap3A_1458 = arith.constant 3 : i32
        %swap3A_1459 = arith.index_cast %swap3A_1458 : i32 to index
        %swap3A_1460 = arith.index_cast %add3A_1401 : i32 to index
        %swap3A_1461 = tpu.vector_load %arg6[%swap3A_1459, %swap3A_1460] {strides = array<i32>} : memref<4x4096xf32, #tpu.memory_space<vmem>>, vector<16xf32>,
        tpu.vector_store %arg6[%swap3A_1459, %swap3A_1460], %add3A_1453 {strides = array<i32>} : memref<4x4096xf32, #tpu.memory_space<vmem>>, vector<16xf32>,
        %add3A_1462 = arith.constant 320 : i32
        %add3A_1463 = vector.broadcast %add3A_1462 : i32 to vector<16xi32>
        %add3A_1464 = arith.addi %add3A_74, %add3A_1463 : vector<16xi32>
        %mul3A_1465 = vector.broadcast %convert_element_type3A : i32 to vector<16xi32>
        %mul3A_1466 = arith.muli %add3A_1464, %mul3A_1465 : vector<16xi32>
        %shift_right_arithmetic3A_1467 = arith.constant 9 : i32
        %shift_right_arithmetic3A_1468 = vector.broadcast %shift_right_arithmetic3A_1467 : i32 to vector<16xi32>
        %shift_right_arithmetic3A_1469 = arith.shrsi %mul3A_1466, %shift_right_arithmetic3A_1468 : vector<16xi32>
        %convert_element_type3A_1470 = arith.sitofp %mul3A_1466 : vector<16xi32> to vector<16xf32>
        %mul3A_1471 = vector.broadcast %scan3A_75 : f32 to vector<16xf32>
        %mul3A_1472 = arith.mulf %convert_element_type3A_1470, %mul3A_1471 : vector<16xf32>
        %convert_element_type3A_1473 = arith.sitofp %shift_right_arithmetic3A_1469 : vector<16xi32> to vector<16xf32>
        %sub3A_1474 = arith.subf %mul3A_1472, %convert_element_type3A_1473 : vector<16xf32>
        %sub3A_1475 = vector.broadcast %scan3A_76 : f32 to vector<16xf32>
        %sub3A_1476 = arith.subf %sub3A_1475, %sub3A_1474 : vector<16xf32>
        %add3A_1477 = arith.constant 1 : i32
        %add3A_1478 = vector.broadcast %add3A_1477 : i32 to vector<16xi32>
        %add3A_1479 = arith.addi %shift_right_arithmetic3A_1469, %add3A_1478 : vector<16xi32>
        %xor3A_1480 = vector.broadcast %mul3A_122 : i32 to vector<16xi32>
        %xor3A_1481 = arith.xori %shift_right_arithmetic3A_1469, %xor3A_1480 : vector<16xi32>
        %and3A_1482 = arith.constant 16383 : i32
        %and3A_1483 = vector.broadcast %and3A_1482 : i32 to vector<16xi32>
        %and3A_1484 = arith.andi %xor3A_1481, %and3A_1483 : vector<16xi32>
        %shift_left3A_1485 = arith.constant 1 : i32
        %shift_left3A_1486 = vector.broadcast %shift_left3A_1485 : i32 to vector<16xi32>
        %shift_left3A_1487 = arith.shli %and3A_1484, %shift_left3A_1486 : vector<16xi32>
        %xor3A_1488 = vector.broadcast %mul3A_122 : i32 to vector<16xi32>
        %xor3A_1489 = arith.xori %add3A_1479, %xor3A_1488 : vector<16xi32>
        %and3A_1490 = arith.constant 16383 : i32
        %and3A_1491 = vector.broadcast %and3A_1490 : i32 to vector<16xi32>
        %and3A_1492 = arith.andi %xor3A_1489, %and3A_1491 : vector<16xi32>
        %shift_left3A_1493 = arith.constant 1 : i32
        %shift_left3A_1494 = vector.broadcast %shift_left3A_1493 : i32 to vector<16xi32>
        %shift_left3A_1495 = arith.shli %and3A_1492, %shift_left3A_1494 : vector<16xi32>
        %xor3A_1496 = vector.broadcast %mul3A_125 : i32 to vector<16xi32>
        %xor3A_1497 = arith.xori %shift_right_arithmetic3A_1469, %xor3A_1496 : vector<16xi32>
        %and3A_1498 = arith.constant 16383 : i32
        %and3A_1499 = vector.broadcast %and3A_1498 : i32 to vector<16xi32>
        %and3A_1500 = arith.andi %xor3A_1497, %and3A_1499 : vector<16xi32>
        %shift_left3A_1501 = arith.constant 1 : i32
        %shift_left3A_1502 = vector.broadcast %shift_left3A_1501 : i32 to vector<16xi32>
        %shift_left3A_1503 = arith.shli %and3A_1500, %shift_left3A_1502 : vector<16xi32>
        %xor3A_1504 = vector.broadcast %mul3A_125 : i32 to vector<16xi32>
        %xor3A_1505 = arith.xori %add3A_1479, %xor3A_1504 : vector<16xi32>
        %and3A_1506 = arith.constant 16383 : i32
        %and3A_1507 = vector.broadcast %and3A_1506 : i32 to vector<16xi32>
        %and3A_1508 = arith.andi %xor3A_1505, %and3A_1507 : vector<16xi32>
        %shift_left3A_1509 = arith.constant 1 : i32
        %shift_left3A_1510 = vector.broadcast %shift_left3A_1509 : i32 to vector<16xi32>
        %shift_left3A_1511 = arith.shli %and3A_1508, %shift_left3A_1510 : vector<16xi32>
        %add3A_1512 = arith.constant 1 : i32
        %add3A_1513 = vector.broadcast %add3A_1512 : i32 to vector<16xi32>
        %add3A_1514 = arith.addi %shift_left3A_1487, %add3A_1513 : vector<16xi32>
        %add3A_1515 = arith.constant 1 : i32
        %add3A_1516 = vector.broadcast %add3A_1515 : i32 to vector<16xi32>
        %add3A_1517 = arith.addi %shift_left3A_1495, %add3A_1516 : vector<16xi32>
        %add3A_1518 = arith.constant 1 : i32
        %add3A_1519 = vector.broadcast %add3A_1518 : i32 to vector<16xi32>
        %add3A_1520 = arith.addi %shift_left3A_1503, %add3A_1519 : vector<16xi32>
        %add3A_1521 = arith.constant 1 : i32
        %add3A_1522 = vector.broadcast %add3A_1521 : i32 to vector<16xi32>
        %add3A_1523 = arith.addi %shift_left3A_1511, %add3A_1522 : vector<16xi32>
        %mul3A_1524 = vector.broadcast %sub3A_121 : f32 to vector<16xf32>
        %mul3A_1525 = arith.mulf %sub3A_1476, %mul3A_1524 : vector<16xf32>
        %mul3A_1526 = vector.broadcast %sub3A_121 : f32 to vector<16xf32>
        %mul3A_1527 = arith.mulf %sub3A_1474, %mul3A_1526 : vector<16xf32>
        %mul3A_1528 = vector.broadcast %sub3A : f32 to vector<16xf32>
        %mul3A_1529 = arith.mulf %sub3A_1476, %mul3A_1528 : vector<16xf32>
        %mul3A_1530 = vector.broadcast %sub3A : f32 to vector<16xf32>
        %mul3A_1531 = arith.mulf %sub3A_1474, %mul3A_1530 : vector<16xf32>
        %mul3A_1532 = arith.constant 256 : i32
        %mul3A_1533 = arith.muli %scan3A_107, %mul3A_1532 : i32
        %add3A_1534 = arith.constant 160 : i32
        %add3A_1535 = arith.addi %mul3A_1533, %add3A_1534 : i32
        %gather3A_1536 = tpu.vector_load_idx %arg4[%shift_left3A_1487] : memref<32768xf32, #tpu.memory_space<vmem>>[vector<16xi32>], vector<16xf32>,
        %mul3A_1537 = arith.mulf %gather3A_1536, %mul3A_1525 : vector<16xf32>
        %gather3A_1538 = tpu.vector_load_idx %arg4[%shift_left3A_1495] : memref<32768xf32, #tpu.memory_space<vmem>>[vector<16xi32>], vector<16xf32>,
        %mul3A_1539 = arith.mulf %gather3A_1538, %mul3A_1527 : vector<16xf32>
        %add3A_1540 = arith.addf %mul3A_1537, %mul3A_1539 : vector<16xf32>
        %gather3A_1541 = tpu.vector_load_idx %arg4[%shift_left3A_1503] : memref<32768xf32, #tpu.memory_space<vmem>>[vector<16xi32>], vector<16xf32>,
        %mul3A_1542 = arith.mulf %gather3A_1541, %mul3A_1529 : vector<16xf32>
        %add3A_1543 = arith.addf %add3A_1540, %mul3A_1542 : vector<16xf32>
        %gather3A_1544 = tpu.vector_load_idx %arg4[%shift_left3A_1511] : memref<32768xf32, #tpu.memory_space<vmem>>[vector<16xi32>], vector<16xf32>,
        %mul3A_1545 = arith.mulf %gather3A_1544, %mul3A_1531 : vector<16xf32>
        %add3A_1546 = arith.addf %add3A_1543, %mul3A_1545 : vector<16xf32>
        %gather3A_1547 = tpu.vector_load_idx %arg4[%add3A_1514] : memref<32768xf32, #tpu.memory_space<vmem>>[vector<16xi32>], vector<16xf32>,
        %mul3A_1548 = arith.mulf %gather3A_1547, %mul3A_1525 : vector<16xf32>
        %gather3A_1549 = tpu.vector_load_idx %arg4[%add3A_1517] : memref<32768xf32, #tpu.memory_space<vmem>>[vector<16xi32>], vector<16xf32>,
        %mul3A_1550 = arith.mulf %gather3A_1549, %mul3A_1527 : vector<16xf32>
        %add3A_1551 = arith.addf %mul3A_1548, %mul3A_1550 : vector<16xf32>
        %gather3A_1552 = tpu.vector_load_idx %arg4[%add3A_1520] : memref<32768xf32, #tpu.memory_space<vmem>>[vector<16xi32>], vector<16xf32>,
        %mul3A_1553 = arith.mulf %gather3A_1552, %mul3A_1529 : vector<16xf32>
        %add3A_1554 = arith.addf %add3A_1551, %mul3A_1553 : vector<16xf32>
        %gather3A_1555 = tpu.vector_load_idx %arg4[%add3A_1523] : memref<32768xf32, #tpu.memory_space<vmem>>[vector<16xi32>], vector<16xf32>,
        %mul3A_1556 = arith.mulf %gather3A_1555, %mul3A_1531 : vector<16xf32>
        %add3A_1557 = arith.addf %add3A_1554, %mul3A_1556 : vector<16xf32>
        %swap3A_1558 = arith.constant 0 : i32
        %swap3A_1559 = arith.index_cast %swap3A_1558 : i32 to index
        %swap3A_1560 = arith.index_cast %add3A_1535 : i32 to index
        %swap3A_1561 = tpu.vector_load %arg6[%swap3A_1559, %swap3A_1560] {strides = array<i32>} : memref<4x4096xf32, #tpu.memory_space<vmem>>, vector<16xf32>,
        tpu.vector_store %arg6[%swap3A_1559, %swap3A_1560], %add3A_1546 {strides = array<i32>} : memref<4x4096xf32, #tpu.memory_space<vmem>>, vector<16xf32>,
        %swap3A_1562 = arith.constant 1 : i32
        %swap3A_1563 = arith.index_cast %swap3A_1562 : i32 to index
        %swap3A_1564 = arith.index_cast %add3A_1535 : i32 to index
        %swap3A_1565 = tpu.vector_load %arg6[%swap3A_1563, %swap3A_1564] {strides = array<i32>} : memref<4x4096xf32, #tpu.memory_space<vmem>>, vector<16xf32>,
        tpu.vector_store %arg6[%swap3A_1563, %swap3A_1564], %add3A_1557 {strides = array<i32>} : memref<4x4096xf32, #tpu.memory_space<vmem>>, vector<16xf32>,
        %gather3A_1566 = tpu.vector_load_idx %arg5[%shift_left3A_1487] : memref<32768xf32, #tpu.memory_space<vmem>>[vector<16xi32>], vector<16xf32>,
        %mul3A_1567 = arith.mulf %gather3A_1566, %mul3A_1525 : vector<16xf32>
        %gather3A_1568 = tpu.vector_load_idx %arg5[%shift_left3A_1495] : memref<32768xf32, #tpu.memory_space<vmem>>[vector<16xi32>], vector<16xf32>,
        %mul3A_1569 = arith.mulf %gather3A_1568, %mul3A_1527 : vector<16xf32>
        %add3A_1570 = arith.addf %mul3A_1567, %mul3A_1569 : vector<16xf32>
        %gather3A_1571 = tpu.vector_load_idx %arg5[%shift_left3A_1503] : memref<32768xf32, #tpu.memory_space<vmem>>[vector<16xi32>], vector<16xf32>,
        %mul3A_1572 = arith.mulf %gather3A_1571, %mul3A_1529 : vector<16xf32>
        %add3A_1573 = arith.addf %add3A_1570, %mul3A_1572 : vector<16xf32>
        %gather3A_1574 = tpu.vector_load_idx %arg5[%shift_left3A_1511] : memref<32768xf32, #tpu.memory_space<vmem>>[vector<16xi32>], vector<16xf32>,
        %mul3A_1575 = arith.mulf %gather3A_1574, %mul3A_1531 : vector<16xf32>
        %add3A_1576 = arith.addf %add3A_1573, %mul3A_1575 : vector<16xf32>
        %gather3A_1577 = tpu.vector_load_idx %arg5[%add3A_1514] : memref<32768xf32, #tpu.memory_space<vmem>>[vector<16xi32>], vector<16xf32>,
        %mul3A_1578 = arith.mulf %gather3A_1577, %mul3A_1525 : vector<16xf32>
        %gather3A_1579 = tpu.vector_load_idx %arg5[%add3A_1517] : memref<32768xf32, #tpu.memory_space<vmem>>[vector<16xi32>], vector<16xf32>,
        %mul3A_1580 = arith.mulf %gather3A_1579, %mul3A_1527 : vector<16xf32>
        %add3A_1581 = arith.addf %mul3A_1578, %mul3A_1580 : vector<16xf32>
        %gather3A_1582 = tpu.vector_load_idx %arg5[%add3A_1520] : memref<32768xf32, #tpu.memory_space<vmem>>[vector<16xi32>], vector<16xf32>,
        %mul3A_1583 = arith.mulf %gather3A_1582, %mul3A_1529 : vector<16xf32>
        %add3A_1584 = arith.addf %add3A_1581, %mul3A_1583 : vector<16xf32>
        %gather3A_1585 = tpu.vector_load_idx %arg5[%add3A_1523] : memref<32768xf32, #tpu.memory_space<vmem>>[vector<16xi32>], vector<16xf32>,
        %mul3A_1586 = arith.mulf %gather3A_1585, %mul3A_1531 : vector<16xf32>
        %add3A_1587 = arith.addf %add3A_1584, %mul3A_1586 : vector<16xf32>
        %swap3A_1588 = arith.constant 2 : i32
        %swap3A_1589 = arith.index_cast %swap3A_1588 : i32 to index
        %swap3A_1590 = arith.index_cast %add3A_1535 : i32 to index
        %swap3A_1591 = tpu.vector_load %arg6[%swap3A_1589, %swap3A_1590] {strides = array<i32>} : memref<4x4096xf32, #tpu.memory_space<vmem>>, vector<16xf32>,
        tpu.vector_store %arg6[%swap3A_1589, %swap3A_1590], %add3A_1576 {strides = array<i32>} : memref<4x4096xf32, #tpu.memory_space<vmem>>, vector<16xf32>,
        %swap3A_1592 = arith.constant 3 : i32
        %swap3A_1593 = arith.index_cast %swap3A_1592 : i32 to index
        %swap3A_1594 = arith.index_cast %add3A_1535 : i32 to index
        %swap3A_1595 = tpu.vector_load %arg6[%swap3A_1593, %swap3A_1594] {strides = array<i32>} : memref<4x4096xf32, #tpu.memory_space<vmem>>, vector<16xf32>,
        tpu.vector_store %arg6[%swap3A_1593, %swap3A_1594], %add3A_1587 {strides = array<i32>} : memref<4x4096xf32, #tpu.memory_space<vmem>>, vector<16xf32>,
        %add3A_1596 = arith.constant 352 : i32
        %add3A_1597 = vector.broadcast %add3A_1596 : i32 to vector<16xi32>
        %add3A_1598 = arith.addi %add3A_74, %add3A_1597 : vector<16xi32>
        %mul3A_1599 = vector.broadcast %convert_element_type3A : i32 to vector<16xi32>
        %mul3A_1600 = arith.muli %add3A_1598, %mul3A_1599 : vector<16xi32>
        %shift_right_arithmetic3A_1601 = arith.constant 9 : i32
        %shift_right_arithmetic3A_1602 = vector.broadcast %shift_right_arithmetic3A_1601 : i32 to vector<16xi32>
        %shift_right_arithmetic3A_1603 = arith.shrsi %mul3A_1600, %shift_right_arithmetic3A_1602 : vector<16xi32>
        %convert_element_type3A_1604 = arith.sitofp %mul3A_1600 : vector<16xi32> to vector<16xf32>
        %mul3A_1605 = vector.broadcast %scan3A_75 : f32 to vector<16xf32>
        %mul3A_1606 = arith.mulf %convert_element_type3A_1604, %mul3A_1605 : vector<16xf32>
        %convert_element_type3A_1607 = arith.sitofp %shift_right_arithmetic3A_1603 : vector<16xi32> to vector<16xf32>
        %sub3A_1608 = arith.subf %mul3A_1606, %convert_element_type3A_1607 : vector<16xf32>
        %sub3A_1609 = vector.broadcast %scan3A_76 : f32 to vector<16xf32>
        %sub3A_1610 = arith.subf %sub3A_1609, %sub3A_1608 : vector<16xf32>
        %add3A_1611 = arith.constant 1 : i32
        %add3A_1612 = vector.broadcast %add3A_1611 : i32 to vector<16xi32>
        %add3A_1613 = arith.addi %shift_right_arithmetic3A_1603, %add3A_1612 : vector<16xi32>
        %xor3A_1614 = vector.broadcast %mul3A_122 : i32 to vector<16xi32>
        %xor3A_1615 = arith.xori %shift_right_arithmetic3A_1603, %xor3A_1614 : vector<16xi32>
        %and3A_1616 = arith.constant 16383 : i32
        %and3A_1617 = vector.broadcast %and3A_1616 : i32 to vector<16xi32>
        %and3A_1618 = arith.andi %xor3A_1615, %and3A_1617 : vector<16xi32>
        %shift_left3A_1619 = arith.constant 1 : i32
        %shift_left3A_1620 = vector.broadcast %shift_left3A_1619 : i32 to vector<16xi32>
        %shift_left3A_1621 = arith.shli %and3A_1618, %shift_left3A_1620 : vector<16xi32>
        %xor3A_1622 = vector.broadcast %mul3A_122 : i32 to vector<16xi32>
        %xor3A_1623 = arith.xori %add3A_1613, %xor3A_1622 : vector<16xi32>
        %and3A_1624 = arith.constant 16383 : i32
        %and3A_1625 = vector.broadcast %and3A_1624 : i32 to vector<16xi32>
        %and3A_1626 = arith.andi %xor3A_1623, %and3A_1625 : vector<16xi32>
        %shift_left3A_1627 = arith.constant 1 : i32
        %shift_left3A_1628 = vector.broadcast %shift_left3A_1627 : i32 to vector<16xi32>
        %shift_left3A_1629 = arith.shli %and3A_1626, %shift_left3A_1628 : vector<16xi32>
        %xor3A_1630 = vector.broadcast %mul3A_125 : i32 to vector<16xi32>
        %xor3A_1631 = arith.xori %shift_right_arithmetic3A_1603, %xor3A_1630 : vector<16xi32>
        %and3A_1632 = arith.constant 16383 : i32
        %and3A_1633 = vector.broadcast %and3A_1632 : i32 to vector<16xi32>
        %and3A_1634 = arith.andi %xor3A_1631, %and3A_1633 : vector<16xi32>
        %shift_left3A_1635 = arith.constant 1 : i32
        %shift_left3A_1636 = vector.broadcast %shift_left3A_1635 : i32 to vector<16xi32>
        %shift_left3A_1637 = arith.shli %and3A_1634, %shift_left3A_1636 : vector<16xi32>
        %xor3A_1638 = vector.broadcast %mul3A_125 : i32 to vector<16xi32>
        %xor3A_1639 = arith.xori %add3A_1613, %xor3A_1638 : vector<16xi32>
        %and3A_1640 = arith.constant 16383 : i32
        %and3A_1641 = vector.broadcast %and3A_1640 : i32 to vector<16xi32>
        %and3A_1642 = arith.andi %xor3A_1639, %and3A_1641 : vector<16xi32>
        %shift_left3A_1643 = arith.constant 1 : i32
        %shift_left3A_1644 = vector.broadcast %shift_left3A_1643 : i32 to vector<16xi32>
        %shift_left3A_1645 = arith.shli %and3A_1642, %shift_left3A_1644 : vector<16xi32>
        %add3A_1646 = arith.constant 1 : i32
        %add3A_1647 = vector.broadcast %add3A_1646 : i32 to vector<16xi32>
        %add3A_1648 = arith.addi %shift_left3A_1621, %add3A_1647 : vector<16xi32>
        %add3A_1649 = arith.constant 1 : i32
        %add3A_1650 = vector.broadcast %add3A_1649 : i32 to vector<16xi32>
        %add3A_1651 = arith.addi %shift_left3A_1629, %add3A_1650 : vector<16xi32>
        %add3A_1652 = arith.constant 1 : i32
        %add3A_1653 = vector.broadcast %add3A_1652 : i32 to vector<16xi32>
        %add3A_1654 = arith.addi %shift_left3A_1637, %add3A_1653 : vector<16xi32>
        %add3A_1655 = arith.constant 1 : i32
        %add3A_1656 = vector.broadcast %add3A_1655 : i32 to vector<16xi32>
        %add3A_1657 = arith.addi %shift_left3A_1645, %add3A_1656 : vector<16xi32>
        %mul3A_1658 = vector.broadcast %sub3A_121 : f32 to vector<16xf32>
        %mul3A_1659 = arith.mulf %sub3A_1610, %mul3A_1658 : vector<16xf32>
        %mul3A_1660 = vector.broadcast %sub3A_121 : f32 to vector<16xf32>
        %mul3A_1661 = arith.mulf %sub3A_1608, %mul3A_1660 : vector<16xf32>
        %mul3A_1662 = vector.broadcast %sub3A : f32 to vector<16xf32>
        %mul3A_1663 = arith.mulf %sub3A_1610, %mul3A_1662 : vector<16xf32>
        %mul3A_1664 = vector.broadcast %sub3A : f32 to vector<16xf32>
        %mul3A_1665 = arith.mulf %sub3A_1608, %mul3A_1664 : vector<16xf32>
        %mul3A_1666 = arith.constant 256 : i32
        %mul3A_1667 = arith.muli %scan3A_107, %mul3A_1666 : i32
        %add3A_1668 = arith.constant 176 : i32
        %add3A_1669 = arith.addi %mul3A_1667, %add3A_1668 : i32
        %gather3A_1670 = tpu.vector_load_idx %arg4[%shift_left3A_1621] : memref<32768xf32, #tpu.memory_space<vmem>>[vector<16xi32>], vector<16xf32>,
        %mul3A_1671 = arith.mulf %gather3A_1670, %mul3A_1659 : vector<16xf32>
        %gather3A_1672 = tpu.vector_load_idx %arg4[%shift_left3A_1629] : memref<32768xf32, #tpu.memory_space<vmem>>[vector<16xi32>], vector<16xf32>,
        %mul3A_1673 = arith.mulf %gather3A_1672, %mul3A_1661 : vector<16xf32>
        %add3A_1674 = arith.addf %mul3A_1671, %mul3A_1673 : vector<16xf32>
        %gather3A_1675 = tpu.vector_load_idx %arg4[%shift_left3A_1637] : memref<32768xf32, #tpu.memory_space<vmem>>[vector<16xi32>], vector<16xf32>,
        %mul3A_1676 = arith.mulf %gather3A_1675, %mul3A_1663 : vector<16xf32>
        %add3A_1677 = arith.addf %add3A_1674, %mul3A_1676 : vector<16xf32>
        %gather3A_1678 = tpu.vector_load_idx %arg4[%shift_left3A_1645] : memref<32768xf32, #tpu.memory_space<vmem>>[vector<16xi32>], vector<16xf32>,
        %mul3A_1679 = arith.mulf %gather3A_1678, %mul3A_1665 : vector<16xf32>
        %add3A_1680 = arith.addf %add3A_1677, %mul3A_1679 : vector<16xf32>
        %gather3A_1681 = tpu.vector_load_idx %arg4[%add3A_1648] : memref<32768xf32, #tpu.memory_space<vmem>>[vector<16xi32>], vector<16xf32>,
        %mul3A_1682 = arith.mulf %gather3A_1681, %mul3A_1659 : vector<16xf32>
        %gather3A_1683 = tpu.vector_load_idx %arg4[%add3A_1651] : memref<32768xf32, #tpu.memory_space<vmem>>[vector<16xi32>], vector<16xf32>,
        %mul3A_1684 = arith.mulf %gather3A_1683, %mul3A_1661 : vector<16xf32>
        %add3A_1685 = arith.addf %mul3A_1682, %mul3A_1684 : vector<16xf32>
        %gather3A_1686 = tpu.vector_load_idx %arg4[%add3A_1654] : memref<32768xf32, #tpu.memory_space<vmem>>[vector<16xi32>], vector<16xf32>,
        %mul3A_1687 = arith.mulf %gather3A_1686, %mul3A_1663 : vector<16xf32>
        %add3A_1688 = arith.addf %add3A_1685, %mul3A_1687 : vector<16xf32>
        %gather3A_1689 = tpu.vector_load_idx %arg4[%add3A_1657] : memref<32768xf32, #tpu.memory_space<vmem>>[vector<16xi32>], vector<16xf32>,
        %mul3A_1690 = arith.mulf %gather3A_1689, %mul3A_1665 : vector<16xf32>
        %add3A_1691 = arith.addf %add3A_1688, %mul3A_1690 : vector<16xf32>
        %swap3A_1692 = arith.constant 0 : i32
        %swap3A_1693 = arith.index_cast %swap3A_1692 : i32 to index
        %swap3A_1694 = arith.index_cast %add3A_1669 : i32 to index
        %swap3A_1695 = tpu.vector_load %arg6[%swap3A_1693, %swap3A_1694] {strides = array<i32>} : memref<4x4096xf32, #tpu.memory_space<vmem>>, vector<16xf32>,
        tpu.vector_store %arg6[%swap3A_1693, %swap3A_1694], %add3A_1680 {strides = array<i32>} : memref<4x4096xf32, #tpu.memory_space<vmem>>, vector<16xf32>,
        %swap3A_1696 = arith.constant 1 : i32
        %swap3A_1697 = arith.index_cast %swap3A_1696 : i32 to index
        %swap3A_1698 = arith.index_cast %add3A_1669 : i32 to index
        %swap3A_1699 = tpu.vector_load %arg6[%swap3A_1697, %swap3A_1698] {strides = array<i32>} : memref<4x4096xf32, #tpu.memory_space<vmem>>, vector<16xf32>,
        tpu.vector_store %arg6[%swap3A_1697, %swap3A_1698], %add3A_1691 {strides = array<i32>} : memref<4x4096xf32, #tpu.memory_space<vmem>>, vector<16xf32>,
        %gather3A_1700 = tpu.vector_load_idx %arg5[%shift_left3A_1621] : memref<32768xf32, #tpu.memory_space<vmem>>[vector<16xi32>], vector<16xf32>,
        %mul3A_1701 = arith.mulf %gather3A_1700, %mul3A_1659 : vector<16xf32>
        %gather3A_1702 = tpu.vector_load_idx %arg5[%shift_left3A_1629] : memref<32768xf32, #tpu.memory_space<vmem>>[vector<16xi32>], vector<16xf32>,
        %mul3A_1703 = arith.mulf %gather3A_1702, %mul3A_1661 : vector<16xf32>
        %add3A_1704 = arith.addf %mul3A_1701, %mul3A_1703 : vector<16xf32>
        %gather3A_1705 = tpu.vector_load_idx %arg5[%shift_left3A_1637] : memref<32768xf32, #tpu.memory_space<vmem>>[vector<16xi32>], vector<16xf32>,
        %mul3A_1706 = arith.mulf %gather3A_1705, %mul3A_1663 : vector<16xf32>
        %add3A_1707 = arith.addf %add3A_1704, %mul3A_1706 : vector<16xf32>
        %gather3A_1708 = tpu.vector_load_idx %arg5[%shift_left3A_1645] : memref<32768xf32, #tpu.memory_space<vmem>>[vector<16xi32>], vector<16xf32>,
        %mul3A_1709 = arith.mulf %gather3A_1708, %mul3A_1665 : vector<16xf32>
        %add3A_1710 = arith.addf %add3A_1707, %mul3A_1709 : vector<16xf32>
        %gather3A_1711 = tpu.vector_load_idx %arg5[%add3A_1648] : memref<32768xf32, #tpu.memory_space<vmem>>[vector<16xi32>], vector<16xf32>,
        %mul3A_1712 = arith.mulf %gather3A_1711, %mul3A_1659 : vector<16xf32>
        %gather3A_1713 = tpu.vector_load_idx %arg5[%add3A_1651] : memref<32768xf32, #tpu.memory_space<vmem>>[vector<16xi32>], vector<16xf32>,
        %mul3A_1714 = arith.mulf %gather3A_1713, %mul3A_1661 : vector<16xf32>
        %add3A_1715 = arith.addf %mul3A_1712, %mul3A_1714 : vector<16xf32>
        %gather3A_1716 = tpu.vector_load_idx %arg5[%add3A_1654] : memref<32768xf32, #tpu.memory_space<vmem>>[vector<16xi32>], vector<16xf32>,
        %mul3A_1717 = arith.mulf %gather3A_1716, %mul3A_1663 : vector<16xf32>
        %add3A_1718 = arith.addf %add3A_1715, %mul3A_1717 : vector<16xf32>
        %gather3A_1719 = tpu.vector_load_idx %arg5[%add3A_1657] : memref<32768xf32, #tpu.memory_space<vmem>>[vector<16xi32>], vector<16xf32>,
        %mul3A_1720 = arith.mulf %gather3A_1719, %mul3A_1665 : vector<16xf32>
        %add3A_1721 = arith.addf %add3A_1718, %mul3A_1720 : vector<16xf32>
        %swap3A_1722 = arith.constant 2 : i32
        %swap3A_1723 = arith.index_cast %swap3A_1722 : i32 to index
        %swap3A_1724 = arith.index_cast %add3A_1669 : i32 to index
        %swap3A_1725 = tpu.vector_load %arg6[%swap3A_1723, %swap3A_1724] {strides = array<i32>} : memref<4x4096xf32, #tpu.memory_space<vmem>>, vector<16xf32>,
        tpu.vector_store %arg6[%swap3A_1723, %swap3A_1724], %add3A_1710 {strides = array<i32>} : memref<4x4096xf32, #tpu.memory_space<vmem>>, vector<16xf32>,
        %swap3A_1726 = arith.constant 3 : i32
        %swap3A_1727 = arith.index_cast %swap3A_1726 : i32 to index
        %swap3A_1728 = arith.index_cast %add3A_1669 : i32 to index
        %swap3A_1729 = tpu.vector_load %arg6[%swap3A_1727, %swap3A_1728] {strides = array<i32>} : memref<4x4096xf32, #tpu.memory_space<vmem>>, vector<16xf32>,
        tpu.vector_store %arg6[%swap3A_1727, %swap3A_1728], %add3A_1721 {strides = array<i32>} : memref<4x4096xf32, #tpu.memory_space<vmem>>, vector<16xf32>,
        %add3A_1730 = arith.constant 384 : i32
        %add3A_1731 = vector.broadcast %add3A_1730 : i32 to vector<16xi32>
        %add3A_1732 = arith.addi %add3A_74, %add3A_1731 : vector<16xi32>
        %mul3A_1733 = vector.broadcast %convert_element_type3A : i32 to vector<16xi32>
        %mul3A_1734 = arith.muli %add3A_1732, %mul3A_1733 : vector<16xi32>
        %shift_right_arithmetic3A_1735 = arith.constant 9 : i32
        %shift_right_arithmetic3A_1736 = vector.broadcast %shift_right_arithmetic3A_1735 : i32 to vector<16xi32>
        %shift_right_arithmetic3A_1737 = arith.shrsi %mul3A_1734, %shift_right_arithmetic3A_1736 : vector<16xi32>
        %convert_element_type3A_1738 = arith.sitofp %mul3A_1734 : vector<16xi32> to vector<16xf32>
        %mul3A_1739 = vector.broadcast %scan3A_75 : f32 to vector<16xf32>
        %mul3A_1740 = arith.mulf %convert_element_type3A_1738, %mul3A_1739 : vector<16xf32>
        %convert_element_type3A_1741 = arith.sitofp %shift_right_arithmetic3A_1737 : vector<16xi32> to vector<16xf32>
        %sub3A_1742 = arith.subf %mul3A_1740, %convert_element_type3A_1741 : vector<16xf32>
        %sub3A_1743 = vector.broadcast %scan3A_76 : f32 to vector<16xf32>
        %sub3A_1744 = arith.subf %sub3A_1743, %sub3A_1742 : vector<16xf32>
        %add3A_1745 = arith.constant 1 : i32
        %add3A_1746 = vector.broadcast %add3A_1745 : i32 to vector<16xi32>
        %add3A_1747 = arith.addi %shift_right_arithmetic3A_1737, %add3A_1746 : vector<16xi32>
        %xor3A_1748 = vector.broadcast %mul3A_122 : i32 to vector<16xi32>
        %xor3A_1749 = arith.xori %shift_right_arithmetic3A_1737, %xor3A_1748 : vector<16xi32>
        %and3A_1750 = arith.constant 16383 : i32
        %and3A_1751 = vector.broadcast %and3A_1750 : i32 to vector<16xi32>
        %and3A_1752 = arith.andi %xor3A_1749, %and3A_1751 : vector<16xi32>
        %shift_left3A_1753 = arith.constant 1 : i32
        %shift_left3A_1754 = vector.broadcast %shift_left3A_1753 : i32 to vector<16xi32>
        %shift_left3A_1755 = arith.shli %and3A_1752, %shift_left3A_1754 : vector<16xi32>
        %xor3A_1756 = vector.broadcast %mul3A_122 : i32 to vector<16xi32>
        %xor3A_1757 = arith.xori %add3A_1747, %xor3A_1756 : vector<16xi32>
        %and3A_1758 = arith.constant 16383 : i32
        %and3A_1759 = vector.broadcast %and3A_1758 : i32 to vector<16xi32>
        %and3A_1760 = arith.andi %xor3A_1757, %and3A_1759 : vector<16xi32>
        %shift_left3A_1761 = arith.constant 1 : i32
        %shift_left3A_1762 = vector.broadcast %shift_left3A_1761 : i32 to vector<16xi32>
        %shift_left3A_1763 = arith.shli %and3A_1760, %shift_left3A_1762 : vector<16xi32>
        %xor3A_1764 = vector.broadcast %mul3A_125 : i32 to vector<16xi32>
        %xor3A_1765 = arith.xori %shift_right_arithmetic3A_1737, %xor3A_1764 : vector<16xi32>
        %and3A_1766 = arith.constant 16383 : i32
        %and3A_1767 = vector.broadcast %and3A_1766 : i32 to vector<16xi32>
        %and3A_1768 = arith.andi %xor3A_1765, %and3A_1767 : vector<16xi32>
        %shift_left3A_1769 = arith.constant 1 : i32
        %shift_left3A_1770 = vector.broadcast %shift_left3A_1769 : i32 to vector<16xi32>
        %shift_left3A_1771 = arith.shli %and3A_1768, %shift_left3A_1770 : vector<16xi32>
        %xor3A_1772 = vector.broadcast %mul3A_125 : i32 to vector<16xi32>
        %xor3A_1773 = arith.xori %add3A_1747, %xor3A_1772 : vector<16xi32>
        %and3A_1774 = arith.constant 16383 : i32
        %and3A_1775 = vector.broadcast %and3A_1774 : i32 to vector<16xi32>
        %and3A_1776 = arith.andi %xor3A_1773, %and3A_1775 : vector<16xi32>
        %shift_left3A_1777 = arith.constant 1 : i32
        %shift_left3A_1778 = vector.broadcast %shift_left3A_1777 : i32 to vector<16xi32>
        %shift_left3A_1779 = arith.shli %and3A_1776, %shift_left3A_1778 : vector<16xi32>
        %add3A_1780 = arith.constant 1 : i32
        %add3A_1781 = vector.broadcast %add3A_1780 : i32 to vector<16xi32>
        %add3A_1782 = arith.addi %shift_left3A_1755, %add3A_1781 : vector<16xi32>
        %add3A_1783 = arith.constant 1 : i32
        %add3A_1784 = vector.broadcast %add3A_1783 : i32 to vector<16xi32>
        %add3A_1785 = arith.addi %shift_left3A_1763, %add3A_1784 : vector<16xi32>
        %add3A_1786 = arith.constant 1 : i32
        %add3A_1787 = vector.broadcast %add3A_1786 : i32 to vector<16xi32>
        %add3A_1788 = arith.addi %shift_left3A_1771, %add3A_1787 : vector<16xi32>
        %add3A_1789 = arith.constant 1 : i32
        %add3A_1790 = vector.broadcast %add3A_1789 : i32 to vector<16xi32>
        %add3A_1791 = arith.addi %shift_left3A_1779, %add3A_1790 : vector<16xi32>
        %mul3A_1792 = vector.broadcast %sub3A_121 : f32 to vector<16xf32>
        %mul3A_1793 = arith.mulf %sub3A_1744, %mul3A_1792 : vector<16xf32>
        %mul3A_1794 = vector.broadcast %sub3A_121 : f32 to vector<16xf32>
        %mul3A_1795 = arith.mulf %sub3A_1742, %mul3A_1794 : vector<16xf32>
        %mul3A_1796 = vector.broadcast %sub3A : f32 to vector<16xf32>
        %mul3A_1797 = arith.mulf %sub3A_1744, %mul3A_1796 : vector<16xf32>
        %mul3A_1798 = vector.broadcast %sub3A : f32 to vector<16xf32>
        %mul3A_1799 = arith.mulf %sub3A_1742, %mul3A_1798 : vector<16xf32>
        %mul3A_1800 = arith.constant 256 : i32
        %mul3A_1801 = arith.muli %scan3A_107, %mul3A_1800 : i32
        %add3A_1802 = arith.constant 192 : i32
        %add3A_1803 = arith.addi %mul3A_1801, %add3A_1802 : i32
        %gather3A_1804 = tpu.vector_load_idx %arg4[%shift_left3A_1755] : memref<32768xf32, #tpu.memory_space<vmem>>[vector<16xi32>], vector<16xf32>,
        %mul3A_1805 = arith.mulf %gather3A_1804, %mul3A_1793 : vector<16xf32>
        %gather3A_1806 = tpu.vector_load_idx %arg4[%shift_left3A_1763] : memref<32768xf32, #tpu.memory_space<vmem>>[vector<16xi32>], vector<16xf32>,
        %mul3A_1807 = arith.mulf %gather3A_1806, %mul3A_1795 : vector<16xf32>
        %add3A_1808 = arith.addf %mul3A_1805, %mul3A_1807 : vector<16xf32>
        %gather3A_1809 = tpu.vector_load_idx %arg4[%shift_left3A_1771] : memref<32768xf32, #tpu.memory_space<vmem>>[vector<16xi32>], vector<16xf32>,
        %mul3A_1810 = arith.mulf %gather3A_1809, %mul3A_1797 : vector<16xf32>
        %add3A_1811 = arith.addf %add3A_1808, %mul3A_1810 : vector<16xf32>
        %gather3A_1812 = tpu.vector_load_idx %arg4[%shift_left3A_1779] : memref<32768xf32, #tpu.memory_space<vmem>>[vector<16xi32>], vector<16xf32>,
        %mul3A_1813 = arith.mulf %gather3A_1812, %mul3A_1799 : vector<16xf32>
        %add3A_1814 = arith.addf %add3A_1811, %mul3A_1813 : vector<16xf32>
        %gather3A_1815 = tpu.vector_load_idx %arg4[%add3A_1782] : memref<32768xf32, #tpu.memory_space<vmem>>[vector<16xi32>], vector<16xf32>,
        %mul3A_1816 = arith.mulf %gather3A_1815, %mul3A_1793 : vector<16xf32>
        %gather3A_1817 = tpu.vector_load_idx %arg4[%add3A_1785] : memref<32768xf32, #tpu.memory_space<vmem>>[vector<16xi32>], vector<16xf32>,
        %mul3A_1818 = arith.mulf %gather3A_1817, %mul3A_1795 : vector<16xf32>
        %add3A_1819 = arith.addf %mul3A_1816, %mul3A_1818 : vector<16xf32>
        %gather3A_1820 = tpu.vector_load_idx %arg4[%add3A_1788] : memref<32768xf32, #tpu.memory_space<vmem>>[vector<16xi32>], vector<16xf32>,
        %mul3A_1821 = arith.mulf %gather3A_1820, %mul3A_1797 : vector<16xf32>
        %add3A_1822 = arith.addf %add3A_1819, %mul3A_1821 : vector<16xf32>
        %gather3A_1823 = tpu.vector_load_idx %arg4[%add3A_1791] : memref<32768xf32, #tpu.memory_space<vmem>>[vector<16xi32>], vector<16xf32>,
        %mul3A_1824 = arith.mulf %gather3A_1823, %mul3A_1799 : vector<16xf32>
        %add3A_1825 = arith.addf %add3A_1822, %mul3A_1824 : vector<16xf32>
        %swap3A_1826 = arith.constant 0 : i32
        %swap3A_1827 = arith.index_cast %swap3A_1826 : i32 to index
        %swap3A_1828 = arith.index_cast %add3A_1803 : i32 to index
        %swap3A_1829 = tpu.vector_load %arg6[%swap3A_1827, %swap3A_1828] {strides = array<i32>} : memref<4x4096xf32, #tpu.memory_space<vmem>>, vector<16xf32>,
        tpu.vector_store %arg6[%swap3A_1827, %swap3A_1828], %add3A_1814 {strides = array<i32>} : memref<4x4096xf32, #tpu.memory_space<vmem>>, vector<16xf32>,
        %swap3A_1830 = arith.constant 1 : i32
        %swap3A_1831 = arith.index_cast %swap3A_1830 : i32 to index
        %swap3A_1832 = arith.index_cast %add3A_1803 : i32 to index
        %swap3A_1833 = tpu.vector_load %arg6[%swap3A_1831, %swap3A_1832] {strides = array<i32>} : memref<4x4096xf32, #tpu.memory_space<vmem>>, vector<16xf32>,
        tpu.vector_store %arg6[%swap3A_1831, %swap3A_1832], %add3A_1825 {strides = array<i32>} : memref<4x4096xf32, #tpu.memory_space<vmem>>, vector<16xf32>,
        %gather3A_1834 = tpu.vector_load_idx %arg5[%shift_left3A_1755] : memref<32768xf32, #tpu.memory_space<vmem>>[vector<16xi32>], vector<16xf32>,
        %mul3A_1835 = arith.mulf %gather3A_1834, %mul3A_1793 : vector<16xf32>
        %gather3A_1836 = tpu.vector_load_idx %arg5[%shift_left3A_1763] : memref<32768xf32, #tpu.memory_space<vmem>>[vector<16xi32>], vector<16xf32>,
        %mul3A_1837 = arith.mulf %gather3A_1836, %mul3A_1795 : vector<16xf32>
        %add3A_1838 = arith.addf %mul3A_1835, %mul3A_1837 : vector<16xf32>
        %gather3A_1839 = tpu.vector_load_idx %arg5[%shift_left3A_1771] : memref<32768xf32, #tpu.memory_space<vmem>>[vector<16xi32>], vector<16xf32>,
        %mul3A_1840 = arith.mulf %gather3A_1839, %mul3A_1797 : vector<16xf32>
        %add3A_1841 = arith.addf %add3A_1838, %mul3A_1840 : vector<16xf32>
        %gather3A_1842 = tpu.vector_load_idx %arg5[%shift_left3A_1779] : memref<32768xf32, #tpu.memory_space<vmem>>[vector<16xi32>], vector<16xf32>,
        %mul3A_1843 = arith.mulf %gather3A_1842, %mul3A_1799 : vector<16xf32>
        %add3A_1844 = arith.addf %add3A_1841, %mul3A_1843 : vector<16xf32>
        %gather3A_1845 = tpu.vector_load_idx %arg5[%add3A_1782] : memref<32768xf32, #tpu.memory_space<vmem>>[vector<16xi32>], vector<16xf32>,
        %mul3A_1846 = arith.mulf %gather3A_1845, %mul3A_1793 : vector<16xf32>
        %gather3A_1847 = tpu.vector_load_idx %arg5[%add3A_1785] : memref<32768xf32, #tpu.memory_space<vmem>>[vector<16xi32>], vector<16xf32>,
        %mul3A_1848 = arith.mulf %gather3A_1847, %mul3A_1795 : vector<16xf32>
        %add3A_1849 = arith.addf %mul3A_1846, %mul3A_1848 : vector<16xf32>
        %gather3A_1850 = tpu.vector_load_idx %arg5[%add3A_1788] : memref<32768xf32, #tpu.memory_space<vmem>>[vector<16xi32>], vector<16xf32>,
        %mul3A_1851 = arith.mulf %gather3A_1850, %mul3A_1797 : vector<16xf32>
        %add3A_1852 = arith.addf %add3A_1849, %mul3A_1851 : vector<16xf32>
        %gather3A_1853 = tpu.vector_load_idx %arg5[%add3A_1791] : memref<32768xf32, #tpu.memory_space<vmem>>[vector<16xi32>], vector<16xf32>,
        %mul3A_1854 = arith.mulf %gather3A_1853, %mul3A_1799 : vector<16xf32>
        %add3A_1855 = arith.addf %add3A_1852, %mul3A_1854 : vector<16xf32>
        %swap3A_1856 = arith.constant 2 : i32
        %swap3A_1857 = arith.index_cast %swap3A_1856 : i32 to index
        %swap3A_1858 = arith.index_cast %add3A_1803 : i32 to index
        %swap3A_1859 = tpu.vector_load %arg6[%swap3A_1857, %swap3A_1858] {strides = array<i32>} : memref<4x4096xf32, #tpu.memory_space<vmem>>, vector<16xf32>,
        tpu.vector_store %arg6[%swap3A_1857, %swap3A_1858], %add3A_1844 {strides = array<i32>} : memref<4x4096xf32, #tpu.memory_space<vmem>>, vector<16xf32>,
        %swap3A_1860 = arith.constant 3 : i32
        %swap3A_1861 = arith.index_cast %swap3A_1860 : i32 to index
        %swap3A_1862 = arith.index_cast %add3A_1803 : i32 to index
        %swap3A_1863 = tpu.vector_load %arg6[%swap3A_1861, %swap3A_1862] {strides = array<i32>} : memref<4x4096xf32, #tpu.memory_space<vmem>>, vector<16xf32>,
        tpu.vector_store %arg6[%swap3A_1861, %swap3A_1862], %add3A_1855 {strides = array<i32>} : memref<4x4096xf32, #tpu.memory_space<vmem>>, vector<16xf32>,
        %add3A_1864 = arith.constant 416 : i32
        %add3A_1865 = vector.broadcast %add3A_1864 : i32 to vector<16xi32>
        %add3A_1866 = arith.addi %add3A_74, %add3A_1865 : vector<16xi32>
        %mul3A_1867 = vector.broadcast %convert_element_type3A : i32 to vector<16xi32>
        %mul3A_1868 = arith.muli %add3A_1866, %mul3A_1867 : vector<16xi32>
        %shift_right_arithmetic3A_1869 = arith.constant 9 : i32
        %shift_right_arithmetic3A_1870 = vector.broadcast %shift_right_arithmetic3A_1869 : i32 to vector<16xi32>
        %shift_right_arithmetic3A_1871 = arith.shrsi %mul3A_1868, %shift_right_arithmetic3A_1870 : vector<16xi32>
        %convert_element_type3A_1872 = arith.sitofp %mul3A_1868 : vector<16xi32> to vector<16xf32>
        %mul3A_1873 = vector.broadcast %scan3A_75 : f32 to vector<16xf32>
        %mul3A_1874 = arith.mulf %convert_element_type3A_1872, %mul3A_1873 : vector<16xf32>
        %convert_element_type3A_1875 = arith.sitofp %shift_right_arithmetic3A_1871 : vector<16xi32> to vector<16xf32>
        %sub3A_1876 = arith.subf %mul3A_1874, %convert_element_type3A_1875 : vector<16xf32>
        %sub3A_1877 = vector.broadcast %scan3A_76 : f32 to vector<16xf32>
        %sub3A_1878 = arith.subf %sub3A_1877, %sub3A_1876 : vector<16xf32>
        %add3A_1879 = arith.constant 1 : i32
        %add3A_1880 = vector.broadcast %add3A_1879 : i32 to vector<16xi32>
        %add3A_1881 = arith.addi %shift_right_arithmetic3A_1871, %add3A_1880 : vector<16xi32>
        %xor3A_1882 = vector.broadcast %mul3A_122 : i32 to vector<16xi32>
        %xor3A_1883 = arith.xori %shift_right_arithmetic3A_1871, %xor3A_1882 : vector<16xi32>
        %and3A_1884 = arith.constant 16383 : i32
        %and3A_1885 = vector.broadcast %and3A_1884 : i32 to vector<16xi32>
        %and3A_1886 = arith.andi %xor3A_1883, %and3A_1885 : vector<16xi32>
        %shift_left3A_1887 = arith.constant 1 : i32
        %shift_left3A_1888 = vector.broadcast %shift_left3A_1887 : i32 to vector<16xi32>
        %shift_left3A_1889 = arith.shli %and3A_1886, %shift_left3A_1888 : vector<16xi32>
        %xor3A_1890 = vector.broadcast %mul3A_122 : i32 to vector<16xi32>
        %xor3A_1891 = arith.xori %add3A_1881, %xor3A_1890 : vector<16xi32>
        %and3A_1892 = arith.constant 16383 : i32
        %and3A_1893 = vector.broadcast %and3A_1892 : i32 to vector<16xi32>
        %and3A_1894 = arith.andi %xor3A_1891, %and3A_1893 : vector<16xi32>
        %shift_left3A_1895 = arith.constant 1 : i32
        %shift_left3A_1896 = vector.broadcast %shift_left3A_1895 : i32 to vector<16xi32>
        %shift_left3A_1897 = arith.shli %and3A_1894, %shift_left3A_1896 : vector<16xi32>
        %xor3A_1898 = vector.broadcast %mul3A_125 : i32 to vector<16xi32>
        %xor3A_1899 = arith.xori %shift_right_arithmetic3A_1871, %xor3A_1898 : vector<16xi32>
        %and3A_1900 = arith.constant 16383 : i32
        %and3A_1901 = vector.broadcast %and3A_1900 : i32 to vector<16xi32>
        %and3A_1902 = arith.andi %xor3A_1899, %and3A_1901 : vector<16xi32>
        %shift_left3A_1903 = arith.constant 1 : i32
        %shift_left3A_1904 = vector.broadcast %shift_left3A_1903 : i32 to vector<16xi32>
        %shift_left3A_1905 = arith.shli %and3A_1902, %shift_left3A_1904 : vector<16xi32>
        %xor3A_1906 = vector.broadcast %mul3A_125 : i32 to vector<16xi32>
        %xor3A_1907 = arith.xori %add3A_1881, %xor3A_1906 : vector<16xi32>
        %and3A_1908 = arith.constant 16383 : i32
        %and3A_1909 = vector.broadcast %and3A_1908 : i32 to vector<16xi32>
        %and3A_1910 = arith.andi %xor3A_1907, %and3A_1909 : vector<16xi32>
        %shift_left3A_1911 = arith.constant 1 : i32
        %shift_left3A_1912 = vector.broadcast %shift_left3A_1911 : i32 to vector<16xi32>
        %shift_left3A_1913 = arith.shli %and3A_1910, %shift_left3A_1912 : vector<16xi32>
        %add3A_1914 = arith.constant 1 : i32
        %add3A_1915 = vector.broadcast %add3A_1914 : i32 to vector<16xi32>
        %add3A_1916 = arith.addi %shift_left3A_1889, %add3A_1915 : vector<16xi32>
        %add3A_1917 = arith.constant 1 : i32
        %add3A_1918 = vector.broadcast %add3A_1917 : i32 to vector<16xi32>
        %add3A_1919 = arith.addi %shift_left3A_1897, %add3A_1918 : vector<16xi32>
        %add3A_1920 = arith.constant 1 : i32
        %add3A_1921 = vector.broadcast %add3A_1920 : i32 to vector<16xi32>
        %add3A_1922 = arith.addi %shift_left3A_1905, %add3A_1921 : vector<16xi32>
        %add3A_1923 = arith.constant 1 : i32
        %add3A_1924 = vector.broadcast %add3A_1923 : i32 to vector<16xi32>
        %add3A_1925 = arith.addi %shift_left3A_1913, %add3A_1924 : vector<16xi32>
        %mul3A_1926 = vector.broadcast %sub3A_121 : f32 to vector<16xf32>
        %mul3A_1927 = arith.mulf %sub3A_1878, %mul3A_1926 : vector<16xf32>
        %mul3A_1928 = vector.broadcast %sub3A_121 : f32 to vector<16xf32>
        %mul3A_1929 = arith.mulf %sub3A_1876, %mul3A_1928 : vector<16xf32>
        %mul3A_1930 = vector.broadcast %sub3A : f32 to vector<16xf32>
        %mul3A_1931 = arith.mulf %sub3A_1878, %mul3A_1930 : vector<16xf32>
        %mul3A_1932 = vector.broadcast %sub3A : f32 to vector<16xf32>
        %mul3A_1933 = arith.mulf %sub3A_1876, %mul3A_1932 : vector<16xf32>
        %mul3A_1934 = arith.constant 256 : i32
        %mul3A_1935 = arith.muli %scan3A_107, %mul3A_1934 : i32
        %add3A_1936 = arith.constant 208 : i32
        %add3A_1937 = arith.addi %mul3A_1935, %add3A_1936 : i32
        %gather3A_1938 = tpu.vector_load_idx %arg4[%shift_left3A_1889] : memref<32768xf32, #tpu.memory_space<vmem>>[vector<16xi32>], vector<16xf32>,
        %mul3A_1939 = arith.mulf %gather3A_1938, %mul3A_1927 : vector<16xf32>
        %gather3A_1940 = tpu.vector_load_idx %arg4[%shift_left3A_1897] : memref<32768xf32, #tpu.memory_space<vmem>>[vector<16xi32>], vector<16xf32>,
        %mul3A_1941 = arith.mulf %gather3A_1940, %mul3A_1929 : vector<16xf32>
        %add3A_1942 = arith.addf %mul3A_1939, %mul3A_1941 : vector<16xf32>
        %gather3A_1943 = tpu.vector_load_idx %arg4[%shift_left3A_1905] : memref<32768xf32, #tpu.memory_space<vmem>>[vector<16xi32>], vector<16xf32>,
        %mul3A_1944 = arith.mulf %gather3A_1943, %mul3A_1931 : vector<16xf32>
        %add3A_1945 = arith.addf %add3A_1942, %mul3A_1944 : vector<16xf32>
        %gather3A_1946 = tpu.vector_load_idx %arg4[%shift_left3A_1913] : memref<32768xf32, #tpu.memory_space<vmem>>[vector<16xi32>], vector<16xf32>,
        %mul3A_1947 = arith.mulf %gather3A_1946, %mul3A_1933 : vector<16xf32>
        %add3A_1948 = arith.addf %add3A_1945, %mul3A_1947 : vector<16xf32>
        %gather3A_1949 = tpu.vector_load_idx %arg4[%add3A_1916] : memref<32768xf32, #tpu.memory_space<vmem>>[vector<16xi32>], vector<16xf32>,
        %mul3A_1950 = arith.mulf %gather3A_1949, %mul3A_1927 : vector<16xf32>
        %gather3A_1951 = tpu.vector_load_idx %arg4[%add3A_1919] : memref<32768xf32, #tpu.memory_space<vmem>>[vector<16xi32>], vector<16xf32>,
        %mul3A_1952 = arith.mulf %gather3A_1951, %mul3A_1929 : vector<16xf32>
        %add3A_1953 = arith.addf %mul3A_1950, %mul3A_1952 : vector<16xf32>
        %gather3A_1954 = tpu.vector_load_idx %arg4[%add3A_1922] : memref<32768xf32, #tpu.memory_space<vmem>>[vector<16xi32>], vector<16xf32>,
        %mul3A_1955 = arith.mulf %gather3A_1954, %mul3A_1931 : vector<16xf32>
        %add3A_1956 = arith.addf %add3A_1953, %mul3A_1955 : vector<16xf32>
        %gather3A_1957 = tpu.vector_load_idx %arg4[%add3A_1925] : memref<32768xf32, #tpu.memory_space<vmem>>[vector<16xi32>], vector<16xf32>,
        %mul3A_1958 = arith.mulf %gather3A_1957, %mul3A_1933 : vector<16xf32>
        %add3A_1959 = arith.addf %add3A_1956, %mul3A_1958 : vector<16xf32>
        %swap3A_1960 = arith.constant 0 : i32
        %swap3A_1961 = arith.index_cast %swap3A_1960 : i32 to index
        %swap3A_1962 = arith.index_cast %add3A_1937 : i32 to index
        %swap3A_1963 = tpu.vector_load %arg6[%swap3A_1961, %swap3A_1962] {strides = array<i32>} : memref<4x4096xf32, #tpu.memory_space<vmem>>, vector<16xf32>,
        tpu.vector_store %arg6[%swap3A_1961, %swap3A_1962], %add3A_1948 {strides = array<i32>} : memref<4x4096xf32, #tpu.memory_space<vmem>>, vector<16xf32>,
        %swap3A_1964 = arith.constant 1 : i32
        %swap3A_1965 = arith.index_cast %swap3A_1964 : i32 to index
        %swap3A_1966 = arith.index_cast %add3A_1937 : i32 to index
        %swap3A_1967 = tpu.vector_load %arg6[%swap3A_1965, %swap3A_1966] {strides = array<i32>} : memref<4x4096xf32, #tpu.memory_space<vmem>>, vector<16xf32>,
        tpu.vector_store %arg6[%swap3A_1965, %swap3A_1966], %add3A_1959 {strides = array<i32>} : memref<4x4096xf32, #tpu.memory_space<vmem>>, vector<16xf32>,
        %gather3A_1968 = tpu.vector_load_idx %arg5[%shift_left3A_1889] : memref<32768xf32, #tpu.memory_space<vmem>>[vector<16xi32>], vector<16xf32>,
        %mul3A_1969 = arith.mulf %gather3A_1968, %mul3A_1927 : vector<16xf32>
        %gather3A_1970 = tpu.vector_load_idx %arg5[%shift_left3A_1897] : memref<32768xf32, #tpu.memory_space<vmem>>[vector<16xi32>], vector<16xf32>,
        %mul3A_1971 = arith.mulf %gather3A_1970, %mul3A_1929 : vector<16xf32>
        %add3A_1972 = arith.addf %mul3A_1969, %mul3A_1971 : vector<16xf32>
        %gather3A_1973 = tpu.vector_load_idx %arg5[%shift_left3A_1905] : memref<32768xf32, #tpu.memory_space<vmem>>[vector<16xi32>], vector<16xf32>,
        %mul3A_1974 = arith.mulf %gather3A_1973, %mul3A_1931 : vector<16xf32>
        %add3A_1975 = arith.addf %add3A_1972, %mul3A_1974 : vector<16xf32>
        %gather3A_1976 = tpu.vector_load_idx %arg5[%shift_left3A_1913] : memref<32768xf32, #tpu.memory_space<vmem>>[vector<16xi32>], vector<16xf32>,
        %mul3A_1977 = arith.mulf %gather3A_1976, %mul3A_1933 : vector<16xf32>
        %add3A_1978 = arith.addf %add3A_1975, %mul3A_1977 : vector<16xf32>
        %gather3A_1979 = tpu.vector_load_idx %arg5[%add3A_1916] : memref<32768xf32, #tpu.memory_space<vmem>>[vector<16xi32>], vector<16xf32>,
        %mul3A_1980 = arith.mulf %gather3A_1979, %mul3A_1927 : vector<16xf32>
        %gather3A_1981 = tpu.vector_load_idx %arg5[%add3A_1919] : memref<32768xf32, #tpu.memory_space<vmem>>[vector<16xi32>], vector<16xf32>,
        %mul3A_1982 = arith.mulf %gather3A_1981, %mul3A_1929 : vector<16xf32>
        %add3A_1983 = arith.addf %mul3A_1980, %mul3A_1982 : vector<16xf32>
        %gather3A_1984 = tpu.vector_load_idx %arg5[%add3A_1922] : memref<32768xf32, #tpu.memory_space<vmem>>[vector<16xi32>], vector<16xf32>,
        %mul3A_1985 = arith.mulf %gather3A_1984, %mul3A_1931 : vector<16xf32>
        %add3A_1986 = arith.addf %add3A_1983, %mul3A_1985 : vector<16xf32>
        %gather3A_1987 = tpu.vector_load_idx %arg5[%add3A_1925] : memref<32768xf32, #tpu.memory_space<vmem>>[vector<16xi32>], vector<16xf32>,
        %mul3A_1988 = arith.mulf %gather3A_1987, %mul3A_1933 : vector<16xf32>
        %add3A_1989 = arith.addf %add3A_1986, %mul3A_1988 : vector<16xf32>
        %swap3A_1990 = arith.constant 2 : i32
        %swap3A_1991 = arith.index_cast %swap3A_1990 : i32 to index
        %swap3A_1992 = arith.index_cast %add3A_1937 : i32 to index
        %swap3A_1993 = tpu.vector_load %arg6[%swap3A_1991, %swap3A_1992] {strides = array<i32>} : memref<4x4096xf32, #tpu.memory_space<vmem>>, vector<16xf32>,
        tpu.vector_store %arg6[%swap3A_1991, %swap3A_1992], %add3A_1978 {strides = array<i32>} : memref<4x4096xf32, #tpu.memory_space<vmem>>, vector<16xf32>,
        %swap3A_1994 = arith.constant 3 : i32
        %swap3A_1995 = arith.index_cast %swap3A_1994 : i32 to index
        %swap3A_1996 = arith.index_cast %add3A_1937 : i32 to index
        %swap3A_1997 = tpu.vector_load %arg6[%swap3A_1995, %swap3A_1996] {strides = array<i32>} : memref<4x4096xf32, #tpu.memory_space<vmem>>, vector<16xf32>,
        tpu.vector_store %arg6[%swap3A_1995, %swap3A_1996], %add3A_1989 {strides = array<i32>} : memref<4x4096xf32, #tpu.memory_space<vmem>>, vector<16xf32>,
        %add3A_1998 = arith.constant 448 : i32
        %add3A_1999 = vector.broadcast %add3A_1998 : i32 to vector<16xi32>
        %add3A_2000 = arith.addi %add3A_74, %add3A_1999 : vector<16xi32>
        %mul3A_2001 = vector.broadcast %convert_element_type3A : i32 to vector<16xi32>
        %mul3A_2002 = arith.muli %add3A_2000, %mul3A_2001 : vector<16xi32>
        %shift_right_arithmetic3A_2003 = arith.constant 9 : i32
        %shift_right_arithmetic3A_2004 = vector.broadcast %shift_right_arithmetic3A_2003 : i32 to vector<16xi32>
        %shift_right_arithmetic3A_2005 = arith.shrsi %mul3A_2002, %shift_right_arithmetic3A_2004 : vector<16xi32>
        %convert_element_type3A_2006 = arith.sitofp %mul3A_2002 : vector<16xi32> to vector<16xf32>
        %mul3A_2007 = vector.broadcast %scan3A_75 : f32 to vector<16xf32>
        %mul3A_2008 = arith.mulf %convert_element_type3A_2006, %mul3A_2007 : vector<16xf32>
        %convert_element_type3A_2009 = arith.sitofp %shift_right_arithmetic3A_2005 : vector<16xi32> to vector<16xf32>
        %sub3A_2010 = arith.subf %mul3A_2008, %convert_element_type3A_2009 : vector<16xf32>
        %sub3A_2011 = vector.broadcast %scan3A_76 : f32 to vector<16xf32>
        %sub3A_2012 = arith.subf %sub3A_2011, %sub3A_2010 : vector<16xf32>
        %add3A_2013 = arith.constant 1 : i32
        %add3A_2014 = vector.broadcast %add3A_2013 : i32 to vector<16xi32>
        %add3A_2015 = arith.addi %shift_right_arithmetic3A_2005, %add3A_2014 : vector<16xi32>
        %xor3A_2016 = vector.broadcast %mul3A_122 : i32 to vector<16xi32>
        %xor3A_2017 = arith.xori %shift_right_arithmetic3A_2005, %xor3A_2016 : vector<16xi32>
        %and3A_2018 = arith.constant 16383 : i32
        %and3A_2019 = vector.broadcast %and3A_2018 : i32 to vector<16xi32>
        %and3A_2020 = arith.andi %xor3A_2017, %and3A_2019 : vector<16xi32>
        %shift_left3A_2021 = arith.constant 1 : i32
        %shift_left3A_2022 = vector.broadcast %shift_left3A_2021 : i32 to vector<16xi32>
        %shift_left3A_2023 = arith.shli %and3A_2020, %shift_left3A_2022 : vector<16xi32>
        %xor3A_2024 = vector.broadcast %mul3A_122 : i32 to vector<16xi32>
        %xor3A_2025 = arith.xori %add3A_2015, %xor3A_2024 : vector<16xi32>
        %and3A_2026 = arith.constant 16383 : i32
        %and3A_2027 = vector.broadcast %and3A_2026 : i32 to vector<16xi32>
        %and3A_2028 = arith.andi %xor3A_2025, %and3A_2027 : vector<16xi32>
        %shift_left3A_2029 = arith.constant 1 : i32
        %shift_left3A_2030 = vector.broadcast %shift_left3A_2029 : i32 to vector<16xi32>
        %shift_left3A_2031 = arith.shli %and3A_2028, %shift_left3A_2030 : vector<16xi32>
        %xor3A_2032 = vector.broadcast %mul3A_125 : i32 to vector<16xi32>
        %xor3A_2033 = arith.xori %shift_right_arithmetic3A_2005, %xor3A_2032 : vector<16xi32>
        %and3A_2034 = arith.constant 16383 : i32
        %and3A_2035 = vector.broadcast %and3A_2034 : i32 to vector<16xi32>
        %and3A_2036 = arith.andi %xor3A_2033, %and3A_2035 : vector<16xi32>
        %shift_left3A_2037 = arith.constant 1 : i32
        %shift_left3A_2038 = vector.broadcast %shift_left3A_2037 : i32 to vector<16xi32>
        %shift_left3A_2039 = arith.shli %and3A_2036, %shift_left3A_2038 : vector<16xi32>
        %xor3A_2040 = vector.broadcast %mul3A_125 : i32 to vector<16xi32>
        %xor3A_2041 = arith.xori %add3A_2015, %xor3A_2040 : vector<16xi32>
        %and3A_2042 = arith.constant 16383 : i32
        %and3A_2043 = vector.broadcast %and3A_2042 : i32 to vector<16xi32>
        %and3A_2044 = arith.andi %xor3A_2041, %and3A_2043 : vector<16xi32>
        %shift_left3A_2045 = arith.constant 1 : i32
        %shift_left3A_2046 = vector.broadcast %shift_left3A_2045 : i32 to vector<16xi32>
        %shift_left3A_2047 = arith.shli %and3A_2044, %shift_left3A_2046 : vector<16xi32>
        %add3A_2048 = arith.constant 1 : i32
        %add3A_2049 = vector.broadcast %add3A_2048 : i32 to vector<16xi32>
        %add3A_2050 = arith.addi %shift_left3A_2023, %add3A_2049 : vector<16xi32>
        %add3A_2051 = arith.constant 1 : i32
        %add3A_2052 = vector.broadcast %add3A_2051 : i32 to vector<16xi32>
        %add3A_2053 = arith.addi %shift_left3A_2031, %add3A_2052 : vector<16xi32>
        %add3A_2054 = arith.constant 1 : i32
        %add3A_2055 = vector.broadcast %add3A_2054 : i32 to vector<16xi32>
        %add3A_2056 = arith.addi %shift_left3A_2039, %add3A_2055 : vector<16xi32>
        %add3A_2057 = arith.constant 1 : i32
        %add3A_2058 = vector.broadcast %add3A_2057 : i32 to vector<16xi32>
        %add3A_2059 = arith.addi %shift_left3A_2047, %add3A_2058 : vector<16xi32>
        %mul3A_2060 = vector.broadcast %sub3A_121 : f32 to vector<16xf32>
        %mul3A_2061 = arith.mulf %sub3A_2012, %mul3A_2060 : vector<16xf32>
        %mul3A_2062 = vector.broadcast %sub3A_121 : f32 to vector<16xf32>
        %mul3A_2063 = arith.mulf %sub3A_2010, %mul3A_2062 : vector<16xf32>
        %mul3A_2064 = vector.broadcast %sub3A : f32 to vector<16xf32>
        %mul3A_2065 = arith.mulf %sub3A_2012, %mul3A_2064 : vector<16xf32>
        %mul3A_2066 = vector.broadcast %sub3A : f32 to vector<16xf32>
        %mul3A_2067 = arith.mulf %sub3A_2010, %mul3A_2066 : vector<16xf32>
        %mul3A_2068 = arith.constant 256 : i32
        %mul3A_2069 = arith.muli %scan3A_107, %mul3A_2068 : i32
        %add3A_2070 = arith.constant 224 : i32
        %add3A_2071 = arith.addi %mul3A_2069, %add3A_2070 : i32
        %gather3A_2072 = tpu.vector_load_idx %arg4[%shift_left3A_2023] : memref<32768xf32, #tpu.memory_space<vmem>>[vector<16xi32>], vector<16xf32>,
        %mul3A_2073 = arith.mulf %gather3A_2072, %mul3A_2061 : vector<16xf32>
        %gather3A_2074 = tpu.vector_load_idx %arg4[%shift_left3A_2031] : memref<32768xf32, #tpu.memory_space<vmem>>[vector<16xi32>], vector<16xf32>,
        %mul3A_2075 = arith.mulf %gather3A_2074, %mul3A_2063 : vector<16xf32>
        %add3A_2076 = arith.addf %mul3A_2073, %mul3A_2075 : vector<16xf32>
        %gather3A_2077 = tpu.vector_load_idx %arg4[%shift_left3A_2039] : memref<32768xf32, #tpu.memory_space<vmem>>[vector<16xi32>], vector<16xf32>,
        %mul3A_2078 = arith.mulf %gather3A_2077, %mul3A_2065 : vector<16xf32>
        %add3A_2079 = arith.addf %add3A_2076, %mul3A_2078 : vector<16xf32>
        %gather3A_2080 = tpu.vector_load_idx %arg4[%shift_left3A_2047] : memref<32768xf32, #tpu.memory_space<vmem>>[vector<16xi32>], vector<16xf32>,
        %mul3A_2081 = arith.mulf %gather3A_2080, %mul3A_2067 : vector<16xf32>
        %add3A_2082 = arith.addf %add3A_2079, %mul3A_2081 : vector<16xf32>
        %gather3A_2083 = tpu.vector_load_idx %arg4[%add3A_2050] : memref<32768xf32, #tpu.memory_space<vmem>>[vector<16xi32>], vector<16xf32>,
        %mul3A_2084 = arith.mulf %gather3A_2083, %mul3A_2061 : vector<16xf32>
        %gather3A_2085 = tpu.vector_load_idx %arg4[%add3A_2053] : memref<32768xf32, #tpu.memory_space<vmem>>[vector<16xi32>], vector<16xf32>,
        %mul3A_2086 = arith.mulf %gather3A_2085, %mul3A_2063 : vector<16xf32>
        %add3A_2087 = arith.addf %mul3A_2084, %mul3A_2086 : vector<16xf32>
        %gather3A_2088 = tpu.vector_load_idx %arg4[%add3A_2056] : memref<32768xf32, #tpu.memory_space<vmem>>[vector<16xi32>], vector<16xf32>,
        %mul3A_2089 = arith.mulf %gather3A_2088, %mul3A_2065 : vector<16xf32>
        %add3A_2090 = arith.addf %add3A_2087, %mul3A_2089 : vector<16xf32>
        %gather3A_2091 = tpu.vector_load_idx %arg4[%add3A_2059] : memref<32768xf32, #tpu.memory_space<vmem>>[vector<16xi32>], vector<16xf32>,
        %mul3A_2092 = arith.mulf %gather3A_2091, %mul3A_2067 : vector<16xf32>
        %add3A_2093 = arith.addf %add3A_2090, %mul3A_2092 : vector<16xf32>
        %swap3A_2094 = arith.constant 0 : i32
        %swap3A_2095 = arith.index_cast %swap3A_2094 : i32 to index
        %swap3A_2096 = arith.index_cast %add3A_2071 : i32 to index
        %swap3A_2097 = tpu.vector_load %arg6[%swap3A_2095, %swap3A_2096] {strides = array<i32>} : memref<4x4096xf32, #tpu.memory_space<vmem>>, vector<16xf32>,
        tpu.vector_store %arg6[%swap3A_2095, %swap3A_2096], %add3A_2082 {strides = array<i32>} : memref<4x4096xf32, #tpu.memory_space<vmem>>, vector<16xf32>,
        %swap3A_2098 = arith.constant 1 : i32
        %swap3A_2099 = arith.index_cast %swap3A_2098 : i32 to index
        %swap3A_2100 = arith.index_cast %add3A_2071 : i32 to index
        %swap3A_2101 = tpu.vector_load %arg6[%swap3A_2099, %swap3A_2100] {strides = array<i32>} : memref<4x4096xf32, #tpu.memory_space<vmem>>, vector<16xf32>,
        tpu.vector_store %arg6[%swap3A_2099, %swap3A_2100], %add3A_2093 {strides = array<i32>} : memref<4x4096xf32, #tpu.memory_space<vmem>>, vector<16xf32>,
        %gather3A_2102 = tpu.vector_load_idx %arg5[%shift_left3A_2023] : memref<32768xf32, #tpu.memory_space<vmem>>[vector<16xi32>], vector<16xf32>,
        %mul3A_2103 = arith.mulf %gather3A_2102, %mul3A_2061 : vector<16xf32>
        %gather3A_2104 = tpu.vector_load_idx %arg5[%shift_left3A_2031] : memref<32768xf32, #tpu.memory_space<vmem>>[vector<16xi32>], vector<16xf32>,
        %mul3A_2105 = arith.mulf %gather3A_2104, %mul3A_2063 : vector<16xf32>
        %add3A_2106 = arith.addf %mul3A_2103, %mul3A_2105 : vector<16xf32>
        %gather3A_2107 = tpu.vector_load_idx %arg5[%shift_left3A_2039] : memref<32768xf32, #tpu.memory_space<vmem>>[vector<16xi32>], vector<16xf32>,
        %mul3A_2108 = arith.mulf %gather3A_2107, %mul3A_2065 : vector<16xf32>
        %add3A_2109 = arith.addf %add3A_2106, %mul3A_2108 : vector<16xf32>
        %gather3A_2110 = tpu.vector_load_idx %arg5[%shift_left3A_2047] : memref<32768xf32, #tpu.memory_space<vmem>>[vector<16xi32>], vector<16xf32>,
        %mul3A_2111 = arith.mulf %gather3A_2110, %mul3A_2067 : vector<16xf32>
        %add3A_2112 = arith.addf %add3A_2109, %mul3A_2111 : vector<16xf32>
        %gather3A_2113 = tpu.vector_load_idx %arg5[%add3A_2050] : memref<32768xf32, #tpu.memory_space<vmem>>[vector<16xi32>], vector<16xf32>,
        %mul3A_2114 = arith.mulf %gather3A_2113, %mul3A_2061 : vector<16xf32>
        %gather3A_2115 = tpu.vector_load_idx %arg5[%add3A_2053] : memref<32768xf32, #tpu.memory_space<vmem>>[vector<16xi32>], vector<16xf32>,
        %mul3A_2116 = arith.mulf %gather3A_2115, %mul3A_2063 : vector<16xf32>
        %add3A_2117 = arith.addf %mul3A_2114, %mul3A_2116 : vector<16xf32>
        %gather3A_2118 = tpu.vector_load_idx %arg5[%add3A_2056] : memref<32768xf32, #tpu.memory_space<vmem>>[vector<16xi32>], vector<16xf32>,
        %mul3A_2119 = arith.mulf %gather3A_2118, %mul3A_2065 : vector<16xf32>
        %add3A_2120 = arith.addf %add3A_2117, %mul3A_2119 : vector<16xf32>
        %gather3A_2121 = tpu.vector_load_idx %arg5[%add3A_2059] : memref<32768xf32, #tpu.memory_space<vmem>>[vector<16xi32>], vector<16xf32>,
        %mul3A_2122 = arith.mulf %gather3A_2121, %mul3A_2067 : vector<16xf32>
        %add3A_2123 = arith.addf %add3A_2120, %mul3A_2122 : vector<16xf32>
        %swap3A_2124 = arith.constant 2 : i32
        %swap3A_2125 = arith.index_cast %swap3A_2124 : i32 to index
        %swap3A_2126 = arith.index_cast %add3A_2071 : i32 to index
        %swap3A_2127 = tpu.vector_load %arg6[%swap3A_2125, %swap3A_2126] {strides = array<i32>} : memref<4x4096xf32, #tpu.memory_space<vmem>>, vector<16xf32>,
        tpu.vector_store %arg6[%swap3A_2125, %swap3A_2126], %add3A_2112 {strides = array<i32>} : memref<4x4096xf32, #tpu.memory_space<vmem>>, vector<16xf32>,
        %swap3A_2128 = arith.constant 3 : i32
        %swap3A_2129 = arith.index_cast %swap3A_2128 : i32 to index
        %swap3A_2130 = arith.index_cast %add3A_2071 : i32 to index
        %swap3A_2131 = tpu.vector_load %arg6[%swap3A_2129, %swap3A_2130] {strides = array<i32>} : memref<4x4096xf32, #tpu.memory_space<vmem>>, vector<16xf32>,
        tpu.vector_store %arg6[%swap3A_2129, %swap3A_2130], %add3A_2123 {strides = array<i32>} : memref<4x4096xf32, #tpu.memory_space<vmem>>, vector<16xf32>,
        %add3A_2132 = arith.constant 480 : i32
        %add3A_2133 = vector.broadcast %add3A_2132 : i32 to vector<16xi32>
        %add3A_2134 = arith.addi %add3A_74, %add3A_2133 : vector<16xi32>
        %mul3A_2135 = vector.broadcast %convert_element_type3A : i32 to vector<16xi32>
        %mul3A_2136 = arith.muli %add3A_2134, %mul3A_2135 : vector<16xi32>
        %shift_right_arithmetic3A_2137 = arith.constant 9 : i32
        %shift_right_arithmetic3A_2138 = vector.broadcast %shift_right_arithmetic3A_2137 : i32 to vector<16xi32>
        %shift_right_arithmetic3A_2139 = arith.shrsi %mul3A_2136, %shift_right_arithmetic3A_2138 : vector<16xi32>
        %convert_element_type3A_2140 = arith.sitofp %mul3A_2136 : vector<16xi32> to vector<16xf32>
        %mul3A_2141 = vector.broadcast %scan3A_75 : f32 to vector<16xf32>
        %mul3A_2142 = arith.mulf %convert_element_type3A_2140, %mul3A_2141 : vector<16xf32>
        %convert_element_type3A_2143 = arith.sitofp %shift_right_arithmetic3A_2139 : vector<16xi32> to vector<16xf32>
        %sub3A_2144 = arith.subf %mul3A_2142, %convert_element_type3A_2143 : vector<16xf32>
        %sub3A_2145 = vector.broadcast %scan3A_76 : f32 to vector<16xf32>
        %sub3A_2146 = arith.subf %sub3A_2145, %sub3A_2144 : vector<16xf32>
        %add3A_2147 = arith.constant 1 : i32
        %add3A_2148 = vector.broadcast %add3A_2147 : i32 to vector<16xi32>
        %add3A_2149 = arith.addi %shift_right_arithmetic3A_2139, %add3A_2148 : vector<16xi32>
        %xor3A_2150 = vector.broadcast %mul3A_122 : i32 to vector<16xi32>
        %xor3A_2151 = arith.xori %shift_right_arithmetic3A_2139, %xor3A_2150 : vector<16xi32>
        %and3A_2152 = arith.constant 16383 : i32
        %and3A_2153 = vector.broadcast %and3A_2152 : i32 to vector<16xi32>
        %and3A_2154 = arith.andi %xor3A_2151, %and3A_2153 : vector<16xi32>
        %shift_left3A_2155 = arith.constant 1 : i32
        %shift_left3A_2156 = vector.broadcast %shift_left3A_2155 : i32 to vector<16xi32>
        %shift_left3A_2157 = arith.shli %and3A_2154, %shift_left3A_2156 : vector<16xi32>
        %xor3A_2158 = vector.broadcast %mul3A_122 : i32 to vector<16xi32>
        %xor3A_2159 = arith.xori %add3A_2149, %xor3A_2158 : vector<16xi32>
        %and3A_2160 = arith.constant 16383 : i32
        %and3A_2161 = vector.broadcast %and3A_2160 : i32 to vector<16xi32>
        %and3A_2162 = arith.andi %xor3A_2159, %and3A_2161 : vector<16xi32>
        %shift_left3A_2163 = arith.constant 1 : i32
        %shift_left3A_2164 = vector.broadcast %shift_left3A_2163 : i32 to vector<16xi32>
        %shift_left3A_2165 = arith.shli %and3A_2162, %shift_left3A_2164 : vector<16xi32>
        %xor3A_2166 = vector.broadcast %mul3A_125 : i32 to vector<16xi32>
        %xor3A_2167 = arith.xori %shift_right_arithmetic3A_2139, %xor3A_2166 : vector<16xi32>
        %and3A_2168 = arith.constant 16383 : i32
        %and3A_2169 = vector.broadcast %and3A_2168 : i32 to vector<16xi32>
        %and3A_2170 = arith.andi %xor3A_2167, %and3A_2169 : vector<16xi32>
        %shift_left3A_2171 = arith.constant 1 : i32
        %shift_left3A_2172 = vector.broadcast %shift_left3A_2171 : i32 to vector<16xi32>
        %shift_left3A_2173 = arith.shli %and3A_2170, %shift_left3A_2172 : vector<16xi32>
        %xor3A_2174 = vector.broadcast %mul3A_125 : i32 to vector<16xi32>
        %xor3A_2175 = arith.xori %add3A_2149, %xor3A_2174 : vector<16xi32>
        %and3A_2176 = arith.constant 16383 : i32
        %and3A_2177 = vector.broadcast %and3A_2176 : i32 to vector<16xi32>
        %and3A_2178 = arith.andi %xor3A_2175, %and3A_2177 : vector<16xi32>
        %shift_left3A_2179 = arith.constant 1 : i32
        %shift_left3A_2180 = vector.broadcast %shift_left3A_2179 : i32 to vector<16xi32>
        %shift_left3A_2181 = arith.shli %and3A_2178, %shift_left3A_2180 : vector<16xi32>
        %add3A_2182 = arith.constant 1 : i32
        %add3A_2183 = vector.broadcast %add3A_2182 : i32 to vector<16xi32>
        %add3A_2184 = arith.addi %shift_left3A_2157, %add3A_2183 : vector<16xi32>
        %add3A_2185 = arith.constant 1 : i32
        %add3A_2186 = vector.broadcast %add3A_2185 : i32 to vector<16xi32>
        %add3A_2187 = arith.addi %shift_left3A_2165, %add3A_2186 : vector<16xi32>
        %add3A_2188 = arith.constant 1 : i32
        %add3A_2189 = vector.broadcast %add3A_2188 : i32 to vector<16xi32>
        %add3A_2190 = arith.addi %shift_left3A_2173, %add3A_2189 : vector<16xi32>
        %add3A_2191 = arith.constant 1 : i32
        %add3A_2192 = vector.broadcast %add3A_2191 : i32 to vector<16xi32>
        %add3A_2193 = arith.addi %shift_left3A_2181, %add3A_2192 : vector<16xi32>
        %mul3A_2194 = vector.broadcast %sub3A_121 : f32 to vector<16xf32>
        %mul3A_2195 = arith.mulf %sub3A_2146, %mul3A_2194 : vector<16xf32>
        %mul3A_2196 = vector.broadcast %sub3A_121 : f32 to vector<16xf32>
        %mul3A_2197 = arith.mulf %sub3A_2144, %mul3A_2196 : vector<16xf32>
        %mul3A_2198 = vector.broadcast %sub3A : f32 to vector<16xf32>
        %mul3A_2199 = arith.mulf %sub3A_2146, %mul3A_2198 : vector<16xf32>
        %mul3A_2200 = vector.broadcast %sub3A : f32 to vector<16xf32>
        %mul3A_2201 = arith.mulf %sub3A_2144, %mul3A_2200 : vector<16xf32>
        %mul3A_2202 = arith.constant 256 : i32
        %mul3A_2203 = arith.muli %scan3A_107, %mul3A_2202 : i32
        %add3A_2204 = arith.constant 240 : i32
        %add3A_2205 = arith.addi %mul3A_2203, %add3A_2204 : i32
        %gather3A_2206 = tpu.vector_load_idx %arg4[%shift_left3A_2157] : memref<32768xf32, #tpu.memory_space<vmem>>[vector<16xi32>], vector<16xf32>,
        %mul3A_2207 = arith.mulf %gather3A_2206, %mul3A_2195 : vector<16xf32>
        %gather3A_2208 = tpu.vector_load_idx %arg4[%shift_left3A_2165] : memref<32768xf32, #tpu.memory_space<vmem>>[vector<16xi32>], vector<16xf32>,
        %mul3A_2209 = arith.mulf %gather3A_2208, %mul3A_2197 : vector<16xf32>
        %add3A_2210 = arith.addf %mul3A_2207, %mul3A_2209 : vector<16xf32>
        %gather3A_2211 = tpu.vector_load_idx %arg4[%shift_left3A_2173] : memref<32768xf32, #tpu.memory_space<vmem>>[vector<16xi32>], vector<16xf32>,
        %mul3A_2212 = arith.mulf %gather3A_2211, %mul3A_2199 : vector<16xf32>
        %add3A_2213 = arith.addf %add3A_2210, %mul3A_2212 : vector<16xf32>
        %gather3A_2214 = tpu.vector_load_idx %arg4[%shift_left3A_2181] : memref<32768xf32, #tpu.memory_space<vmem>>[vector<16xi32>], vector<16xf32>,
        %mul3A_2215 = arith.mulf %gather3A_2214, %mul3A_2201 : vector<16xf32>
        %add3A_2216 = arith.addf %add3A_2213, %mul3A_2215 : vector<16xf32>
        %gather3A_2217 = tpu.vector_load_idx %arg4[%add3A_2184] : memref<32768xf32, #tpu.memory_space<vmem>>[vector<16xi32>], vector<16xf32>,
        %mul3A_2218 = arith.mulf %gather3A_2217, %mul3A_2195 : vector<16xf32>
        %gather3A_2219 = tpu.vector_load_idx %arg4[%add3A_2187] : memref<32768xf32, #tpu.memory_space<vmem>>[vector<16xi32>], vector<16xf32>,
        %mul3A_2220 = arith.mulf %gather3A_2219, %mul3A_2197 : vector<16xf32>
        %add3A_2221 = arith.addf %mul3A_2218, %mul3A_2220 : vector<16xf32>
        %gather3A_2222 = tpu.vector_load_idx %arg4[%add3A_2190] : memref<32768xf32, #tpu.memory_space<vmem>>[vector<16xi32>], vector<16xf32>,
        %mul3A_2223 = arith.mulf %gather3A_2222, %mul3A_2199 : vector<16xf32>
        %add3A_2224 = arith.addf %add3A_2221, %mul3A_2223 : vector<16xf32>
        %gather3A_2225 = tpu.vector_load_idx %arg4[%add3A_2193] : memref<32768xf32, #tpu.memory_space<vmem>>[vector<16xi32>], vector<16xf32>,
        %mul3A_2226 = arith.mulf %gather3A_2225, %mul3A_2201 : vector<16xf32>
        %add3A_2227 = arith.addf %add3A_2224, %mul3A_2226 : vector<16xf32>
        %swap3A_2228 = arith.constant 0 : i32
        %swap3A_2229 = arith.index_cast %swap3A_2228 : i32 to index
        %swap3A_2230 = arith.index_cast %add3A_2205 : i32 to index
        %swap3A_2231 = tpu.vector_load %arg6[%swap3A_2229, %swap3A_2230] {strides = array<i32>} : memref<4x4096xf32, #tpu.memory_space<vmem>>, vector<16xf32>,
        tpu.vector_store %arg6[%swap3A_2229, %swap3A_2230], %add3A_2216 {strides = array<i32>} : memref<4x4096xf32, #tpu.memory_space<vmem>>, vector<16xf32>,
        %swap3A_2232 = arith.constant 1 : i32
        %swap3A_2233 = arith.index_cast %swap3A_2232 : i32 to index
        %swap3A_2234 = arith.index_cast %add3A_2205 : i32 to index
        %swap3A_2235 = tpu.vector_load %arg6[%swap3A_2233, %swap3A_2234] {strides = array<i32>} : memref<4x4096xf32, #tpu.memory_space<vmem>>, vector<16xf32>,
        tpu.vector_store %arg6[%swap3A_2233, %swap3A_2234], %add3A_2227 {strides = array<i32>} : memref<4x4096xf32, #tpu.memory_space<vmem>>, vector<16xf32>,
        %gather3A_2236 = tpu.vector_load_idx %arg5[%shift_left3A_2157] : memref<32768xf32, #tpu.memory_space<vmem>>[vector<16xi32>], vector<16xf32>,
        %mul3A_2237 = arith.mulf %gather3A_2236, %mul3A_2195 : vector<16xf32>
        %gather3A_2238 = tpu.vector_load_idx %arg5[%shift_left3A_2165] : memref<32768xf32, #tpu.memory_space<vmem>>[vector<16xi32>], vector<16xf32>,
        %mul3A_2239 = arith.mulf %gather3A_2238, %mul3A_2197 : vector<16xf32>
        %add3A_2240 = arith.addf %mul3A_2237, %mul3A_2239 : vector<16xf32>
        %gather3A_2241 = tpu.vector_load_idx %arg5[%shift_left3A_2173] : memref<32768xf32, #tpu.memory_space<vmem>>[vector<16xi32>], vector<16xf32>,
        %mul3A_2242 = arith.mulf %gather3A_2241, %mul3A_2199 : vector<16xf32>
        %add3A_2243 = arith.addf %add3A_2240, %mul3A_2242 : vector<16xf32>
        %gather3A_2244 = tpu.vector_load_idx %arg5[%shift_left3A_2181] : memref<32768xf32, #tpu.memory_space<vmem>>[vector<16xi32>], vector<16xf32>,
        %mul3A_2245 = arith.mulf %gather3A_2244, %mul3A_2201 : vector<16xf32>
        %add3A_2246 = arith.addf %add3A_2243, %mul3A_2245 : vector<16xf32>
        %gather3A_2247 = tpu.vector_load_idx %arg5[%add3A_2184] : memref<32768xf32, #tpu.memory_space<vmem>>[vector<16xi32>], vector<16xf32>,
        %mul3A_2248 = arith.mulf %gather3A_2247, %mul3A_2195 : vector<16xf32>
        %gather3A_2249 = tpu.vector_load_idx %arg5[%add3A_2187] : memref<32768xf32, #tpu.memory_space<vmem>>[vector<16xi32>], vector<16xf32>,
        %mul3A_2250 = arith.mulf %gather3A_2249, %mul3A_2197 : vector<16xf32>
        %add3A_2251 = arith.addf %mul3A_2248, %mul3A_2250 : vector<16xf32>
        %gather3A_2252 = tpu.vector_load_idx %arg5[%add3A_2190] : memref<32768xf32, #tpu.memory_space<vmem>>[vector<16xi32>], vector<16xf32>,
        %mul3A_2253 = arith.mulf %gather3A_2252, %mul3A_2199 : vector<16xf32>
        %add3A_2254 = arith.addf %add3A_2251, %mul3A_2253 : vector<16xf32>
        %gather3A_2255 = tpu.vector_load_idx %arg5[%add3A_2193] : memref<32768xf32, #tpu.memory_space<vmem>>[vector<16xi32>], vector<16xf32>,
        %mul3A_2256 = arith.mulf %gather3A_2255, %mul3A_2201 : vector<16xf32>
        %add3A_2257 = arith.addf %add3A_2254, %mul3A_2256 : vector<16xf32>
        %swap3A_2258 = arith.constant 2 : i32
        %swap3A_2259 = arith.index_cast %swap3A_2258 : i32 to index
        %swap3A_2260 = arith.index_cast %add3A_2205 : i32 to index
        %swap3A_2261 = tpu.vector_load %arg6[%swap3A_2259, %swap3A_2260] {strides = array<i32>} : memref<4x4096xf32, #tpu.memory_space<vmem>>, vector<16xf32>,
        tpu.vector_store %arg6[%swap3A_2259, %swap3A_2260], %add3A_2246 {strides = array<i32>} : memref<4x4096xf32, #tpu.memory_space<vmem>>, vector<16xf32>,
        %swap3A_2262 = arith.constant 3 : i32
        %swap3A_2263 = arith.index_cast %swap3A_2262 : i32 to index
        %swap3A_2264 = arith.index_cast %add3A_2205 : i32 to index
        %swap3A_2265 = tpu.vector_load %arg6[%swap3A_2263, %swap3A_2264] {strides = array<i32>} : memref<4x4096xf32, #tpu.memory_space<vmem>>, vector<16xf32>,
        tpu.vector_store %arg6[%swap3A_2263, %swap3A_2264], %add3A_2257 {strides = array<i32>} : memref<4x4096xf32, #tpu.memory_space<vmem>>, vector<16xf32>,
      }
      %scan3A_89 = arith.constant 16 : i32
      %mul3A_90 = arith.constant 4096 : i32
      %mul3A_91 = arith.muli %scan3A_83, %mul3A_90 : i32
      %mul3A_92 = arith.constant 2 : i32
      %mul3A_93 = arith.muli %mul3A_92, %shift_right_arithmetic3A_1 : i32
      %run_scoped3A = arith.constant 0 : i32
      "tpu.region"() ({
        %run_scoped3A_107 = tpu.sem_alloc : memref<!tpu.dma_semaphore, #tpu.memory_space<semaphore_mem>>
        %dma_start3A = arith.constant 0 : i32
        %dma_start3A_108 = tpu.memref_slice %arg6[%run_scoped3A, %dma_start3A] : memref<4x4096xf32, #tpu.memory_space<vmem>> -> memref<1x4096xf32, #tpu.memory_space<vmem>>
        %dma_start3A_109 = tpu.memref_squeeze %dma_start3A_108 : memref<1x4096xf32, #tpu.memory_space<vmem>> -> memref<4096xf32, #tpu.memory_space<vmem>>
        %dma_start3A_110 = tpu.memref_slice %arg3[%mul3A_4, %mul3A_93, %mul3A_91] : memref<4x32x65536xf32, #tpu.memory_space<hbm>> -> memref<1x1x4096xf32, #tpu.memory_space<hbm>>
        %dma_start3A_111 = tpu.memref_squeeze %dma_start3A_110 : memref<1x1x4096xf32, #tpu.memory_space<hbm>> -> memref<4096xf32, #tpu.memory_space<hbm>>
        %dma_start3A_112 = tpu.memref_slice %arg3[%mul3A_4, %mul3A_93, %mul3A_91] : memref<4x32x65536xf32, #tpu.memory_space<hbm>> -> memref<1x1x4096xf32, #tpu.memory_space<hbm>>
        %dma_start3A_113 = tpu.memref_squeeze %dma_start3A_112 : memref<1x1x4096xf32, #tpu.memory_space<hbm>> -> memref<4096xf32, #tpu.memory_space<hbm>>
        %dma_start3A_114 = arith.constant 0 : i32
        %dma_start3A_115 = tpu.memref_slice %arg6[%run_scoped3A, %dma_start3A_114] : memref<4x4096xf32, #tpu.memory_space<vmem>> -> memref<1x4096xf32, #tpu.memory_space<vmem>>
        %dma_start3A_116 = tpu.memref_squeeze %dma_start3A_115 : memref<1x4096xf32, #tpu.memory_space<vmem>> -> memref<4096xf32, #tpu.memory_space<vmem>>
        tpu.enqueue_dma source(%dma_start3A_116 : memref<4096xf32, #tpu.memory_space<vmem>>) target(%dma_start3A_113 : memref<4096xf32, #tpu.memory_space<hbm>>) target_semaphore(%run_scoped3A_107 : memref<!tpu.dma_semaphore, #tpu.memory_space<semaphore_mem>>)
        %dma_wait3A = arith.constant 0 : i32
        %dma_wait3A_117 = tpu.memref_slice %arg6[%run_scoped3A, %dma_wait3A] : memref<4x4096xf32, #tpu.memory_space<vmem>> -> memref<1x4096xf32, #tpu.memory_space<vmem>>
        %dma_wait3A_118 = tpu.memref_squeeze %dma_wait3A_117 : memref<1x4096xf32, #tpu.memory_space<vmem>> -> memref<4096xf32, #tpu.memory_space<vmem>>
        %dma_wait3A_119 = tpu.memref_slice %arg3[%mul3A_4, %mul3A_93, %mul3A_91] : memref<4x32x65536xf32, #tpu.memory_space<hbm>> -> memref<1x1x4096xf32, #tpu.memory_space<hbm>>
        %dma_wait3A_120 = tpu.memref_squeeze %dma_wait3A_119 : memref<1x1x4096xf32, #tpu.memory_space<hbm>> -> memref<4096xf32, #tpu.memory_space<hbm>>
        %dma_wait3A_121 = tpu.memref_slice %arg3[%mul3A_4, %mul3A_93, %mul3A_91] : memref<4x32x65536xf32, #tpu.memory_space<hbm>> -> memref<1x1x4096xf32, #tpu.memory_space<hbm>>
        %dma_wait3A_122 = tpu.memref_squeeze %dma_wait3A_121 : memref<1x1x4096xf32, #tpu.memory_space<hbm>> -> memref<4096xf32, #tpu.memory_space<hbm>>
        %dma_wait3A_123 = arith.constant 0 : i32
        %dma_wait3A_124 = tpu.memref_slice %arg6[%run_scoped3A, %dma_wait3A_123] : memref<4x4096xf32, #tpu.memory_space<vmem>> -> memref<1x4096xf32, #tpu.memory_space<vmem>>
        %dma_wait3A_125 = tpu.memref_squeeze %dma_wait3A_124 : memref<1x4096xf32, #tpu.memory_space<vmem>> -> memref<4096xf32, #tpu.memory_space<vmem>>
        tpu.wait_dma2 semaphore(%run_scoped3A_107 : memref<!tpu.dma_semaphore, #tpu.memory_space<semaphore_mem>>) src(%dma_wait3A_125 : memref<4096xf32, #tpu.memory_space<vmem>>) dst(%dma_wait3A_122 : memref<4096xf32, #tpu.memory_space<hbm>>)
        tpu.yield
      }) : () -> ()
      %mul3A_94 = arith.constant 2 : i32
      %mul3A_95 = arith.muli %mul3A_94, %shift_right_arithmetic3A_1 : i32
      %add3A_96 = arith.constant 1 : i32
      %add3A_97 = arith.addi %mul3A_95, %add3A_96 : i32
      %run_scoped3A_98 = arith.constant 1 : i32
      "tpu.region"() ({
        %run_scoped3A_107 = tpu.sem_alloc : memref<!tpu.dma_semaphore, #tpu.memory_space<semaphore_mem>>
        %dma_start3A = arith.constant 0 : i32
        %dma_start3A_108 = tpu.memref_slice %arg6[%run_scoped3A_98, %dma_start3A] : memref<4x4096xf32, #tpu.memory_space<vmem>> -> memref<1x4096xf32, #tpu.memory_space<vmem>>
        %dma_start3A_109 = tpu.memref_squeeze %dma_start3A_108 : memref<1x4096xf32, #tpu.memory_space<vmem>> -> memref<4096xf32, #tpu.memory_space<vmem>>
        %dma_start3A_110 = tpu.memref_slice %arg3[%mul3A_4, %add3A_97, %mul3A_91] : memref<4x32x65536xf32, #tpu.memory_space<hbm>> -> memref<1x1x4096xf32, #tpu.memory_space<hbm>>
        %dma_start3A_111 = tpu.memref_squeeze %dma_start3A_110 : memref<1x1x4096xf32, #tpu.memory_space<hbm>> -> memref<4096xf32, #tpu.memory_space<hbm>>
        %dma_start3A_112 = tpu.memref_slice %arg3[%mul3A_4, %add3A_97, %mul3A_91] : memref<4x32x65536xf32, #tpu.memory_space<hbm>> -> memref<1x1x4096xf32, #tpu.memory_space<hbm>>
        %dma_start3A_113 = tpu.memref_squeeze %dma_start3A_112 : memref<1x1x4096xf32, #tpu.memory_space<hbm>> -> memref<4096xf32, #tpu.memory_space<hbm>>
        %dma_start3A_114 = arith.constant 0 : i32
        %dma_start3A_115 = tpu.memref_slice %arg6[%run_scoped3A_98, %dma_start3A_114] : memref<4x4096xf32, #tpu.memory_space<vmem>> -> memref<1x4096xf32, #tpu.memory_space<vmem>>
        %dma_start3A_116 = tpu.memref_squeeze %dma_start3A_115 : memref<1x4096xf32, #tpu.memory_space<vmem>> -> memref<4096xf32, #tpu.memory_space<vmem>>
        tpu.enqueue_dma source(%dma_start3A_116 : memref<4096xf32, #tpu.memory_space<vmem>>) target(%dma_start3A_113 : memref<4096xf32, #tpu.memory_space<hbm>>) target_semaphore(%run_scoped3A_107 : memref<!tpu.dma_semaphore, #tpu.memory_space<semaphore_mem>>)
        %dma_wait3A = arith.constant 0 : i32
        %dma_wait3A_117 = tpu.memref_slice %arg6[%run_scoped3A_98, %dma_wait3A] : memref<4x4096xf32, #tpu.memory_space<vmem>> -> memref<1x4096xf32, #tpu.memory_space<vmem>>
        %dma_wait3A_118 = tpu.memref_squeeze %dma_wait3A_117 : memref<1x4096xf32, #tpu.memory_space<vmem>> -> memref<4096xf32, #tpu.memory_space<vmem>>
        %dma_wait3A_119 = tpu.memref_slice %arg3[%mul3A_4, %add3A_97, %mul3A_91] : memref<4x32x65536xf32, #tpu.memory_space<hbm>> -> memref<1x1x4096xf32, #tpu.memory_space<hbm>>
        %dma_wait3A_120 = tpu.memref_squeeze %dma_wait3A_119 : memref<1x1x4096xf32, #tpu.memory_space<hbm>> -> memref<4096xf32, #tpu.memory_space<hbm>>
        %dma_wait3A_121 = tpu.memref_slice %arg3[%mul3A_4, %add3A_97, %mul3A_91] : memref<4x32x65536xf32, #tpu.memory_space<hbm>> -> memref<1x1x4096xf32, #tpu.memory_space<hbm>>
        %dma_wait3A_122 = tpu.memref_squeeze %dma_wait3A_121 : memref<1x1x4096xf32, #tpu.memory_space<hbm>> -> memref<4096xf32, #tpu.memory_space<hbm>>
        %dma_wait3A_123 = arith.constant 0 : i32
        %dma_wait3A_124 = tpu.memref_slice %arg6[%run_scoped3A_98, %dma_wait3A_123] : memref<4x4096xf32, #tpu.memory_space<vmem>> -> memref<1x4096xf32, #tpu.memory_space<vmem>>
        %dma_wait3A_125 = tpu.memref_squeeze %dma_wait3A_124 : memref<1x4096xf32, #tpu.memory_space<vmem>> -> memref<4096xf32, #tpu.memory_space<vmem>>
        tpu.wait_dma2 semaphore(%run_scoped3A_107 : memref<!tpu.dma_semaphore, #tpu.memory_space<semaphore_mem>>) src(%dma_wait3A_125 : memref<4096xf32, #tpu.memory_space<vmem>>) dst(%dma_wait3A_122 : memref<4096xf32, #tpu.memory_space<hbm>>)
        tpu.yield
      }) : () -> ()
      %mul3A_99 = arith.constant 2 : i32
      %mul3A_100 = arith.muli %mul3A_99, %shift_right_arithmetic3A_1 : i32
      %run_scoped3A_101 = arith.constant 2 : i32
      "tpu.region"() ({
        %run_scoped3A_107 = tpu.sem_alloc : memref<!tpu.dma_semaphore, #tpu.memory_space<semaphore_mem>>
        %dma_start3A = arith.constant 0 : i32
        %dma_start3A_108 = tpu.memref_slice %arg6[%run_scoped3A_101, %dma_start3A] : memref<4x4096xf32, #tpu.memory_space<vmem>> -> memref<1x4096xf32, #tpu.memory_space<vmem>>
        %dma_start3A_109 = tpu.memref_squeeze %dma_start3A_108 : memref<1x4096xf32, #tpu.memory_space<vmem>> -> memref<4096xf32, #tpu.memory_space<vmem>>
        %dma_start3A_110 = tpu.memref_slice %arg3[%add3A_6, %mul3A_100, %mul3A_91] : memref<4x32x65536xf32, #tpu.memory_space<hbm>> -> memref<1x1x4096xf32, #tpu.memory_space<hbm>>
        %dma_start3A_111 = tpu.memref_squeeze %dma_start3A_110 : memref<1x1x4096xf32, #tpu.memory_space<hbm>> -> memref<4096xf32, #tpu.memory_space<hbm>>
        %dma_start3A_112 = tpu.memref_slice %arg3[%add3A_6, %mul3A_100, %mul3A_91] : memref<4x32x65536xf32, #tpu.memory_space<hbm>> -> memref<1x1x4096xf32, #tpu.memory_space<hbm>>
        %dma_start3A_113 = tpu.memref_squeeze %dma_start3A_112 : memref<1x1x4096xf32, #tpu.memory_space<hbm>> -> memref<4096xf32, #tpu.memory_space<hbm>>
        %dma_start3A_114 = arith.constant 0 : i32
        %dma_start3A_115 = tpu.memref_slice %arg6[%run_scoped3A_101, %dma_start3A_114] : memref<4x4096xf32, #tpu.memory_space<vmem>> -> memref<1x4096xf32, #tpu.memory_space<vmem>>
        %dma_start3A_116 = tpu.memref_squeeze %dma_start3A_115 : memref<1x4096xf32, #tpu.memory_space<vmem>> -> memref<4096xf32, #tpu.memory_space<vmem>>
        tpu.enqueue_dma source(%dma_start3A_116 : memref<4096xf32, #tpu.memory_space<vmem>>) target(%dma_start3A_113 : memref<4096xf32, #tpu.memory_space<hbm>>) target_semaphore(%run_scoped3A_107 : memref<!tpu.dma_semaphore, #tpu.memory_space<semaphore_mem>>)
        %dma_wait3A = arith.constant 0 : i32
        %dma_wait3A_117 = tpu.memref_slice %arg6[%run_scoped3A_101, %dma_wait3A] : memref<4x4096xf32, #tpu.memory_space<vmem>> -> memref<1x4096xf32, #tpu.memory_space<vmem>>
        %dma_wait3A_118 = tpu.memref_squeeze %dma_wait3A_117 : memref<1x4096xf32, #tpu.memory_space<vmem>> -> memref<4096xf32, #tpu.memory_space<vmem>>
        %dma_wait3A_119 = tpu.memref_slice %arg3[%add3A_6, %mul3A_100, %mul3A_91] : memref<4x32x65536xf32, #tpu.memory_space<hbm>> -> memref<1x1x4096xf32, #tpu.memory_space<hbm>>
        %dma_wait3A_120 = tpu.memref_squeeze %dma_wait3A_119 : memref<1x1x4096xf32, #tpu.memory_space<hbm>> -> memref<4096xf32, #tpu.memory_space<hbm>>
        %dma_wait3A_121 = tpu.memref_slice %arg3[%add3A_6, %mul3A_100, %mul3A_91] : memref<4x32x65536xf32, #tpu.memory_space<hbm>> -> memref<1x1x4096xf32, #tpu.memory_space<hbm>>
        %dma_wait3A_122 = tpu.memref_squeeze %dma_wait3A_121 : memref<1x1x4096xf32, #tpu.memory_space<hbm>> -> memref<4096xf32, #tpu.memory_space<hbm>>
        %dma_wait3A_123 = arith.constant 0 : i32
        %dma_wait3A_124 = tpu.memref_slice %arg6[%run_scoped3A_101, %dma_wait3A_123] : memref<4x4096xf32, #tpu.memory_space<vmem>> -> memref<1x4096xf32, #tpu.memory_space<vmem>>
        %dma_wait3A_125 = tpu.memref_squeeze %dma_wait3A_124 : memref<1x4096xf32, #tpu.memory_space<vmem>> -> memref<4096xf32, #tpu.memory_space<vmem>>
        tpu.wait_dma2 semaphore(%run_scoped3A_107 : memref<!tpu.dma_semaphore, #tpu.memory_space<semaphore_mem>>) src(%dma_wait3A_125 : memref<4096xf32, #tpu.memory_space<vmem>>) dst(%dma_wait3A_122 : memref<4096xf32, #tpu.memory_space<hbm>>)
        tpu.yield
      }) : () -> ()
      %mul3A_102 = arith.constant 2 : i32
      %mul3A_103 = arith.muli %mul3A_102, %shift_right_arithmetic3A_1 : i32
      %add3A_104 = arith.constant 1 : i32
      %add3A_105 = arith.addi %mul3A_103, %add3A_104 : i32
      %run_scoped3A_106 = arith.constant 3 : i32
      "tpu.region"() ({
        %run_scoped3A_107 = tpu.sem_alloc : memref<!tpu.dma_semaphore, #tpu.memory_space<semaphore_mem>>
        %dma_start3A = arith.constant 0 : i32
        %dma_start3A_108 = tpu.memref_slice %arg6[%run_scoped3A_106, %dma_start3A] : memref<4x4096xf32, #tpu.memory_space<vmem>> -> memref<1x4096xf32, #tpu.memory_space<vmem>>
        %dma_start3A_109 = tpu.memref_squeeze %dma_start3A_108 : memref<1x4096xf32, #tpu.memory_space<vmem>> -> memref<4096xf32, #tpu.memory_space<vmem>>
        %dma_start3A_110 = tpu.memref_slice %arg3[%add3A_6, %add3A_105, %mul3A_91] : memref<4x32x65536xf32, #tpu.memory_space<hbm>> -> memref<1x1x4096xf32, #tpu.memory_space<hbm>>
        %dma_start3A_111 = tpu.memref_squeeze %dma_start3A_110 : memref<1x1x4096xf32, #tpu.memory_space<hbm>> -> memref<4096xf32, #tpu.memory_space<hbm>>
        %dma_start3A_112 = tpu.memref_slice %arg3[%add3A_6, %add3A_105, %mul3A_91] : memref<4x32x65536xf32, #tpu.memory_space<hbm>> -> memref<1x1x4096xf32, #tpu.memory_space<hbm>>
        %dma_start3A_113 = tpu.memref_squeeze %dma_start3A_112 : memref<1x1x4096xf32, #tpu.memory_space<hbm>> -> memref<4096xf32, #tpu.memory_space<hbm>>
        %dma_start3A_114 = arith.constant 0 : i32
        %dma_start3A_115 = tpu.memref_slice %arg6[%run_scoped3A_106, %dma_start3A_114] : memref<4x4096xf32, #tpu.memory_space<vmem>> -> memref<1x4096xf32, #tpu.memory_space<vmem>>
        %dma_start3A_116 = tpu.memref_squeeze %dma_start3A_115 : memref<1x4096xf32, #tpu.memory_space<vmem>> -> memref<4096xf32, #tpu.memory_space<vmem>>
        tpu.enqueue_dma source(%dma_start3A_116 : memref<4096xf32, #tpu.memory_space<vmem>>) target(%dma_start3A_113 : memref<4096xf32, #tpu.memory_space<hbm>>) target_semaphore(%run_scoped3A_107 : memref<!tpu.dma_semaphore, #tpu.memory_space<semaphore_mem>>)
        %dma_wait3A = arith.constant 0 : i32
        %dma_wait3A_117 = tpu.memref_slice %arg6[%run_scoped3A_106, %dma_wait3A] : memref<4x4096xf32, #tpu.memory_space<vmem>> -> memref<1x4096xf32, #tpu.memory_space<vmem>>
        %dma_wait3A_118 = tpu.memref_squeeze %dma_wait3A_117 : memref<1x4096xf32, #tpu.memory_space<vmem>> -> memref<4096xf32, #tpu.memory_space<vmem>>
        %dma_wait3A_119 = tpu.memref_slice %arg3[%add3A_6, %add3A_105, %mul3A_91] : memref<4x32x65536xf32, #tpu.memory_space<hbm>> -> memref<1x1x4096xf32, #tpu.memory_space<hbm>>
        %dma_wait3A_120 = tpu.memref_squeeze %dma_wait3A_119 : memref<1x1x4096xf32, #tpu.memory_space<hbm>> -> memref<4096xf32, #tpu.memory_space<hbm>>
        %dma_wait3A_121 = tpu.memref_slice %arg3[%add3A_6, %add3A_105, %mul3A_91] : memref<4x32x65536xf32, #tpu.memory_space<hbm>> -> memref<1x1x4096xf32, #tpu.memory_space<hbm>>
        %dma_wait3A_122 = tpu.memref_squeeze %dma_wait3A_121 : memref<1x1x4096xf32, #tpu.memory_space<hbm>> -> memref<4096xf32, #tpu.memory_space<hbm>>
        %dma_wait3A_123 = arith.constant 0 : i32
        %dma_wait3A_124 = tpu.memref_slice %arg6[%run_scoped3A_106, %dma_wait3A_123] : memref<4x4096xf32, #tpu.memory_space<vmem>> -> memref<1x4096xf32, #tpu.memory_space<vmem>>
        %dma_wait3A_125 = tpu.memref_squeeze %dma_wait3A_124 : memref<1x4096xf32, #tpu.memory_space<vmem>> -> memref<4096xf32, #tpu.memory_space<vmem>>
        tpu.wait_dma2 semaphore(%run_scoped3A_107 : memref<!tpu.dma_semaphore, #tpu.memory_space<semaphore_mem>>) src(%dma_wait3A_125 : memref<4096xf32, #tpu.memory_space<vmem>>) dst(%dma_wait3A_122 : memref<4096xf32, #tpu.memory_space<hbm>>)
        tpu.yield
      }) : () -> ()
    }
    %scan3A_82 = arith.constant 16 : i32
    return
  }
}

module attributes {stable_mosaic.version = 14 : i64} {
  func.func @_mlp_body(%arg0: i32, %arg1: memref<4x512xf32, #tpu.memory_space<vmem>>, %arg2: memref<32x32xf32, #tpu.memory_space<vmem>>, %arg3: memref<128x1xf32, #tpu.memory_space<vmem>>, %arg4: memref<32x512xf32, #tpu.memory_space<vmem>>, %arg5: memref<1x32xf32, #tpu.memory_space<vmem>>, %arg6: memref<32x32xf32, #tpu.memory_space<vmem>>, %arg7: memref<128x1xf32, #tpu.memory_space<vmem>>, %arg8: memref<32x512xf32, #tpu.memory_space<vmem>>, %arg9: memref<1x32xf32, #tpu.memory_space<vmem>>, %arg10: memref<3x32xf32, #tpu.memory_space<vmem>>, %arg11: memref<32x1xf32, #tpu.memory_space<vmem>>, %arg12: memref<32x512xf32, #tpu.memory_space<vmem>>, %arg13: memref<1x32xf32, #tpu.memory_space<vmem>>, %arg14: memref<4x32x4096xf32, #tpu.memory_space<vmem>>, %arg15: memref<32x4096xf32, #tpu.memory_space<vmem>>, %arg16: memref<128x128xf32, #tpu.memory_space<vmem>>, %arg17: memref<128x128xf32, #tpu.memory_space<vmem>>, %arg18: memref<32x128xf32, #tpu.memory_space<vmem>>) attributes {dimension_semantics = [#tpu.dimension_semantics<arbitrary>], iteration_bounds = array<i64: 16>, scalar_prefetch = 0 : i64, scratch_operands = 3 : i64, tpu.core_type = #tpu.core_type<tc>, window_params = [{pipeline_mode = #tpu.pipeline_mode<synchronous>, transform_indices = @transform_0, window_bounds = array<i64: 4, 512>}, {pipeline_mode = #tpu.pipeline_mode<synchronous>, transform_indices = @transform_1, window_bounds = array<i64: 32, 32>}, {pipeline_mode = #tpu.pipeline_mode<synchronous>, transform_indices = @transform_2, window_bounds = array<i64: 128, 1>}, {pipeline_mode = #tpu.pipeline_mode<synchronous>, transform_indices = @transform_3, window_bounds = array<i64: 32, 512>}, {pipeline_mode = #tpu.pipeline_mode<synchronous>, transform_indices = @transform_4, window_bounds = array<i64: 1, 32>}, {pipeline_mode = #tpu.pipeline_mode<synchronous>, transform_indices = @transform_5, window_bounds = array<i64: 32, 32>}, {pipeline_mode = #tpu.pipeline_mode<synchronous>, transform_indices = @transform_6, window_bounds = array<i64: 128, 1>}, {pipeline_mode = #tpu.pipeline_mode<synchronous>, transform_indices = @transform_7, window_bounds = array<i64: 32, 512>}, {pipeline_mode = #tpu.pipeline_mode<synchronous>, transform_indices = @transform_8, window_bounds = array<i64: 1, 32>}, {pipeline_mode = #tpu.pipeline_mode<synchronous>, transform_indices = @transform_9, window_bounds = array<i64: 3, 32>}, {pipeline_mode = #tpu.pipeline_mode<synchronous>, transform_indices = @transform_10, window_bounds = array<i64: 32, 1>}, {pipeline_mode = #tpu.pipeline_mode<synchronous>, transform_indices = @transform_11, window_bounds = array<i64: 32, 512>}, {pipeline_mode = #tpu.pipeline_mode<synchronous>, transform_indices = @transform_12, window_bounds = array<i64: 1, 32>}, {transform_indices = @transform_13, window_bounds = array<i64: 4, 32, 4096>}, {transform_indices = @transform_14, window_bounds = array<i64: 32, 4096>}]} {
    %eq3A = arith.constant 0 : i32
    %eq3A_0 = arith.cmpi eq, %arg0, %eq3A : i32
    %convert_element_type3A = arith.extui %eq3A_0 : i1 to i32
    %cond3A = arith.constant 0 : i32
    %cond3A_1 = arith.cmpi ne, %convert_element_type3A, %cond3A : i32
    scf.if %cond3A_1 {
      %broadcast_in_dim3A = arith.constant 0.000000e+00 : f32
      %broadcast_in_dim3A_40 = vector.broadcast %broadcast_in_dim3A : f32 to vector<128x128xf32>
      %swap3A_41 = arith.constant 0 : index
      %swap3A_42 = arith.constant 0 : index
      %swap3A_43 = vector.load %arg16[%swap3A_41, %swap3A_42] : memref<128x128xf32, #tpu.memory_space<vmem>>, vector<128x128xf32>
      tpu.vector_store %arg16[%swap3A_41, %swap3A_42], %broadcast_in_dim3A_40 {strides = array<i32>} : memref<128x128xf32, #tpu.memory_space<vmem>>, vector<128x128xf32>,
      %broadcast_in_dim3A_44 = arith.constant 0.000000e+00 : f32
      %broadcast_in_dim3A_45 = vector.broadcast %broadcast_in_dim3A_44 : f32 to vector<128x128xf32>
      %swap3A_46 = arith.constant 0 : index
      %swap3A_47 = arith.constant 0 : index
      %swap3A_48 = vector.load %arg17[%swap3A_46, %swap3A_47] : memref<128x128xf32, #tpu.memory_space<vmem>>, vector<128x128xf32>
      tpu.vector_store %arg17[%swap3A_46, %swap3A_47], %broadcast_in_dim3A_45 {strides = array<i32>} : memref<128x128xf32, #tpu.memory_space<vmem>>, vector<128x128xf32>,
      %broadcast_in_dim3A_49 = arith.constant 0.000000e+00 : f32
      %broadcast_in_dim3A_50 = vector.broadcast %broadcast_in_dim3A_49 : f32 to vector<32x128xf32>
      %swap3A_51 = arith.constant 0 : index
      %swap3A_52 = arith.constant 0 : index
      %swap3A_53 = vector.load %arg18[%swap3A_51, %swap3A_52] : memref<32x128xf32, #tpu.memory_space<vmem>>, vector<32x128xf32>
      tpu.vector_store %arg18[%swap3A_51, %swap3A_52], %broadcast_in_dim3A_50 {strides = array<i32>} : memref<32x128xf32, #tpu.memory_space<vmem>>, vector<32x128xf32>,
      %get3A_54 = arith.constant 0 : index
      %get3A_55 = arith.constant 0 : index
      %get3A_56 = vector.load %arg1[%get3A_54, %get3A_55] : memref<4x512xf32, #tpu.memory_space<vmem>>, vector<4x512xf32>
      %get3A_57 = arith.constant 0 : index
      %get3A_58 = arith.constant 0 : index
      %get3A_59 = vector.load %arg2[%get3A_57, %get3A_58] : memref<32x32xf32, #tpu.memory_space<vmem>>, vector<32x32xf32>
      %get3A_60 = arith.constant 0 : index
      %get3A_61 = arith.constant 0 : index
      %get3A_62 = vector.load %arg4[%get3A_60, %get3A_61] : memref<32x512xf32, #tpu.memory_space<vmem>>, vector<32x512xf32>
      %get3A_63 = arith.constant 0 : index
      %get3A_64 = arith.constant 0 : index
      %get3A_65 = vector.load %arg5[%get3A_63, %get3A_64] : memref<1x32xf32, #tpu.memory_space<vmem>>, vector<1x32xf32>
      %dot_general3A_66 = arith.constant dense<0.000000e+00> : vector<4x32xf32>
      %dot_general3A_67 = tpu.matmul %get3A_56, %get3A_62, %dot_general3A_66 {dimension_numbers = #tpu.dot_dimension_numbers<[1], [1], [0], [0], [0, 0, 1, 0], [], []>, transpose_lhs_hint = false} : vector<4x512xf32>, vector<32x512xf32>, vector<4x32xf32> -> vector<4x32xf32>
      %add3A_68 = vector.broadcast %get3A_65 : vector<1x32xf32> to vector<4x32xf32>
      %add3A_69 = arith.addf %dot_general3A_67, %add3A_68 : vector<4x32xf32>
      %broadcast_in_dim3A_70 = vector.shape_cast %get3A_59 : vector<32x32xf32> to vector<1x32x32xf32>
      %broadcast_in_dim3A_71 = vector.shape_cast %add3A_69 : vector<4x32xf32> to vector<4x1x32xf32>
      %mul3A = vector.broadcast %broadcast_in_dim3A_70 : vector<1x32x32xf32> to vector<4x32x32xf32>
      %mul3A_72 = vector.broadcast %broadcast_in_dim3A_71 : vector<4x1x32xf32> to vector<4x32x32xf32>
      %mul3A_73 = arith.mulf %mul3A, %mul3A_72 : vector<4x32x32xf32>
      %mul3A_74 = arith.mulf %mul3A_73, %mul3A_73 : vector<4x32x32xf32>
      %reduce_sum3A = arith.constant dense<0.000000e+00> : vector<4x32xf32>
      %reduce_sum3A_75 = vector.multi_reduction <add>, %mul3A_74, %reduce_sum3A [2] : vector<4x32x32xf32> to vector<4x32xf32>
      %broadcast_in_dim3A_76 = vector.shape_cast %reduce_sum3A_75 : vector<4x32xf32> to vector<4x32x1xf32>
      %add3A_77 = arith.constant 9.99999993E-9 : f32
      %add3A_78 = vector.broadcast %add3A_77 : f32 to vector<4x32x1xf32>
      %add3A_79 = arith.addf %broadcast_in_dim3A_76, %add3A_78 : vector<4x32x1xf32>
      %rsqrt3A = math.rsqrt %add3A_79 : vector<4x32x1xf32>
      %mul3A_80 = vector.broadcast %rsqrt3A : vector<4x32x1xf32> to vector<4x32x32xf32>
      %mul3A_81 = arith.mulf %mul3A_73, %mul3A_80 : vector<4x32x32xf32>
      %get3A_82 = arith.constant 0 : index
      %get3A_83 = arith.constant 0 : index
      %get3A_84 = vector.load %arg6[%get3A_82, %get3A_83] : memref<32x32xf32, #tpu.memory_space<vmem>>, vector<32x32xf32>
      %get3A_85 = arith.constant 0 : index
      %get3A_86 = arith.constant 0 : index
      %get3A_87 = vector.load %arg8[%get3A_85, %get3A_86] : memref<32x512xf32, #tpu.memory_space<vmem>>, vector<32x512xf32>
      %get3A_88 = arith.constant 0 : index
      %get3A_89 = arith.constant 0 : index
      %get3A_90 = vector.load %arg9[%get3A_88, %get3A_89] : memref<1x32xf32, #tpu.memory_space<vmem>>, vector<1x32xf32>
      %dot_general3A_91 = arith.constant dense<0.000000e+00> : vector<4x32xf32>
      %dot_general3A_92 = tpu.matmul %get3A_56, %get3A_87, %dot_general3A_91 {dimension_numbers = #tpu.dot_dimension_numbers<[1], [1], [0], [0], [0, 0, 1, 0], [], []>, transpose_lhs_hint = false} : vector<4x512xf32>, vector<32x512xf32>, vector<4x32xf32> -> vector<4x32xf32>
      %add3A_93 = vector.broadcast %get3A_90 : vector<1x32xf32> to vector<4x32xf32>
      %add3A_94 = arith.addf %dot_general3A_92, %add3A_93 : vector<4x32xf32>
      %broadcast_in_dim3A_95 = vector.shape_cast %get3A_84 : vector<32x32xf32> to vector<1x32x32xf32>
      %broadcast_in_dim3A_96 = vector.shape_cast %add3A_94 : vector<4x32xf32> to vector<4x1x32xf32>
      %mul3A_97 = vector.broadcast %broadcast_in_dim3A_95 : vector<1x32x32xf32> to vector<4x32x32xf32>
      %mul3A_98 = vector.broadcast %broadcast_in_dim3A_96 : vector<4x1x32xf32> to vector<4x32x32xf32>
      %mul3A_99 = arith.mulf %mul3A_97, %mul3A_98 : vector<4x32x32xf32>
      %mul3A_100 = arith.mulf %mul3A_99, %mul3A_99 : vector<4x32x32xf32>
      %reduce_sum3A_101 = arith.constant dense<0.000000e+00> : vector<4x32xf32>
      %reduce_sum3A_102 = vector.multi_reduction <add>, %mul3A_100, %reduce_sum3A_101 [2] : vector<4x32x32xf32> to vector<4x32xf32>
      %broadcast_in_dim3A_103 = vector.shape_cast %reduce_sum3A_102 : vector<4x32xf32> to vector<4x32x1xf32>
      %add3A_104 = arith.constant 9.99999993E-9 : f32
      %add3A_105 = vector.broadcast %add3A_104 : f32 to vector<4x32x1xf32>
      %add3A_106 = arith.addf %broadcast_in_dim3A_103, %add3A_105 : vector<4x32x1xf32>
      %rsqrt3A_107 = math.rsqrt %add3A_106 : vector<4x32x1xf32>
      %mul3A_108 = vector.broadcast %rsqrt3A_107 : vector<4x32x1xf32> to vector<4x32x32xf32>
      %mul3A_109 = arith.mulf %mul3A_99, %mul3A_108 : vector<4x32x32xf32>
      %get3A_110 = arith.constant 0 : index
      %get3A_111 = arith.constant 0 : index
      %get3A_112 = vector.load %arg10[%get3A_110, %get3A_111] : memref<3x32xf32, #tpu.memory_space<vmem>>, vector<3x32xf32>
      %get3A_113 = arith.constant 0 : index
      %get3A_114 = arith.constant 0 : index
      %get3A_115 = vector.load %arg12[%get3A_113, %get3A_114] : memref<32x512xf32, #tpu.memory_space<vmem>>, vector<32x512xf32>
      %get3A_116 = arith.constant 0 : index
      %get3A_117 = arith.constant 0 : index
      %get3A_118 = vector.load %arg13[%get3A_116, %get3A_117] : memref<1x32xf32, #tpu.memory_space<vmem>>, vector<1x32xf32>
      %dot_general3A_119 = arith.constant dense<0.000000e+00> : vector<4x32xf32>
      %dot_general3A_120 = tpu.matmul %get3A_56, %get3A_115, %dot_general3A_119 {dimension_numbers = #tpu.dot_dimension_numbers<[1], [1], [0], [0], [0, 0, 1, 0], [], []>, transpose_lhs_hint = false} : vector<4x512xf32>, vector<32x512xf32>, vector<4x32xf32> -> vector<4x32xf32>
      %add3A_121 = vector.broadcast %get3A_118 : vector<1x32xf32> to vector<4x32xf32>
      %add3A_122 = arith.addf %dot_general3A_120, %add3A_121 : vector<4x32xf32>
      %broadcast_in_dim3A_123 = vector.shape_cast %get3A_112 : vector<3x32xf32> to vector<1x3x32xf32>
      %broadcast_in_dim3A_124 = vector.shape_cast %add3A_122 : vector<4x32xf32> to vector<4x1x32xf32>
      %mul3A_125 = vector.broadcast %broadcast_in_dim3A_123 : vector<1x3x32xf32> to vector<4x3x32xf32>
      %mul3A_126 = vector.broadcast %broadcast_in_dim3A_124 : vector<4x1x32xf32> to vector<4x3x32xf32>
      %mul3A_127 = arith.mulf %mul3A_125, %mul3A_126 : vector<4x3x32xf32>
      %mul3A_128 = arith.mulf %mul3A_127, %mul3A_127 : vector<4x3x32xf32>
      %reduce_sum3A_129 = arith.constant dense<0.000000e+00> : vector<4x3xf32>
      %reduce_sum3A_130 = vector.multi_reduction <add>, %mul3A_128, %reduce_sum3A_129 [2] : vector<4x3x32xf32> to vector<4x3xf32>
      %broadcast_in_dim3A_131 = vector.shape_cast %reduce_sum3A_130 : vector<4x3xf32> to vector<4x3x1xf32>
      %add3A_132 = arith.constant 9.99999993E-9 : f32
      %add3A_133 = vector.broadcast %add3A_132 : f32 to vector<4x3x1xf32>
      %add3A_134 = arith.addf %broadcast_in_dim3A_131, %add3A_133 : vector<4x3x1xf32>
      %rsqrt3A_135 = math.rsqrt %add3A_134 : vector<4x3x1xf32>
      %mul3A_136 = vector.broadcast %rsqrt3A_135 : vector<4x3x1xf32> to vector<4x3x32xf32>
      %mul3A_137 = arith.mulf %mul3A_127, %mul3A_136 : vector<4x3x32xf32>
      %slice3A = vector.extract_strided_slice %mul3A_81 {offsets = [0, 0, 0], sizes = [1, 32, 32], strides = [1, 1, 1]} : vector<4x32x32xf32> to vector<1x32x32xf32>
      %squeeze3A = vector.shape_cast %slice3A : vector<1x32x32xf32> to vector<32x32xf32>
      %swap3A_138 = arith.constant 0 : index
      %swap3A_139 = arith.constant 0 : index
      %swap3A_140 = vector.load %arg16[%swap3A_138, %swap3A_139] : memref<128x128xf32, #tpu.memory_space<vmem>>, vector<32x32xf32>
      tpu.vector_store %arg16[%swap3A_138, %swap3A_139], %squeeze3A {strides = array<i32>} : memref<128x128xf32, #tpu.memory_space<vmem>>, vector<32x32xf32>,
      %slice3A_141 = vector.extract_strided_slice %mul3A_109 {offsets = [0, 0, 0], sizes = [1, 32, 32], strides = [1, 1, 1]} : vector<4x32x32xf32> to vector<1x32x32xf32>
      %squeeze3A_142 = vector.shape_cast %slice3A_141 : vector<1x32x32xf32> to vector<32x32xf32>
      %swap3A_143 = arith.constant 0 : index
      %swap3A_144 = arith.constant 0 : index
      %swap3A_145 = vector.load %arg17[%swap3A_143, %swap3A_144] : memref<128x128xf32, #tpu.memory_space<vmem>>, vector<32x32xf32>
      tpu.vector_store %arg17[%swap3A_143, %swap3A_144], %squeeze3A_142 {strides = array<i32>} : memref<128x128xf32, #tpu.memory_space<vmem>>, vector<32x32xf32>,
      %slice3A_146 = vector.extract_strided_slice %mul3A_137 {offsets = [0, 0, 0], sizes = [1, 3, 32], strides = [1, 1, 1]} : vector<4x3x32xf32> to vector<1x3x32xf32>
      %squeeze3A_147 = vector.shape_cast %slice3A_146 : vector<1x3x32xf32> to vector<3x32xf32>
      %swap3A_148 = arith.constant 0 : index
      %swap3A_149 = arith.constant 0 : index
      %swap3A_150 = vector.load %arg18[%swap3A_148, %swap3A_149] : memref<32x128xf32, #tpu.memory_space<vmem>>, vector<3x32xf32>
      tpu.vector_store %arg18[%swap3A_148, %swap3A_149], %squeeze3A_147 {strides = array<i32>} : memref<32x128xf32, #tpu.memory_space<vmem>>, vector<3x32xf32>,
      %slice3A_151 = vector.extract_strided_slice %mul3A_81 {offsets = [1, 0, 0], sizes = [1, 32, 32], strides = [1, 1, 1]} : vector<4x32x32xf32> to vector<1x32x32xf32>
      %squeeze3A_152 = vector.shape_cast %slice3A_151 : vector<1x32x32xf32> to vector<32x32xf32>
      %swap3A_153 = arith.constant 32 : index
      %swap3A_154 = arith.constant 32 : index
      %swap3A_155 = vector.load %arg16[%swap3A_153, %swap3A_154] : memref<128x128xf32, #tpu.memory_space<vmem>>, vector<32x32xf32>
      tpu.vector_store %arg16[%swap3A_153, %swap3A_154], %squeeze3A_152 {strides = array<i32>} : memref<128x128xf32, #tpu.memory_space<vmem>>, vector<32x32xf32>,
      %slice3A_156 = vector.extract_strided_slice %mul3A_109 {offsets = [1, 0, 0], sizes = [1, 32, 32], strides = [1, 1, 1]} : vector<4x32x32xf32> to vector<1x32x32xf32>
      %squeeze3A_157 = vector.shape_cast %slice3A_156 : vector<1x32x32xf32> to vector<32x32xf32>
      %swap3A_158 = arith.constant 32 : index
      %swap3A_159 = arith.constant 32 : index
      %swap3A_160 = vector.load %arg17[%swap3A_158, %swap3A_159] : memref<128x128xf32, #tpu.memory_space<vmem>>, vector<32x32xf32>
      tpu.vector_store %arg17[%swap3A_158, %swap3A_159], %squeeze3A_157 {strides = array<i32>} : memref<128x128xf32, #tpu.memory_space<vmem>>, vector<32x32xf32>,
      %slice3A_161 = vector.extract_strided_slice %mul3A_137 {offsets = [1, 0, 0], sizes = [1, 3, 32], strides = [1, 1, 1]} : vector<4x3x32xf32> to vector<1x3x32xf32>
      %squeeze3A_162 = vector.shape_cast %slice3A_161 : vector<1x3x32xf32> to vector<3x32xf32>
      %swap3A_163 = arith.constant 8 : index
      %swap3A_164 = arith.constant 32 : index
      %swap3A_165 = vector.load %arg18[%swap3A_163, %swap3A_164] : memref<32x128xf32, #tpu.memory_space<vmem>>, vector<3x32xf32>
      tpu.vector_store %arg18[%swap3A_163, %swap3A_164], %squeeze3A_162 {strides = array<i32>} : memref<32x128xf32, #tpu.memory_space<vmem>>, vector<3x32xf32>,
      %slice3A_166 = vector.extract_strided_slice %mul3A_81 {offsets = [2, 0, 0], sizes = [1, 32, 32], strides = [1, 1, 1]} : vector<4x32x32xf32> to vector<1x32x32xf32>
      %squeeze3A_167 = vector.shape_cast %slice3A_166 : vector<1x32x32xf32> to vector<32x32xf32>
      %swap3A_168 = arith.constant 64 : index
      %swap3A_169 = arith.constant 64 : index
      %swap3A_170 = vector.load %arg16[%swap3A_168, %swap3A_169] : memref<128x128xf32, #tpu.memory_space<vmem>>, vector<32x32xf32>
      tpu.vector_store %arg16[%swap3A_168, %swap3A_169], %squeeze3A_167 {strides = array<i32>} : memref<128x128xf32, #tpu.memory_space<vmem>>, vector<32x32xf32>,
      %slice3A_171 = vector.extract_strided_slice %mul3A_109 {offsets = [2, 0, 0], sizes = [1, 32, 32], strides = [1, 1, 1]} : vector<4x32x32xf32> to vector<1x32x32xf32>
      %squeeze3A_172 = vector.shape_cast %slice3A_171 : vector<1x32x32xf32> to vector<32x32xf32>
      %swap3A_173 = arith.constant 64 : index
      %swap3A_174 = arith.constant 64 : index
      %swap3A_175 = vector.load %arg17[%swap3A_173, %swap3A_174] : memref<128x128xf32, #tpu.memory_space<vmem>>, vector<32x32xf32>
      tpu.vector_store %arg17[%swap3A_173, %swap3A_174], %squeeze3A_172 {strides = array<i32>} : memref<128x128xf32, #tpu.memory_space<vmem>>, vector<32x32xf32>,
      %slice3A_176 = vector.extract_strided_slice %mul3A_137 {offsets = [2, 0, 0], sizes = [1, 3, 32], strides = [1, 1, 1]} : vector<4x3x32xf32> to vector<1x3x32xf32>
      %squeeze3A_177 = vector.shape_cast %slice3A_176 : vector<1x3x32xf32> to vector<3x32xf32>
      %swap3A_178 = arith.constant 16 : index
      %swap3A_179 = arith.constant 64 : index
      %swap3A_180 = vector.load %arg18[%swap3A_178, %swap3A_179] : memref<32x128xf32, #tpu.memory_space<vmem>>, vector<3x32xf32>
      tpu.vector_store %arg18[%swap3A_178, %swap3A_179], %squeeze3A_177 {strides = array<i32>} : memref<32x128xf32, #tpu.memory_space<vmem>>, vector<3x32xf32>,
      %slice3A_181 = vector.extract_strided_slice %mul3A_81 {offsets = [3, 0, 0], sizes = [1, 32, 32], strides = [1, 1, 1]} : vector<4x32x32xf32> to vector<1x32x32xf32>
      %squeeze3A_182 = vector.shape_cast %slice3A_181 : vector<1x32x32xf32> to vector<32x32xf32>
      %swap3A_183 = arith.constant 96 : index
      %swap3A_184 = arith.constant 96 : index
      %swap3A_185 = vector.load %arg16[%swap3A_183, %swap3A_184] : memref<128x128xf32, #tpu.memory_space<vmem>>, vector<32x32xf32>
      tpu.vector_store %arg16[%swap3A_183, %swap3A_184], %squeeze3A_182 {strides = array<i32>} : memref<128x128xf32, #tpu.memory_space<vmem>>, vector<32x32xf32>,
      %slice3A_186 = vector.extract_strided_slice %mul3A_109 {offsets = [3, 0, 0], sizes = [1, 32, 32], strides = [1, 1, 1]} : vector<4x32x32xf32> to vector<1x32x32xf32>
      %squeeze3A_187 = vector.shape_cast %slice3A_186 : vector<1x32x32xf32> to vector<32x32xf32>
      %swap3A_188 = arith.constant 96 : index
      %swap3A_189 = arith.constant 96 : index
      %swap3A_190 = vector.load %arg17[%swap3A_188, %swap3A_189] : memref<128x128xf32, #tpu.memory_space<vmem>>, vector<32x32xf32>
      tpu.vector_store %arg17[%swap3A_188, %swap3A_189], %squeeze3A_187 {strides = array<i32>} : memref<128x128xf32, #tpu.memory_space<vmem>>, vector<32x32xf32>,
      %slice3A_191 = vector.extract_strided_slice %mul3A_137 {offsets = [3, 0, 0], sizes = [1, 3, 32], strides = [1, 1, 1]} : vector<4x3x32xf32> to vector<1x3x32xf32>
      %squeeze3A_192 = vector.shape_cast %slice3A_191 : vector<1x3x32xf32> to vector<3x32xf32>
      %swap3A_193 = arith.constant 24 : index
      %swap3A_194 = arith.constant 96 : index
      %swap3A_195 = vector.load %arg18[%swap3A_193, %swap3A_194] : memref<32x128xf32, #tpu.memory_space<vmem>>, vector<3x32xf32>
      tpu.vector_store %arg18[%swap3A_193, %swap3A_194], %squeeze3A_192 {strides = array<i32>} : memref<32x128xf32, #tpu.memory_space<vmem>>, vector<3x32xf32>,
    } else {
    }
    %get3A = arith.constant 0 : index
    %get3A_2 = arith.constant 0 : index
    %get3A_3 = arith.constant 0 : index
    %get3A_4 = vector.load %arg14[%get3A, %get3A_2, %get3A_3] : memref<4x32x4096xf32, #tpu.memory_space<vmem>>, vector<4x32x4096xf32>
    %reshape3A = vector.shape_cast %get3A_4 : vector<4x32x4096xf32> to vector<128x4096xf32>
    %get3A_5 = arith.constant 0 : index
    %get3A_6 = arith.constant 0 : index
    %get3A_7 = vector.load %arg16[%get3A_5, %get3A_6] : memref<128x128xf32, #tpu.memory_space<vmem>>, vector<128x128xf32>
    %dot_general3A = arith.constant dense<0.000000e+00> : vector<128x4096xf32>
    %dot_general3A_8 = tpu.matmul %get3A_7, %reshape3A, %dot_general3A {dimension_numbers = #tpu.dot_dimension_numbers<[1], [0], [0], [1], [0, 0, 1, 1], [], []>, transpose_lhs_hint = false} : vector<128x128xf32>, vector<128x4096xf32>, vector<128x4096xf32> -> vector<128x4096xf32>
    %get3A_9 = arith.constant 0 : index
    %get3A_10 = arith.constant 0 : index
    %get3A_11 = vector.load %arg3[%get3A_9, %get3A_10] : memref<128x1xf32, #tpu.memory_space<vmem>>, vector<128x1xf32>
    %add3A = vector.broadcast %get3A_11 : vector<128x1xf32> to vector<128x4096xf32>
    %add3A_12 = arith.addf %dot_general3A_8, %add3A : vector<128x4096xf32>
    %max3A = arith.constant 0.000000e+00 : f32
    %max3A_13 = vector.broadcast %max3A : f32 to vector<128x4096xf32>
    %max3A_14 = arith.maximumf %add3A_12, %max3A_13 : vector<128x4096xf32>
    %get3A_15 = arith.constant 0 : index
    %get3A_16 = arith.constant 0 : index
    %get3A_17 = vector.load %arg17[%get3A_15, %get3A_16] : memref<128x128xf32, #tpu.memory_space<vmem>>, vector<128x128xf32>
    %dot_general3A_18 = arith.constant dense<0.000000e+00> : vector<128x4096xf32>
    %dot_general3A_19 = tpu.matmul %get3A_17, %max3A_14, %dot_general3A_18 {dimension_numbers = #tpu.dot_dimension_numbers<[1], [0], [0], [1], [0, 0, 1, 1], [], []>, transpose_lhs_hint = false} : vector<128x128xf32>, vector<128x4096xf32>, vector<128x4096xf32> -> vector<128x4096xf32>
    %get3A_20 = arith.constant 0 : index
    %get3A_21 = arith.constant 0 : index
    %get3A_22 = vector.load %arg7[%get3A_20, %get3A_21] : memref<128x1xf32, #tpu.memory_space<vmem>>, vector<128x1xf32>
    %add3A_23 = vector.broadcast %get3A_22 : vector<128x1xf32> to vector<128x4096xf32>
    %add3A_24 = arith.addf %dot_general3A_19, %add3A_23 : vector<128x4096xf32>
    %max3A_25 = arith.constant 0.000000e+00 : f32
    %max3A_26 = vector.broadcast %max3A_25 : f32 to vector<128x4096xf32>
    %max3A_27 = arith.maximumf %add3A_24, %max3A_26 : vector<128x4096xf32>
    %get3A_28 = arith.constant 0 : index
    %get3A_29 = arith.constant 0 : index
    %get3A_30 = vector.load %arg18[%get3A_28, %get3A_29] : memref<32x128xf32, #tpu.memory_space<vmem>>, vector<32x128xf32>
    %dot_general3A_31 = arith.constant dense<0.000000e+00> : vector<32x4096xf32>
    %dot_general3A_32 = tpu.matmul %get3A_30, %max3A_27, %dot_general3A_31 {dimension_numbers = #tpu.dot_dimension_numbers<[1], [0], [0], [1], [0, 0, 1, 1], [], []>, transpose_lhs_hint = false} : vector<32x128xf32>, vector<128x4096xf32>, vector<32x4096xf32> -> vector<32x4096xf32>
    %get3A_33 = arith.constant 0 : index
    %get3A_34 = arith.constant 0 : index
    %get3A_35 = vector.load %arg11[%get3A_33, %get3A_34] : memref<32x1xf32, #tpu.memory_space<vmem>>, vector<32x1xf32>
    %add3A_36 = vector.broadcast %get3A_35 : vector<32x1xf32> to vector<32x4096xf32>
    %add3A_37 = arith.addf %dot_general3A_32, %add3A_36 : vector<32x4096xf32>
    %tanh3A = math.tanh %add3A_37 : vector<32x4096xf32>
    %swap3A = arith.constant 0 : index
    %swap3A_38 = arith.constant 0 : index
    %swap3A_39 = vector.load %arg15[%swap3A, %swap3A_38] : memref<32x4096xf32, #tpu.memory_space<vmem>>, vector<32x4096xf32>
    tpu.vector_store %arg15[%swap3A, %swap3A_38], %tanh3A {strides = array<i32>} : memref<32x4096xf32, #tpu.memory_space<vmem>>, vector<32x4096xf32>,
    return
  }
  func.func @transform_0(%arg0: i32) -> (i32, i32) {
    %c0_i32 = arith.constant 0 : i32
    %c0_i32_0 = arith.constant 0 : i32
    %c0_i32_1 = arith.constant 0 : i32
    return %c0_i32, %c0_i32_0 : i32, i32
  }
  func.func @transform_1(%arg0: i32) -> (i32, i32) {
    %c0_i32 = arith.constant 0 : i32
    %c0_i32_0 = arith.constant 0 : i32
    %c0_i32_1 = arith.constant 0 : i32
    return %c0_i32, %c0_i32_0 : i32, i32
  }
  func.func @transform_2(%arg0: i32) -> (i32, i32) {
    %c0_i32 = arith.constant 0 : i32
    %c0_i32_0 = arith.constant 0 : i32
    %c0_i32_1 = arith.constant 0 : i32
    return %c0_i32, %c0_i32_0 : i32, i32
  }
  func.func @transform_3(%arg0: i32) -> (i32, i32) {
    %c0_i32 = arith.constant 0 : i32
    %c0_i32_0 = arith.constant 0 : i32
    %c0_i32_1 = arith.constant 0 : i32
    return %c0_i32, %c0_i32_0 : i32, i32
  }
  func.func @transform_4(%arg0: i32) -> (i32, i32) {
    %c0_i32 = arith.constant 0 : i32
    %c0_i32_0 = arith.constant 0 : i32
    %c0_i32_1 = arith.constant 0 : i32
    return %c0_i32, %c0_i32_0 : i32, i32
  }
  func.func @transform_5(%arg0: i32) -> (i32, i32) {
    %c0_i32 = arith.constant 0 : i32
    %c0_i32_0 = arith.constant 0 : i32
    %c0_i32_1 = arith.constant 0 : i32
    return %c0_i32, %c0_i32_0 : i32, i32
  }
  func.func @transform_6(%arg0: i32) -> (i32, i32) {
    %c0_i32 = arith.constant 0 : i32
    %c0_i32_0 = arith.constant 0 : i32
    %c0_i32_1 = arith.constant 0 : i32
    return %c0_i32, %c0_i32_0 : i32, i32
  }
  func.func @transform_7(%arg0: i32) -> (i32, i32) {
    %c0_i32 = arith.constant 0 : i32
    %c0_i32_0 = arith.constant 0 : i32
    %c0_i32_1 = arith.constant 0 : i32
    return %c0_i32, %c0_i32_0 : i32, i32
  }
  func.func @transform_8(%arg0: i32) -> (i32, i32) {
    %c0_i32 = arith.constant 0 : i32
    %c0_i32_0 = arith.constant 0 : i32
    %c0_i32_1 = arith.constant 0 : i32
    return %c0_i32, %c0_i32_0 : i32, i32
  }
  func.func @transform_9(%arg0: i32) -> (i32, i32) {
    %c0_i32 = arith.constant 0 : i32
    %c0_i32_0 = arith.constant 0 : i32
    %c0_i32_1 = arith.constant 0 : i32
    return %c0_i32, %c0_i32_0 : i32, i32
  }
  func.func @transform_10(%arg0: i32) -> (i32, i32) {
    %c0_i32 = arith.constant 0 : i32
    %c0_i32_0 = arith.constant 0 : i32
    %c0_i32_1 = arith.constant 0 : i32
    return %c0_i32, %c0_i32_0 : i32, i32
  }
  func.func @transform_11(%arg0: i32) -> (i32, i32) {
    %c0_i32 = arith.constant 0 : i32
    %c0_i32_0 = arith.constant 0 : i32
    %c0_i32_1 = arith.constant 0 : i32
    return %c0_i32, %c0_i32_0 : i32, i32
  }
  func.func @transform_12(%arg0: i32) -> (i32, i32) {
    %c0_i32 = arith.constant 0 : i32
    %c0_i32_0 = arith.constant 0 : i32
    %c0_i32_1 = arith.constant 0 : i32
    return %c0_i32, %c0_i32_0 : i32, i32
  }
  func.func @transform_13(%arg0: i32) -> (i32, i32, i32) {
    %c0_i32 = arith.constant 0 : i32
    %c0_i32_0 = arith.constant 0 : i32
    %c0_i32_1 = arith.constant 0 : i32
    return %c0_i32, %c0_i32_0, %arg0 : i32, i32, i32
  }
  func.func @transform_14(%arg0: i32) -> (i32, i32) {
    %c0_i32 = arith.constant 0 : i32
    %c0_i32_0 = arith.constant 0 : i32
    return %c0_i32, %arg0 : i32, i32
  }
}

</mosaic_0001>

<sc_bundles>
// kernel: kernel.4.cloned.1.call-start
scs
__scs_entry_jumppad:
0x0: {  	(pc) =	sbr.rel $0x88, $3  }
0x1: {  	(tag) =	ssettag $0x0;
	lr =	simm.s32 $0x1  }
0x2: {  	[smem:$0x3F93] =	sst lr;
	_ =	strace $0xD0000000  }
0x3: {  	_ = 	snop  }
0x4: {  	_ = 	snop  }
0x5: {  	_ = 	snop  }
0x6: {  	_ = 	snop  }
0x7: {  	_ = 	snop  }
__scs_overlays_trampoline_lowered:
0x8: {  	[smem:$0x3FA2] =	sst s0  }
0x9: {  	[smem:$0x3FA3] =	sst s1  }
0xa: {  	[smem:$0x3FA4] =	sst s2  }
0xb: {  	[smem:$0x3FA5] =	sst s3  }
0xc: {  	[smem:$0x3FA6] =	sst s4  }
0xd: {  	[smem:$0x3FA7] =	sst s5  }
0xe: {  	[smem:$0x3FA8] =	sst s6  }
0xf: {  	[smem:$0x3FA9] =	sst s7  }
0x10: {  	[smem:$0x3FAA] =	sst s8  }
0x11: {  	[smem:$0x3FAB] =	sst s9;
	s0 =	simm.s32 @!p0 $0x0  }
0x12: {  	s1 =	sld [smem:$0x3F91];
	s0 =	simm.s32 @p0 $0x1  }
0x13: {  	[smem:$0x3FAC] =	sst s0;
	s0 =	simm.s32 @!p1 $0x0  }
0x14: {  	s2 =	sld [smem:$0x3F90];
	s0 =	simm.s32 @p1 $0x1  }
0x15: {  	[smem:$0x3FAD] =	sst s0;
	s0 =	simm.s32 @!p2 $0x0  }
0x16: {  	s3 =	sld [smem:$0x3FDB];
	s0 =	simm.s32 @p2 $0x1  }
0x17: {  	s4 =	simm.s32 $0x1BF5;
	[smem:$0x3FAF] =	sst s0  }
0x18: {  	s0 =	sld [smem:$0x3F92];
	_ =	swait.ge [sflag:s4], $0x0  }
0x19: {  	s7 =	sld [smem:$0x3F93]  }
0x1a: {  	s8 =	sadd.s32 $0xFFFFE003, lr  }
0x1b: {  	s9 =	sadd.s32 $0xFFFFFEF7, lr;
	s5 =	simm.s32 $0xFFFFFFFF;
	p2 =	slt.u32 s8, $0xFFFFF086  }
0x1c: {  	p1 =	slt.u32 s9, $0xF7A;
	s5 =	simm.s32 @!p2 $0x0  }
0x1d: {  	s5 =	simm.s32 @p1 $0x1;
	p0 =	seq.s32 s7, s2  }
0x1e: {  	s7 =	smul.u32 @!p0 $0xF7A, s2;
	p2 =	seq.s32 @!p0 s5, $0x0  }
0x1f: {  	s9 =	smul.u32 $0xF7A, s1;
	s8 =	simm.s32 @!p0 $0x1BF5;
	p2 =	por !p2, p0  }
0x20: {  	[sflag:s8] =	ssyncset.s32 @!p0 $0xFFFFF086;
	s6 =	sadd.s32 @!p0 s3, s7;
	s7 =	simm.s32 @!p0 $0x108  }
0x21: {  	s3 =	sadd.s32 s3, s9;
	s6 =	sadd.s32 @!p0 $0x88, s6;
	s7 =	simm.s32 @p2 $0x1082  }
0x22: {  	[simem:s7], [sflag:s8] =	dma.local @!p0 [hbm:s6], $0xF7A  }
0x23: {  	s9 =	sor.u32 $0xD0000000, s2;
	s6 =	simm.s32 $0x108;
	_ =	swait.ge @!p0 [sflag:s8], $0x0  }
0x24: {  	s3 =	sadd.s32 $0x88, s3;
	s6 =	simm.s32 @!p1 $0x1082;
	[sflag:s4] =	ssyncset.s32 $0xFFFFF086  }
0x25: {  	[simem:s6], [sflag:s4] =	dma.local [hbm:s3], $0xF7A  }
0x26: {  	[smem:$0x3F93] =	sst s1;
	(tag) =	ssettag s2;
	_ =	strace s9  }
0x27: {  	s1 =	sld [smem:$0x3FA3]  }
0x28: {  	s2 =	sld [smem:$0x3FA4]  }
0x29: {  	s4 =	sld [smem:$0x3FA6]  }
0x2a: {  	p0 =	seq.s32 s5, $0x0;
	s5 =	sld [smem:$0x3FA7]  }
0x2b: {  	s6 =	sld [smem:$0x3FA8]  }
0x2c: {  	s7 =	sld [smem:$0x3FA9]  }
0x2d: {  	s3 =	simm.s32 $0x108;
	s8 =	sld [smem:$0x3FAA]  }
0x2e: {  	s3 =	simm.s32 @!p0 $0x1082;
	s9 =	sld [smem:$0x3FAB]  }
0x2f: {  	lr =	sadd.s32 s0, s3;
	s0 =	sld [smem:$0x3FA2]  }
0x30: {  	s3 =	sld [smem:$0x3FA5]  }
0x31: {  	[smem:$0x3FAE] =	sst s10  }
0x32: {  	s10 =	sld [smem:$0x3FAC];
	_ =	sdelay $0x3  }
0x33: {  	p0 =	seq.s32 s10, $0x1;
	s10 =	sld [smem:$0x3FAE];
	_ =	sdelay $0x3  }
0x34: {  	[smem:$0x3FAE] =	sst s10  }
0x35: {  	s10 =	sld [smem:$0x3FAD];
	_ =	sdelay $0x3  }
0x36: {  	p1 =	seq.s32 s10, $0x1;
	s10 =	sld [smem:$0x3FAE];
	_ =	sdelay $0x3  }
0x37: {  	[smem:$0x3FAE] =	sst s10  }
0x38: {  	s10 =	sld [smem:$0x3FAF]  }
0x39: {  	_ = 	snop;
	(pc) =	sbr.ind lr, $3  }
0x3a: {  	_ = 	snop  }
0x3b: {  	_ = 	snop  }
0x3c: {  	p2 =	seq.s32 s10, $0x1;
	s10 =	sld [smem:$0x3FAE]  }
0x3d: {  	_ =	shalt  }
0x3e: {  	_ =	shalt  }
0x3f: {  	_ =	shalt  }
0x40: {  	_ =	shalt  }
0x41: {  	_ =	shalt  }
0x42: {  	_ =	shalt  }
0x43: {  	_ =	shalt  }
0x44: {  	_ =	shalt  }
0x45: {  	_ =	shalt  }
0x46: {  	_ =	shalt  }
0x47: {  	_ =	shalt  }
0x48: {  	_ =	shalt  }
0x49: {  	_ =	shalt  }
0x4a: {  	_ =	shalt  }
0x4b: {  	_ =	shalt  }
0x4c: {  	_ =	shalt  }
0x4d: {  	_ =	shalt  }
0x4e: {  	_ =	shalt  }
0x4f: {  	_ =	shalt  }
0x50: {  	_ =	shalt  }
0x51: {  	_ =	shalt  }
0x52: {  	_ =	shalt  }
0x53: {  	_ =	shalt  }
0x54: {  	_ =	shalt  }
0x55: {  	_ =	shalt  }
0x56: {  	_ =	shalt  }
0x57: {  	_ =	shalt  }
0x58: {  	_ =	shalt  }
0x59: {  	_ =	shalt  }
0x5a: {  	_ =	shalt  }
0x5b: {  	_ =	shalt  }
0x5c: {  	_ =	shalt  }
0x5d: {  	_ =	shalt  }
0x5e: {  	_ =	shalt  }
0x5f: {  	_ =	shalt  }
0x60: {  	_ =	shalt  }
0x61: {  	_ =	shalt  }
0x62: {  	_ =	shalt  }
0x63: {  	_ =	shalt  }
0x64: {  	_ =	shalt  }
0x65: {  	_ =	shalt  }
0x66: {  	_ =	shalt  }
0x67: {  	_ =	shalt  }
0x68: {  	_ =	shalt  }
0x69: {  	_ =	shalt  }
0x6a: {  	_ =	shalt  }
0x6b: {  	_ =	shalt  }
0x6c: {  	_ =	shalt  }
0x6d: {  	_ =	shalt  }
0x6e: {  	_ =	shalt  }
0x6f: {  	_ =	shalt  }
0x70: {  	_ =	shalt  }
0x71: {  	_ =	shalt  }
0x72: {  	_ =	shalt  }
0x73: {  	_ =	shalt  }
0x74: {  	_ =	shalt  }
0x75: {  	_ =	shalt  }
0x76: {  	_ =	shalt  }
0x77: {  	_ =	shalt  }
0x78: {  	_ =	shalt  }
0x79: {  	_ =	shalt  }
0x7a: {  	_ =	shalt  }
0x7b: {  	_ =	shalt  }
0x7c: {  	_ =	shalt  }
0x7d: {  	_ =	shalt  }
0x7e: {  	_ =	shalt  }
0x7f: {  	_ =	shalt  }
0x80: {  	_ =	shalt  }
0x81: {  	_ =	shalt  }
0x82: {  	_ =	shalt  }
0x83: {  	_ =	shalt  }
0x84: {  	_ =	shalt  }
0x85: {  	_ =	shalt  }
0x86: {  	_ =	shalt  }
0x87: {  	_ =	shalt  }
.Lfunc_end0:
.L_simem_size_0:
called_computation_lowered:
.L_overlay_start_0:
0x88: {  	s2 =	sld [smem:$0x3FD9]  }
0x89: {  	s3 =	sld [smem:$0x3FFE];
	_ =	sdelay $0x1  }
0x8a: {  	s1 =	srdreg.scid  }
0x8b: {  	s0 =	sand.u32 $0x1, s1  }
0x8c: {  	s17 =	sshll.u32 s0, $0xA;
	s2 =	sadd.s32 s3, s2  }
0x8d: {  	s2 =	sadd.s32 s2, s17  }
0x8e: {  	[smem:$0x3FBA] =	sst s2  }
0x8f: {  	_ = 	snop  }
0x90: {  	s2 =	sld [smem:$0x3FC9];
	(tm) =	ssettm $0x1  }
0x91: {  	s18 =	sld [smem:$0x3FFB];
	_ =	sdelay $0x3  }
0x92: {  	_ =	strace s18  }
0x93: {  	s3 =	sld [smem:$0x3FFC];
	_ =	sdelay $0x3  }
0x94: {  	_ =	strace s3  }
0x95: {  	s3 =	sld [smem:$0x3FFD];
	_ =	sdelay $0x3  }
0x96: {  	_ =	strace s3  }
0x97: {  	_ =	strace $0x8FFFFFFF  }
0x98: {  	s19 =	sld [smem:$0x3FDB];
	_ =	sdelay $0x1  }
0x99: {  	s4 =	simm.s32 $_scs_section_size  }
0x9a: {  	s5 =	simm.s32 $_size__tile_overlayer_lowered;
	s6 =	simm.s32 $_tile_overlayer_lowered  }
0x9b: {  	s22 =	simm.s32 $0x1BFF;
	s21 =	sshll.u32 s6, $0x1;
	s3 =	sadd.s32 s4, s19  }
0x9c: {  	s7 =	simm.s32 $0x0;
	s20 =	sshll.u32 s5, $0x1;
	s5 =	sadd.s32 s21, s3  }
0x9d: {  	[timem:s7], [sflag:s22] =	dma.local [hbm:s5], s20  }
0x9e: {  	_ =	swait.ge [sflag:s22], s20  }
0x9f: {  	s4 =	ssub.s32 $0x0, s20;
	[sflag:s22] =	ssyncset.done $0x0  }
0xa0: {  	[sflag:s22] =	ssyncadd.s32 s4;
	_ =	sdelay $0x1  }
0xa1: {  	s23 =	simm.s32 $0x1B8B  }
0xa2: {  	_ =	swait.ge [sflag:s23], $0x1  }
0xa3: {  	[sflag:s23] =	ssyncset.done $0x0  }
0xa4: {  	s25 =	simm.s32 $0x1B8E;
	s24 =	sld [smem:$0x3FFE];
	[sflag:s23] =	ssyncadd.s32 $0xFFFFFFFF  }
0xa5: {  	s26 =	simm.s32 $execute0_lowered;
	[smem:$0x3FD2] =	sst s25  }
0xa6: {  	s5 =	sshll.u32 s26, $0x1;
	_ =	strace $0x80000046;
	[dreg:$0x1] =	wrdreg $0xFFFFFFFF  }
0xa7: {  	s28 =	simm.s32 $_size_execute0_lowered;
	s3 =	sadd.s32 s3, s5;
	[dreg:$0x0] =	wrdreg $0x0  }
0xa8: {  	s5 =	sshll.u32 s28, $0x1;
	[dreg:$0x2] =	wrdreg s3  }
0xa9: {  	[dreg:$0x3] =	wrdreg s5  }
0xaa: {  	[dreg:$0x4] =	wrdreg $0xC0  }
0xab: {  	_ =	task [dreg:s7], $0x5FFFF  }
0xac: {  	[dreg:$0x1] =	wrdreg $0xFFFFFFFF  }
0xad: {  	[dreg:$0x0] =	wrdreg $0x60  }
0xae: {  	[dreg:$0x2] =	wrdreg s2  }
0xaf: {  	[dreg:$0x3] =	wrdreg s24  }
0xb0: {  	[dreg:$0x4] =	wrdreg $0x9  }
0xb1: {  	_ =	task.clear_ibuf [dreg:s7], $0x5FFFF;
	_ =	strace $0x90000046  }
0xb2: {  	s29 =	simm.s32 $0x9;
	_ =	strace $0x80000048  }
0xb3: {  	_ =	swait.ge [sflag:s29], $0x1  }
0xb4: {  	[sflag:s29] =	ssyncadd.s32 $0xFFFFFFFF  }
0xb5: {  	_ =	strace $0x90000048  }
0xb6: {  	_ =	sfence  }
0xb7: {  	s30 =	sld [smem:$0x0];
	_ =	sdelay $0x2  }
0xb8: {  	s31 =	sshll.u32 s1, $0xD;
	s1 =	sshrl.u32 s1, $0x2  }
0xb9: {  	s3 =	sand.u32 $0x4000, s31;
	s1 =	sadd.s32 s1, s30  }
0xba: {  	s0 =	sor.u32 s3, s0;
	s1 =	sshll.u32 s1, $0x11  }
0xbb: {  	s0 =	sor.u32 s1, s0  }
0xbc: {  	s0 =	sadd.s32 $0x8F2B, s0  }
0xbd: {  	[sflag:s0] =	ssyncadd.remote.s32 $0x1  }
0xbe: {  	_ =	sfence.sel $0xFFFF  }
0xbf: {  	[dreg:$0x0] =	wrdreg $0xFFFFFFFF;
	(pc) =	sbr.abs _section_cstart, $3  }
0xc0: {  	[dreg:$0x1] =	wrdreg $0xFFFFFFFF  }
0xc1: {  	_ =	task.clear_ibuf [dreg:s7], $0x2FFFF;
	_ =	strace $0x9FFFFFFF  }
0xc2: {  	(tm) =	ssettm $0x7FFFFFFF  }
0xc3: {  	_ =	shalt  }
tec
execute0_lowered:
.L_overlay_start_1:
0x0: {  	(tag) =	ssettag $0x1  }
0x1: {  	s0 =	stileid.u32  }
0x2: {  	s1 =	simm.s32 $0x10;
	p0 =	seq.s32 s0, $0x0  }
0x3: {  	s1 =	simm.s32 @!p0 $0x0;
	p0 =	seq.s32 s0, $0x1  }
0x4: {  	s1 =	simm.s32 @p0 $0x13;
	p0 =	seq.s32 s0, $0x2  }
0x5: {  	s1 =	simm.s32 @p0 $0x17;
	p0 =	seq.s32 s0, $0x3  }
0x6: {  	s1 =	simm.s32 @p0 $0x1B;
	p0 =	seq.s32 s0, $0x4  }
0x7: {  	s1 =	simm.s32 @p0 $0x21;
	p0 =	seq.s32 s0, $0x5  }
0x8: {  	s1 =	simm.s32 @p0 $0x28;
	p0 =	seq.s32 s0, $0x6  }
0x9: {  	s1 =	simm.s32 @p0 $0x30;
	p0 =	seq.s32 s0, $0x7  }
0xa: {  	s1 =	simm.s32 @p0 $0x3A;
	p0 =	seq.s32 s0, $0x8  }
0xb: {  	s1 =	simm.s32 @p0 $0x46;
	p0 =	seq.s32 s0, $0x9  }
0xc: {  	v0 =	vlaneseq.u32;
	s1 =	simm.s32 @p0 $0x54;
	p0 =	seq.s32 s0, $0xA  }
0xd: {  	v48 =	vmul.u32 $0x2, v0;
	s1 =	simm.s32 @p0 $0x65;
	p0 =	seq.s32 s0, $0xB  }
0xe: {  	s1 =	simm.s32 @p0 $0x7A;
	p0 =	seq.s32 s0, $0xC  }
0xf: {  	v0 =	vor.u32 $0x1, v48;
	v2 =	vor.u32 $0x21, v48;
	v5 =	vor.u32 $0x41, v48;
	s1 =	simm.s32 @p0 $0x93;
	p0 =	seq.s32 s0, $0xD  }
0x10: {  	v8 =	vor.u32 $0x61, v48;
	v12 =	vor.u32 $0x81, v48;
	v16 =	vor.u32 $0xA1, v48;
	s1 =	simm.s32 @p0 $0xB0;
	p0 =	seq.s32 s0, $0xE  }
0x11: {  	v20 =	vor.u32 $0xC1, v48;
	v30 =	vor.u32 $0x121, v48;
	v37 =	vor.u32 $0x141, v48;
	s1 =	simm.s32 @p0 $0xD4;
	p0 =	seq.s32 s0, $0xF  }
0x12: {  	v62 =	vor.u32 $0x161, v48;
	v47 =	vor.u32 $0x1A1, v48;
	v51 =	vor.u32 $0x1C1, v48;
	s1 =	simm.s32 @p0 $0xFF  }
0x13: {  	v0 =	vmul.u32 s1, v0;
	v2 =	vmul.u32 s1, v2;
	v5 =	vmul.u32 s1, v5  }
0x14: {  	v9 =	vmul.u32 s1, v8;
	v13 =	vmul.u32 s1, v12;
	v17 =	vmul.u32 s1, v16  }
0x15: {  	v22 =	vmul.u32 s1, v20;
	v33 =	vmul.u32 s1, v30;
	v37 =	vmul.u32 s1, v37  }
0x16: {  	v39 =	vmul.u32 s1, v62;
	v1 =	vcvt.s32.f32 v0;
	v4 =	vcvt.s32.f32 v2  }
0x17: {  	v50 =	vmul.u32 s1, v47;
	v7 =	vcvt.s32.f32 v5;
	v11 =	vcvt.s32.f32 v9  }
0x18: {  	v51 =	vmul.u32 s1, v51;
	v15 =	vcvt.s32.f32 v13;
	v19 =	vcvt.s32.f32 v17  }
0x19: {  	v0 =	vshra.s32 v0, $0x9;
	v24 =	vcvt.s32.f32 v22;
	v36 =	vcvt.s32.f32 v33  }
0x1a: {  	v9 =	vshra.s32 v9, $0x9;
	v40 =	vcvt.s32.f32 v37;
	v20 =	vcvt.s32.f32 v39  }
0x1b: {  	v13 =	vshra.s32 v13, $0x9;
	v52 =	vcvt.s32.f32 v50;
	v3 =	vcvt.s32.f32 v0  }
0x1c: {  	v17 =	vshra.s32 v17, $0x9;
	v14 =	vcvt.s32.f32 v9;
	v18 =	vcvt.s32.f32 v13  }
0x1d: {  	v59 =	vshra.s32 v51, $0x9;
	v23 =	vcvt.s32.f32 v17;
	v1 =	vmul.f32 $1.953125000e-03, v1  }
0x1e: {  	v44 =	vadd.s32 $0x1, v17;
	v61 =	vadd.s32 $0x1, v59;
	v4 =	vmul.f32 $1.953125000e-03, v4  }
0x1f: {  	v8 =	vmul.f32 $1.953125000e-03, v7;
	v12 =	vmul.f32 $1.953125000e-03, v11;
	v1 =	vsub.f32 v1, v3  }
0x20: {  	v16 =	vmul.f32 $1.953125000e-03, v15;
	v21 =	vmul.f32 $1.953125000e-03, v19;
	v3 =	vshra.s32 v2, $0x9  }
0x21: {  	v19 =	vor.u32 $0xE1, v48;
	v2 =	vmovc v0;
	v6 =	vcvt.s32.f32 v3;
	v0 =	vsub.f32 $1.000000000e+00, v1  }
0x22: {  	v7 =	vadd.s32 $0x1, v13;
	v26 =	vmul.f32 $1.953125000e-03, v24;
	v36 =	vmul.f32 $1.953125000e-03, v36;
	[tilespmem:$0x1FE70] =	vst v3  }
0x23: {  	v42 =	vmul.f32 $1.953125000e-03, v40;
	v40 =	vor.u32 $0x181, v48;
	[tilespmem:$0x1FE40] =	vst v0;
	v0 =	vsub.f32 v4, v6  }
0x24: {  	v63 =	vmul.f32 $1.953125000e-03, v20;
	v25 =	vmul.u32 s1, v19;
	v49 =	vmul.u32 s1, v40;
	[tilespmem:$0x1FE30] =	vst v1  }
0x25: {  	s6 =	rddreg [dreg:$0x0];
	v12 =	vsub.f32 v12, v14;
	v1 =	vshra.s32 v5, $0x9;
	[tilespmem:$0x1FE50] =	vst v0;
	v0 =	vsub.f32 $1.000000000e+00, v0  }
0x26: {  	s4 =	rddreg [dreg:$0x1];
	s3 =	simm.s32 $0x0;
	v16 =	vsub.f32 v16, v18;
	v18 =	vadd.s32 $0x1, v9;
	v10 =	vcvt.s32.f32 v1;
	[tilespmem:$0x1FE80] =	vst v1  }
0x27: {  	[smem:$0x7FF] =	sst s3;
	v24 =	vcvt.s32.f32 v25;
	v15 =	vsub.f32 $1.000000000e+00, v12;
	v6 =	vadd.s32 $0x1, v2;
	[tilespmem:$0x1FE60] =	vst v0  }
0x28: {  	s2 =	rddreg [dreg:$0x2];
	v4 =	vsub.f32 v21, v23;
	v21 =	vshra.s32 v50, $0x9;
	v8 =	vsub.f32 v8, v10;
	_ =	strace $0x80000047;
	[tilespmem:$0x1FEA0] =	vst v6  }
0x29: {  	v19 =	vsub.f32 $1.000000000e+00, v16;
	v14 =	vadd.s32 $0x1, v1;
	v1 =	vshra.s32 v22, $0x9;
	[tilespmem:$0x1FEB0] =	vst v21  }
0x2a: {  	v5 =	vmul.f32 $1.953125000e-03, v24;
	v23 =	vshra.s32 v25, $0x9;
	v25 =	vor.u32 $0x101, v48;
	[tilespmem:$0x1FF30] =	vst v8  }
0x2b: {  	v48 =	vor.u32 $0x1E1, v48;
	v29 =	vcvt.s32.f32 v23;
	v31 =	vmul.u32 s1, v25;
	[tilespmem:$0x1FF40] =	vst v4  }
0x2c: {  	v10 =	vadd.s32 $0x1, v3;
	v27 =	vcvt.s32.f32 v21;
	v25 =	vcvt.s32.f32 v59;
	[tilespmem:$0x1FF50] =	vst v1  }
0x2d: {  	v24 =	vsub.f32 $1.000000000e+00, v4;
	v32 =	vcvt.s32.f32 v31;
	v30 =	vshra.s32 v31, $0x9;
	[tilespmem:$0x1FF60] =	vst v23  }
0x2e: {  	v31 =	vshra.s32 v33, $0x9;
	v0 =	vcvt.s32.f32 v1;
	v35 =	vcvt.s32.f32 v30;
	[tilespmem:$0x1FF70] =	vst v7  }
0x2f: {  	v11 =	vsub.f32 $1.000000000e+00, v8;
	v38 =	vcvt.s32.f32 v31;
	v34 =	vmul.f32 $1.953125000e-03, v32;
	[tilespmem:$0x1FF80] =	vst v9  }
0x30: {  	v57 =	vadd.s32 $0x1, v31;
	[tilespmem:$0x1FF90] =	vst v24;
	v3 =	vsub.f32 v26, v0;
	v26 =	vmul.f32 $1.953125000e-03, v52  }
0x31: {  	[tilespmem:$0x1FFA0] =	vst v10;
	v33 =	vsub.f32 v34, v35;
	v34 =	vsub.f32 v36, v38;
	v35 =	vshra.s32 v37, $0x9  }
0x32: {  	s5 =	srdreg.scid;
	s14 =	simm.s32 $0x80;
	[tilespmem:$0x1FFC0] =	vst v11;
	v36 =	vshra.s32 v39, $0x9;
	v39 =	vshra.s32 v49, $0x9;
	v49 =	vcvt.s32.f32 v49  }
0x33: {  	s15 =	simm.s32 $0x400;
	s16 =	simm.s32 $0x1;
	s17 =	simm.s32 $0x8000;
	v55 =	vmul.u32 s1, v48;
	[tilespmem:$0x1FFD0] =	vst v57;
	v43 =	vcvt.s32.f32 v35;
	v45 =	vcvt.s32.f32 v36  }
0x34: {  	s18 =	simm.s32 $0x0;
	s7 =	sand.u32 $0x1, s5;
	s4 =	sadd.s32 $0x1E00, s4;
	v20 =	vadd.s32 $0x1, v35;
	v22 =	vcvt.s32.f32 v39;
	[tilespmem:$0x1FEF0] =	vst v39;
	v53 =	vsub.f32 $1.000000000e+00, v34  }
0x35: {  	s25 =	sshll.u32 s0, $0xF;
	s9 =	sshll.u32 s0, $0x7;
	s29 =	sshll.u32 s0, $0x11;
	[tilespmem:$0x1FFB0] =	vst v3;
	v56 =	vsub.f32 v42, v43;
	v42 =	vmul.f32 $1.953125000e-03, v49;
	v43 =	vcvt.s32.f32 v51  }
0x36: {  	s30 =	sshll.u32 s0, $0x8;
	s10 =	sshllo.u32 s7, $0x1;
	s8 =	sshll.u32 s7, $0x14;
	[tilespmem:$0x1FE90] =	vst v20;
	v62 =	vsub.f32 v63, v45;
	v45 =	vcvt.s32.f32 v55;
	v49 =	vsub.f32 v26, v27  }
0x37: {  	s5 =	sand.u32 $0x40000, s25;
	s9 =	sand.u32 $0x380, s9;
	s12 =	ssub.s32 $0x2, s7;
	v48 =	vshra.s32 v55, $0x9;
	[tilespmem:$0x1FFF0] =	vst v53;
	v58 =	vmul.f32 $1.953125000e-03, v43;
	v22 =	vsub.f32 v42, v22  }
0x38: {  	s31 =	sshll.u32 s7, $0x16;
	s13 =	sand.u32 $0x180000, s29;
	s7 =	sand.u32 $0x300, s30;
	v46 =	vsub.f32 v5, v29;
	v28 =	vcvt.s32.f32 v48;
	v55 =	vmul.f32 $1.953125000e-03, v45;
	[tilespmem:$0x1FED0] =	vst v49  }
0x39: {  	s8 =	sor.u32 s8, s5;
	s11 =	sshll.u32 s10, $0x13;
	s26 =	sshrl.u32 s12, $0x1;
	v5 =	vadd.s32 $0x1, v1;
	[tilespmem:$0x1FFE0] =	vst v56;
	v50 =	vsub.f32 v58, v25;
	v26 =	vsub.f32 $1.000000000e+00, v22  }
0x3a: {  	s10 =	sshll.u32 s10, $0x15;
	s8 =	sor.u32 s9, s8;
	s5 =	sor.u32 s5, s11;
	v41 =	vsub.f32 $1.000000000e+00, v46;
	v32 =	vadd.s32 $0x1, v23;
	v27 =	vsub.f32 v55, v28;
	[tilespmem:$0x1FEC0] =	vst v22  }
0x3b: {  	s11 =	ssub.s32 s12, s26;
	s10 =	sor.u32 s13, s10;
	s8 =	sshrl.u32 s8, $0x3;
	v38 =	vadd.s32 $0x1, v30;
	v0 =	vsub.f32 $1.000000000e+00, v3;
	v43 =	vsub.f32 $1.000000000e+00, v50;
	[tilespmem:$0x1FEE0] =	vst v26  }
0x3c: {  	s9 =	sor.u32 s9, s5;
	s11 =	smax.u32 s11, $0x1;
	s5 =	sadd.s32 s6, s8;
	v47 =	vadd.s32 $0x1, v36;
	v37 =	vsub.f32 $1.000000000e+00, v33;
	v29 =	vsub.f32 $1.000000000e+00, v27;
	[tilespmem:$0x1FF00] =	vst v27  }
0x3d: {  	s28 =	sshrl.u32 s9, $0x3;
	s8 =	sor.u32 s31, s13;
	s9 =	sor.u32 $0x80, s7;
	v60 =	vadd.s32 $0x1, v39;
	v63 =	vsub.f32 $1.000000000e+00, v56;
	v54 =	vsub.f32 $1.000000000e+00, v62;
	[tilespmem:$0x1FF10] =	vst v43  }
0x3e: {  	s6 =	sadd.s32 s6, s28;
	s12 =	sshll.u32 s1, $0x5;
	s13 =	sshll.u32 s1, $0x1;
	v42 =	vsub.f32 $1.000000000e+00, v49;
	v45 =	vadd.s32 $0x1, v48;
	v28 =	vadd.s32 $0x1, v21;
	[tilespmem:$0x1FF20] =	vst v29  }
.LBB2_1:
0x3f: {  	[tilespmem:s3], [sflag:$0x1] =	stream.strided.gather [hbm4b:s5+s14], $0x8000, s15, s14, $0x38;
	[tilespmem:$0x14000] =	vst v63  }
0x40: {  	_ =	swait.ge [sflag:s16], $0x8000  }
0x41: {  	[sflag:s16] =	ssyncset.done $0x0  }
0x42: {  	[sflag:s16] =	ssyncadd.s32 $0xFFFF8000  }
0x43: {  	[tilespmem:s17], [sflag:$0x1] =	stream.strided.gather [hbm4b:s6+s14], $0x8000, s15, s14, $0x38;
	[tilespmem:$0x14000] =	vst v63  }
0x44: {  	_ =	swait.ge [sflag:s16], $0x8000  }
0x45: {  	[sflag:s16] =	ssyncset.done $0x0  }
0x46: {  	s19 =	smov.u32 s1;
	s20 =	simm.s32 $0x0;
	[sflag:s16] =	ssyncadd.s32 $0xFFFF8000  }
.LBB2_2:
0x47: {  	v25 =	vmov v39;
	v39 =	vmov v54  }
0x48: {  	v40 =	vmovc v47;
	v47 =	vmovc v0;
	v23 =	vmov v22;
	v22 =	vmov v48;
	v48 =	vmov v5  }
0x49: {  	v24 =	vmovc v49;
	v49 =	vmovc v41;
	v41 =	vmov v50;
	v50 =	vmov v30;
	v51 =	vmov v31  }
0x4a: {  	v31 =	vmovc v12;
	v52 =	vmovc v32;
	v32 =	vmov v13;
	v53 =	vmov v33;
	v33 =	vmov v14  }
0x4b: {  	v54 =	vmovc v34;
	v34 =	vmovc v15;
	v55 =	vmov v35;
	v35 =	vmov v16;
	v56 =	vmov v36  }
0x4c: {  	s21 =	simm.s32 $0x0;
	s22 =	smov.u32 s19;
	v36 =	vmovc v17;
	v57 =	vmovc v37;
	v37 =	vmov v18;
	v58 =	vmov v38;
	v38 =	vmov v19  }
.LBB2_3:
0x4d: {  	s23 =	sshra.s32 s22, $0x9  }
0x4e: {  	s28 =	smul.u32 $0x9E3779B1, s23;
	_ =	sdelay $0x1  }
0x4f: {  	v0 =	vxor.u32 s28, v2  }
0x50: {  	v0 =	vshll.u32 v0, $0x1;
	v1 =	vxor.u32 s28, v6  }
0x51: {  	v1 =	vshll.u32 v1, $0x1;
	v0 =	vand.u32 $0x7FFE, v0  }
0x52: {  	s25 =	sadd.s32 $0x9E3779B1, s28;
	v1 =	vand.u32 $0x7FFE, v1  }
0x53: {  	s24 =	scvt.s32.f32 s22;
	v19 =	vmov v2;
	v2 =	vxor.u32 s25, v2;
	v3 =	vor.u32 $0x1, v0  }
0x54: {  	v16 =	vld [tilespmem:$0x1FE40];
	v2 =	vshll.u32 v2, $0x1;
	v4 =	vor.u32 $0x1, v1  }
0x55: {  	v30 =	vld [tilespmem:$0x1FE30];
	s23 =	scvt.s32.f32 s23;
	s24 =	smul.f32 $1.953125000e-03, s24;
	v5 =	vxor.u32 s25, v6;
	v2 =	vand.u32 $0x7FFE, v2  }
0x56: {  	v5 =	vshll.u32 v5, $0x1;
	v7 =	vor.u32 $0x1, v2;
	v6 =	vld.idx.msk [tilespmem:v0+s3+$0x0], $0xffff  }
0x57: {  	s24 =	ssub.f32 s24, s23;
	v5 =	vand.u32 $0x7FFE, v5;
	v8 =	vld.idx.msk [tilespmem:v1+s3+$0x0], $0xffff  }
0x58: {  	v10 =	vor.u32 $0x1, v5;
	v9 =	vld.idx.msk [tilespmem:v3+s3+$0x0], $0xffff  }
0x59: {  	s26 =	ssub.f32 $1.000000000e+00, s24;
	v11 =	vld.idx.msk [tilespmem:v4+s3+$0x0], $0xffff  }
0x5a: {  	v12 =	vld.idx.msk [tilespmem:v2+s3+$0x0], $0xffff  }
0x5b: {  	v13 =	vmul.f32 s26, v16;
	v14 =	vmul.f32 s26, v30;
	v15 =	vld.idx.msk [tilespmem:v7+s3+$0x0], $0xffff  }
0x5c: {  	v16 =	vmul.f32 s24, v16;
	v17 =	vld.idx.msk [tilespmem:v5+s3+$0x0], $0xffff  }
0x5d: {  	v18 =	vld.idx.msk [tilespmem:v10+s3+$0x0], $0xffff;
	v6 =	vmul.f32 v6, v13;
	v8 =	vmul.f32 v8, v14  }
0x5e: {  	v9 =	vmul.f32 v9, v13;
	v11 =	vmul.f32 v11, v14  }
0x5f: {  	v12 =	vmul.f32 v12, v16;
	v6 =	vadd.f32 v8, v6;
	v8 =	vmul.f32 s24, v30  }
0x60: {  	v9 =	vadd.f32 v11, v9;
	v11 =	vmul.f32 v15, v16  }
0x61: {  	v6 =	vadd.f32 v12, v6;
	v17 =	vmul.f32 v17, v8  }
0x62: {  	v15 =	vmul.f32 v18, v8;
	v9 =	vadd.f32 v11, v9  }
0x63: {  	v6 =	vadd.f32 v17, v6  }
0x64: {  	s31 =	sshra.s32 s21, $0x2;
	v9 =	vadd.f32 v15, v9  }
0x65: {  	[tilespmem:s31+$0x10000] =	vst v6  }
0x66: {  	[tilespmem:s31+$0x10080] =	vst v9  }
0x67: {  	v0 =	vld.idx.msk [tilespmem:v0+s17+$0x0], $0xffff  }
0x68: {  	v1 =	vld.idx.msk [tilespmem:v1+s17+$0x0], $0xffff  }
0x69: {  	v3 =	vld.idx.msk [tilespmem:v3+s17+$0x0], $0xffff  }
0x6a: {  	v4 =	vld.idx.msk [tilespmem:v4+s17+$0x0], $0xffff  }
0x6b: {  	v2 =	vld.idx.msk [tilespmem:v2+s17+$0x0], $0xffff  }
0x6c: {  	v6 =	vld.idx.msk [tilespmem:v7+s17+$0x0], $0xffff;
	_ =	sdelay $0x1  }
0x6d: {  	v0 =	vmul.f32 v0, v13;
	v1 =	vmul.f32 v1, v14  }
0x6e: {  	v3 =	vmul.f32 v3, v13;
	v4 =	vmul.f32 v4, v14  }
0x6f: {  	v5 =	vld.idx.msk [tilespmem:v5+s17+$0x0], $0xffff;
	v0 =	vadd.f32 v1, v0  }
0x70: {  	v1 =	vmul.f32 v2, v16;
	v2 =	vadd.f32 v4, v3;
	v3 =	vmul.f32 v6, v16;
	v6 =	vld [tilespmem:$0x1FE70]  }
0x71: {  	v16 =	vld [tilespmem:$0x1FFA0]  }
0x72: {  	v7 =	vld.idx.msk [tilespmem:v10+s17+$0x0], $0xffff;
	_ =	sdelay $0x2  }
0x73: {  	v0 =	vadd.f32 v1, v0;
	v1 =	vmul.f32 v5, v8;
	v4 =	vxor.u32 s28, v6  }
0x74: {  	v2 =	vadd.f32 v3, v2;
	v3 =	vshll.u32 v4, $0x1;
	v4 =	vxor.u32 s28, v16  }
0x75: {  	v5 =	vmul.f32 v7, v8;
	v4 =	vshll.u32 v4, $0x1;
	v3 =	vand.u32 $0x7FFE, v3  }
0x76: {  	v0 =	vadd.f32 v1, v0;
	v1 =	vand.u32 $0x7FFE, v4  }
0x77: {  	v2 =	vadd.f32 v5, v2;
	v4 =	vxor.u32 s25, v6;
	v5 =	vor.u32 $0x1, v3  }
0x78: {  	v30 =	vld [tilespmem:$0x1FE50];
	[tilespmem:s31+$0x10100] =	vst v0;
	v0 =	vshll.u32 v4, $0x1;
	v4 =	vor.u32 $0x1, v1  }
0x79: {  	[tilespmem:s31+$0x10180] =	vst v2;
	v2 =	vxor.u32 s25, v16;
	v16 =	vld [tilespmem:$0x1FE60];
	v0 =	vand.u32 $0x7FFE, v0  }
0x7a: {  	v2 =	vshll.u32 v2, $0x1;
	v7 =	vor.u32 $0x1, v0;
	v6 =	vld.idx.msk [tilespmem:v3+s3+$0x0], $0xffff  }
0x7b: {  	v2 =	vand.u32 $0x7FFE, v2;
	v8 =	vld.idx.msk [tilespmem:v1+s3+$0x0], $0xffff  }
0x7c: {  	v10 =	vor.u32 $0x1, v2;
	v9 =	vld.idx.msk [tilespmem:v5+s3+$0x0], $0xffff  }
0x7d: {  	v11 =	vld.idx.msk [tilespmem:v4+s3+$0x0], $0xffff  }
0x7e: {  	v12 =	vld.idx.msk [tilespmem:v0+s3+$0x0], $0xffff  }
0x7f: {  	v14 =	vmul.f32 s26, v30;
	v13 =	vmul.f32 s26, v16;
	v15 =	vld.idx.msk [tilespmem:v7+s3+$0x0], $0xffff  }
0x80: {  	v16 =	vmul.f32 s24, v16;
	v17 =	vld.idx.msk [tilespmem:v2+s3+$0x0], $0xffff  }
0x81: {  	v18 =	vld.idx.msk [tilespmem:v10+s3+$0x0], $0xffff;
	v6 =	vmul.f32 v6, v13;
	v8 =	vmul.f32 v8, v14  }
0x82: {  	v9 =	vmul.f32 v9, v13;
	v11 =	vmul.f32 v11, v14  }
0x83: {  	v6 =	vadd.f32 v8, v6;
	v8 =	vmul.f32 s24, v30;
	v12 =	vmul.f32 v12, v16  }
0x84: {  	v9 =	vadd.f32 v11, v9;
	v11 =	vmul.f32 v15, v16  }
0x85: {  	v6 =	vadd.f32 v12, v6;
	v17 =	vmul.f32 v17, v8  }
0x86: {  	v15 =	vmul.f32 v18, v8;
	v9 =	vadd.f32 v11, v9  }
0x87: {  	v6 =	vadd.f32 v17, v6  }
0x88: {  	v9 =	vadd.f32 v15, v9  }
0x89: {  	[tilespmem:s31+$0x10010] =	vst v6  }
0x8a: {  	[tilespmem:s31+$0x10090] =	vst v9  }
0x8b: {  	v3 =	vld.idx.msk [tilespmem:v3+s17+$0x0], $0xffff  }
0x8c: {  	v1 =	vld.idx.msk [tilespmem:v1+s17+$0x0], $0xffff  }
0x8d: {  	v5 =	vld.idx.msk [tilespmem:v5+s17+$0x0], $0xffff  }
0x8e: {  	v4 =	vld.idx.msk [tilespmem:v4+s17+$0x0], $0xffff  }
0x8f: {  	v0 =	vld.idx.msk [tilespmem:v0+s17+$0x0], $0xffff  }
0x90: {  	v6 =	vld.idx.msk [tilespmem:v7+s17+$0x0], $0xffff;
	_ =	sdelay $0x1  }
0x91: {  	v2 =	vld.idx.msk [tilespmem:v2+s17+$0x0], $0xffff;
	v3 =	vmul.f32 v3, v13;
	v1 =	vmul.f32 v1, v14  }
0x92: {  	v5 =	vmul.f32 v5, v13;
	v4 =	vmul.f32 v4, v14  }
0x93: {  	v7 =	vld.idx.msk [tilespmem:v10+s17+$0x0], $0xffff;
	v0 =	vmul.f32 v0, v16  }
0x94: {  	v1 =	vadd.f32 v1, v3;
	v3 =	vadd.f32 v4, v5;
	v4 =	vmul.f32 v6, v16;
	v6 =	vld [tilespmem:$0x1FE80];
	_ =	sdelay $0x1  }
0x95: {  	v0 =	vadd.f32 v0, v1;
	v1 =	vmul.f32 v2, v8  }
0x96: {  	v3 =	vadd.f32 v4, v3;
	v4 =	vxor.u32 s28, v33  }
0x97: {  	v5 =	vmul.f32 v7, v8;
	v4 =	vshll.u32 v4, $0x1;
	v0 =	vadd.f32 v1, v0  }
0x98: {  	v1 =	vand.u32 $0x7FFE, v4;
	v2 =	vxor.u32 s28, v6;
	v4 =	vxor.u32 s25, v6  }
0x99: {  	v2 =	vshll.u32 v2, $0x1;
	[tilespmem:s31+$0x10110] =	vst v0;
	v0 =	vshll.u32 v4, $0x1;
	v4 =	vor.u32 $0x1, v1  }
0x9a: {  	v3 =	vadd.f32 v5, v3;
	v2 =	vand.u32 $0x7FFE, v2  }
0x9b: {  	v30 =	vld [tilespmem:$0x1FF30];
	v5 =	vor.u32 $0x1, v2  }
0x9c: {  	v16 =	vld [tilespmem:$0x1FFC0];
	[tilespmem:s31+$0x10190] =	vst v3;
	v3 =	vxor.u32 s25, v33;
	v0 =	vand.u32 $0x7FFE, v0  }
0x9d: {  	v3 =	vshll.u32 v3, $0x1;
	v7 =	vor.u32 $0x1, v0;
	v8 =	vld.idx.msk [tilespmem:v1+s3+$0x0], $0xffff  }
0x9e: {  	v3 =	vand.u32 $0x7FFE, v3;
	v11 =	vld.idx.msk [tilespmem:v4+s3+$0x0], $0xffff  }
0x9f: {  	v10 =	vor.u32 $0x1, v3;
	v6 =	vld.idx.msk [tilespmem:v2+s3+$0x0], $0xffff  }
0xa0: {  	v9 =	vld.idx.msk [tilespmem:v5+s3+$0x0], $0xffff  }
0xa1: {  	v12 =	vld.idx.msk [tilespmem:v0+s3+$0x0], $0xffff  }
0xa2: {  	v14 =	vmul.f32 s26, v30;
	v13 =	vmul.f32 s26, v16;
	v15 =	vld.idx.msk [tilespmem:v7+s3+$0x0], $0xffff  }
0xa3: {  	v16 =	vmul.f32 s24, v16;
	v17 =	vld.idx.msk [tilespmem:v3+s3+$0x0], $0xffff  }
0xa4: {  	v8 =	vmul.f32 v8, v14;
	v18 =	vld.idx.msk [tilespmem:v10+s3+$0x0], $0xffff;
	v6 =	vmul.f32 v6, v13  }
0xa5: {  	v11 =	vmul.f32 v11, v14;
	v9 =	vmul.f32 v9, v13  }
0xa6: {  	v12 =	vmul.f32 v12, v16;
	v6 =	vadd.f32 v8, v6;
	v8 =	vmul.f32 s24, v30  }
0xa7: {  	v9 =	vadd.f32 v11, v9;
	v11 =	vmul.f32 v15, v16  }
0xa8: {  	v6 =	vadd.f32 v12, v6;
	v17 =	vmul.f32 v17, v8  }
0xa9: {  	v15 =	vmul.f32 v18, v8;
	v9 =	vadd.f32 v11, v9  }
0xaa: {  	v6 =	vadd.f32 v17, v6  }
0xab: {  	v9 =	vadd.f32 v15, v9  }
0xac: {  	[tilespmem:s31+$0x10020] =	vst v6  }
0xad: {  	[tilespmem:s31+$0x100A0] =	vst v9  }
0xae: {  	v2 =	vld.idx.msk [tilespmem:v2+s17+$0x0], $0xffff  }
0xaf: {  	v1 =	vld.idx.msk [tilespmem:v1+s17+$0x0], $0xffff  }
0xb0: {  	v5 =	vld.idx.msk [tilespmem:v5+s17+$0x0], $0xffff  }
0xb1: {  	v4 =	vld.idx.msk [tilespmem:v4+s17+$0x0], $0xffff  }
0xb2: {  	v0 =	vld.idx.msk [tilespmem:v0+s17+$0x0], $0xffff  }
0xb3: {  	v6 =	vld.idx.msk [tilespmem:v7+s17+$0x0], $0xffff;
	_ =	sdelay $0x1  }
0xb4: {  	v3 =	vld.idx.msk [tilespmem:v3+s17+$0x0], $0xffff;
	v2 =	vmul.f32 v2, v13;
	v1 =	vmul.f32 v1, v14  }
0xb5: {  	v5 =	vmul.f32 v5, v13;
	v4 =	vmul.f32 v4, v14  }
0xb6: {  	v7 =	vld.idx.msk [tilespmem:v10+s17+$0x0], $0xffff;
	v0 =	vmul.f32 v0, v16  }
0xb7: {  	v1 =	vadd.f32 v1, v2;
	v2 =	vadd.f32 v4, v5;
	v4 =	vmul.f32 v6, v16;
	v6 =	vld [tilespmem:$0x1FF80];
	_ =	sdelay $0x1  }
0xb8: {  	v0 =	vadd.f32 v0, v1;
	v1 =	vmul.f32 v3, v8  }
0xb9: {  	v2 =	vadd.f32 v4, v2;
	v4 =	vxor.u32 s28, v37  }
0xba: {  	v5 =	vmul.f32 v7, v8;
	v4 =	vshll.u32 v4, $0x1;
	v0 =	vadd.f32 v1, v0  }
0xbb: {  	v1 =	vand.u32 $0x7FFE, v4;
	v3 =	vxor.u32 s28, v6;
	v4 =	vxor.u32 s25, v6  }
0xbc: {  	v3 =	vshll.u32 v3, $0x1;
	[tilespmem:s31+$0x10120] =	vst v0;
	v0 =	vshll.u32 v4, $0x1;
	v4 =	vor.u32 $0x1, v1  }
0xbd: {  	v2 =	vadd.f32 v5, v2;
	v3 =	vand.u32 $0x7FFE, v3  }
0xbe: {  	v5 =	vor.u32 $0x1, v3  }
0xbf: {  	[tilespmem:s31+$0x101A0] =	vst v2;
	v2 =	vxor.u32 s25, v37;
	v0 =	vand.u32 $0x7FFE, v0  }
0xc0: {  	v2 =	vshll.u32 v2, $0x1;
	v7 =	vor.u32 $0x1, v0;
	v8 =	vld.idx.msk [tilespmem:v1+s3+$0x0], $0xffff  }
0xc1: {  	v2 =	vand.u32 $0x7FFE, v2;
	v11 =	vld.idx.msk [tilespmem:v4+s3+$0x0], $0xffff  }
0xc2: {  	v10 =	vor.u32 $0x1, v2;
	v6 =	vld.idx.msk [tilespmem:v3+s3+$0x0], $0xffff  }
0xc3: {  	v9 =	vld.idx.msk [tilespmem:v5+s3+$0x0], $0xffff  }
0xc4: {  	v12 =	vld.idx.msk [tilespmem:v0+s3+$0x0], $0xffff  }
0xc5: {  	v13 =	vmul.f32 s26, v34;
	v14 =	vmul.f32 s26, v31;
	v15 =	vld.idx.msk [tilespmem:v7+s3+$0x0], $0xffff  }
0xc6: {  	v16 =	vmul.f32 s24, v34;
	v17 =	vld.idx.msk [tilespmem:v2+s3+$0x0], $0xffff  }
0xc7: {  	v8 =	vmul.f32 v8, v14;
	v18 =	vld.idx.msk [tilespmem:v10+s3+$0x0], $0xffff;
	v6 =	vmul.f32 v6, v13  }
0xc8: {  	v11 =	vmul.f32 v11, v14;
	v9 =	vmul.f32 v9, v13  }
0xc9: {  	v12 =	vmul.f32 v12, v16;
	v6 =	vadd.f32 v8, v6;
	v8 =	vmul.f32 s24, v31  }
0xca: {  	v9 =	vadd.f32 v11, v9;
	v11 =	vmul.f32 v15, v16  }
0xcb: {  	v6 =	vadd.f32 v12, v6;
	v17 =	vmul.f32 v17, v8  }
0xcc: {  	v15 =	vmul.f32 v18, v8;
	v9 =	vadd.f32 v11, v9  }
0xcd: {  	v6 =	vadd.f32 v17, v6  }
0xce: {  	v9 =	vadd.f32 v15, v9  }
0xcf: {  	[tilespmem:s31+$0x10030] =	vst v6  }
0xd0: {  	[tilespmem:s31+$0x100B0] =	vst v9  }
0xd1: {  	v3 =	vld.idx.msk [tilespmem:v3+s17+$0x0], $0xffff  }
0xd2: {  	v1 =	vld.idx.msk [tilespmem:v1+s17+$0x0], $0xffff  }
0xd3: {  	v5 =	vld.idx.msk [tilespmem:v5+s17+$0x0], $0xffff  }
0xd4: {  	v4 =	vld.idx.msk [tilespmem:v4+s17+$0x0], $0xffff;
	_ =	sdelay $0x1  }
0xd5: {  	v6 =	vld.idx.msk [tilespmem:v7+s17+$0x0], $0xffff  }
0xd6: {  	v0 =	vld.idx.msk [tilespmem:v0+s17+$0x0], $0xffff  }
0xd7: {  	v3 =	vmul.f32 v3, v13;
	v1 =	vmul.f32 v1, v14  }
0xd8: {  	v2 =	vld.idx.msk [tilespmem:v2+s17+$0x0], $0xffff;
	v5 =	vmul.f32 v5, v13;
	v4 =	vmul.f32 v4, v14  }
0xd9: {  	v7 =	vld.idx.msk [tilespmem:v10+s17+$0x0], $0xffff  }
0xda: {  	v1 =	vadd.f32 v1, v3;
	v3 =	vadd.f32 v4, v5;
	v4 =	vmul.f32 v6, v16;
	v6 =	vld [tilespmem:$0x1FF70]  }
0xdb: {  	v0 =	vmul.f32 v0, v16;
	_ =	sdelay $0x1  }
0xdc: {  	v0 =	vadd.f32 v0, v1;
	v1 =	vmul.f32 v2, v8;
	v2 =	vxor.u32 s28, v32  }
0xdd: {  	v5 =	vmul.f32 v7, v8;
	v3 =	vadd.f32 v4, v3;
	v2 =	vshll.u32 v2, $0x1  }
0xde: {  	v2 =	vand.u32 $0x7FFE, v2;
	v0 =	vadd.f32 v1, v0;
	v4 =	vxor.u32 s28, v6  }
0xdf: {  	v3 =	vadd.f32 v5, v3;
	v5 =	vor.u32 $0x1, v2;
	v4 =	vshll.u32 v4, $0x1  }
0xe0: {  	v1 =	vand.u32 $0x7FFE, v4;
	v4 =	vxor.u32 s25, v32  }
0xe1: {  	[tilespmem:s31+$0x10130] =	vst v0;
	v0 =	vshll.u32 v4, $0x1;
	v4 =	vor.u32 $0x1, v1  }
0xe2: {  	[tilespmem:s31+$0x101B0] =	vst v3;
	v3 =	vxor.u32 s25, v6;
	v0 =	vand.u32 $0x7FFE, v0  }
0xe3: {  	v3 =	vshll.u32 v3, $0x1;
	v6 =	vld.idx.msk [tilespmem:v2+s3+$0x0], $0xffff;
	v7 =	vor.u32 $0x1, v0  }
0xe4: {  	v3 =	vand.u32 $0x7FFE, v3;
	v9 =	vld.idx.msk [tilespmem:v5+s3+$0x0], $0xffff  }
0xe5: {  	v10 =	vor.u32 $0x1, v3;
	v8 =	vld.idx.msk [tilespmem:v1+s3+$0x0], $0xffff  }
0xe6: {  	v11 =	vld.idx.msk [tilespmem:v4+s3+$0x0], $0xffff  }
0xe7: {  	v12 =	vld.idx.msk [tilespmem:v0+s3+$0x0], $0xffff  }
0xe8: {  	v13 =	vmul.f32 s26, v38;
	v14 =	vmul.f32 s26, v35;
	v15 =	vld.idx.msk [tilespmem:v7+s3+$0x0], $0xffff  }
0xe9: {  	v16 =	vmul.f32 s24, v38;
	v17 =	vld.idx.msk [tilespmem:v3+s3+$0x0], $0xffff  }
0xea: {  	v6 =	vmul.f32 v6, v13;
	v18 =	vld.idx.msk [tilespmem:v10+s3+$0x0], $0xffff;
	v8 =	vmul.f32 v8, v14  }
0xeb: {  	v9 =	vmul.f32 v9, v13;
	v11 =	vmul.f32 v11, v14  }
0xec: {  	v6 =	vadd.f32 v8, v6;
	v8 =	vmul.f32 s24, v35;
	v12 =	vmul.f32 v12, v16  }
0xed: {  	v9 =	vadd.f32 v11, v9;
	v11 =	vmul.f32 v15, v16  }
0xee: {  	v6 =	vadd.f32 v12, v6;
	v17 =	vmul.f32 v17, v8  }
0xef: {  	v15 =	vmul.f32 v18, v8;
	v9 =	vadd.f32 v11, v9  }
0xf0: {  	v6 =	vadd.f32 v17, v6  }
0xf1: {  	v9 =	vadd.f32 v15, v9  }
0xf2: {  	[tilespmem:s31+$0x10040] =	vst v6  }
0xf3: {  	[tilespmem:s31+$0x100C0] =	vst v9  }
0xf4: {  	v2 =	vld.idx.msk [tilespmem:v2+s17+$0x0], $0xffff  }
0xf5: {  	v1 =	vld.idx.msk [tilespmem:v1+s17+$0x0], $0xffff  }
0xf6: {  	v5 =	vld.idx.msk [tilespmem:v5+s17+$0x0], $0xffff  }
0xf7: {  	v4 =	vld.idx.msk [tilespmem:v4+s17+$0x0], $0xffff  }
0xf8: {  	v0 =	vld.idx.msk [tilespmem:v0+s17+$0x0], $0xffff  }
0xf9: {  	v6 =	vld.idx.msk [tilespmem:v7+s17+$0x0], $0xffff  }
0xfa: {  	v3 =	vld.idx.msk [tilespmem:v3+s17+$0x0], $0xffff  }
0xfb: {  	v2 =	vmul.f32 v2, v13;
	v1 =	vmul.f32 v1, v14  }
0xfc: {  	v7 =	vld.idx.msk [tilespmem:v10+s17+$0x0], $0xffff;
	v5 =	vmul.f32 v5, v13;
	v4 =	vmul.f32 v4, v14  }
0xfd: {  	v0 =	vmul.f32 v0, v16;
	v1 =	vadd.f32 v1, v2  }
0xfe: {  	v2 =	vadd.f32 v4, v5;
	v4 =	vmul.f32 v6, v16  }
0xff: {  	v0 =	vadd.f32 v0, v1;
	v1 =	vmul.f32 v3, v8;
	v3 =	vxor.u32 s28, v36  }
0x100: {  	v2 =	vadd.f32 v4, v2;
	v4 =	vxor.u32 s28, v44;
	v3 =	vshll.u32 v3, $0x1  }
0x101: {  	v5 =	vmul.f32 v7, v8;
	v4 =	vshll.u32 v4, $0x1;
	v3 =	vand.u32 $0x7FFE, v3  }
0x102: {  	v0 =	vadd.f32 v1, v0;
	v1 =	vand.u32 $0x7FFE, v4  }
0x103: {  	v2 =	vadd.f32 v5, v2;
	v4 =	vxor.u32 s25, v36;
	v5 =	vor.u32 $0x1, v3  }
0x104: {  	v30 =	vld [tilespmem:$0x1FF40];
	[tilespmem:s31+$0x10140] =	vst v0;
	v0 =	vshll.u32 v4, $0x1;
	v4 =	vor.u32 $0x1, v1  }
0x105: {  	v16 =	vld [tilespmem:$0x1FF90];
	[tilespmem:s31+$0x101C0] =	vst v2;
	v2 =	vxor.u32 s25, v44;
	v0 =	vand.u32 $0x7FFE, v0  }
0x106: {  	v2 =	vshll.u32 v2, $0x1;
	v7 =	vor.u32 $0x1, v0;
	v6 =	vld.idx.msk [tilespmem:v3+s3+$0x0], $0xffff  }
0x107: {  	v2 =	vand.u32 $0x7FFE, v2;
	v8 =	vld.idx.msk [tilespmem:v1+s3+$0x0], $0xffff  }
0x108: {  	v10 =	vor.u32 $0x1, v2;
	v9 =	vld.idx.msk [tilespmem:v5+s3+$0x0], $0xffff  }
0x109: {  	v11 =	vld.idx.msk [tilespmem:v4+s3+$0x0], $0xffff  }
0x10a: {  	v12 =	vld.idx.msk [tilespmem:v0+s3+$0x0], $0xffff  }
0x10b: {  	v14 =	vmul.f32 s26, v30;
	v13 =	vmul.f32 s26, v16;
	v15 =	vld.idx.msk [tilespmem:v7+s3+$0x0], $0xffff  }
0x10c: {  	v16 =	vmul.f32 s24, v16;
	v17 =	vld.idx.msk [tilespmem:v2+s3+$0x0], $0xffff  }
0x10d: {  	v6 =	vmul.f32 v6, v13;
	v8 =	vmul.f32 v8, v14;
	v18 =	vld.idx.msk [tilespmem:v10+s3+$0x0], $0xffff  }
0x10e: {  	v9 =	vmul.f32 v9, v13;
	v11 =	vmul.f32 v11, v14  }
0x10f: {  	v6 =	vadd.f32 v8, v6;
	v8 =	vmul.f32 s24, v30;
	v12 =	vmul.f32 v12, v16  }
0x110: {  	v9 =	vadd.f32 v11, v9;
	v11 =	vmul.f32 v15, v16  }
0x111: {  	v17 =	vmul.f32 v17, v8;
	v6 =	vadd.f32 v12, v6  }
0x112: {  	v15 =	vmul.f32 v18, v8;
	v9 =	vadd.f32 v11, v9  }
0x113: {  	v6 =	vadd.f32 v17, v6  }
0x114: {  	v9 =	vadd.f32 v15, v9  }
0x115: {  	[tilespmem:s31+$0x10050] =	vst v6  }
0x116: {  	[tilespmem:s31+$0x100D0] =	vst v9  }
0x117: {  	v3 =	vld.idx.msk [tilespmem:v3+s17+$0x0], $0xffff  }
0x118: {  	v1 =	vld.idx.msk [tilespmem:v1+s17+$0x0], $0xffff  }
0x119: {  	v5 =	vld.idx.msk [tilespmem:v5+s17+$0x0], $0xffff  }
0x11a: {  	v4 =	vld.idx.msk [tilespmem:v4+s17+$0x0], $0xffff  }
0x11b: {  	v0 =	vld.idx.msk [tilespmem:v0+s17+$0x0], $0xffff  }
0x11c: {  	v6 =	vld.idx.msk [tilespmem:v7+s17+$0x0], $0xffff;
	_ =	sdelay $0x1  }
0x11d: {  	v2 =	vld.idx.msk [tilespmem:v2+s17+$0x0], $0xffff;
	v3 =	vmul.f32 v3, v13;
	v1 =	vmul.f32 v1, v14  }
0x11e: {  	v5 =	vmul.f32 v5, v13;
	v4 =	vmul.f32 v4, v14  }
0x11f: {  	v7 =	vld.idx.msk [tilespmem:v10+s17+$0x0], $0xffff;
	v0 =	vmul.f32 v0, v16  }
0x120: {  	v1 =	vadd.f32 v1, v3;
	v3 =	vadd.f32 v4, v5;
	v4 =	vmul.f32 v6, v16;
	v6 =	vld [tilespmem:$0x1FF50];
	_ =	sdelay $0x1  }
0x121: {  	v0 =	vadd.f32 v0, v1;
	v1 =	vmul.f32 v2, v8  }
0x122: {  	v3 =	vadd.f32 v4, v3;
	v4 =	vxor.u32 s28, v48  }
0x123: {  	v5 =	vmul.f32 v7, v8;
	v4 =	vshll.u32 v4, $0x1;
	v0 =	vadd.f32 v1, v0  }
0x124: {  	v1 =	vand.u32 $0x7FFE, v4;
	v2 =	vxor.u32 s28, v6;
	v4 =	vxor.u32 s25, v6  }
0x125: {  	v2 =	vshll.u32 v2, $0x1;
	[tilespmem:s31+$0x10150] =	vst v0;
	v0 =	vshll.u32 v4, $0x1;
	v4 =	vor.u32 $0x1, v1  }
0x126: {  	v3 =	vadd.f32 v5, v3;
	v2 =	vand.u32 $0x7FFE, v2  }
0x127: {  	v5 =	vor.u32 $0x1, v2  }
0x128: {  	v30 =	vld [tilespmem:$0x1FFB0];
	[tilespmem:s31+$0x101D0] =	vst v3;
	v3 =	vxor.u32 s25, v48;
	v0 =	vand.u32 $0x7FFE, v0  }
0x129: {  	v3 =	vshll.u32 v3, $0x1;
	v7 =	vor.u32 $0x1, v0;
	v8 =	vld.idx.msk [tilespmem:v1+s3+$0x0], $0xffff  }
0x12a: {  	v3 =	vand.u32 $0x7FFE, v3;
	v11 =	vld.idx.msk [tilespmem:v4+s3+$0x0], $0xffff  }
0x12b: {  	v10 =	vor.u32 $0x1, v3;
	v6 =	vld.idx.msk [tilespmem:v2+s3+$0x0], $0xffff  }
0x12c: {  	v9 =	vld.idx.msk [tilespmem:v5+s3+$0x0], $0xffff  }
0x12d: {  	v12 =	vld.idx.msk [tilespmem:v0+s3+$0x0], $0xffff  }
0x12e: {  	v13 =	vmul.f32 s26, v47;
	v14 =	vmul.f32 s26, v30;
	v15 =	vld.idx.msk [tilespmem:v7+s3+$0x0], $0xffff  }
0x12f: {  	v16 =	vmul.f32 s24, v47;
	v17 =	vld.idx.msk [tilespmem:v3+s3+$0x0], $0xffff  }
0x130: {  	v8 =	vmul.f32 v8, v14;
	v18 =	vld.idx.msk [tilespmem:v10+s3+$0x0], $0xffff;
	v6 =	vmul.f32 v6, v13  }
0x131: {  	v11 =	vmul.f32 v11, v14;
	v9 =	vmul.f32 v9, v13  }
0x132: {  	v12 =	vmul.f32 v12, v16;
	v6 =	vadd.f32 v8, v6;
	v8 =	vmul.f32 s24, v30  }
0x133: {  	v9 =	vadd.f32 v11, v9;
	v11 =	vmul.f32 v15, v16  }
0x134: {  	v6 =	vadd.f32 v12, v6;
	v17 =	vmul.f32 v17, v8  }
0x135: {  	v15 =	vmul.f32 v18, v8;
	v9 =	vadd.f32 v11, v9  }
0x136: {  	v6 =	vadd.f32 v17, v6  }
0x137: {  	v9 =	vadd.f32 v15, v9  }
0x138: {  	[tilespmem:s31+$0x10060] =	vst v6  }
0x139: {  	[tilespmem:s31+$0x100E0] =	vst v9  }
0x13a: {  	v2 =	vld.idx.msk [tilespmem:v2+s17+$0x0], $0xffff  }
0x13b: {  	v1 =	vld.idx.msk [tilespmem:v1+s17+$0x0], $0xffff  }
0x13c: {  	v5 =	vld.idx.msk [tilespmem:v5+s17+$0x0], $0xffff  }
0x13d: {  	v4 =	vld.idx.msk [tilespmem:v4+s17+$0x0], $0xffff  }
0x13e: {  	v0 =	vld.idx.msk [tilespmem:v0+s17+$0x0], $0xffff  }
0x13f: {  	v6 =	vld.idx.msk [tilespmem:v7+s17+$0x0], $0xffff;
	_ =	sdelay $0x1  }
0x140: {  	v3 =	vld.idx.msk [tilespmem:v3+s17+$0x0], $0xffff;
	v2 =	vmul.f32 v2, v13;
	v1 =	vmul.f32 v1, v14  }
0x141: {  	v5 =	vmul.f32 v5, v13;
	v4 =	vmul.f32 v4, v14  }
0x142: {  	v7 =	vld.idx.msk [tilespmem:v10+s17+$0x0], $0xffff;
	v0 =	vmul.f32 v0, v16  }
0x143: {  	v1 =	vadd.f32 v1, v2;
	v2 =	vadd.f32 v4, v5;
	v4 =	vmul.f32 v6, v16;
	v6 =	vld [tilespmem:$0x1FF60];
	_ =	sdelay $0x1  }
0x144: {  	v0 =	vadd.f32 v0, v1;
	v1 =	vmul.f32 v3, v8  }
0x145: {  	v2 =	vadd.f32 v4, v2;
	v4 =	vxor.u32 s28, v52  }
0x146: {  	v5 =	vmul.f32 v7, v8;
	v4 =	vshll.u32 v4, $0x1;
	v0 =	vadd.f32 v1, v0  }
0x147: {  	v1 =	vand.u32 $0x7FFE, v4;
	v3 =	vxor.u32 s28, v6;
	v4 =	vxor.u32 s25, v6  }
0x148: {  	v3 =	vshll.u32 v3, $0x1;
	[tilespmem:s31+$0x10160] =	vst v0;
	v0 =	vshll.u32 v4, $0x1;
	v4 =	vor.u32 $0x1, v1  }
0x149: {  	v2 =	vadd.f32 v5, v2;
	v3 =	vand.u32 $0x7FFE, v3  }
0x14a: {  	v5 =	vor.u32 $0x1, v3  }
0x14b: {  	[tilespmem:s31+$0x101E0] =	vst v2;
	v2 =	vxor.u32 s25, v52;
	v0 =	vand.u32 $0x7FFE, v0  }
0x14c: {  	v2 =	vshll.u32 v2, $0x1;
	v7 =	vor.u32 $0x1, v0;
	v8 =	vld.idx.msk [tilespmem:v1+s3+$0x0], $0xffff  }
0x14d: {  	v2 =	vand.u32 $0x7FFE, v2;
	v11 =	vld.idx.msk [tilespmem:v4+s3+$0x0], $0xffff  }
0x14e: {  	v10 =	vor.u32 $0x1, v2;
	v6 =	vld.idx.msk [tilespmem:v3+s3+$0x0], $0xffff  }
0x14f: {  	v9 =	vld.idx.msk [tilespmem:v5+s3+$0x0], $0xffff  }
0x150: {  	v12 =	vld.idx.msk [tilespmem:v0+s3+$0x0], $0xffff  }
0x151: {  	v13 =	vmul.f32 s26, v49;
	v14 =	vmul.f32 s26, v46;
	v15 =	vld.idx.msk [tilespmem:v7+s3+$0x0], $0xffff  }
0x152: {  	v16 =	vmul.f32 s24, v49;
	v17 =	vld.idx.msk [tilespmem:v2+s3+$0x0], $0xffff  }
0x153: {  	v8 =	vmul.f32 v8, v14;
	v18 =	vld.idx.msk [tilespmem:v10+s3+$0x0], $0xffff;
	v6 =	vmul.f32 v6, v13  }
0x154: {  	v11 =	vmul.f32 v11, v14;
	v9 =	vmul.f32 v9, v13  }
0x155: {  	v12 =	vmul.f32 v12, v16;
	v6 =	vadd.f32 v8, v6;
	v8 =	vmul.f32 s24, v46  }
0x156: {  	v9 =	vadd.f32 v11, v9;
	v11 =	vmul.f32 v15, v16  }
0x157: {  	v6 =	vadd.f32 v12, v6;
	v17 =	vmul.f32 v17, v8  }
0x158: {  	v15 =	vmul.f32 v18, v8;
	v9 =	vadd.f32 v11, v9  }
0x159: {  	v6 =	vadd.f32 v17, v6  }
0x15a: {  	v9 =	vadd.f32 v15, v9  }
0x15b: {  	[tilespmem:s31+$0x10070] =	vst v6  }
0x15c: {  	[tilespmem:s31+$0x100F0] =	vst v9  }
0x15d: {  	v3 =	vld.idx.msk [tilespmem:v3+s17+$0x0], $0xffff  }
0x15e: {  	v1 =	vld.idx.msk [tilespmem:v1+s17+$0x0], $0xffff  }
0x15f: {  	v5 =	vld.idx.msk [tilespmem:v5+s17+$0x0], $0xffff  }
0x160: {  	v4 =	vld.idx.msk [tilespmem:v4+s17+$0x0], $0xffff  }
0x161: {  	v0 =	vld.idx.msk [tilespmem:v0+s17+$0x0], $0xffff  }
0x162: {  	v6 =	vld.idx.msk [tilespmem:v7+s17+$0x0], $0xffff  }
0x163: {  	v2 =	vld.idx.msk [tilespmem:v2+s17+$0x0], $0xffff  }
0x164: {  	v3 =	vmul.f32 v3, v13;
	v1 =	vmul.f32 v1, v14  }
0x165: {  	v7 =	vld.idx.msk [tilespmem:v10+s17+$0x0], $0xffff;
	v5 =	vmul.f32 v5, v13;
	v4 =	vmul.f32 v4, v14  }
0x166: {  	v0 =	vmul.f32 v0, v16;
	v1 =	vadd.f32 v1, v3  }
0x167: {  	v3 =	vadd.f32 v4, v5;
	v4 =	vmul.f32 v6, v16  }
0x168: {  	v0 =	vadd.f32 v0, v1;
	v1 =	vmul.f32 v2, v8;
	v2 =	vxor.u32 s28, v50  }
0x169: {  	v3 =	vadd.f32 v4, v3;
	v4 =	vxor.u32 s28, v58;
	v2 =	vshll.u32 v2, $0x1  }
0x16a: {  	v5 =	vmul.f32 v7, v8;
	v4 =	vshll.u32 v4, $0x1;
	v2 =	vand.u32 $0x7FFE, v2  }
0x16b: {  	v0 =	vadd.f32 v1, v0;
	v1 =	vand.u32 $0x7FFE, v4  }
0x16c: {  	v3 =	vadd.f32 v5, v3;
	v4 =	vxor.u32 s25, v50;
	v5 =	vor.u32 $0x1, v2  }
0x16d: {  	[tilespmem:s31+$0x10170] =	vst v0;
	v0 =	vshll.u32 v4, $0x1;
	v4 =	vor.u32 $0x1, v1  }
0x16e: {  	[tilespmem:s31+$0x101F0] =	vst v3;
	v3 =	vxor.u32 s25, v58;
	v0 =	vand.u32 $0x7FFE, v0  }
0x16f: {  	v3 =	vshll.u32 v3, $0x1;
	v7 =	vor.u32 $0x1, v0;
	v6 =	vld.idx.msk [tilespmem:v2+s3+$0x0], $0xffff  }
0x170: {  	v3 =	vand.u32 $0x7FFE, v3;
	v8 =	vld.idx.msk [tilespmem:v1+s3+$0x0], $0xffff  }
0x171: {  	v10 =	vor.u32 $0x1, v3;
	v9 =	vld.idx.msk [tilespmem:v5+s3+$0x0], $0xffff  }
0x172: {  	v11 =	vld.idx.msk [tilespmem:v4+s3+$0x0], $0xffff  }
0x173: {  	v12 =	vld.idx.msk [tilespmem:v0+s3+$0x0], $0xffff  }
0x174: {  	v13 =	vmul.f32 s26, v57;
	v14 =	vmul.f32 s26, v53;
	v15 =	vld.idx.msk [tilespmem:v7+s3+$0x0], $0xffff  }
0x175: {  	v16 =	vmul.f32 s24, v57;
	v17 =	vld.idx.msk [tilespmem:v3+s3+$0x0], $0xffff  }
0x176: {  	v6 =	vmul.f32 v6, v13;
	v8 =	vmul.f32 v8, v14;
	v18 =	vld.idx.msk [tilespmem:v10+s3+$0x0], $0xffff  }
0x177: {  	v9 =	vmul.f32 v9, v13;
	v11 =	vmul.f32 v11, v14  }
0x178: {  	v6 =	vadd.f32 v8, v6;
	v8 =	vmul.f32 s24, v53;
	v12 =	vmul.f32 v12, v16  }
0x179: {  	v9 =	vadd.f32 v11, v9;
	v11 =	vmul.f32 v15, v16  }
0x17a: {  	v17 =	vmul.f32 v17, v8;
	v6 =	vadd.f32 v12, v6  }
0x17b: {  	v15 =	vmul.f32 v18, v8;
	v9 =	vadd.f32 v11, v9  }
0x17c: {  	v6 =	vadd.f32 v17, v6  }
0x17d: {  	v9 =	vadd.f32 v15, v9  }
0x17e: {  	[tilespmem:s31+$0x10200] =	vst v6  }
0x17f: {  	[tilespmem:s31+$0x10280] =	vst v9  }
0x180: {  	v2 =	vld.idx.msk [tilespmem:v2+s17+$0x0], $0xffff  }
0x181: {  	v1 =	vld.idx.msk [tilespmem:v1+s17+$0x0], $0xffff  }
0x182: {  	v5 =	vld.idx.msk [tilespmem:v5+s17+$0x0], $0xffff  }
0x183: {  	v4 =	vld.idx.msk [tilespmem:v4+s17+$0x0], $0xffff;
	_ =	sdelay $0x1  }
0x184: {  	v6 =	vld.idx.msk [tilespmem:v7+s17+$0x0], $0xffff  }
0x185: {  	v0 =	vld.idx.msk [tilespmem:v0+s17+$0x0], $0xffff  }
0x186: {  	v2 =	vmul.f32 v2, v13;
	v1 =	vmul.f32 v1, v14  }
0x187: {  	v3 =	vld.idx.msk [tilespmem:v3+s17+$0x0], $0xffff;
	v5 =	vmul.f32 v5, v13;
	v4 =	vmul.f32 v4, v14  }
0x188: {  	v7 =	vld.idx.msk [tilespmem:v10+s17+$0x0], $0xffff  }
0x189: {  	v1 =	vadd.f32 v1, v2;
	v2 =	vadd.f32 v4, v5;
	v4 =	vmul.f32 v6, v16;
	v6 =	vld [tilespmem:$0x1FFD0]  }
0x18a: {  	v0 =	vmul.f32 v0, v16;
	_ =	sdelay $0x1  }
0x18b: {  	v0 =	vadd.f32 v0, v1;
	v1 =	vmul.f32 v3, v8;
	v3 =	vxor.u32 s28, v51  }
0x18c: {  	v5 =	vmul.f32 v7, v8;
	v2 =	vadd.f32 v4, v2;
	v3 =	vshll.u32 v3, $0x1  }
0x18d: {  	v3 =	vand.u32 $0x7FFE, v3;
	v0 =	vadd.f32 v1, v0;
	v4 =	vxor.u32 s28, v6  }
0x18e: {  	v2 =	vadd.f32 v5, v2;
	v5 =	vor.u32 $0x1, v3;
	v4 =	vshll.u32 v4, $0x1  }
0x18f: {  	v1 =	vand.u32 $0x7FFE, v4;
	v4 =	vxor.u32 s25, v51  }
0x190: {  	[tilespmem:s31+$0x10300] =	vst v0;
	v0 =	vshll.u32 v4, $0x1;
	v4 =	vor.u32 $0x1, v1  }
0x191: {  	v16 =	vld [tilespmem:$0x1FFF0];
	[tilespmem:s31+$0x10380] =	vst v2;
	v2 =	vxor.u32 s25, v6;
	v0 =	vand.u32 $0x7FFE, v0  }
0x192: {  	v2 =	vshll.u32 v2, $0x1;
	v6 =	vld.idx.msk [tilespmem:v3+s3+$0x0], $0xffff;
	v7 =	vor.u32 $0x1, v0  }
0x193: {  	v2 =	vand.u32 $0x7FFE, v2;
	v9 =	vld.idx.msk [tilespmem:v5+s3+$0x0], $0xffff  }
0x194: {  	v10 =	vor.u32 $0x1, v2;
	v8 =	vld.idx.msk [tilespmem:v1+s3+$0x0], $0xffff  }
0x195: {  	v11 =	vld.idx.msk [tilespmem:v4+s3+$0x0], $0xffff  }
0x196: {  	v12 =	vld.idx.msk [tilespmem:v0+s3+$0x0], $0xffff  }
0x197: {  	v14 =	vmul.f32 s26, v54;
	v13 =	vmul.f32 s26, v16;
	v15 =	vld.idx.msk [tilespmem:v7+s3+$0x0], $0xffff  }
0x198: {  	v16 =	vmul.f32 s24, v16;
	v17 =	vld.idx.msk [tilespmem:v2+s3+$0x0], $0xffff  }
0x199: {  	v6 =	vmul.f32 v6, v13;
	v18 =	vld.idx.msk [tilespmem:v10+s3+$0x0], $0xffff;
	v8 =	vmul.f32 v8, v14  }
0x19a: {  	v9 =	vmul.f32 v9, v13;
	v11 =	vmul.f32 v11, v14  }
0x19b: {  	v6 =	vadd.f32 v8, v6;
	v8 =	vmul.f32 s24, v54;
	v12 =	vmul.f32 v12, v16  }
0x19c: {  	v9 =	vadd.f32 v11, v9;
	v11 =	vmul.f32 v15, v16  }
0x19d: {  	v6 =	vadd.f32 v12, v6;
	v17 =	vmul.f32 v17, v8  }
0x19e: {  	v15 =	vmul.f32 v18, v8;
	v9 =	vadd.f32 v11, v9  }
0x19f: {  	v6 =	vadd.f32 v17, v6  }
0x1a0: {  	v9 =	vadd.f32 v15, v9  }
0x1a1: {  	[tilespmem:s31+$0x10210] =	vst v6  }
0x1a2: {  	[tilespmem:s31+$0x10290] =	vst v9  }
0x1a3: {  	v3 =	vld.idx.msk [tilespmem:v3+s17+$0x0], $0xffff  }
0x1a4: {  	v1 =	vld.idx.msk [tilespmem:v1+s17+$0x0], $0xffff  }
0x1a5: {  	v5 =	vld.idx.msk [tilespmem:v5+s17+$0x0], $0xffff  }
0x1a6: {  	v4 =	vld.idx.msk [tilespmem:v4+s17+$0x0], $0xffff  }
0x1a7: {  	v0 =	vld.idx.msk [tilespmem:v0+s17+$0x0], $0xffff  }
0x1a8: {  	v6 =	vld.idx.msk [tilespmem:v7+s17+$0x0], $0xffff  }
0x1a9: {  	v2 =	vld.idx.msk [tilespmem:v2+s17+$0x0], $0xffff  }
0x1aa: {  	v3 =	vmul.f32 v3, v13;
	v1 =	vmul.f32 v1, v14  }
0x1ab: {  	v7 =	vld.idx.msk [tilespmem:v10+s17+$0x0], $0xffff;
	v5 =	vmul.f32 v5, v13;
	v4 =	vmul.f32 v4, v14  }
0x1ac: {  	v0 =	vmul.f32 v0, v16;
	v1 =	vadd.f32 v1, v3  }
0x1ad: {  	v3 =	vadd.f32 v4, v5;
	v4 =	vmul.f32 v6, v16  }
0x1ae: {  	v0 =	vadd.f32 v0, v1;
	v1 =	vmul.f32 v2, v8;
	v2 =	vxor.u32 s28, v55  }
0x1af: {  	v3 =	vadd.f32 v4, v3;
	v4 =	vxor.u32 s28, v20;
	v2 =	vshll.u32 v2, $0x1  }
0x1b0: {  	v5 =	vmul.f32 v7, v8;
	v4 =	vshll.u32 v4, $0x1;
	v2 =	vand.u32 $0x7FFE, v2  }
0x1b1: {  	v0 =	vadd.f32 v1, v0;
	v1 =	vand.u32 $0x7FFE, v4  }
0x1b2: {  	v3 =	vadd.f32 v5, v3;
	v4 =	vxor.u32 s25, v55;
	v5 =	vor.u32 $0x1, v2  }
0x1b3: {  	[tilespmem:s31+$0x10310] =	vst v0;
	v0 =	vshll.u32 v4, $0x1;
	v4 =	vor.u32 $0x1, v1  }
0x1b4: {  	v30 =	vld [tilespmem:$0x1FFE0];
	[tilespmem:s31+$0x10390] =	vst v3;
	v3 =	vxor.u32 s25, v20;
	v0 =	vand.u32 $0x7FFE, v0  }
0x1b5: {  	v3 =	vshll.u32 v3, $0x1;
	v7 =	vor.u32 $0x1, v0;
	v6 =	vld.idx.msk [tilespmem:v2+s3+$0x0], $0xffff  }
0x1b6: {  	v3 =	vand.u32 $0x7FFE, v3;
	v8 =	vld.idx.msk [tilespmem:v1+s3+$0x0], $0xffff  }
0x1b7: {  	v10 =	vor.u32 $0x1, v3;
	v9 =	vld.idx.msk [tilespmem:v5+s3+$0x0], $0xffff  }
0x1b8: {  	v11 =	vld.idx.msk [tilespmem:v4+s3+$0x0], $0xffff  }
0x1b9: {  	v12 =	vld.idx.msk [tilespmem:v0+s3+$0x0], $0xffff  }
0x1ba: {  	v13 =	vmul.f32 s26, v63;
	v14 =	vmul.f32 s26, v30;
	v15 =	vld.idx.msk [tilespmem:v7+s3+$0x0], $0xffff  }
0x1bb: {  	v16 =	vmul.f32 s24, v63;
	v17 =	vld.idx.msk [tilespmem:v3+s3+$0x0], $0xffff  }
0x1bc: {  	v6 =	vmul.f32 v6, v13;
	v8 =	vmul.f32 v8, v14;
	v18 =	vld.idx.msk [tilespmem:v10+s3+$0x0], $0xffff  }
0x1bd: {  	v9 =	vmul.f32 v9, v13;
	v11 =	vmul.f32 v11, v14  }
0x1be: {  	v6 =	vadd.f32 v8, v6;
	v8 =	vmul.f32 s24, v30;
	v12 =	vmul.f32 v12, v16  }
0x1bf: {  	v9 =	vadd.f32 v11, v9;
	v11 =	vmul.f32 v15, v16  }
0x1c0: {  	v17 =	vmul.f32 v17, v8;
	v6 =	vadd.f32 v12, v6  }
0x1c1: {  	v15 =	vmul.f32 v18, v8;
	v9 =	vadd.f32 v11, v9  }
0x1c2: {  	v6 =	vadd.f32 v17, v6  }
0x1c3: {  	v9 =	vadd.f32 v15, v9  }
0x1c4: {  	[tilespmem:s31+$0x10220] =	vst v6  }
0x1c5: {  	[tilespmem:s31+$0x102A0] =	vst v9  }
0x1c6: {  	v2 =	vld.idx.msk [tilespmem:v2+s17+$0x0], $0xffff  }
0x1c7: {  	v1 =	vld.idx.msk [tilespmem:v1+s17+$0x0], $0xffff  }
0x1c8: {  	v5 =	vld.idx.msk [tilespmem:v5+s17+$0x0], $0xffff  }
0x1c9: {  	v4 =	vld.idx.msk [tilespmem:v4+s17+$0x0], $0xffff  }
0x1ca: {  	v0 =	vld.idx.msk [tilespmem:v0+s17+$0x0], $0xffff  }
0x1cb: {  	v6 =	vld.idx.msk [tilespmem:v7+s17+$0x0], $0xffff  }
0x1cc: {  	v3 =	vld.idx.msk [tilespmem:v3+s17+$0x0], $0xffff  }
0x1cd: {  	v2 =	vmul.f32 v2, v13;
	v1 =	vmul.f32 v1, v14  }
0x1ce: {  	v7 =	vld.idx.msk [tilespmem:v10+s17+$0x0], $0xffff;
	v5 =	vmul.f32 v5, v13;
	v4 =	vmul.f32 v4, v14  }
0x1cf: {  	v0 =	vmul.f32 v0, v16;
	v1 =	vadd.f32 v1, v2  }
0x1d0: {  	v2 =	vadd.f32 v4, v5;
	v4 =	vmul.f32 v6, v16  }
0x1d1: {  	v0 =	vadd.f32 v0, v1;
	v1 =	vmul.f32 v3, v8;
	v3 =	vxor.u32 s28, v56  }
0x1d2: {  	v2 =	vadd.f32 v4, v2;
	v4 =	vxor.u32 s28, v40;
	v3 =	vshll.u32 v3, $0x1  }
0x1d3: {  	v5 =	vmul.f32 v7, v8;
	v4 =	vshll.u32 v4, $0x1;
	v3 =	vand.u32 $0x7FFE, v3  }
0x1d4: {  	v0 =	vadd.f32 v1, v0;
	v1 =	vand.u32 $0x7FFE, v4  }
0x1d5: {  	v2 =	vadd.f32 v5, v2;
	v4 =	vxor.u32 s25, v56;
	v5 =	vor.u32 $0x1, v3  }
0x1d6: {  	[tilespmem:s31+$0x10320] =	vst v0;
	v0 =	vshll.u32 v4, $0x1;
	v4 =	vor.u32 $0x1, v1  }
0x1d7: {  	[tilespmem:s31+$0x103A0] =	vst v2;
	v2 =	vxor.u32 s25, v40;
	v0 =	vand.u32 $0x7FFE, v0  }
0x1d8: {  	v2 =	vshll.u32 v2, $0x1;
	v7 =	vor.u32 $0x1, v0;
	v6 =	vld.idx.msk [tilespmem:v3+s3+$0x0], $0xffff  }
0x1d9: {  	v2 =	vand.u32 $0x7FFE, v2;
	v8 =	vld.idx.msk [tilespmem:v1+s3+$0x0], $0xffff  }
0x1da: {  	v10 =	vor.u32 $0x1, v2;
	v9 =	vld.idx.msk [tilespmem:v5+s3+$0x0], $0xffff  }
0x1db: {  	v11 =	vld.idx.msk [tilespmem:v4+s3+$0x0], $0xffff  }
0x1dc: {  	v12 =	vld.idx.msk [tilespmem:v0+s3+$0x0], $0xffff  }
0x1dd: {  	v13 =	vmul.f32 s26, v39;
	v14 =	vmul.f32 s26, v62;
	v15 =	vld.idx.msk [tilespmem:v7+s3+$0x0], $0xffff  }
0x1de: {  	v16 =	vmul.f32 s24, v39;
	v17 =	vld.idx.msk [tilespmem:v2+s3+$0x0], $0xffff  }
0x1df: {  	v6 =	vmul.f32 v6, v13;
	v8 =	vmul.f32 v8, v14;
	v18 =	vld.idx.msk [tilespmem:v10+s3+$0x0], $0xffff  }
0x1e0: {  	v9 =	vmul.f32 v9, v13;
	v11 =	vmul.f32 v11, v14  }
0x1e1: {  	v6 =	vadd.f32 v8, v6;
	v8 =	vmul.f32 s24, v62;
	v12 =	vmul.f32 v12, v16  }
0x1e2: {  	v9 =	vadd.f32 v11, v9;
	v11 =	vmul.f32 v15, v16  }
0x1e3: {  	v17 =	vmul.f32 v17, v8;
	v6 =	vadd.f32 v12, v6  }
0x1e4: {  	v15 =	vmul.f32 v18, v8;
	v9 =	vadd.f32 v11, v9  }
0x1e5: {  	v6 =	vadd.f32 v17, v6  }
0x1e6: {  	v9 =	vadd.f32 v15, v9  }
0x1e7: {  	[tilespmem:s31+$0x10230] =	vst v6  }
0x1e8: {  	[tilespmem:s31+$0x102B0] =	vst v9  }
0x1e9: {  	v3 =	vld.idx.msk [tilespmem:v3+s17+$0x0], $0xffff  }
0x1ea: {  	v1 =	vld.idx.msk [tilespmem:v1+s17+$0x0], $0xffff  }
0x1eb: {  	v5 =	vld.idx.msk [tilespmem:v5+s17+$0x0], $0xffff  }
0x1ec: {  	v4 =	vld.idx.msk [tilespmem:v4+s17+$0x0], $0xffff  }
0x1ed: {  	v0 =	vld.idx.msk [tilespmem:v0+s17+$0x0], $0xffff  }
0x1ee: {  	v6 =	vld.idx.msk [tilespmem:v7+s17+$0x0], $0xffff  }
0x1ef: {  	v2 =	vld.idx.msk [tilespmem:v2+s17+$0x0], $0xffff  }
0x1f0: {  	v3 =	vmul.f32 v3, v13;
	v1 =	vmul.f32 v1, v14  }
0x1f1: {  	v7 =	vld.idx.msk [tilespmem:v10+s17+$0x0], $0xffff;
	v5 =	vmul.f32 v5, v13;
	v4 =	vmul.f32 v4, v14  }
0x1f2: {  	v0 =	vmul.f32 v0, v16;
	v1 =	vadd.f32 v1, v3  }
0x1f3: {  	v3 =	vadd.f32 v4, v5;
	v4 =	vmul.f32 v6, v16  }
0x1f4: {  	v0 =	vadd.f32 v0, v1;
	v1 =	vmul.f32 v2, v8;
	v2 =	vxor.u32 s28, v25  }
0x1f5: {  	v3 =	vadd.f32 v4, v3;
	v4 =	vxor.u32 s28, v60;
	v2 =	vshll.u32 v2, $0x1  }
0x1f6: {  	v5 =	vmul.f32 v7, v8;
	v4 =	vshll.u32 v4, $0x1;
	v2 =	vand.u32 $0x7FFE, v2  }
0x1f7: {  	v0 =	vadd.f32 v1, v0;
	v1 =	vand.u32 $0x7FFE, v4  }
0x1f8: {  	v3 =	vadd.f32 v5, v3;
	v4 =	vxor.u32 s25, v25;
	v5 =	vor.u32 $0x1, v2  }
0x1f9: {  	[tilespmem:s31+$0x10330] =	vst v0;
	v0 =	vshll.u32 v4, $0x1;
	v4 =	vor.u32 $0x1, v1  }
0x1fa: {  	[tilespmem:s31+$0x103B0] =	vst v3;
	v3 =	vxor.u32 s25, v60;
	v0 =	vand.u32 $0x7FFE, v0  }
0x1fb: {  	v3 =	vshll.u32 v3, $0x1;
	v7 =	vor.u32 $0x1, v0;
	v6 =	vld.idx.msk [tilespmem:v2+s3+$0x0], $0xffff  }
0x1fc: {  	v3 =	vand.u32 $0x7FFE, v3;
	v8 =	vld.idx.msk [tilespmem:v1+s3+$0x0], $0xffff  }
0x1fd: {  	v10 =	vor.u32 $0x1, v3;
	v9 =	vld.idx.msk [tilespmem:v5+s3+$0x0], $0xffff  }
0x1fe: {  	v11 =	vld.idx.msk [tilespmem:v4+s3+$0x0], $0xffff  }
0x1ff: {  	v12 =	vld.idx.msk [tilespmem:v0+s3+$0x0], $0xffff  }
0x200: {  	v13 =	vmul.f32 s26, v26;
	v14 =	vmul.f32 s26, v23;
	v15 =	vld.idx.msk [tilespmem:v7+s3+$0x0], $0xffff  }
0x201: {  	v16 =	vmul.f32 s24, v26;
	v17 =	vld.idx.msk [tilespmem:v3+s3+$0x0], $0xffff  }
0x202: {  	v6 =	vmul.f32 v6, v13;
	v8 =	vmul.f32 v8, v14;
	v18 =	vld.idx.msk [tilespmem:v10+s3+$0x0], $0xffff  }
0x203: {  	v9 =	vmul.f32 v9, v13;
	v11 =	vmul.f32 v11, v14  }
0x204: {  	v6 =	vadd.f32 v8, v6;
	v8 =	vmul.f32 s24, v23;
	v12 =	vmul.f32 v12, v16  }
0x205: {  	v9 =	vadd.f32 v11, v9;
	v11 =	vmul.f32 v15, v16  }
0x206: {  	v17 =	vmul.f32 v17, v8;
	v6 =	vadd.f32 v12, v6  }
0x207: {  	v15 =	vmul.f32 v18, v8;
	v9 =	vadd.f32 v11, v9  }
0x208: {  	v6 =	vadd.f32 v17, v6  }
0x209: {  	v9 =	vadd.f32 v15, v9  }
0x20a: {  	[tilespmem:s31+$0x10240] =	vst v6  }
0x20b: {  	[tilespmem:s31+$0x102C0] =	vst v9  }
0x20c: {  	v2 =	vld.idx.msk [tilespmem:v2+s17+$0x0], $0xffff  }
0x20d: {  	v1 =	vld.idx.msk [tilespmem:v1+s17+$0x0], $0xffff  }
0x20e: {  	v5 =	vld.idx.msk [tilespmem:v5+s17+$0x0], $0xffff  }
0x20f: {  	v4 =	vld.idx.msk [tilespmem:v4+s17+$0x0], $0xffff  }
0x210: {  	v0 =	vld.idx.msk [tilespmem:v0+s17+$0x0], $0xffff  }
0x211: {  	v6 =	vld.idx.msk [tilespmem:v7+s17+$0x0], $0xffff  }
0x212: {  	v3 =	vld.idx.msk [tilespmem:v3+s17+$0x0], $0xffff  }
0x213: {  	v2 =	vmul.f32 v2, v13;
	v1 =	vmul.f32 v1, v14  }
0x214: {  	v7 =	vld.idx.msk [tilespmem:v10+s17+$0x0], $0xffff;
	v5 =	vmul.f32 v5, v13;
	v4 =	vmul.f32 v4, v14  }
0x215: {  	v0 =	vmul.f32 v0, v16;
	v1 =	vadd.f32 v1, v2  }
0x216: {  	v2 =	vadd.f32 v4, v5;
	v4 =	vmul.f32 v6, v16  }
0x217: {  	v0 =	vadd.f32 v0, v1;
	v1 =	vmul.f32 v3, v8;
	v3 =	vxor.u32 s28, v21  }
0x218: {  	v2 =	vadd.f32 v4, v2;
	v4 =	vxor.u32 s28, v28;
	v3 =	vshll.u32 v3, $0x1  }
0x219: {  	v5 =	vmul.f32 v7, v8;
	v4 =	vshll.u32 v4, $0x1;
	v3 =	vand.u32 $0x7FFE, v3  }
0x21a: {  	v0 =	vadd.f32 v1, v0;
	v1 =	vand.u32 $0x7FFE, v4  }
0x21b: {  	v2 =	vadd.f32 v5, v2;
	v4 =	vxor.u32 s25, v21;
	v5 =	vor.u32 $0x1, v3  }
0x21c: {  	[tilespmem:s31+$0x10340] =	vst v0;
	v0 =	vshll.u32 v4, $0x1;
	v4 =	vor.u32 $0x1, v1  }
0x21d: {  	[tilespmem:s31+$0x103C0] =	vst v2;
	v2 =	vxor.u32 s25, v28;
	v0 =	vand.u32 $0x7FFE, v0  }
0x21e: {  	v2 =	vshll.u32 v2, $0x1;
	v7 =	vor.u32 $0x1, v0;
	v6 =	vld.idx.msk [tilespmem:v3+s3+$0x0], $0xffff  }
0x21f: {  	v2 =	vand.u32 $0x7FFE, v2;
	v8 =	vld.idx.msk [tilespmem:v1+s3+$0x0], $0xffff  }
0x220: {  	v10 =	vor.u32 $0x1, v2;
	v9 =	vld.idx.msk [tilespmem:v5+s3+$0x0], $0xffff  }
0x221: {  	v11 =	vld.idx.msk [tilespmem:v4+s3+$0x0], $0xffff  }
0x222: {  	v12 =	vld.idx.msk [tilespmem:v0+s3+$0x0], $0xffff  }
0x223: {  	v13 =	vmul.f32 s26, v42;
	v14 =	vmul.f32 s26, v24;
	v15 =	vld.idx.msk [tilespmem:v7+s3+$0x0], $0xffff  }
0x224: {  	v16 =	vmul.f32 s24, v42;
	v17 =	vld.idx.msk [tilespmem:v2+s3+$0x0], $0xffff  }
0x225: {  	v6 =	vmul.f32 v6, v13;
	v8 =	vmul.f32 v8, v14;
	v18 =	vld.idx.msk [tilespmem:v10+s3+$0x0], $0xffff  }
0x226: {  	v9 =	vmul.f32 v9, v13;
	v11 =	vmul.f32 v11, v14  }
0x227: {  	v6 =	vadd.f32 v8, v6;
	v8 =	vmul.f32 s24, v24;
	v12 =	vmul.f32 v12, v16  }
0x228: {  	v9 =	vadd.f32 v11, v9;
	v11 =	vmul.f32 v15, v16  }
0x229: {  	v17 =	vmul.f32 v17, v8;
	v6 =	vadd.f32 v12, v6  }
0x22a: {  	v15 =	vmul.f32 v18, v8;
	v9 =	vadd.f32 v11, v9  }
0x22b: {  	v6 =	vadd.f32 v17, v6  }
0x22c: {  	v9 =	vadd.f32 v15, v9  }
0x22d: {  	[tilespmem:s31+$0x10250] =	vst v6  }
0x22e: {  	[tilespmem:s31+$0x102D0] =	vst v9  }
0x22f: {  	v3 =	vld.idx.msk [tilespmem:v3+s17+$0x0], $0xffff  }
0x230: {  	v1 =	vld.idx.msk [tilespmem:v1+s17+$0x0], $0xffff  }
0x231: {  	v5 =	vld.idx.msk [tilespmem:v5+s17+$0x0], $0xffff  }
0x232: {  	v4 =	vld.idx.msk [tilespmem:v4+s17+$0x0], $0xffff  }
0x233: {  	v0 =	vld.idx.msk [tilespmem:v0+s17+$0x0], $0xffff  }
0x234: {  	v6 =	vld.idx.msk [tilespmem:v7+s17+$0x0], $0xffff  }
0x235: {  	v2 =	vld.idx.msk [tilespmem:v2+s17+$0x0], $0xffff  }
0x236: {  	v3 =	vmul.f32 v3, v13;
	v1 =	vmul.f32 v1, v14  }
0x237: {  	v7 =	vld.idx.msk [tilespmem:v10+s17+$0x0], $0xffff;
	v5 =	vmul.f32 v5, v13;
	v4 =	vmul.f32 v4, v14  }
0x238: {  	v0 =	vmul.f32 v0, v16;
	v1 =	vadd.f32 v1, v3  }
0x239: {  	v3 =	vadd.f32 v4, v5;
	v4 =	vmul.f32 v6, v16  }
0x23a: {  	v0 =	vadd.f32 v0, v1;
	v1 =	vmul.f32 v2, v8;
	v2 =	vxor.u32 s28, v59  }
0x23b: {  	v3 =	vadd.f32 v4, v3;
	v4 =	vxor.u32 s28, v61;
	v2 =	vshll.u32 v2, $0x1  }
0x23c: {  	v5 =	vmul.f32 v7, v8;
	v4 =	vshll.u32 v4, $0x1;
	v2 =	vand.u32 $0x7FFE, v2  }
0x23d: {  	v0 =	vadd.f32 v1, v0;
	v1 =	vand.u32 $0x7FFE, v4  }
0x23e: {  	v3 =	vadd.f32 v5, v3;
	v4 =	vxor.u32 s25, v59;
	v5 =	vor.u32 $0x1, v2  }
0x23f: {  	[tilespmem:s31+$0x10350] =	vst v0;
	v0 =	vshll.u32 v4, $0x1;
	v4 =	vor.u32 $0x1, v1  }
0x240: {  	[tilespmem:s31+$0x103D0] =	vst v3;
	v3 =	vxor.u32 s25, v61;
	v0 =	vand.u32 $0x7FFE, v0  }
0x241: {  	v3 =	vshll.u32 v3, $0x1;
	v7 =	vor.u32 $0x1, v0;
	v6 =	vld.idx.msk [tilespmem:v2+s3+$0x0], $0xffff  }
0x242: {  	v3 =	vand.u32 $0x7FFE, v3;
	v8 =	vld.idx.msk [tilespmem:v1+s3+$0x0], $0xffff  }
0x243: {  	v10 =	vor.u32 $0x1, v3;
	v9 =	vld.idx.msk [tilespmem:v5+s3+$0x0], $0xffff  }
0x244: {  	v11 =	vld.idx.msk [tilespmem:v4+s3+$0x0], $0xffff  }
0x245: {  	v12 =	vld.idx.msk [tilespmem:v0+s3+$0x0], $0xffff  }
0x246: {  	v13 =	vmul.f32 s26, v43;
	v14 =	vmul.f32 s26, v41;
	v15 =	vld.idx.msk [tilespmem:v7+s3+$0x0], $0xffff  }
0x247: {  	v16 =	vmul.f32 s24, v43;
	v17 =	vld.idx.msk [tilespmem:v3+s3+$0x0], $0xffff  }
0x248: {  	v6 =	vmul.f32 v6, v13;
	v8 =	vmul.f32 v8, v14;
	v18 =	vld.idx.msk [tilespmem:v10+s3+$0x0], $0xffff  }
0x249: {  	v9 =	vmul.f32 v9, v13;
	v11 =	vmul.f32 v11, v14  }
0x24a: {  	v6 =	vadd.f32 v8, v6;
	v8 =	vmul.f32 s24, v41;
	v12 =	vmul.f32 v12, v16  }
0x24b: {  	v9 =	vadd.f32 v11, v9;
	v11 =	vmul.f32 v15, v16  }
0x24c: {  	v17 =	vmul.f32 v17, v8;
	v6 =	vadd.f32 v12, v6  }
0x24d: {  	v15 =	vmul.f32 v18, v8;
	v9 =	vadd.f32 v11, v9  }
0x24e: {  	v6 =	vadd.f32 v17, v6  }
0x24f: {  	v9 =	vadd.f32 v15, v9  }
0x250: {  	[tilespmem:s31+$0x10260] =	vst v6  }
0x251: {  	[tilespmem:s31+$0x102E0] =	vst v9  }
0x252: {  	v2 =	vld.idx.msk [tilespmem:v2+s17+$0x0], $0xffff  }
0x253: {  	v1 =	vld.idx.msk [tilespmem:v1+s17+$0x0], $0xffff  }
0x254: {  	v5 =	vld.idx.msk [tilespmem:v5+s17+$0x0], $0xffff  }
0x255: {  	v4 =	vld.idx.msk [tilespmem:v4+s17+$0x0], $0xffff  }
0x256: {  	v0 =	vld.idx.msk [tilespmem:v0+s17+$0x0], $0xffff  }
0x257: {  	v6 =	vld.idx.msk [tilespmem:v7+s17+$0x0], $0xffff  }
0x258: {  	v3 =	vld.idx.msk [tilespmem:v3+s17+$0x0], $0xffff  }
0x259: {  	v2 =	vmul.f32 v2, v13;
	v1 =	vmul.f32 v1, v14  }
0x25a: {  	v7 =	vld.idx.msk [tilespmem:v10+s17+$0x0], $0xffff;
	v5 =	vmul.f32 v5, v13;
	v4 =	vmul.f32 v4, v14  }
0x25b: {  	v0 =	vmul.f32 v0, v16;
	v1 =	vadd.f32 v1, v2  }
0x25c: {  	v2 =	vadd.f32 v4, v5;
	v4 =	vmul.f32 v6, v16  }
0x25d: {  	v0 =	vadd.f32 v0, v1;
	v1 =	vmul.f32 v3, v8;
	v3 =	vxor.u32 s28, v22  }
0x25e: {  	v2 =	vadd.f32 v4, v2;
	v4 =	vxor.u32 s28, v45;
	v3 =	vshll.u32 v3, $0x1  }
0x25f: {  	v5 =	vmul.f32 v7, v8;
	v4 =	vshll.u32 v4, $0x1;
	v3 =	vand.u32 $0x7FFE, v3  }
0x260: {  	v0 =	vadd.f32 v1, v0;
	v1 =	vand.u32 $0x7FFE, v4  }
0x261: {  	v2 =	vadd.f32 v5, v2;
	v4 =	vxor.u32 s25, v22;
	v5 =	vor.u32 $0x1, v3  }
0x262: {  	[tilespmem:s31+$0x10360] =	vst v0;
	v0 =	vshll.u32 v4, $0x1;
	v4 =	vor.u32 $0x1, v1  }
0x263: {  	[tilespmem:s31+$0x103E0] =	vst v2;
	v2 =	vxor.u32 s25, v45;
	v0 =	vand.u32 $0x7FFE, v0  }
0x264: {  	v2 =	vshll.u32 v2, $0x1;
	v7 =	vor.u32 $0x1, v0;
	v6 =	vld.idx.msk [tilespmem:v3+s3+$0x0], $0xffff  }
0x265: {  	v2 =	vand.u32 $0x7FFE, v2;
	v8 =	vld.idx.msk [tilespmem:v1+s3+$0x0], $0xffff  }
0x266: {  	v10 =	vor.u32 $0x1, v2;
	v9 =	vld.idx.msk [tilespmem:v5+s3+$0x0], $0xffff  }
0x267: {  	v11 =	vld.idx.msk [tilespmem:v4+s3+$0x0], $0xffff  }
0x268: {  	v12 =	vld.idx.msk [tilespmem:v0+s3+$0x0], $0xffff  }
0x269: {  	v13 =	vmul.f32 s26, v29;
	v14 =	vmul.f32 s26, v27;
	v15 =	vld.idx.msk [tilespmem:v7+s3+$0x0], $0xffff  }
0x26a: {  	v16 =	vmul.f32 s24, v29;
	v17 =	vld.idx.msk [tilespmem:v2+s3+$0x0], $0xffff  }
0x26b: {  	v6 =	vmul.f32 v6, v13;
	v8 =	vmul.f32 v8, v14;
	v18 =	vld.idx.msk [tilespmem:v10+s3+$0x0], $0xffff  }
0x26c: {  	v9 =	vmul.f32 v9, v13;
	v11 =	vmul.f32 v11, v14  }
0x26d: {  	v6 =	vadd.f32 v8, v6;
	v8 =	vmul.f32 s24, v27;
	v12 =	vmul.f32 v12, v16  }
0x26e: {  	v9 =	vadd.f32 v11, v9;
	v11 =	vmul.f32 v15, v16  }
0x26f: {  	v6 =	vadd.f32 v12, v6;
	v12 =	vmul.f32 v17, v8  }
0x270: {  	v17 =	vmul.f32 v18, v8;
	v9 =	vadd.f32 v11, v9  }
0x271: {  	v6 =	vadd.f32 v12, v6  }
0x272: {  	v9 =	vadd.f32 v17, v9  }
0x273: {  	[tilespmem:s31+$0x10270] =	vst v6  }
0x274: {  	[tilespmem:s31+$0x102F0] =	vst v9  }
0x275: {  	v3 =	vld.idx.msk [tilespmem:v3+s17+$0x0], $0xffff  }
0x276: {  	v1 =	vld.idx.msk [tilespmem:v1+s17+$0x0], $0xffff  }
0x277: {  	v5 =	vld.idx.msk [tilespmem:v5+s17+$0x0], $0xffff  }
0x278: {  	v4 =	vld.idx.msk [tilespmem:v4+s17+$0x0], $0xffff  }
0x279: {  	v0 =	vld.idx.msk [tilespmem:v0+s17+$0x0], $0xffff  }
0x27a: {  	v6 =	vld.idx.msk [tilespmem:v7+s17+$0x0], $0xffff  }
0x27b: {  	v2 =	vld.idx.msk [tilespmem:v2+s17+$0x0], $0xffff  }
0x27c: {  	v7 =	vld.idx.msk [tilespmem:v10+s17+$0x0], $0xffff;
	v3 =	vmul.f32 v3, v13;
	v1 =	vmul.f32 v1, v14  }
0x27d: {  	v5 =	vmul.f32 v5, v13;
	v4 =	vmul.f32 v4, v14  }
0x27e: {  	v0 =	vmul.f32 v0, v16;
	v1 =	vadd.f32 v1, v3  }
0x27f: {  	v3 =	vadd.f32 v4, v5;
	v4 =	vmul.f32 v6, v16  }
0x280: {  	p0 =	sne.s32 s21, $0xF000;
	v0 =	vadd.f32 v0, v1;
	v1 =	vmul.f32 v2, v8  }
.Ltmp0:
0x281: {  	v2 =	vadd.f32 v4, v3;
	v3 =	vmul.f32 v7, v8;
	(pc) =	sbr.rel @p0 .LBB2_3-.Ltmp0, $4  }
0x282: {  	v0 =	vadd.f32 v1, v0  }
0x283: {  	v1 =	vadd.f32 v3, v2  }
0x284: {  	[tilespmem:s31+$0x10370] =	vst v0  }
0x285: {  	s22 =	sadd.s32 s13, s22;
	s21 =	sadd.s32 $0x1000, s21;
	v6 =	vld [tilespmem:$0x1FEA0];
	v2 =	vmov v19;
	[tilespmem:s31+$0x103F0] =	vst v1  }
0x286: {  	s21 =	sshll.u32 s20, $0xF  }
0x287: {  	s22 =	sadd.s32 s8, s21  }
0x288: {  	s23 =	sor.u32 s7, s22  }
0x289: {  	s23 =	sshrl.u32 s23, $0x3  }
0x28a: {  	s24 =	simm.s32 $0x10000;
	s23 =	sadd.s32 s4, s23  }
0x28b: {  	v27 =	vmov v41;
	s25 =	simm.s32 $0x80;
	s26 =	simm.s32 $0x10200;
	s28 =	sadd.s32 $0x0, s23  }
.LBB2_5:
0x28c: {  	[hbm4b:s28+s3] =	stream.linear.scatter [tilespmem:s24], [sflag:$0x1], $0x80, $0x38;
	[tilespmem:$0x14000] =	vst v63  }
0x28d: {  	s28 =	smov.u32 s25;
	s24 =	smov.u32 s26;
	p0 =	sne.s32 s25, $0xF80  }
.Ltmp1:
0x28e: {  	s25 =	sadd.s32 $0x80, s25;
	(pc) =	sbr.rel @p0 .LBB2_5-.Ltmp1, $2  }
0x28f: {  	_ =	sdelay $0x2  }
0x290: {  	s26 =	sadd.s32 $0x200, s26;
	s28 =	sadd.s32 s28, s23  }
0x291: {  	[hbm4b:s28+s3] =	stream.linear.scatter [tilespmem:s24], [sflag:$0x1], $0x80, $0x38;
	[tilespmem:$0x14000] =	vst v63  }
0x292: {  	s22 =	sor.u32 s9, s22;
	v12 =	vmovc v31;
	v13 =	vmovc v32;
	v14 =	vmov v33;
	v15 =	vmov v34;
	v16 =	vmov v35  }
0x293: {  	s23 =	simm.s32 $0x10080;
	v17 =	vmovc v36;
	v18 =	vmovc v37;
	v19 =	vmov v38;
	v0 =	vmov v47;
	v5 =	vmov v48;
	_ =	swait.ge [sflag:s16], $0x1000;
	s22 =	sshrl.u32 s22, $0x3  }
0x294: {  	s24 =	simm.s32 $0x80;
	v41 =	vmovc v49;
	v30 =	vmovc v50;
	v31 =	vmov v51;
	v32 =	vmov v52;
	v33 =	vmov v53;
	[sflag:s16] =	ssyncset.done $0x0;
	s22 =	sadd.s32 s4, s22  }
0x295: {  	s25 =	simm.s32 $0x10280;
	v34 =	vmovc v54;
	v35 =	vmovc v55;
	v36 =	vmov v56;
	v37 =	vmov v57;
	v38 =	vmov v58;
	[sflag:s16] =	ssyncadd.s32 $0xFFFFF000;
	s26 =	sadd.s32 $0x0, s22  }
.LBB2_7:
0x296: {  	[hbm4b:s26+s3] =	stream.linear.scatter [tilespmem:s23], [sflag:$0x1], $0x80, $0x38;
	[tilespmem:$0x14000] =	vst v63  }
0x297: {  	s26 =	smov.u32 s24;
	s23 =	smov.u32 s25;
	p0 =	sne.s32 s24, $0xF80  }
.Ltmp2:
0x298: {  	s24 =	sadd.s32 $0x80, s24;
	(pc) =	sbr.rel @p0 .LBB2_7-.Ltmp2, $2  }
0x299: {  	_ =	sdelay $0x2  }
0x29a: {  	s25 =	sadd.s32 $0x200, s25;
	s26 =	sadd.s32 s26, s22  }
0x29b: {  	[hbm4b:s26+s3] =	stream.linear.scatter [tilespmem:s23], [sflag:$0x1], $0x80, $0x38;
	[tilespmem:$0x14000] =	vst v63  }
0x29c: {  	_ =	swait.ge [sflag:s16], $0x1000  }
0x29d: {  	v20 =	vld [tilespmem:$0x1FE90]  }
0x29e: {  	s21 =	sadd.s32 s10, s21;
	v21 =	vld [tilespmem:$0x1FEB0]  }
0x29f: {  	s22 =	sor.u32 s7, s21;
	v49 =	vld [tilespmem:$0x1FED0]  }
0x2a0: {  	s23 =	simm.s32 $0x10100;
	s22 =	sshrl.u32 s22, $0x3;
	v26 =	vld [tilespmem:$0x1FEE0]  }
0x2a1: {  	s24 =	simm.s32 $0x80;
	[sflag:s16] =	ssyncset.done $0x0;
	v43 =	vld [tilespmem:$0x1FF10];
	s22 =	sadd.s32 s4, s22  }
0x2a2: {  	s25 =	simm.s32 $0x10300;
	v54 =	vmovc v39;
	v48 =	vmov v22;
	v47 =	vmov v40;
	v50 =	vmov v27;
	v29 =	vld [tilespmem:$0x1FF20];
	[sflag:s16] =	ssyncadd.s32 $0xFFFFF000;
	s26 =	sadd.s32 $0x0, s22  }
.LBB2_9:
0x2a3: {  	[hbm4b:s26+s3] =	stream.linear.scatter [tilespmem:s23], [sflag:$0x1], $0x80, $0x38;
	[tilespmem:$0x14000] =	vst v63  }
0x2a4: {  	s26 =	smov.u32 s24;
	s23 =	smov.u32 s25;
	p0 =	sne.s32 s24, $0xF80  }
.Ltmp3:
0x2a5: {  	s24 =	sadd.s32 $0x80, s24;
	(pc) =	sbr.rel @p0 .LBB2_9-.Ltmp3, $2  }
0x2a6: {  	_ =	sdelay $0x2  }
0x2a7: {  	s25 =	sadd.s32 $0x200, s25;
	s26 =	sadd.s32 s26, s22  }
0x2a8: {  	[hbm4b:s26+s3] =	stream.linear.scatter [tilespmem:s23], [sflag:$0x1], $0x80, $0x38;
	[tilespmem:$0x14000] =	vst v63  }
0x2a9: {  	s21 =	sor.u32 s9, s21;
	_ =	swait.ge [sflag:s16], $0x1000  }
0x2aa: {  	s22 =	simm.s32 $0x10180;
	s21 =	sshrl.u32 s21, $0x3;
	v39 =	vld [tilespmem:$0x1FEF0]  }
0x2ab: {  	s23 =	simm.s32 $0x80;
	[sflag:s16] =	ssyncset.done $0x0;
	s21 =	sadd.s32 s4, s21;
	v22 =	vld [tilespmem:$0x1FEC0]  }
0x2ac: {  	s24 =	simm.s32 $0x10380;
	v27 =	vld [tilespmem:$0x1FF00];
	[sflag:s16] =	ssyncadd.s32 $0xFFFFF000;
	s25 =	sadd.s32 $0x0, s21  }
.LBB2_11:
0x2ad: {  	[hbm4b:s25+s3] =	stream.linear.scatter [tilespmem:s22], [sflag:$0x1], $0x80, $0x38;
	[tilespmem:$0x14000] =	vst v63  }
0x2ae: {  	s25 =	smov.u32 s23;
	s22 =	smov.u32 s24;
	p0 =	sne.s32 s23, $0xF80  }
.Ltmp4:
0x2af: {  	s23 =	sadd.s32 $0x80, s23;
	(pc) =	sbr.rel @p0 .LBB2_11-.Ltmp4, $2  }
0x2b0: {  	_ =	sdelay $0x2  }
0x2b1: {  	s24 =	sadd.s32 $0x200, s24;
	s25 =	sadd.s32 s25, s21  }
0x2b2: {  	s20 =	sadd.s32 $0x1, s20  }
0x2b3: {  	p0 =	sne.s32 s20, $0x10  }
.Ltmp5:
0x2b4: {  	_ = 	snop;
	(pc) =	sbr.rel @p0 .LBB2_2-.Ltmp5, $4  }
0x2b5: {  	[hbm4b:s25+s3] =	stream.linear.scatter [tilespmem:s22], [sflag:$0x1], $0x80, $0x38;
	[tilespmem:$0x14000] =	vst v63  }
0x2b6: {  	_ =	swait.ge [sflag:s16], $0x1000  }
0x2b7: {  	[sflag:s16] =	ssyncset.done $0x0  }
0x2b8: {  	s19 =	sadd.s32 s12, s19;
	[sflag:s16] =	ssyncadd.s32 $0xFFFFF000  }
0x2b9: {  	s18 =	sadd.s32 $0x1, s18  }
0x2ba: {  	p0 =	sne.s32 s18, s11  }
.Ltmp6:
0x2bb: {  	_ = 	snop;
	(pc) =	sbr.rel @p0 .LBB2_1-.Ltmp6, $1  }
0x2bc: {  	_ =	sdelay $0x3  }
0x2bd: {  	_ =	sfence.sel $0x180000  }
0x2be: {  	[bflag:$0x0] =	sbarrier.arrive $0xFFFF  }
0x2bf: {  	p0 =	sne.s32 s0, $0x0;
	_ =	strace $0x90000047  }
0x2c0: {  	s0 =	sadd.s32 @!p0 $0x100000, s2;
	[bflag:$0x2] =	sbarrier.arrive $0xFFFF  }
0x2c1: {  	[sflag:s0] =	ssyncadd.tile.s32 @!p0 $0x1;
	_ =	shalt  }
.Lfunc_end2:
_tile_overlayer_lowered:
.L_overlay_start_2:
0x2c2: {  	(tag) =	ssettag $0x2  }
0x2c3: {  	s0 =	rddreg [dreg:$0x0];
	s2 =	stileid.u32  }
0x2c4: {  	s1 =	rddreg [dreg:$0x1];
	p0 =	sne.s32 s2, $0x0  }
0x2c5: {  	s3 =	rddreg [dreg:$0x2];
	[bflag:$0x3] =	sbarrier.arrive $0xFFFF;
	s2 =	simm.s32 @!p0 $0x1C01  }
0x2c6: {  	[timem:s3], [sflag:s2] =	dma.local @!p0 [hbm:s0], s1  }
0x2c7: {  	s0 =	simm.s32 @!p0 $0x1  }
0x2c8: {  	_ =	swait.ge @!p0 [sflag:s0], s1  }
0x2c9: {  	s1 =	ssub.s32 @!p0 $0x0, s1;
	[sflag:s0] =	ssyncset.done @!p0 $0x0  }
0x2ca: {  	[sflag:s0] =	ssyncadd.s32 @!p0 s1  }
0x2cb: {  	[bflag:$0x3] =	sbarrier.arrive $0xFFFF  }
0x2cc: {  	_ =	shalt  }

</sc_bundles>
